<compile_context>
chip_gen: v7x
topology: tpu7x:2x2x1
jax: 0.10.2.dev20260603
libtpu: 0.0.44.dev20260713+nightly
codegen_flags: <defaults>
</compile_context>

<pallas_src>
import functools

import jax
import jax.numpy as jnp
from jax import lax
from jax.experimental import pallas as pl
from jax.experimental.pallas import tpu as pltpu
from jax.experimental.pallas import tpu_sc as plsc

_D = 1024
_B = 4 * 8192
_NW = 32
_BPW = _B // _NW
_CH = 32
_NCH = _BPW // _CH
_NBUF = 3

_mesh = plsc.VectorSubcoreMesh(core_axis_name="c", subcore_axis_name="s")


@functools.partial(
    pl.kernel,
    mesh=_mesh,
    out_type=jax.ShapeDtypeStruct((_B, _D), jnp.float32),
    scratch_types=[
        pltpu.VMEM((_NCH, _CH), jnp.int32),
        pltpu.VMEM((_NBUF, _CH, _D), jnp.float32),
    ]
    + [pltpu.SemaphoreType.DMA] * (2 * _NBUF),
)
def _embed_gather(idx_hbm, table_hbm, out_hbm, idx_v, rows_v, *sems):
    gsems, osems = sems[:_NBUF], sems[_NBUF:]
    wid = lax.axis_index("s") * 2 + lax.axis_index("c")
    base = wid * _BPW
    pltpu.sync_copy(idx_hbm.at[pl.ds(wid * _NCH, _NCH)], idx_v)

    gathers = [None] * _NBUF
    outs = [None] * _NBUF

    def start_gather(g):
        b = g % _NBUF
        gathers[b] = pltpu.async_copy(
            table_hbm.at[idx_v.at[g]], rows_v.at[b], gsems[b])

    for g in range(_NBUF):
        start_gather(g)
    for g in range(_NCH):
        b = g % _NBUF
        gathers[b].wait()
        outs[b] = pltpu.async_copy(
            rows_v.at[b], out_hbm.at[pl.ds(base + g * _CH, _CH)], osems[b])
        if g + _NBUF < _NCH:
            outs[b].wait()
            start_gather(g + _NBUF)
    for b in range(_NBUF):
        if _NCH - 1 - b >= 0:
            outs[(_NCH - 1 - b) % _NBUF].wait()


def kernel(pos_ids, table):
    idx = pos_ids.reshape(_B // _CH, _CH).astype(jnp.int32)
    out = _embed_gather(idx, table)
    return out.reshape(pos_ids.shape + (table.shape[1],))

# --- scband reference (transcript-rebuilt; emitter-appended) ---
"""Pipeline reference for scband-position-embedding-79645873537721 (READ-ONLY COPY).

The authoritative reference and input builder live on the scoring server;
editing this copy changes nothing except your own understanding.
"""

import jax, jax.numpy as jnp
import numpy as np

MAX_POS = 8192
HIDDEN = 1024
BATCH = 4
SEQ = 8192

def setup_inputs(seed: int = 0) -> dict:
    key = jax.random.key(seed)
    k1, k2 = jax.random.split(key)
    pos_ids = jax.random.randint(k1, (BATCH, SEQ), 0, MAX_POS, dtype=jnp.int64 if jax.config.jax_enable_x64 else jnp.int32)
    table = jax.random.normal(k2, (MAX_POS, HIDDEN), dtype=jnp.float32)
    return {"pos_ids": pos_ids, "table": table}

def reference(pos_ids, table):
    # nn.Embedding lookup
    position_embeddings = jnp.take(table, pos_ids, axis=0)
    # dropout with training=False is identity
    return position_embeddings

if __name__ == "__main__":
    import jax
    _d = setup_inputs()
    print(jax.jit(kernel)(*tuple(_d.values())))

</pallas_src>

<mosaic_0001>
#map = affine_map<(d0, d1) -> (0, 0)>
module attributes {stable_mosaic.version = 14 : i64} {
  func.func @_embed_gather(%arg0: i32, %arg1: i32, %arg2: memref<1024x32xi32, #tpu.memory_space<hbm>>, %arg3: memref<8192x1024xf32, #tpu.memory_space<hbm>>, %arg4: memref<32768x1024xf32, #tpu.memory_space<hbm>>, %arg5: memref<32x32xi32, #tpu.memory_space<vmem>>, %arg6: memref<3x32x1024xf32, #tpu.memory_space<vmem>>, %arg7: memref<!tpu.dma_semaphore, #tpu.memory_space<semaphore_mem>>, %arg8: memref<!tpu.dma_semaphore, #tpu.memory_space<semaphore_mem>>, %arg9: memref<!tpu.dma_semaphore, #tpu.memory_space<semaphore_mem>>, %arg10: memref<!tpu.dma_semaphore, #tpu.memory_space<semaphore_mem>>, %arg11: memref<!tpu.dma_semaphore, #tpu.memory_space<semaphore_mem>>, %arg12: memref<!tpu.dma_semaphore, #tpu.memory_space<semaphore_mem>>) attributes {dimension_semantics = [#tpu.dimension_semantics<core_parallel>, #tpu.dimension_semantics<subcore_parallel>], iteration_bounds = array<i64: 2, 16>, scalar_prefetch = 0 : i64, scratch_operands = 8 : i64, tpu.core_type = #tpu.core_type<sc_vector_subcore>, window_params = [{transform_indices = #map}, {transform_indices = #map}, {transform_indices = #map}]} {
    %mul3A = arith.constant 2 : i32
    %mul3A_0 = arith.muli %arg1, %mul3A : i32
    %add3A = arith.addi %mul3A_0, %arg0 : i32
    %mul3A_1 = arith.constant 1024 : i32
    %mul3A_2 = arith.muli %add3A, %mul3A_1 : i32
    %mul3A_3 = arith.constant 32 : i32
    %mul3A_4 = arith.muli %add3A, %mul3A_3 : i32
    "tpu.region"() ({
      %run_scoped3A = tpu.sem_alloc : memref<!tpu.dma_semaphore, #tpu.memory_space<semaphore_mem>>
      %dma_start3A_1667 = arith.constant 0 : i32
      %dma_start3A_1668 = tpu.memref_slice %arg2[%mul3A_4, %dma_start3A_1667] : memref<1024x32xi32, #tpu.memory_space<hbm>> -> memref<32x32xi32, #tpu.memory_space<hbm>>
      %dma_start3A_1669 = arith.constant 0 : i32
      %dma_start3A_1670 = tpu.memref_slice %arg2[%mul3A_4, %dma_start3A_1669] : memref<1024x32xi32, #tpu.memory_space<hbm>> -> memref<32x32xi32, #tpu.memory_space<hbm>>
      tpu.enqueue_dma source(%dma_start3A_1670 : memref<32x32xi32, #tpu.memory_space<hbm>>) target(%arg5 : memref<32x32xi32, #tpu.memory_space<vmem>>) target_semaphore(%run_scoped3A : memref<!tpu.dma_semaphore, #tpu.memory_space<semaphore_mem>>)
      %dma_wait3A_1671 = arith.constant 0 : i32
      %dma_wait3A_1672 = tpu.memref_slice %arg2[%mul3A_4, %dma_wait3A_1671] : memref<1024x32xi32, #tpu.memory_space<hbm>> -> memref<32x32xi32, #tpu.memory_space<hbm>>
      %dma_wait3A_1673 = arith.constant 0 : i32
      %dma_wait3A_1674 = tpu.memref_slice %arg2[%mul3A_4, %dma_wait3A_1673] : memref<1024x32xi32, #tpu.memory_space<hbm>> -> memref<32x32xi32, #tpu.memory_space<hbm>>
      tpu.wait_dma2 semaphore(%run_scoped3A : memref<!tpu.dma_semaphore, #tpu.memory_space<semaphore_mem>>) src(%dma_wait3A_1674 : memref<32x32xi32, #tpu.memory_space<hbm>>) dst(%arg5 : memref<32x32xi32, #tpu.memory_space<vmem>>)
      tpu.yield
    }) : () -> ()
    %dma_start3A = arith.constant 0 : i32
    %dma_start3A_5 = arith.constant 0 : i32
    %dma_start3A_6 = arith.constant 0 : i32
    %dma_start3A_7 = arith.constant 0 : i32
    %dma_start3A_8 = tpu.memref_slice %arg6[%dma_start3A_5, %dma_start3A_6, %dma_start3A_7] : memref<3x32x1024xf32, #tpu.memory_space<vmem>> -> memref<1x32x1024xf32, #tpu.memory_space<vmem>>
    %dma_start3A_9 = tpu.memref_squeeze %dma_start3A_8 : memref<1x32x1024xf32, #tpu.memory_space<vmem>> -> memref<32x1024xf32, #tpu.memory_space<vmem>>
    %dma_start3A_10 = arith.constant 0 : i32
    %dma_start3A_11 = tpu.memref_slice %arg5[%dma_start3A, %dma_start3A_10] : memref<32x32xi32, #tpu.memory_space<vmem>> -> memref<1x32xi32, #tpu.memory_space<vmem>>
    %dma_start3A_12 = tpu.memref_squeeze %dma_start3A_11 : memref<1x32xi32, #tpu.memory_space<vmem>> -> memref<32xi32, #tpu.memory_space<vmem>>
    %dma_start3A_13 = arith.constant 0 : i32
    %dma_start3A_14 = arith.constant 0 : i32
    %dma_start3A_15 = tpu.memref_slice %arg3[%dma_start3A_13, %dma_start3A_14] : memref<8192x1024xf32, #tpu.memory_space<hbm>> -> memref<8192x1024xf32, #tpu.memory_space<hbm>>
    tpu.enqueue_indirect_dma source(%dma_start3A_15 : memref<8192x1024xf32, #tpu.memory_space<hbm>>) target(%dma_start3A_9 : memref<32x1024xf32, #tpu.memory_space<vmem>>) offsets(%dma_start3A_12 : memref<32xi32, #tpu.memory_space<vmem>>) semaphore(%arg7 : memref<!tpu.dma_semaphore, #tpu.memory_space<semaphore_mem>>)
    %dma_start3A_16 = arith.constant 1 : i32
    %dma_start3A_17 = arith.constant 1 : i32
    %dma_start3A_18 = arith.constant 0 : i32
    %dma_start3A_19 = arith.constant 0 : i32
    %dma_start3A_20 = tpu.memref_slice %arg6[%dma_start3A_17, %dma_start3A_18, %dma_start3A_19] : memref<3x32x1024xf32, #tpu.memory_space<vmem>> -> memref<1x32x1024xf32, #tpu.memory_space<vmem>>
    %dma_start3A_21 = tpu.memref_squeeze %dma_start3A_20 : memref<1x32x1024xf32, #tpu.memory_space<vmem>> -> memref<32x1024xf32, #tpu.memory_space<vmem>>
    %dma_start3A_22 = arith.constant 0 : i32
    %dma_start3A_23 = tpu.memref_slice %arg5[%dma_start3A_16, %dma_start3A_22] : memref<32x32xi32, #tpu.memory_space<vmem>> -> memref<1x32xi32, #tpu.memory_space<vmem>>
    %dma_start3A_24 = tpu.memref_squeeze %dma_start3A_23 : memref<1x32xi32, #tpu.memory_space<vmem>> -> memref<32xi32, #tpu.memory_space<vmem>>
    %dma_start3A_25 = arith.constant 0 : i32
    %dma_start3A_26 = arith.constant 0 : i32
    %dma_start3A_27 = tpu.memref_slice %arg3[%dma_start3A_25, %dma_start3A_26] : memref<8192x1024xf32, #tpu.memory_space<hbm>> -> memref<8192x1024xf32, #tpu.memory_space<hbm>>
    tpu.enqueue_indirect_dma source(%dma_start3A_27 : memref<8192x1024xf32, #tpu.memory_space<hbm>>) target(%dma_start3A_21 : memref<32x1024xf32, #tpu.memory_space<vmem>>) offsets(%dma_start3A_24 : memref<32xi32, #tpu.memory_space<vmem>>) semaphore(%arg8 : memref<!tpu.dma_semaphore, #tpu.memory_space<semaphore_mem>>)
    %dma_start3A_28 = arith.constant 2 : i32
    %dma_start3A_29 = arith.constant 2 : i32
    %dma_start3A_30 = arith.constant 0 : i32
    %dma_start3A_31 = arith.constant 0 : i32
    %dma_start3A_32 = tpu.memref_slice %arg6[%dma_start3A_29, %dma_start3A_30, %dma_start3A_31] : memref<3x32x1024xf32, #tpu.memory_space<vmem>> -> memref<1x32x1024xf32, #tpu.memory_space<vmem>>
    %dma_start3A_33 = tpu.memref_squeeze %dma_start3A_32 : memref<1x32x1024xf32, #tpu.memory_space<vmem>> -> memref<32x1024xf32, #tpu.memory_space<vmem>>
    %dma_start3A_34 = arith.constant 0 : i32
    %dma_start3A_35 = tpu.memref_slice %arg5[%dma_start3A_28, %dma_start3A_34] : memref<32x32xi32, #tpu.memory_space<vmem>> -> memref<1x32xi32, #tpu.memory_space<vmem>>
    %dma_start3A_36 = tpu.memref_squeeze %dma_start3A_35 : memref<1x32xi32, #tpu.memory_space<vmem>> -> memref<32xi32, #tpu.memory_space<vmem>>
    %dma_start3A_37 = arith.constant 0 : i32
    %dma_start3A_38 = arith.constant 0 : i32
    %dma_start3A_39 = tpu.memref_slice %arg3[%dma_start3A_37, %dma_start3A_38] : memref<8192x1024xf32, #tpu.memory_space<hbm>> -> memref<8192x1024xf32, #tpu.memory_space<hbm>>
    tpu.enqueue_indirect_dma source(%dma_start3A_39 : memref<8192x1024xf32, #tpu.memory_space<hbm>>) target(%dma_start3A_33 : memref<32x1024xf32, #tpu.memory_space<vmem>>) offsets(%dma_start3A_36 : memref<32xi32, #tpu.memory_space<vmem>>) semaphore(%arg9 : memref<!tpu.dma_semaphore, #tpu.memory_space<semaphore_mem>>)
    %dma_wait3A = arith.constant 0 : i32
    %dma_wait3A_40 = arith.constant 0 : i32
    %dma_wait3A_41 = arith.constant 0 : i32
    %dma_wait3A_42 = arith.constant 0 : i32
    %dma_wait3A_43 = tpu.memref_slice %arg6[%dma_wait3A_40, %dma_wait3A_41, %dma_wait3A_42] : memref<3x32x1024xf32, #tpu.memory_space<vmem>> -> memref<1x32x1024xf32, #tpu.memory_space<vmem>>
    %dma_wait3A_44 = tpu.memref_squeeze %dma_wait3A_43 : memref<1x32x1024xf32, #tpu.memory_space<vmem>> -> memref<32x1024xf32, #tpu.memory_space<vmem>>
    %dma_wait3A_45 = arith.constant 0 : i32
    %dma_wait3A_46 = tpu.memref_slice %arg5[%dma_wait3A, %dma_wait3A_45] : memref<32x32xi32, #tpu.memory_space<vmem>> -> memref<1x32xi32, #tpu.memory_space<vmem>>
    %dma_wait3A_47 = tpu.memref_squeeze %dma_wait3A_46 : memref<1x32xi32, #tpu.memory_space<vmem>> -> memref<32xi32, #tpu.memory_space<vmem>>
    %dma_wait3A_48 = arith.constant 0 : i32
    %dma_wait3A_49 = arith.constant 0 : i32
    %dma_wait3A_50 = tpu.memref_slice %arg3[%dma_wait3A_48, %dma_wait3A_49] : memref<8192x1024xf32, #tpu.memory_space<hbm>> -> memref<8192x1024xf32, #tpu.memory_space<hbm>>
    tpu.wait_indirect_dma semaphore(%arg7 : memref<!tpu.dma_semaphore, #tpu.memory_space<semaphore_mem>>) src(%dma_wait3A_50 : memref<8192x1024xf32, #tpu.memory_space<hbm>>) dst(%dma_wait3A_44 : memref<32x1024xf32, #tpu.memory_space<vmem>>)
    %add3A_51 = arith.constant 0 : i32
    %add3A_52 = arith.addi %mul3A_2, %add3A_51 : i32
    %dma_start3A_53 = arith.constant 0 : i32
    %dma_start3A_54 = arith.constant 0 : i32
    %dma_start3A_55 = arith.constant 0 : i32
    %dma_start3A_56 = tpu.memref_slice %arg6[%dma_start3A_53, %dma_start3A_54, %dma_start3A_55] : memref<3x32x1024xf32, #tpu.memory_space<vmem>> -> memref<1x32x1024xf32, #tpu.memory_space<vmem>>
    %dma_start3A_57 = tpu.memref_squeeze %dma_start3A_56 : memref<1x32x1024xf32, #tpu.memory_space<vmem>> -> memref<32x1024xf32, #tpu.memory_space<vmem>>
    %dma_start3A_58 = arith.constant 0 : i32
    %dma_start3A_59 = tpu.memref_slice %arg4[%add3A_52, %dma_start3A_58] : memref<32768x1024xf32, #tpu.memory_space<hbm>> -> memref<32x1024xf32, #tpu.memory_space<hbm>>
    %dma_start3A_60 = arith.constant 0 : i32
    %dma_start3A_61 = tpu.memref_slice %arg4[%add3A_52, %dma_start3A_60] : memref<32768x1024xf32, #tpu.memory_space<hbm>> -> memref<32x1024xf32, #tpu.memory_space<hbm>>
    %dma_start3A_62 = arith.constant 0 : i32
    %dma_start3A_63 = arith.constant 0 : i32
    %dma_start3A_64 = tpu.memref_slice %arg6[%dma_start3A_53, %dma_start3A_62, %dma_start3A_63] : memref<3x32x1024xf32, #tpu.memory_space<vmem>> -> memref<1x32x1024xf32, #tpu.memory_space<vmem>>
    %dma_start3A_65 = tpu.memref_squeeze %dma_start3A_64 : memref<1x32x1024xf32, #tpu.memory_space<vmem>> -> memref<32x1024xf32, #tpu.memory_space<vmem>>
    tpu.enqueue_dma source(%dma_start3A_65 : memref<32x1024xf32, #tpu.memory_space<vmem>>) target(%dma_start3A_61 : memref<32x1024xf32, #tpu.memory_space<hbm>>) target_semaphore(%arg10 : memref<!tpu.dma_semaphore, #tpu.memory_space<semaphore_mem>>)
    %dma_wait3A_66 = arith.constant 0 : i32
    %dma_wait3A_67 = arith.constant 0 : i32
    %dma_wait3A_68 = arith.constant 0 : i32
    %dma_wait3A_69 = tpu.memref_slice %arg6[%dma_wait3A_66, %dma_wait3A_67, %dma_wait3A_68] : memref<3x32x1024xf32, #tpu.memory_space<vmem>> -> memref<1x32x1024xf32, #tpu.memory_space<vmem>>
    %dma_wait3A_70 = tpu.memref_squeeze %dma_wait3A_69 : memref<1x32x1024xf32, #tpu.memory_space<vmem>> -> memref<32x1024xf32, #tpu.memory_space<vmem>>
    %dma_wait3A_71 = arith.constant 0 : i32
    %dma_wait3A_72 = tpu.memref_slice %arg4[%add3A_52, %dma_wait3A_71] : memref<32768x1024xf32, #tpu.memory_space<hbm>> -> memref<32x1024xf32, #tpu.memory_space<hbm>>
    %dma_wait3A_73 = arith.constant 0 : i32
    %dma_wait3A_74 = tpu.memref_slice %arg4[%add3A_52, %dma_wait3A_73] : memref<32768x1024xf32, #tpu.memory_space<hbm>> -> memref<32x1024xf32, #tpu.memory_space<hbm>>
    %dma_wait3A_75 = arith.constant 0 : i32
    %dma_wait3A_76 = arith.constant 0 : i32
    %dma_wait3A_77 = tpu.memref_slice %arg6[%dma_wait3A_66, %dma_wait3A_75, %dma_wait3A_76] : memref<3x32x1024xf32, #tpu.memory_space<vmem>> -> memref<1x32x1024xf32, #tpu.memory_space<vmem>>
    %dma_wait3A_78 = tpu.memref_squeeze %dma_wait3A_77 : memref<1x32x1024xf32, #tpu.memory_space<vmem>> -> memref<32x1024xf32, #tpu.memory_space<vmem>>
    tpu.wait_dma2 semaphore(%arg10 : memref<!tpu.dma_semaphore, #tpu.memory_space<semaphore_mem>>) src(%dma_wait3A_78 : memref<32x1024xf32, #tpu.memory_space<vmem>>) dst(%dma_wait3A_74 : memref<32x1024xf32, #tpu.memory_space<hbm>>)
    %dma_start3A_79 = arith.constant 3 : i32
    %dma_start3A_80 = arith.constant 0 : i32
    %dma_start3A_81 = arith.constant 0 : i32
    %dma_start3A_82 = arith.constant 0 : i32
    %dma_start3A_83 = tpu.memref_slice %arg6[%dma_start3A_80, %dma_start3A_81, %dma_start3A_82] : memref<3x32x1024xf32, #tpu.memory_space<vmem>> -> memref<1x32x1024xf32, #tpu.memory_space<vmem>>
    %dma_start3A_84 = tpu.memref_squeeze %dma_start3A_83 : memref<1x32x1024xf32, #tpu.memory_space<vmem>> -> memref<32x1024xf32, #tpu.memory_space<vmem>>
    %dma_start3A_85 = arith.constant 0 : i32
    %dma_start3A_86 = tpu.memref_slice %arg5[%dma_start3A_79, %dma_start3A_85] : memref<32x32xi32, #tpu.memory_space<vmem>> -> memref<1x32xi32, #tpu.memory_space<vmem>>
    %dma_start3A_87 = tpu.memref_squeeze %dma_start3A_86 : memref<1x32xi32, #tpu.memory_space<vmem>> -> memref<32xi32, #tpu.memory_space<vmem>>
    %dma_start3A_88 = arith.constant 0 : i32
    %dma_start3A_89 = arith.constant 0 : i32
    %dma_start3A_90 = tpu.memref_slice %arg3[%dma_start3A_88, %dma_start3A_89] : memref<8192x1024xf32, #tpu.memory_space<hbm>> -> memref<8192x1024xf32, #tpu.memory_space<hbm>>
    tpu.enqueue_indirect_dma source(%dma_start3A_90 : memref<8192x1024xf32, #tpu.memory_space<hbm>>) target(%dma_start3A_84 : memref<32x1024xf32, #tpu.memory_space<vmem>>) offsets(%dma_start3A_87 : memref<32xi32, #tpu.memory_space<vmem>>) semaphore(%arg7 : memref<!tpu.dma_semaphore, #tpu.memory_space<semaphore_mem>>)
    %dma_wait3A_91 = arith.constant 1 : i32
    %dma_wait3A_92 = arith.constant 1 : i32
    %dma_wait3A_93 = arith.constant 0 : i32
    %dma_wait3A_94 = arith.constant 0 : i32
    %dma_wait3A_95 = tpu.memref_slice %arg6[%dma_wait3A_92, %dma_wait3A_93, %dma_wait3A_94] : memref<3x32x1024xf32, #tpu.memory_space<vmem>> -> memref<1x32x1024xf32, #tpu.memory_space<vmem>>
    %dma_wait3A_96 = tpu.memref_squeeze %dma_wait3A_95 : memref<1x32x1024xf32, #tpu.memory_space<vmem>> -> memref<32x1024xf32, #tpu.memory_space<vmem>>
    %dma_wait3A_97 = arith.constant 0 : i32
    %dma_wait3A_98 = tpu.memref_slice %arg5[%dma_wait3A_91, %dma_wait3A_97] : memref<32x32xi32, #tpu.memory_space<vmem>> -> memref<1x32xi32, #tpu.memory_space<vmem>>
    %dma_wait3A_99 = tpu.memref_squeeze %dma_wait3A_98 : memref<1x32xi32, #tpu.memory_space<vmem>> -> memref<32xi32, #tpu.memory_space<vmem>>
    %dma_wait3A_100 = arith.constant 0 : i32
    %dma_wait3A_101 = arith.constant 0 : i32
    %dma_wait3A_102 = tpu.memref_slice %arg3[%dma_wait3A_100, %dma_wait3A_101] : memref<8192x1024xf32, #tpu.memory_space<hbm>> -> memref<8192x1024xf32, #tpu.memory_space<hbm>>
    tpu.wait_indirect_dma semaphore(%arg8 : memref<!tpu.dma_semaphore, #tpu.memory_space<semaphore_mem>>) src(%dma_wait3A_102 : memref<8192x1024xf32, #tpu.memory_space<hbm>>) dst(%dma_wait3A_96 : memref<32x1024xf32, #tpu.memory_space<vmem>>)
    %add3A_103 = arith.constant 32 : i32
    %add3A_104 = arith.addi %mul3A_2, %add3A_103 : i32
    %dma_start3A_105 = arith.constant 1 : i32
    %dma_start3A_106 = arith.constant 0 : i32
    %dma_start3A_107 = arith.constant 0 : i32
    %dma_start3A_108 = tpu.memref_slice %arg6[%dma_start3A_105, %dma_start3A_106, %dma_start3A_107] : memref<3x32x1024xf32, #tpu.memory_space<vmem>> -> memref<1x32x1024xf32, #tpu.memory_space<vmem>>
    %dma_start3A_109 = tpu.memref_squeeze %dma_start3A_108 : memref<1x32x1024xf32, #tpu.memory_space<vmem>> -> memref<32x1024xf32, #tpu.memory_space<vmem>>
    %dma_start3A_110 = arith.constant 0 : i32
    %dma_start3A_111 = tpu.memref_slice %arg4[%add3A_104, %dma_start3A_110] : memref<32768x1024xf32, #tpu.memory_space<hbm>> -> memref<32x1024xf32, #tpu.memory_space<hbm>>
    %dma_start3A_112 = arith.constant 0 : i32
    %dma_start3A_113 = tpu.memref_slice %arg4[%add3A_104, %dma_start3A_112] : memref<32768x1024xf32, #tpu.memory_space<hbm>> -> memref<32x1024xf32, #tpu.memory_space<hbm>>
    %dma_start3A_114 = arith.constant 0 : i32
    %dma_start3A_115 = arith.constant 0 : i32
    %dma_start3A_116 = tpu.memref_slice %arg6[%dma_start3A_105, %dma_start3A_114, %dma_start3A_115] : memref<3x32x1024xf32, #tpu.memory_space<vmem>> -> memref<1x32x1024xf32, #tpu.memory_space<vmem>>
    %dma_start3A_117 = tpu.memref_squeeze %dma_start3A_116 : memref<1x32x1024xf32, #tpu.memory_space<vmem>> -> memref<32x1024xf32, #tpu.memory_space<vmem>>
    tpu.enqueue_dma source(%dma_start3A_117 : memref<32x1024xf32, #tpu.memory_space<vmem>>) target(%dma_start3A_113 : memref<32x1024xf32, #tpu.memory_space<hbm>>) target_semaphore(%arg11 : memref<!tpu.dma_semaphore, #tpu.memory_space<semaphore_mem>>)
    %dma_wait3A_118 = arith.constant 1 : i32
    %dma_wait3A_119 = arith.constant 0 : i32
    %dma_wait3A_120 = arith.constant 0 : i32
    %dma_wait3A_121 = tpu.memref_slice %arg6[%dma_wait3A_118, %dma_wait3A_119, %dma_wait3A_120] : memref<3x32x1024xf32, #tpu.memory_space<vmem>> -> memref<1x32x1024xf32, #tpu.memory_space<vmem>>
    %dma_wait3A_122 = tpu.memref_squeeze %dma_wait3A_121 : memref<1x32x1024xf32, #tpu.memory_space<vmem>> -> memref<32x1024xf32, #tpu.memory_space<vmem>>
    %dma_wait3A_123 = arith.constant 0 : i32
    %dma_wait3A_124 = tpu.memref_slice %arg4[%add3A_104, %dma_wait3A_123] : memref<32768x1024xf32, #tpu.memory_space<hbm>> -> memref<32x1024xf32, #tpu.memory_space<hbm>>
    %dma_wait3A_125 = arith.constant 0 : i32
    %dma_wait3A_126 = tpu.memref_slice %arg4[%add3A_104, %dma_wait3A_125] : memref<32768x1024xf32, #tpu.memory_space<hbm>> -> memref<32x1024xf32, #tpu.memory_space<hbm>>
    %dma_wait3A_127 = arith.constant 0 : i32
    %dma_wait3A_128 = arith.constant 0 : i32
    %dma_wait3A_129 = tpu.memref_slice %arg6[%dma_wait3A_118, %dma_wait3A_127, %dma_wait3A_128] : memref<3x32x1024xf32, #tpu.memory_space<vmem>> -> memref<1x32x1024xf32, #tpu.memory_space<vmem>>
    %dma_wait3A_130 = tpu.memref_squeeze %dma_wait3A_129 : memref<1x32x1024xf32, #tpu.memory_space<vmem>> -> memref<32x1024xf32, #tpu.memory_space<vmem>>
    tpu.wait_dma2 semaphore(%arg11 : memref<!tpu.dma_semaphore, #tpu.memory_space<semaphore_mem>>) src(%dma_wait3A_130 : memref<32x1024xf32, #tpu.memory_space<vmem>>) dst(%dma_wait3A_126 : memref<32x1024xf32, #tpu.memory_space<hbm>>)
    %dma_start3A_131 = arith.constant 4 : i32
    %dma_start3A_132 = arith.constant 1 : i32
    %dma_start3A_133 = arith.constant 0 : i32
    %dma_start3A_134 = arith.constant 0 : i32
    %dma_start3A_135 = tpu.memref_slice %arg6[%dma_start3A_132, %dma_start3A_133, %dma_start3A_134] : memref<3x32x1024xf32, #tpu.memory_space<vmem>> -> memref<1x32x1024xf32, #tpu.memory_space<vmem>>
    %dma_start3A_136 = tpu.memref_squeeze %dma_start3A_135 : memref<1x32x1024xf32, #tpu.memory_space<vmem>> -> memref<32x1024xf32, #tpu.memory_space<vmem>>
    %dma_start3A_137 = arith.constant 0 : i32
    %dma_start3A_138 = tpu.memref_slice %arg5[%dma_start3A_131, %dma_start3A_137] : memref<32x32xi32, #tpu.memory_space<vmem>> -> memref<1x32xi32, #tpu.memory_space<vmem>>
    %dma_start3A_139 = tpu.memref_squeeze %dma_start3A_138 : memref<1x32xi32, #tpu.memory_space<vmem>> -> memref<32xi32, #tpu.memory_space<vmem>>
    %dma_start3A_140 = arith.constant 0 : i32
    %dma_start3A_141 = arith.constant 0 : i32
    %dma_start3A_142 = tpu.memref_slice %arg3[%dma_start3A_140, %dma_start3A_141] : memref<8192x1024xf32, #tpu.memory_space<hbm>> -> memref<8192x1024xf32, #tpu.memory_space<hbm>>
    tpu.enqueue_indirect_dma source(%dma_start3A_142 : memref<8192x1024xf32, #tpu.memory_space<hbm>>) target(%dma_start3A_136 : memref<32x1024xf32, #tpu.memory_space<vmem>>) offsets(%dma_start3A_139 : memref<32xi32, #tpu.memory_space<vmem>>) semaphore(%arg8 : memref<!tpu.dma_semaphore, #tpu.memory_space<semaphore_mem>>)
    %dma_wait3A_143 = arith.constant 2 : i32
    %dma_wait3A_144 = arith.constant 2 : i32
    %dma_wait3A_145 = arith.constant 0 : i32
    %dma_wait3A_146 = arith.constant 0 : i32
    %dma_wait3A_147 = tpu.memref_slice %arg6[%dma_wait3A_144, %dma_wait3A_145, %dma_wait3A_146] : memref<3x32x1024xf32, #tpu.memory_space<vmem>> -> memref<1x32x1024xf32, #tpu.memory_space<vmem>>
    %dma_wait3A_148 = tpu.memref_squeeze %dma_wait3A_147 : memref<1x32x1024xf32, #tpu.memory_space<vmem>> -> memref<32x1024xf32, #tpu.memory_space<vmem>>
    %dma_wait3A_149 = arith.constant 0 : i32
    %dma_wait3A_150 = tpu.memref_slice %arg5[%dma_wait3A_143, %dma_wait3A_149] : memref<32x32xi32, #tpu.memory_space<vmem>> -> memref<1x32xi32, #tpu.memory_space<vmem>>
    %dma_wait3A_151 = tpu.memref_squeeze %dma_wait3A_150 : memref<1x32xi32, #tpu.memory_space<vmem>> -> memref<32xi32, #tpu.memory_space<vmem>>
    %dma_wait3A_152 = arith.constant 0 : i32
    %dma_wait3A_153 = arith.constant 0 : i32
    %dma_wait3A_154 = tpu.memref_slice %arg3[%dma_wait3A_152, %dma_wait3A_153] : memref<8192x1024xf32, #tpu.memory_space<hbm>> -> memref<8192x1024xf32, #tpu.memory_space<hbm>>
    tpu.wait_indirect_dma semaphore(%arg9 : memref<!tpu.dma_semaphore, #tpu.memory_space<semaphore_mem>>) src(%dma_wait3A_154 : memref<8192x1024xf32, #tpu.memory_space<hbm>>) dst(%dma_wait3A_148 : memref<32x1024xf32, #tpu.memory_space<vmem>>)
    %add3A_155 = arith.constant 64 : i32
    %add3A_156 = arith.addi %mul3A_2, %add3A_155 : i32
    %dma_start3A_157 = arith.constant 2 : i32
    %dma_start3A_158 = arith.constant 0 : i32
    %dma_start3A_159 = arith.constant 0 : i32
    %dma_start3A_160 = tpu.memref_slice %arg6[%dma_start3A_157, %dma_start3A_158, %dma_start3A_159] : memref<3x32x1024xf32, #tpu.memory_space<vmem>> -> memref<1x32x1024xf32, #tpu.memory_space<vmem>>
    %dma_start3A_161 = tpu.memref_squeeze %dma_start3A_160 : memref<1x32x1024xf32, #tpu.memory_space<vmem>> -> memref<32x1024xf32, #tpu.memory_space<vmem>>
    %dma_start3A_162 = arith.constant 0 : i32
    %dma_start3A_163 = tpu.memref_slice %arg4[%add3A_156, %dma_start3A_162] : memref<32768x1024xf32, #tpu.memory_space<hbm>> -> memref<32x1024xf32, #tpu.memory_space<hbm>>
    %dma_start3A_164 = arith.constant 0 : i32
    %dma_start3A_165 = tpu.memref_slice %arg4[%add3A_156, %dma_start3A_164] : memref<32768x1024xf32, #tpu.memory_space<hbm>> -> memref<32x1024xf32, #tpu.memory_space<hbm>>
    %dma_start3A_166 = arith.constant 0 : i32
    %dma_start3A_167 = arith.constant 0 : i32
    %dma_start3A_168 = tpu.memref_slice %arg6[%dma_start3A_157, %dma_start3A_166, %dma_start3A_167] : memref<3x32x1024xf32, #tpu.memory_space<vmem>> -> memref<1x32x1024xf32, #tpu.memory_space<vmem>>
    %dma_start3A_169 = tpu.memref_squeeze %dma_start3A_168 : memref<1x32x1024xf32, #tpu.memory_space<vmem>> -> memref<32x1024xf32, #tpu.memory_space<vmem>>
    tpu.enqueue_dma source(%dma_start3A_169 : memref<32x1024xf32, #tpu.memory_space<vmem>>) target(%dma_start3A_165 : memref<32x1024xf32, #tpu.memory_space<hbm>>) target_semaphore(%arg12 : memref<!tpu.dma_semaphore, #tpu.memory_space<semaphore_mem>>)
    %dma_wait3A_170 = arith.constant 2 : i32
    %dma_wait3A_171 = arith.constant 0 : i32
    %dma_wait3A_172 = arith.constant 0 : i32
    %dma_wait3A_173 = tpu.memref_slice %arg6[%dma_wait3A_170, %dma_wait3A_171, %dma_wait3A_172] : memref<3x32x1024xf32, #tpu.memory_space<vmem>> -> memref<1x32x1024xf32, #tpu.memory_space<vmem>>
    %dma_wait3A_174 = tpu.memref_squeeze %dma_wait3A_173 : memref<1x32x1024xf32, #tpu.memory_space<vmem>> -> memref<32x1024xf32, #tpu.memory_space<vmem>>
    %dma_wait3A_175 = arith.constant 0 : i32
    %dma_wait3A_176 = tpu.memref_slice %arg4[%add3A_156, %dma_wait3A_175] : memref<32768x1024xf32, #tpu.memory_space<hbm>> -> memref<32x1024xf32, #tpu.memory_space<hbm>>
    %dma_wait3A_177 = arith.constant 0 : i32
    %dma_wait3A_178 = tpu.memref_slice %arg4[%add3A_156, %dma_wait3A_177] : memref<32768x1024xf32, #tpu.memory_space<hbm>> -> memref<32x1024xf32, #tpu.memory_space<hbm>>
    %dma_wait3A_179 = arith.constant 0 : i32
    %dma_wait3A_180 = arith.constant 0 : i32
    %dma_wait3A_181 = tpu.memref_slice %arg6[%dma_wait3A_170, %dma_wait3A_179, %dma_wait3A_180] : memref<3x32x1024xf32, #tpu.memory_space<vmem>> -> memref<1x32x1024xf32, #tpu.memory_space<vmem>>
    %dma_wait3A_182 = tpu.memref_squeeze %dma_wait3A_181 : memref<1x32x1024xf32, #tpu.memory_space<vmem>> -> memref<32x1024xf32, #tpu.memory_space<vmem>>
    tpu.wait_dma2 semaphore(%arg12 : memref<!tpu.dma_semaphore, #tpu.memory_space<semaphore_mem>>) src(%dma_wait3A_182 : memref<32x1024xf32, #tpu.memory_space<vmem>>) dst(%dma_wait3A_178 : memref<32x1024xf32, #tpu.memory_space<hbm>>)
    %dma_start3A_183 = arith.constant 5 : i32
    %dma_start3A_184 = arith.constant 2 : i32
    %dma_start3A_185 = arith.constant 0 : i32
    %dma_start3A_186 = arith.constant 0 : i32
    %dma_start3A_187 = tpu.memref_slice %arg6[%dma_start3A_184, %dma_start3A_185, %dma_start3A_186] : memref<3x32x1024xf32, #tpu.memory_space<vmem>> -> memref<1x32x1024xf32, #tpu.memory_space<vmem>>
    %dma_start3A_188 = tpu.memref_squeeze %dma_start3A_187 : memref<1x32x1024xf32, #tpu.memory_space<vmem>> -> memref<32x1024xf32, #tpu.memory_space<vmem>>
    %dma_start3A_189 = arith.constant 0 : i32
    %dma_start3A_190 = tpu.memref_slice %arg5[%dma_start3A_183, %dma_start3A_189] : memref<32x32xi32, #tpu.memory_space<vmem>> -> memref<1x32xi32, #tpu.memory_space<vmem>>
    %dma_start3A_191 = tpu.memref_squeeze %dma_start3A_190 : memref<1x32xi32, #tpu.memory_space<vmem>> -> memref<32xi32, #tpu.memory_space<vmem>>
    %dma_start3A_192 = arith.constant 0 : i32
    %dma_start3A_193 = arith.constant 0 : i32
    %dma_start3A_194 = tpu.memref_slice %arg3[%dma_start3A_192, %dma_start3A_193] : memref<8192x1024xf32, #tpu.memory_space<hbm>> -> memref<8192x1024xf32, #tpu.memory_space<hbm>>
    tpu.enqueue_indirect_dma source(%dma_start3A_194 : memref<8192x1024xf32, #tpu.memory_space<hbm>>) target(%dma_start3A_188 : memref<32x1024xf32, #tpu.memory_space<vmem>>) offsets(%dma_start3A_191 : memref<32xi32, #tpu.memory_space<vmem>>) semaphore(%arg9 : memref<!tpu.dma_semaphore, #tpu.memory_space<semaphore_mem>>)
    %dma_wait3A_195 = arith.constant 3 : i32
    %dma_wait3A_196 = arith.constant 0 : i32
    %dma_wait3A_197 = arith.constant 0 : i32
    %dma_wait3A_198 = arith.constant 0 : i32
    %dma_wait3A_199 = tpu.memref_slice %arg6[%dma_wait3A_196, %dma_wait3A_197, %dma_wait3A_198] : memref<3x32x1024xf32, #tpu.memory_space<vmem>> -> memref<1x32x1024xf32, #tpu.memory_space<vmem>>
    %dma_wait3A_200 = tpu.memref_squeeze %dma_wait3A_199 : memref<1x32x1024xf32, #tpu.memory_space<vmem>> -> memref<32x1024xf32, #tpu.memory_space<vmem>>
    %dma_wait3A_201 = arith.constant 0 : i32
    %dma_wait3A_202 = tpu.memref_slice %arg5[%dma_wait3A_195, %dma_wait3A_201] : memref<32x32xi32, #tpu.memory_space<vmem>> -> memref<1x32xi32, #tpu.memory_space<vmem>>
    %dma_wait3A_203 = tpu.memref_squeeze %dma_wait3A_202 : memref<1x32xi32, #tpu.memory_space<vmem>> -> memref<32xi32, #tpu.memory_space<vmem>>
    %dma_wait3A_204 = arith.constant 0 : i32
    %dma_wait3A_205 = arith.constant 0 : i32
    %dma_wait3A_206 = tpu.memref_slice %arg3[%dma_wait3A_204, %dma_wait3A_205] : memref<8192x1024xf32, #tpu.memory_space<hbm>> -> memref<8192x1024xf32, #tpu.memory_space<hbm>>
    tpu.wait_indirect_dma semaphore(%arg7 : memref<!tpu.dma_semaphore, #tpu.memory_space<semaphore_mem>>) src(%dma_wait3A_206 : memref<8192x1024xf32, #tpu.memory_space<hbm>>) dst(%dma_wait3A_200 : memref<32x1024xf32, #tpu.memory_space<vmem>>)
    %add3A_207 = arith.constant 96 : i32
    %add3A_208 = arith.addi %mul3A_2, %add3A_207 : i32
    %dma_start3A_209 = arith.constant 0 : i32
    %dma_start3A_210 = arith.constant 0 : i32
    %dma_start3A_211 = arith.constant 0 : i32
    %dma_start3A_212 = tpu.memref_slice %arg6[%dma_start3A_209, %dma_start3A_210, %dma_start3A_211] : memref<3x32x1024xf32, #tpu.memory_space<vmem>> -> memref<1x32x1024xf32, #tpu.memory_space<vmem>>
    %dma_start3A_213 = tpu.memref_squeeze %dma_start3A_212 : memref<1x32x1024xf32, #tpu.memory_space<vmem>> -> memref<32x1024xf32, #tpu.memory_space<vmem>>
    %dma_start3A_214 = arith.constant 0 : i32
    %dma_start3A_215 = tpu.memref_slice %arg4[%add3A_208, %dma_start3A_214] : memref<32768x1024xf32, #tpu.memory_space<hbm>> -> memref<32x1024xf32, #tpu.memory_space<hbm>>
    %dma_start3A_216 = arith.constant 0 : i32
    %dma_start3A_217 = tpu.memref_slice %arg4[%add3A_208, %dma_start3A_216] : memref<32768x1024xf32, #tpu.memory_space<hbm>> -> memref<32x1024xf32, #tpu.memory_space<hbm>>
    %dma_start3A_218 = arith.constant 0 : i32
    %dma_start3A_219 = arith.constant 0 : i32
    %dma_start3A_220 = tpu.memref_slice %arg6[%dma_start3A_209, %dma_start3A_218, %dma_start3A_219] : memref<3x32x1024xf32, #tpu.memory_space<vmem>> -> memref<1x32x1024xf32, #tpu.memory_space<vmem>>
    %dma_start3A_221 = tpu.memref_squeeze %dma_start3A_220 : memref<1x32x1024xf32, #tpu.memory_space<vmem>> -> memref<32x1024xf32, #tpu.memory_space<vmem>>
    tpu.enqueue_dma source(%dma_start3A_221 : memref<32x1024xf32, #tpu.memory_space<vmem>>) target(%dma_start3A_217 : memref<32x1024xf32, #tpu.memory_space<hbm>>) target_semaphore(%arg10 : memref<!tpu.dma_semaphore, #tpu.memory_space<semaphore_mem>>)
    %dma_wait3A_222 = arith.constant 0 : i32
    %dma_wait3A_223 = arith.constant 0 : i32
    %dma_wait3A_224 = arith.constant 0 : i32
    %dma_wait3A_225 = tpu.memref_slice %arg6[%dma_wait3A_222, %dma_wait3A_223, %dma_wait3A_224] : memref<3x32x1024xf32, #tpu.memory_space<vmem>> -> memref<1x32x1024xf32, #tpu.memory_space<vmem>>
    %dma_wait3A_226 = tpu.memref_squeeze %dma_wait3A_225 : memref<1x32x1024xf32, #tpu.memory_space<vmem>> -> memref<32x1024xf32, #tpu.memory_space<vmem>>
    %dma_wait3A_227 = arith.constant 0 : i32
    %dma_wait3A_228 = tpu.memref_slice %arg4[%add3A_208, %dma_wait3A_227] : memref<32768x1024xf32, #tpu.memory_space<hbm>> -> memref<32x1024xf32, #tpu.memory_space<hbm>>
    %dma_wait3A_229 = arith.constant 0 : i32
    %dma_wait3A_230 = tpu.memref_slice %arg4[%add3A_208, %dma_wait3A_229] : memref<32768x1024xf32, #tpu.memory_space<hbm>> -> memref<32x1024xf32, #tpu.memory_space<hbm>>
    %dma_wait3A_231 = arith.constant 0 : i32
    %dma_wait3A_232 = arith.constant 0 : i32
    %dma_wait3A_233 = tpu.memref_slice %arg6[%dma_wait3A_222, %dma_wait3A_231, %dma_wait3A_232] : memref<3x32x1024xf32, #tpu.memory_space<vmem>> -> memref<1x32x1024xf32, #tpu.memory_space<vmem>>
    %dma_wait3A_234 = tpu.memref_squeeze %dma_wait3A_233 : memref<1x32x1024xf32, #tpu.memory_space<vmem>> -> memref<32x1024xf32, #tpu.memory_space<vmem>>
    tpu.wait_dma2 semaphore(%arg10 : memref<!tpu.dma_semaphore, #tpu.memory_space<semaphore_mem>>) src(%dma_wait3A_234 : memref<32x1024xf32, #tpu.memory_space<vmem>>) dst(%dma_wait3A_230 : memref<32x1024xf32, #tpu.memory_space<hbm>>)
    %dma_start3A_235 = arith.constant 6 : i32
    %dma_start3A_236 = arith.constant 0 : i32
    %dma_start3A_237 = arith.constant 0 : i32
    %dma_start3A_238 = arith.constant 0 : i32
    %dma_start3A_239 = tpu.memref_slice %arg6[%dma_start3A_236, %dma_start3A_237, %dma_start3A_238] : memref<3x32x1024xf32, #tpu.memory_space<vmem>> -> memref<1x32x1024xf32, #tpu.memory_space<vmem>>
    %dma_start3A_240 = tpu.memref_squeeze %dma_start3A_239 : memref<1x32x1024xf32, #tpu.memory_space<vmem>> -> memref<32x1024xf32, #tpu.memory_space<vmem>>
    %dma_start3A_241 = arith.constant 0 : i32
    %dma_start3A_242 = tpu.memref_slice %arg5[%dma_start3A_235, %dma_start3A_241] : memref<32x32xi32, #tpu.memory_space<vmem>> -> memref<1x32xi32, #tpu.memory_space<vmem>>
    %dma_start3A_243 = tpu.memref_squeeze %dma_start3A_242 : memref<1x32xi32, #tpu.memory_space<vmem>> -> memref<32xi32, #tpu.memory_space<vmem>>
    %dma_start3A_244 = arith.constant 0 : i32
    %dma_start3A_245 = arith.constant 0 : i32
    %dma_start3A_246 = tpu.memref_slice %arg3[%dma_start3A_244, %dma_start3A_245] : memref<8192x1024xf32, #tpu.memory_space<hbm>> -> memref<8192x1024xf32, #tpu.memory_space<hbm>>
    tpu.enqueue_indirect_dma source(%dma_start3A_246 : memref<8192x1024xf32, #tpu.memory_space<hbm>>) target(%dma_start3A_240 : memref<32x1024xf32, #tpu.memory_space<vmem>>) offsets(%dma_start3A_243 : memref<32xi32, #tpu.memory_space<vmem>>) semaphore(%arg7 : memref<!tpu.dma_semaphore, #tpu.memory_space<semaphore_mem>>)
    %dma_wait3A_247 = arith.constant 4 : i32
    %dma_wait3A_248 = arith.constant 1 : i32
    %dma_wait3A_249 = arith.constant 0 : i32
    %dma_wait3A_250 = arith.constant 0 : i32
    %dma_wait3A_251 = tpu.memref_slice %arg6[%dma_wait3A_248, %dma_wait3A_249, %dma_wait3A_250] : memref<3x32x1024xf32, #tpu.memory_space<vmem>> -> memref<1x32x1024xf32, #tpu.memory_space<vmem>>
    %dma_wait3A_252 = tpu.memref_squeeze %dma_wait3A_251 : memref<1x32x1024xf32, #tpu.memory_space<vmem>> -> memref<32x1024xf32, #tpu.memory_space<vmem>>
    %dma_wait3A_253 = arith.constant 0 : i32
    %dma_wait3A_254 = tpu.memref_slice %arg5[%dma_wait3A_247, %dma_wait3A_253] : memref<32x32xi32, #tpu.memory_space<vmem>> -> memref<1x32xi32, #tpu.memory_space<vmem>>
    %dma_wait3A_255 = tpu.memref_squeeze %dma_wait3A_254 : memref<1x32xi32, #tpu.memory_space<vmem>> -> memref<32xi32, #tpu.memory_space<vmem>>
    %dma_wait3A_256 = arith.constant 0 : i32
    %dma_wait3A_257 = arith.constant 0 : i32
    %dma_wait3A_258 = tpu.memref_slice %arg3[%dma_wait3A_256, %dma_wait3A_257] : memref<8192x1024xf32, #tpu.memory_space<hbm>> -> memref<8192x1024xf32, #tpu.memory_space<hbm>>
    tpu.wait_indirect_dma semaphore(%arg8 : memref<!tpu.dma_semaphore, #tpu.memory_space<semaphore_mem>>) src(%dma_wait3A_258 : memref<8192x1024xf32, #tpu.memory_space<hbm>>) dst(%dma_wait3A_252 : memref<32x1024xf32, #tpu.memory_space<vmem>>)
    %add3A_259 = arith.constant 128 : i32
    %add3A_260 = arith.addi %mul3A_2, %add3A_259 : i32
    %dma_start3A_261 = arith.constant 1 : i32
    %dma_start3A_262 = arith.constant 0 : i32
    %dma_start3A_263 = arith.constant 0 : i32
    %dma_start3A_264 = tpu.memref_slice %arg6[%dma_start3A_261, %dma_start3A_262, %dma_start3A_263] : memref<3x32x1024xf32, #tpu.memory_space<vmem>> -> memref<1x32x1024xf32, #tpu.memory_space<vmem>>
    %dma_start3A_265 = tpu.memref_squeeze %dma_start3A_264 : memref<1x32x1024xf32, #tpu.memory_space<vmem>> -> memref<32x1024xf32, #tpu.memory_space<vmem>>
    %dma_start3A_266 = arith.constant 0 : i32
    %dma_start3A_267 = tpu.memref_slice %arg4[%add3A_260, %dma_start3A_266] : memref<32768x1024xf32, #tpu.memory_space<hbm>> -> memref<32x1024xf32, #tpu.memory_space<hbm>>
    %dma_start3A_268 = arith.constant 0 : i32
    %dma_start3A_269 = tpu.memref_slice %arg4[%add3A_260, %dma_start3A_268] : memref<32768x1024xf32, #tpu.memory_space<hbm>> -> memref<32x1024xf32, #tpu.memory_space<hbm>>
    %dma_start3A_270 = arith.constant 0 : i32
    %dma_start3A_271 = arith.constant 0 : i32
    %dma_start3A_272 = tpu.memref_slice %arg6[%dma_start3A_261, %dma_start3A_270, %dma_start3A_271] : memref<3x32x1024xf32, #tpu.memory_space<vmem>> -> memref<1x32x1024xf32, #tpu.memory_space<vmem>>
    %dma_start3A_273 = tpu.memref_squeeze %dma_start3A_272 : memref<1x32x1024xf32, #tpu.memory_space<vmem>> -> memref<32x1024xf32, #tpu.memory_space<vmem>>
    tpu.enqueue_dma source(%dma_start3A_273 : memref<32x1024xf32, #tpu.memory_space<vmem>>) target(%dma_start3A_269 : memref<32x1024xf32, #tpu.memory_space<hbm>>) target_semaphore(%arg11 : memref<!tpu.dma_semaphore, #tpu.memory_space<semaphore_mem>>)
    %dma_wait3A_274 = arith.constant 1 : i32
    %dma_wait3A_275 = arith.constant 0 : i32
    %dma_wait3A_276 = arith.constant 0 : i32
    %dma_wait3A_277 = tpu.memref_slice %arg6[%dma_wait3A_274, %dma_wait3A_275, %dma_wait3A_276] : memref<3x32x1024xf32, #tpu.memory_space<vmem>> -> memref<1x32x1024xf32, #tpu.memory_space<vmem>>
    %dma_wait3A_278 = tpu.memref_squeeze %dma_wait3A_277 : memref<1x32x1024xf32, #tpu.memory_space<vmem>> -> memref<32x1024xf32, #tpu.memory_space<vmem>>
    %dma_wait3A_279 = arith.constant 0 : i32
    %dma_wait3A_280 = tpu.memref_slice %arg4[%add3A_260, %dma_wait3A_279] : memref<32768x1024xf32, #tpu.memory_space<hbm>> -> memref<32x1024xf32, #tpu.memory_space<hbm>>
    %dma_wait3A_281 = arith.constant 0 : i32
    %dma_wait3A_282 = tpu.memref_slice %arg4[%add3A_260, %dma_wait3A_281] : memref<32768x1024xf32, #tpu.memory_space<hbm>> -> memref<32x1024xf32, #tpu.memory_space<hbm>>
    %dma_wait3A_283 = arith.constant 0 : i32
    %dma_wait3A_284 = arith.constant 0 : i32
    %dma_wait3A_285 = tpu.memref_slice %arg6[%dma_wait3A_274, %dma_wait3A_283, %dma_wait3A_284] : memref<3x32x1024xf32, #tpu.memory_space<vmem>> -> memref<1x32x1024xf32, #tpu.memory_space<vmem>>
    %dma_wait3A_286 = tpu.memref_squeeze %dma_wait3A_285 : memref<1x32x1024xf32, #tpu.memory_space<vmem>> -> memref<32x1024xf32, #tpu.memory_space<vmem>>
    tpu.wait_dma2 semaphore(%arg11 : memref<!tpu.dma_semaphore, #tpu.memory_space<semaphore_mem>>) src(%dma_wait3A_286 : memref<32x1024xf32, #tpu.memory_space<vmem>>) dst(%dma_wait3A_282 : memref<32x1024xf32, #tpu.memory_space<hbm>>)
    %dma_start3A_287 = arith.constant 7 : i32
    %dma_start3A_288 = arith.constant 1 : i32
    %dma_start3A_289 = arith.constant 0 : i32
    %dma_start3A_290 = arith.constant 0 : i32
    %dma_start3A_291 = tpu.memref_slice %arg6[%dma_start3A_288, %dma_start3A_289, %dma_start3A_290] : memref<3x32x1024xf32, #tpu.memory_space<vmem>> -> memref<1x32x1024xf32, #tpu.memory_space<vmem>>
    %dma_start3A_292 = tpu.memref_squeeze %dma_start3A_291 : memref<1x32x1024xf32, #tpu.memory_space<vmem>> -> memref<32x1024xf32, #tpu.memory_space<vmem>>
    %dma_start3A_293 = arith.constant 0 : i32
    %dma_start3A_294 = tpu.memref_slice %arg5[%dma_start3A_287, %dma_start3A_293] : memref<32x32xi32, #tpu.memory_space<vmem>> -> memref<1x32xi32, #tpu.memory_space<vmem>>
    %dma_start3A_295 = tpu.memref_squeeze %dma_start3A_294 : memref<1x32xi32, #tpu.memory_space<vmem>> -> memref<32xi32, #tpu.memory_space<vmem>>
    %dma_start3A_296 = arith.constant 0 : i32
    %dma_start3A_297 = arith.constant 0 : i32
    %dma_start3A_298 = tpu.memref_slice %arg3[%dma_start3A_296, %dma_start3A_297] : memref<8192x1024xf32, #tpu.memory_space<hbm>> -> memref<8192x1024xf32, #tpu.memory_space<hbm>>
    tpu.enqueue_indirect_dma source(%dma_start3A_298 : memref<8192x1024xf32, #tpu.memory_space<hbm>>) target(%dma_start3A_292 : memref<32x1024xf32, #tpu.memory_space<vmem>>) offsets(%dma_start3A_295 : memref<32xi32, #tpu.memory_space<vmem>>) semaphore(%arg8 : memref<!tpu.dma_semaphore, #tpu.memory_space<semaphore_mem>>)
    %dma_wait3A_299 = arith.constant 5 : i32
    %dma_wait3A_300 = arith.constant 2 : i32
    %dma_wait3A_301 = arith.constant 0 : i32
    %dma_wait3A_302 = arith.constant 0 : i32
    %dma_wait3A_303 = tpu.memref_slice %arg6[%dma_wait3A_300, %dma_wait3A_301, %dma_wait3A_302] : memref<3x32x1024xf32, #tpu.memory_space<vmem>> -> memref<1x32x1024xf32, #tpu.memory_space<vmem>>
    %dma_wait3A_304 = tpu.memref_squeeze %dma_wait3A_303 : memref<1x32x1024xf32, #tpu.memory_space<vmem>> -> memref<32x1024xf32, #tpu.memory_space<vmem>>
    %dma_wait3A_305 = arith.constant 0 : i32
    %dma_wait3A_306 = tpu.memref_slice %arg5[%dma_wait3A_299, %dma_wait3A_305] : memref<32x32xi32, #tpu.memory_space<vmem>> -> memref<1x32xi32, #tpu.memory_space<vmem>>
    %dma_wait3A_307 = tpu.memref_squeeze %dma_wait3A_306 : memref<1x32xi32, #tpu.memory_space<vmem>> -> memref<32xi32, #tpu.memory_space<vmem>>
    %dma_wait3A_308 = arith.constant 0 : i32
    %dma_wait3A_309 = arith.constant 0 : i32
    %dma_wait3A_310 = tpu.memref_slice %arg3[%dma_wait3A_308, %dma_wait3A_309] : memref<8192x1024xf32, #tpu.memory_space<hbm>> -> memref<8192x1024xf32, #tpu.memory_space<hbm>>
    tpu.wait_indirect_dma semaphore(%arg9 : memref<!tpu.dma_semaphore, #tpu.memory_space<semaphore_mem>>) src(%dma_wait3A_310 : memref<8192x1024xf32, #tpu.memory_space<hbm>>) dst(%dma_wait3A_304 : memref<32x1024xf32, #tpu.memory_space<vmem>>)
    %add3A_311 = arith.constant 160 : i32
    %add3A_312 = arith.addi %mul3A_2, %add3A_311 : i32
    %dma_start3A_313 = arith.constant 2 : i32
    %dma_start3A_314 = arith.constant 0 : i32
    %dma_start3A_315 = arith.constant 0 : i32
    %dma_start3A_316 = tpu.memref_slice %arg6[%dma_start3A_313, %dma_start3A_314, %dma_start3A_315] : memref<3x32x1024xf32, #tpu.memory_space<vmem>> -> memref<1x32x1024xf32, #tpu.memory_space<vmem>>
    %dma_start3A_317 = tpu.memref_squeeze %dma_start3A_316 : memref<1x32x1024xf32, #tpu.memory_space<vmem>> -> memref<32x1024xf32, #tpu.memory_space<vmem>>
    %dma_start3A_318 = arith.constant 0 : i32
    %dma_start3A_319 = tpu.memref_slice %arg4[%add3A_312, %dma_start3A_318] : memref<32768x1024xf32, #tpu.memory_space<hbm>> -> memref<32x1024xf32, #tpu.memory_space<hbm>>
    %dma_start3A_320 = arith.constant 0 : i32
    %dma_start3A_321 = tpu.memref_slice %arg4[%add3A_312, %dma_start3A_320] : memref<32768x1024xf32, #tpu.memory_space<hbm>> -> memref<32x1024xf32, #tpu.memory_space<hbm>>
    %dma_start3A_322 = arith.constant 0 : i32
    %dma_start3A_323 = arith.constant 0 : i32
    %dma_start3A_324 = tpu.memref_slice %arg6[%dma_start3A_313, %dma_start3A_322, %dma_start3A_323] : memref<3x32x1024xf32, #tpu.memory_space<vmem>> -> memref<1x32x1024xf32, #tpu.memory_space<vmem>>
    %dma_start3A_325 = tpu.memref_squeeze %dma_start3A_324 : memref<1x32x1024xf32, #tpu.memory_space<vmem>> -> memref<32x1024xf32, #tpu.memory_space<vmem>>
    tpu.enqueue_dma source(%dma_start3A_325 : memref<32x1024xf32, #tpu.memory_space<vmem>>) target(%dma_start3A_321 : memref<32x1024xf32, #tpu.memory_space<hbm>>) target_semaphore(%arg12 : memref<!tpu.dma_semaphore, #tpu.memory_space<semaphore_mem>>)
    %dma_wait3A_326 = arith.constant 2 : i32
    %dma_wait3A_327 = arith.constant 0 : i32
    %dma_wait3A_328 = arith.constant 0 : i32
    %dma_wait3A_329 = tpu.memref_slice %arg6[%dma_wait3A_326, %dma_wait3A_327, %dma_wait3A_328] : memref<3x32x1024xf32, #tpu.memory_space<vmem>> -> memref<1x32x1024xf32, #tpu.memory_space<vmem>>
    %dma_wait3A_330 = tpu.memref_squeeze %dma_wait3A_329 : memref<1x32x1024xf32, #tpu.memory_space<vmem>> -> memref<32x1024xf32, #tpu.memory_space<vmem>>
    %dma_wait3A_331 = arith.constant 0 : i32
    %dma_wait3A_332 = tpu.memref_slice %arg4[%add3A_312, %dma_wait3A_331] : memref<32768x1024xf32, #tpu.memory_space<hbm>> -> memref<32x1024xf32, #tpu.memory_space<hbm>>
    %dma_wait3A_333 = arith.constant 0 : i32
    %dma_wait3A_334 = tpu.memref_slice %arg4[%add3A_312, %dma_wait3A_333] : memref<32768x1024xf32, #tpu.memory_space<hbm>> -> memref<32x1024xf32, #tpu.memory_space<hbm>>
    %dma_wait3A_335 = arith.constant 0 : i32
    %dma_wait3A_336 = arith.constant 0 : i32
    %dma_wait3A_337 = tpu.memref_slice %arg6[%dma_wait3A_326, %dma_wait3A_335, %dma_wait3A_336] : memref<3x32x1024xf32, #tpu.memory_space<vmem>> -> memref<1x32x1024xf32, #tpu.memory_space<vmem>>
    %dma_wait3A_338 = tpu.memref_squeeze %dma_wait3A_337 : memref<1x32x1024xf32, #tpu.memory_space<vmem>> -> memref<32x1024xf32, #tpu.memory_space<vmem>>
    tpu.wait_dma2 semaphore(%arg12 : memref<!tpu.dma_semaphore, #tpu.memory_space<semaphore_mem>>) src(%dma_wait3A_338 : memref<32x1024xf32, #tpu.memory_space<vmem>>) dst(%dma_wait3A_334 : memref<32x1024xf32, #tpu.memory_space<hbm>>)
    %dma_start3A_339 = arith.constant 8 : i32
    %dma_start3A_340 = arith.constant 2 : i32
    %dma_start3A_341 = arith.constant 0 : i32
    %dma_start3A_342 = arith.constant 0 : i32
    %dma_start3A_343 = tpu.memref_slice %arg6[%dma_start3A_340, %dma_start3A_341, %dma_start3A_342] : memref<3x32x1024xf32, #tpu.memory_space<vmem>> -> memref<1x32x1024xf32, #tpu.memory_space<vmem>>
    %dma_start3A_344 = tpu.memref_squeeze %dma_start3A_343 : memref<1x32x1024xf32, #tpu.memory_space<vmem>> -> memref<32x1024xf32, #tpu.memory_space<vmem>>
    %dma_start3A_345 = arith.constant 0 : i32
    %dma_start3A_346 = tpu.memref_slice %arg5[%dma_start3A_339, %dma_start3A_345] : memref<32x32xi32, #tpu.memory_space<vmem>> -> memref<1x32xi32, #tpu.memory_space<vmem>>
    %dma_start3A_347 = tpu.memref_squeeze %dma_start3A_346 : memref<1x32xi32, #tpu.memory_space<vmem>> -> memref<32xi32, #tpu.memory_space<vmem>>
    %dma_start3A_348 = arith.constant 0 : i32
    %dma_start3A_349 = arith.constant 0 : i32
    %dma_start3A_350 = tpu.memref_slice %arg3[%dma_start3A_348, %dma_start3A_349] : memref<8192x1024xf32, #tpu.memory_space<hbm>> -> memref<8192x1024xf32, #tpu.memory_space<hbm>>
    tpu.enqueue_indirect_dma source(%dma_start3A_350 : memref<8192x1024xf32, #tpu.memory_space<hbm>>) target(%dma_start3A_344 : memref<32x1024xf32, #tpu.memory_space<vmem>>) offsets(%dma_start3A_347 : memref<32xi32, #tpu.memory_space<vmem>>) semaphore(%arg9 : memref<!tpu.dma_semaphore, #tpu.memory_space<semaphore_mem>>)
    %dma_wait3A_351 = arith.constant 6 : i32
    %dma_wait3A_352 = arith.constant 0 : i32
    %dma_wait3A_353 = arith.constant 0 : i32
    %dma_wait3A_354 = arith.constant 0 : i32
    %dma_wait3A_355 = tpu.memref_slice %arg6[%dma_wait3A_352, %dma_wait3A_353, %dma_wait3A_354] : memref<3x32x1024xf32, #tpu.memory_space<vmem>> -> memref<1x32x1024xf32, #tpu.memory_space<vmem>>
    %dma_wait3A_356 = tpu.memref_squeeze %dma_wait3A_355 : memref<1x32x1024xf32, #tpu.memory_space<vmem>> -> memref<32x1024xf32, #tpu.memory_space<vmem>>
    %dma_wait3A_357 = arith.constant 0 : i32
    %dma_wait3A_358 = tpu.memref_slice %arg5[%dma_wait3A_351, %dma_wait3A_357] : memref<32x32xi32, #tpu.memory_space<vmem>> -> memref<1x32xi32, #tpu.memory_space<vmem>>
    %dma_wait3A_359 = tpu.memref_squeeze %dma_wait3A_358 : memref<1x32xi32, #tpu.memory_space<vmem>> -> memref<32xi32, #tpu.memory_space<vmem>>
    %dma_wait3A_360 = arith.constant 0 : i32
    %dma_wait3A_361 = arith.constant 0 : i32
    %dma_wait3A_362 = tpu.memref_slice %arg3[%dma_wait3A_360, %dma_wait3A_361] : memref<8192x1024xf32, #tpu.memory_space<hbm>> -> memref<8192x1024xf32, #tpu.memory_space<hbm>>
    tpu.wait_indirect_dma semaphore(%arg7 : memref<!tpu.dma_semaphore, #tpu.memory_space<semaphore_mem>>) src(%dma_wait3A_362 : memref<8192x1024xf32, #tpu.memory_space<hbm>>) dst(%dma_wait3A_356 : memref<32x1024xf32, #tpu.memory_space<vmem>>)
    %add3A_363 = arith.constant 192 : i32
    %add3A_364 = arith.addi %mul3A_2, %add3A_363 : i32
    %dma_start3A_365 = arith.constant 0 : i32
    %dma_start3A_366 = arith.constant 0 : i32
    %dma_start3A_367 = arith.constant 0 : i32
    %dma_start3A_368 = tpu.memref_slice %arg6[%dma_start3A_365, %dma_start3A_366, %dma_start3A_367] : memref<3x32x1024xf32, #tpu.memory_space<vmem>> -> memref<1x32x1024xf32, #tpu.memory_space<vmem>>
    %dma_start3A_369 = tpu.memref_squeeze %dma_start3A_368 : memref<1x32x1024xf32, #tpu.memory_space<vmem>> -> memref<32x1024xf32, #tpu.memory_space<vmem>>
    %dma_start3A_370 = arith.constant 0 : i32
    %dma_start3A_371 = tpu.memref_slice %arg4[%add3A_364, %dma_start3A_370] : memref<32768x1024xf32, #tpu.memory_space<hbm>> -> memref<32x1024xf32, #tpu.memory_space<hbm>>
    %dma_start3A_372 = arith.constant 0 : i32
    %dma_start3A_373 = tpu.memref_slice %arg4[%add3A_364, %dma_start3A_372] : memref<32768x1024xf32, #tpu.memory_space<hbm>> -> memref<32x1024xf32, #tpu.memory_space<hbm>>
    %dma_start3A_374 = arith.constant 0 : i32
    %dma_start3A_375 = arith.constant 0 : i32
    %dma_start3A_376 = tpu.memref_slice %arg6[%dma_start3A_365, %dma_start3A_374, %dma_start3A_375] : memref<3x32x1024xf32, #tpu.memory_space<vmem>> -> memref<1x32x1024xf32, #tpu.memory_space<vmem>>
    %dma_start3A_377 = tpu.memref_squeeze %dma_start3A_376 : memref<1x32x1024xf32, #tpu.memory_space<vmem>> -> memref<32x1024xf32, #tpu.memory_space<vmem>>
    tpu.enqueue_dma source(%dma_start3A_377 : memref<32x1024xf32, #tpu.memory_space<vmem>>) target(%dma_start3A_373 : memref<32x1024xf32, #tpu.memory_space<hbm>>) target_semaphore(%arg10 : memref<!tpu.dma_semaphore, #tpu.memory_space<semaphore_mem>>)
    %dma_wait3A_378 = arith.constant 0 : i32
    %dma_wait3A_379 = arith.constant 0 : i32
    %dma_wait3A_380 = arith.constant 0 : i32
    %dma_wait3A_381 = tpu.memref_slice %arg6[%dma_wait3A_378, %dma_wait3A_379, %dma_wait3A_380] : memref<3x32x1024xf32, #tpu.memory_space<vmem>> -> memref<1x32x1024xf32, #tpu.memory_space<vmem>>
    %dma_wait3A_382 = tpu.memref_squeeze %dma_wait3A_381 : memref<1x32x1024xf32, #tpu.memory_space<vmem>> -> memref<32x1024xf32, #tpu.memory_space<vmem>>
    %dma_wait3A_383 = arith.constant 0 : i32
    %dma_wait3A_384 = tpu.memref_slice %arg4[%add3A_364, %dma_wait3A_383] : memref<32768x1024xf32, #tpu.memory_space<hbm>> -> memref<32x1024xf32, #tpu.memory_space<hbm>>
    %dma_wait3A_385 = arith.constant 0 : i32
    %dma_wait3A_386 = tpu.memref_slice %arg4[%add3A_364, %dma_wait3A_385] : memref<32768x1024xf32, #tpu.memory_space<hbm>> -> memref<32x1024xf32, #tpu.memory_space<hbm>>
    %dma_wait3A_387 = arith.constant 0 : i32
    %dma_wait3A_388 = arith.constant 0 : i32
    %dma_wait3A_389 = tpu.memref_slice %arg6[%dma_wait3A_378, %dma_wait3A_387, %dma_wait3A_388] : memref<3x32x1024xf32, #tpu.memory_space<vmem>> -> memref<1x32x1024xf32, #tpu.memory_space<vmem>>
    %dma_wait3A_390 = tpu.memref_squeeze %dma_wait3A_389 : memref<1x32x1024xf32, #tpu.memory_space<vmem>> -> memref<32x1024xf32, #tpu.memory_space<vmem>>
    tpu.wait_dma2 semaphore(%arg10 : memref<!tpu.dma_semaphore, #tpu.memory_space<semaphore_mem>>) src(%dma_wait3A_390 : memref<32x1024xf32, #tpu.memory_space<vmem>>) dst(%dma_wait3A_386 : memref<32x1024xf32, #tpu.memory_space<hbm>>)
    %dma_start3A_391 = arith.constant 9 : i32
    %dma_start3A_392 = arith.constant 0 : i32
    %dma_start3A_393 = arith.constant 0 : i32
    %dma_start3A_394 = arith.constant 0 : i32
    %dma_start3A_395 = tpu.memref_slice %arg6[%dma_start3A_392, %dma_start3A_393, %dma_start3A_394] : memref<3x32x1024xf32, #tpu.memory_space<vmem>> -> memref<1x32x1024xf32, #tpu.memory_space<vmem>>
    %dma_start3A_396 = tpu.memref_squeeze %dma_start3A_395 : memref<1x32x1024xf32, #tpu.memory_space<vmem>> -> memref<32x1024xf32, #tpu.memory_space<vmem>>
    %dma_start3A_397 = arith.constant 0 : i32
    %dma_start3A_398 = tpu.memref_slice %arg5[%dma_start3A_391, %dma_start3A_397] : memref<32x32xi32, #tpu.memory_space<vmem>> -> memref<1x32xi32, #tpu.memory_space<vmem>>
    %dma_start3A_399 = tpu.memref_squeeze %dma_start3A_398 : memref<1x32xi32, #tpu.memory_space<vmem>> -> memref<32xi32, #tpu.memory_space<vmem>>
    %dma_start3A_400 = arith.constant 0 : i32
    %dma_start3A_401 = arith.constant 0 : i32
    %dma_start3A_402 = tpu.memref_slice %arg3[%dma_start3A_400, %dma_start3A_401] : memref<8192x1024xf32, #tpu.memory_space<hbm>> -> memref<8192x1024xf32, #tpu.memory_space<hbm>>
    tpu.enqueue_indirect_dma source(%dma_start3A_402 : memref<8192x1024xf32, #tpu.memory_space<hbm>>) target(%dma_start3A_396 : memref<32x1024xf32, #tpu.memory_space<vmem>>) offsets(%dma_start3A_399 : memref<32xi32, #tpu.memory_space<vmem>>) semaphore(%arg7 : memref<!tpu.dma_semaphore, #tpu.memory_space<semaphore_mem>>)
    %dma_wait3A_403 = arith.constant 7 : i32
    %dma_wait3A_404 = arith.constant 1 : i32
    %dma_wait3A_405 = arith.constant 0 : i32
    %dma_wait3A_406 = arith.constant 0 : i32
    %dma_wait3A_407 = tpu.memref_slice %arg6[%dma_wait3A_404, %dma_wait3A_405, %dma_wait3A_406] : memref<3x32x1024xf32, #tpu.memory_space<vmem>> -> memref<1x32x1024xf32, #tpu.memory_space<vmem>>
    %dma_wait3A_408 = tpu.memref_squeeze %dma_wait3A_407 : memref<1x32x1024xf32, #tpu.memory_space<vmem>> -> memref<32x1024xf32, #tpu.memory_space<vmem>>
    %dma_wait3A_409 = arith.constant 0 : i32
    %dma_wait3A_410 = tpu.memref_slice %arg5[%dma_wait3A_403, %dma_wait3A_409] : memref<32x32xi32, #tpu.memory_space<vmem>> -> memref<1x32xi32, #tpu.memory_space<vmem>>
    %dma_wait3A_411 = tpu.memref_squeeze %dma_wait3A_410 : memref<1x32xi32, #tpu.memory_space<vmem>> -> memref<32xi32, #tpu.memory_space<vmem>>
    %dma_wait3A_412 = arith.constant 0 : i32
    %dma_wait3A_413 = arith.constant 0 : i32
    %dma_wait3A_414 = tpu.memref_slice %arg3[%dma_wait3A_412, %dma_wait3A_413] : memref<8192x1024xf32, #tpu.memory_space<hbm>> -> memref<8192x1024xf32, #tpu.memory_space<hbm>>
    tpu.wait_indirect_dma semaphore(%arg8 : memref<!tpu.dma_semaphore, #tpu.memory_space<semaphore_mem>>) src(%dma_wait3A_414 : memref<8192x1024xf32, #tpu.memory_space<hbm>>) dst(%dma_wait3A_408 : memref<32x1024xf32, #tpu.memory_space<vmem>>)
    %add3A_415 = arith.constant 224 : i32
    %add3A_416 = arith.addi %mul3A_2, %add3A_415 : i32
    %dma_start3A_417 = arith.constant 1 : i32
    %dma_start3A_418 = arith.constant 0 : i32
    %dma_start3A_419 = arith.constant 0 : i32
    %dma_start3A_420 = tpu.memref_slice %arg6[%dma_start3A_417, %dma_start3A_418, %dma_start3A_419] : memref<3x32x1024xf32, #tpu.memory_space<vmem>> -> memref<1x32x1024xf32, #tpu.memory_space<vmem>>
    %dma_start3A_421 = tpu.memref_squeeze %dma_start3A_420 : memref<1x32x1024xf32, #tpu.memory_space<vmem>> -> memref<32x1024xf32, #tpu.memory_space<vmem>>
    %dma_start3A_422 = arith.constant 0 : i32
    %dma_start3A_423 = tpu.memref_slice %arg4[%add3A_416, %dma_start3A_422] : memref<32768x1024xf32, #tpu.memory_space<hbm>> -> memref<32x1024xf32, #tpu.memory_space<hbm>>
    %dma_start3A_424 = arith.constant 0 : i32
    %dma_start3A_425 = tpu.memref_slice %arg4[%add3A_416, %dma_start3A_424] : memref<32768x1024xf32, #tpu.memory_space<hbm>> -> memref<32x1024xf32, #tpu.memory_space<hbm>>
    %dma_start3A_426 = arith.constant 0 : i32
    %dma_start3A_427 = arith.constant 0 : i32
    %dma_start3A_428 = tpu.memref_slice %arg6[%dma_start3A_417, %dma_start3A_426, %dma_start3A_427] : memref<3x32x1024xf32, #tpu.memory_space<vmem>> -> memref<1x32x1024xf32, #tpu.memory_space<vmem>>
    %dma_start3A_429 = tpu.memref_squeeze %dma_start3A_428 : memref<1x32x1024xf32, #tpu.memory_space<vmem>> -> memref<32x1024xf32, #tpu.memory_space<vmem>>
    tpu.enqueue_dma source(%dma_start3A_429 : memref<32x1024xf32, #tpu.memory_space<vmem>>) target(%dma_start3A_425 : memref<32x1024xf32, #tpu.memory_space<hbm>>) target_semaphore(%arg11 : memref<!tpu.dma_semaphore, #tpu.memory_space<semaphore_mem>>)
    %dma_wait3A_430 = arith.constant 1 : i32
    %dma_wait3A_431 = arith.constant 0 : i32
    %dma_wait3A_432 = arith.constant 0 : i32
    %dma_wait3A_433 = tpu.memref_slice %arg6[%dma_wait3A_430, %dma_wait3A_431, %dma_wait3A_432] : memref<3x32x1024xf32, #tpu.memory_space<vmem>> -> memref<1x32x1024xf32, #tpu.memory_space<vmem>>
    %dma_wait3A_434 = tpu.memref_squeeze %dma_wait3A_433 : memref<1x32x1024xf32, #tpu.memory_space<vmem>> -> memref<32x1024xf32, #tpu.memory_space<vmem>>
    %dma_wait3A_435 = arith.constant 0 : i32
    %dma_wait3A_436 = tpu.memref_slice %arg4[%add3A_416, %dma_wait3A_435] : memref<32768x1024xf32, #tpu.memory_space<hbm>> -> memref<32x1024xf32, #tpu.memory_space<hbm>>
    %dma_wait3A_437 = arith.constant 0 : i32
    %dma_wait3A_438 = tpu.memref_slice %arg4[%add3A_416, %dma_wait3A_437] : memref<32768x1024xf32, #tpu.memory_space<hbm>> -> memref<32x1024xf32, #tpu.memory_space<hbm>>
    %dma_wait3A_439 = arith.constant 0 : i32
    %dma_wait3A_440 = arith.constant 0 : i32
    %dma_wait3A_441 = tpu.memref_slice %arg6[%dma_wait3A_430, %dma_wait3A_439, %dma_wait3A_440] : memref<3x32x1024xf32, #tpu.memory_space<vmem>> -> memref<1x32x1024xf32, #tpu.memory_space<vmem>>
    %dma_wait3A_442 = tpu.memref_squeeze %dma_wait3A_441 : memref<1x32x1024xf32, #tpu.memory_space<vmem>> -> memref<32x1024xf32, #tpu.memory_space<vmem>>
    tpu.wait_dma2 semaphore(%arg11 : memref<!tpu.dma_semaphore, #tpu.memory_space<semaphore_mem>>) src(%dma_wait3A_442 : memref<32x1024xf32, #tpu.memory_space<vmem>>) dst(%dma_wait3A_438 : memref<32x1024xf32, #tpu.memory_space<hbm>>)
    %dma_start3A_443 = arith.constant 10 : i32
    %dma_start3A_444 = arith.constant 1 : i32
    %dma_start3A_445 = arith.constant 0 : i32
    %dma_start3A_446 = arith.constant 0 : i32
    %dma_start3A_447 = tpu.memref_slice %arg6[%dma_start3A_444, %dma_start3A_445, %dma_start3A_446] : memref<3x32x1024xf32, #tpu.memory_space<vmem>> -> memref<1x32x1024xf32, #tpu.memory_space<vmem>>
    %dma_start3A_448 = tpu.memref_squeeze %dma_start3A_447 : memref<1x32x1024xf32, #tpu.memory_space<vmem>> -> memref<32x1024xf32, #tpu.memory_space<vmem>>
    %dma_start3A_449 = arith.constant 0 : i32
    %dma_start3A_450 = tpu.memref_slice %arg5[%dma_start3A_443, %dma_start3A_449] : memref<32x32xi32, #tpu.memory_space<vmem>> -> memref<1x32xi32, #tpu.memory_space<vmem>>
    %dma_start3A_451 = tpu.memref_squeeze %dma_start3A_450 : memref<1x32xi32, #tpu.memory_space<vmem>> -> memref<32xi32, #tpu.memory_space<vmem>>
    %dma_start3A_452 = arith.constant 0 : i32
    %dma_start3A_453 = arith.constant 0 : i32
    %dma_start3A_454 = tpu.memref_slice %arg3[%dma_start3A_452, %dma_start3A_453] : memref<8192x1024xf32, #tpu.memory_space<hbm>> -> memref<8192x1024xf32, #tpu.memory_space<hbm>>
    tpu.enqueue_indirect_dma source(%dma_start3A_454 : memref<8192x1024xf32, #tpu.memory_space<hbm>>) target(%dma_start3A_448 : memref<32x1024xf32, #tpu.memory_space<vmem>>) offsets(%dma_start3A_451 : memref<32xi32, #tpu.memory_space<vmem>>) semaphore(%arg8 : memref<!tpu.dma_semaphore, #tpu.memory_space<semaphore_mem>>)
    %dma_wait3A_455 = arith.constant 8 : i32
    %dma_wait3A_456 = arith.constant 2 : i32
    %dma_wait3A_457 = arith.constant 0 : i32
    %dma_wait3A_458 = arith.constant 0 : i32
    %dma_wait3A_459 = tpu.memref_slice %arg6[%dma_wait3A_456, %dma_wait3A_457, %dma_wait3A_458] : memref<3x32x1024xf32, #tpu.memory_space<vmem>> -> memref<1x32x1024xf32, #tpu.memory_space<vmem>>
    %dma_wait3A_460 = tpu.memref_squeeze %dma_wait3A_459 : memref<1x32x1024xf32, #tpu.memory_space<vmem>> -> memref<32x1024xf32, #tpu.memory_space<vmem>>
    %dma_wait3A_461 = arith.constant 0 : i32
    %dma_wait3A_462 = tpu.memref_slice %arg5[%dma_wait3A_455, %dma_wait3A_461] : memref<32x32xi32, #tpu.memory_space<vmem>> -> memref<1x32xi32, #tpu.memory_space<vmem>>
    %dma_wait3A_463 = tpu.memref_squeeze %dma_wait3A_462 : memref<1x32xi32, #tpu.memory_space<vmem>> -> memref<32xi32, #tpu.memory_space<vmem>>
    %dma_wait3A_464 = arith.constant 0 : i32
    %dma_wait3A_465 = arith.constant 0 : i32
    %dma_wait3A_466 = tpu.memref_slice %arg3[%dma_wait3A_464, %dma_wait3A_465] : memref<8192x1024xf32, #tpu.memory_space<hbm>> -> memref<8192x1024xf32, #tpu.memory_space<hbm>>
    tpu.wait_indirect_dma semaphore(%arg9 : memref<!tpu.dma_semaphore, #tpu.memory_space<semaphore_mem>>) src(%dma_wait3A_466 : memref<8192x1024xf32, #tpu.memory_space<hbm>>) dst(%dma_wait3A_460 : memref<32x1024xf32, #tpu.memory_space<vmem>>)
    %add3A_467 = arith.constant 256 : i32
    %add3A_468 = arith.addi %mul3A_2, %add3A_467 : i32
    %dma_start3A_469 = arith.constant 2 : i32
    %dma_start3A_470 = arith.constant 0 : i32
    %dma_start3A_471 = arith.constant 0 : i32
    %dma_start3A_472 = tpu.memref_slice %arg6[%dma_start3A_469, %dma_start3A_470, %dma_start3A_471] : memref<3x32x1024xf32, #tpu.memory_space<vmem>> -> memref<1x32x1024xf32, #tpu.memory_space<vmem>>
    %dma_start3A_473 = tpu.memref_squeeze %dma_start3A_472 : memref<1x32x1024xf32, #tpu.memory_space<vmem>> -> memref<32x1024xf32, #tpu.memory_space<vmem>>
    %dma_start3A_474 = arith.constant 0 : i32
    %dma_start3A_475 = tpu.memref_slice %arg4[%add3A_468, %dma_start3A_474] : memref<32768x1024xf32, #tpu.memory_space<hbm>> -> memref<32x1024xf32, #tpu.memory_space<hbm>>
    %dma_start3A_476 = arith.constant 0 : i32
    %dma_start3A_477 = tpu.memref_slice %arg4[%add3A_468, %dma_start3A_476] : memref<32768x1024xf32, #tpu.memory_space<hbm>> -> memref<32x1024xf32, #tpu.memory_space<hbm>>
    %dma_start3A_478 = arith.constant 0 : i32
    %dma_start3A_479 = arith.constant 0 : i32
    %dma_start3A_480 = tpu.memref_slice %arg6[%dma_start3A_469, %dma_start3A_478, %dma_start3A_479] : memref<3x32x1024xf32, #tpu.memory_space<vmem>> -> memref<1x32x1024xf32, #tpu.memory_space<vmem>>
    %dma_start3A_481 = tpu.memref_squeeze %dma_start3A_480 : memref<1x32x1024xf32, #tpu.memory_space<vmem>> -> memref<32x1024xf32, #tpu.memory_space<vmem>>
    tpu.enqueue_dma source(%dma_start3A_481 : memref<32x1024xf32, #tpu.memory_space<vmem>>) target(%dma_start3A_477 : memref<32x1024xf32, #tpu.memory_space<hbm>>) target_semaphore(%arg12 : memref<!tpu.dma_semaphore, #tpu.memory_space<semaphore_mem>>)
    %dma_wait3A_482 = arith.constant 2 : i32
    %dma_wait3A_483 = arith.constant 0 : i32
    %dma_wait3A_484 = arith.constant 0 : i32
    %dma_wait3A_485 = tpu.memref_slice %arg6[%dma_wait3A_482, %dma_wait3A_483, %dma_wait3A_484] : memref<3x32x1024xf32, #tpu.memory_space<vmem>> -> memref<1x32x1024xf32, #tpu.memory_space<vmem>>
    %dma_wait3A_486 = tpu.memref_squeeze %dma_wait3A_485 : memref<1x32x1024xf32, #tpu.memory_space<vmem>> -> memref<32x1024xf32, #tpu.memory_space<vmem>>
    %dma_wait3A_487 = arith.constant 0 : i32
    %dma_wait3A_488 = tpu.memref_slice %arg4[%add3A_468, %dma_wait3A_487] : memref<32768x1024xf32, #tpu.memory_space<hbm>> -> memref<32x1024xf32, #tpu.memory_space<hbm>>
    %dma_wait3A_489 = arith.constant 0 : i32
    %dma_wait3A_490 = tpu.memref_slice %arg4[%add3A_468, %dma_wait3A_489] : memref<32768x1024xf32, #tpu.memory_space<hbm>> -> memref<32x1024xf32, #tpu.memory_space<hbm>>
    %dma_wait3A_491 = arith.constant 0 : i32
    %dma_wait3A_492 = arith.constant 0 : i32
    %dma_wait3A_493 = tpu.memref_slice %arg6[%dma_wait3A_482, %dma_wait3A_491, %dma_wait3A_492] : memref<3x32x1024xf32, #tpu.memory_space<vmem>> -> memref<1x32x1024xf32, #tpu.memory_space<vmem>>
    %dma_wait3A_494 = tpu.memref_squeeze %dma_wait3A_493 : memref<1x32x1024xf32, #tpu.memory_space<vmem>> -> memref<32x1024xf32, #tpu.memory_space<vmem>>
    tpu.wait_dma2 semaphore(%arg12 : memref<!tpu.dma_semaphore, #tpu.memory_space<semaphore_mem>>) src(%dma_wait3A_494 : memref<32x1024xf32, #tpu.memory_space<vmem>>) dst(%dma_wait3A_490 : memref<32x1024xf32, #tpu.memory_space<hbm>>)
    %dma_start3A_495 = arith.constant 11 : i32
    %dma_start3A_496 = arith.constant 2 : i32
    %dma_start3A_497 = arith.constant 0 : i32
    %dma_start3A_498 = arith.constant 0 : i32
    %dma_start3A_499 = tpu.memref_slice %arg6[%dma_start3A_496, %dma_start3A_497, %dma_start3A_498] : memref<3x32x1024xf32, #tpu.memory_space<vmem>> -> memref<1x32x1024xf32, #tpu.memory_space<vmem>>
    %dma_start3A_500 = tpu.memref_squeeze %dma_start3A_499 : memref<1x32x1024xf32, #tpu.memory_space<vmem>> -> memref<32x1024xf32, #tpu.memory_space<vmem>>
    %dma_start3A_501 = arith.constant 0 : i32
    %dma_start3A_502 = tpu.memref_slice %arg5[%dma_start3A_495, %dma_start3A_501] : memref<32x32xi32, #tpu.memory_space<vmem>> -> memref<1x32xi32, #tpu.memory_space<vmem>>
    %dma_start3A_503 = tpu.memref_squeeze %dma_start3A_502 : memref<1x32xi32, #tpu.memory_space<vmem>> -> memref<32xi32, #tpu.memory_space<vmem>>
    %dma_start3A_504 = arith.constant 0 : i32
    %dma_start3A_505 = arith.constant 0 : i32
    %dma_start3A_506 = tpu.memref_slice %arg3[%dma_start3A_504, %dma_start3A_505] : memref<8192x1024xf32, #tpu.memory_space<hbm>> -> memref<8192x1024xf32, #tpu.memory_space<hbm>>
    tpu.enqueue_indirect_dma source(%dma_start3A_506 : memref<8192x1024xf32, #tpu.memory_space<hbm>>) target(%dma_start3A_500 : memref<32x1024xf32, #tpu.memory_space<vmem>>) offsets(%dma_start3A_503 : memref<32xi32, #tpu.memory_space<vmem>>) semaphore(%arg9 : memref<!tpu.dma_semaphore, #tpu.memory_space<semaphore_mem>>)
    %dma_wait3A_507 = arith.constant 9 : i32
    %dma_wait3A_508 = arith.constant 0 : i32
    %dma_wait3A_509 = arith.constant 0 : i32
    %dma_wait3A_510 = arith.constant 0 : i32
    %dma_wait3A_511 = tpu.memref_slice %arg6[%dma_wait3A_508, %dma_wait3A_509, %dma_wait3A_510] : memref<3x32x1024xf32, #tpu.memory_space<vmem>> -> memref<1x32x1024xf32, #tpu.memory_space<vmem>>
    %dma_wait3A_512 = tpu.memref_squeeze %dma_wait3A_511 : memref<1x32x1024xf32, #tpu.memory_space<vmem>> -> memref<32x1024xf32, #tpu.memory_space<vmem>>
    %dma_wait3A_513 = arith.constant 0 : i32
    %dma_wait3A_514 = tpu.memref_slice %arg5[%dma_wait3A_507, %dma_wait3A_513] : memref<32x32xi32, #tpu.memory_space<vmem>> -> memref<1x32xi32, #tpu.memory_space<vmem>>
    %dma_wait3A_515 = tpu.memref_squeeze %dma_wait3A_514 : memref<1x32xi32, #tpu.memory_space<vmem>> -> memref<32xi32, #tpu.memory_space<vmem>>
    %dma_wait3A_516 = arith.constant 0 : i32
    %dma_wait3A_517 = arith.constant 0 : i32
    %dma_wait3A_518 = tpu.memref_slice %arg3[%dma_wait3A_516, %dma_wait3A_517] : memref<8192x1024xf32, #tpu.memory_space<hbm>> -> memref<8192x1024xf32, #tpu.memory_space<hbm>>
    tpu.wait_indirect_dma semaphore(%arg7 : memref<!tpu.dma_semaphore, #tpu.memory_space<semaphore_mem>>) src(%dma_wait3A_518 : memref<8192x1024xf32, #tpu.memory_space<hbm>>) dst(%dma_wait3A_512 : memref<32x1024xf32, #tpu.memory_space<vmem>>)
    %add3A_519 = arith.constant 288 : i32
    %add3A_520 = arith.addi %mul3A_2, %add3A_519 : i32
    %dma_start3A_521 = arith.constant 0 : i32
    %dma_start3A_522 = arith.constant 0 : i32
    %dma_start3A_523 = arith.constant 0 : i32
    %dma_start3A_524 = tpu.memref_slice %arg6[%dma_start3A_521, %dma_start3A_522, %dma_start3A_523] : memref<3x32x1024xf32, #tpu.memory_space<vmem>> -> memref<1x32x1024xf32, #tpu.memory_space<vmem>>
    %dma_start3A_525 = tpu.memref_squeeze %dma_start3A_524 : memref<1x32x1024xf32, #tpu.memory_space<vmem>> -> memref<32x1024xf32, #tpu.memory_space<vmem>>
    %dma_start3A_526 = arith.constant 0 : i32
    %dma_start3A_527 = tpu.memref_slice %arg4[%add3A_520, %dma_start3A_526] : memref<32768x1024xf32, #tpu.memory_space<hbm>> -> memref<32x1024xf32, #tpu.memory_space<hbm>>
    %dma_start3A_528 = arith.constant 0 : i32
    %dma_start3A_529 = tpu.memref_slice %arg4[%add3A_520, %dma_start3A_528] : memref<32768x1024xf32, #tpu.memory_space<hbm>> -> memref<32x1024xf32, #tpu.memory_space<hbm>>
    %dma_start3A_530 = arith.constant 0 : i32
    %dma_start3A_531 = arith.constant 0 : i32
    %dma_start3A_532 = tpu.memref_slice %arg6[%dma_start3A_521, %dma_start3A_530, %dma_start3A_531] : memref<3x32x1024xf32, #tpu.memory_space<vmem>> -> memref<1x32x1024xf32, #tpu.memory_space<vmem>>
    %dma_start3A_533 = tpu.memref_squeeze %dma_start3A_532 : memref<1x32x1024xf32, #tpu.memory_space<vmem>> -> memref<32x1024xf32, #tpu.memory_space<vmem>>
    tpu.enqueue_dma source(%dma_start3A_533 : memref<32x1024xf32, #tpu.memory_space<vmem>>) target(%dma_start3A_529 : memref<32x1024xf32, #tpu.memory_space<hbm>>) target_semaphore(%arg10 : memref<!tpu.dma_semaphore, #tpu.memory_space<semaphore_mem>>)
    %dma_wait3A_534 = arith.constant 0 : i32
    %dma_wait3A_535 = arith.constant 0 : i32
    %dma_wait3A_536 = arith.constant 0 : i32
    %dma_wait3A_537 = tpu.memref_slice %arg6[%dma_wait3A_534, %dma_wait3A_535, %dma_wait3A_536] : memref<3x32x1024xf32, #tpu.memory_space<vmem>> -> memref<1x32x1024xf32, #tpu.memory_space<vmem>>
    %dma_wait3A_538 = tpu.memref_squeeze %dma_wait3A_537 : memref<1x32x1024xf32, #tpu.memory_space<vmem>> -> memref<32x1024xf32, #tpu.memory_space<vmem>>
    %dma_wait3A_539 = arith.constant 0 : i32
    %dma_wait3A_540 = tpu.memref_slice %arg4[%add3A_520, %dma_wait3A_539] : memref<32768x1024xf32, #tpu.memory_space<hbm>> -> memref<32x1024xf32, #tpu.memory_space<hbm>>
    %dma_wait3A_541 = arith.constant 0 : i32
    %dma_wait3A_542 = tpu.memref_slice %arg4[%add3A_520, %dma_wait3A_541] : memref<32768x1024xf32, #tpu.memory_space<hbm>> -> memref<32x1024xf32, #tpu.memory_space<hbm>>
    %dma_wait3A_543 = arith.constant 0 : i32
    %dma_wait3A_544 = arith.constant 0 : i32
    %dma_wait3A_545 = tpu.memref_slice %arg6[%dma_wait3A_534, %dma_wait3A_543, %dma_wait3A_544] : memref<3x32x1024xf32, #tpu.memory_space<vmem>> -> memref<1x32x1024xf32, #tpu.memory_space<vmem>>
    %dma_wait3A_546 = tpu.memref_squeeze %dma_wait3A_545 : memref<1x32x1024xf32, #tpu.memory_space<vmem>> -> memref<32x1024xf32, #tpu.memory_space<vmem>>
    tpu.wait_dma2 semaphore(%arg10 : memref<!tpu.dma_semaphore, #tpu.memory_space<semaphore_mem>>) src(%dma_wait3A_546 : memref<32x1024xf32, #tpu.memory_space<vmem>>) dst(%dma_wait3A_542 : memref<32x1024xf32, #tpu.memory_space<hbm>>)
    %dma_start3A_547 = arith.constant 12 : i32
    %dma_start3A_548 = arith.constant 0 : i32
    %dma_start3A_549 = arith.constant 0 : i32
    %dma_start3A_550 = arith.constant 0 : i32
    %dma_start3A_551 = tpu.memref_slice %arg6[%dma_start3A_548, %dma_start3A_549, %dma_start3A_550] : memref<3x32x1024xf32, #tpu.memory_space<vmem>> -> memref<1x32x1024xf32, #tpu.memory_space<vmem>>
    %dma_start3A_552 = tpu.memref_squeeze %dma_start3A_551 : memref<1x32x1024xf32, #tpu.memory_space<vmem>> -> memref<32x1024xf32, #tpu.memory_space<vmem>>
    %dma_start3A_553 = arith.constant 0 : i32
    %dma_start3A_554 = tpu.memref_slice %arg5[%dma_start3A_547, %dma_start3A_553] : memref<32x32xi32, #tpu.memory_space<vmem>> -> memref<1x32xi32, #tpu.memory_space<vmem>>
    %dma_start3A_555 = tpu.memref_squeeze %dma_start3A_554 : memref<1x32xi32, #tpu.memory_space<vmem>> -> memref<32xi32, #tpu.memory_space<vmem>>
    %dma_start3A_556 = arith.constant 0 : i32
    %dma_start3A_557 = arith.constant 0 : i32
    %dma_start3A_558 = tpu.memref_slice %arg3[%dma_start3A_556, %dma_start3A_557] : memref<8192x1024xf32, #tpu.memory_space<hbm>> -> memref<8192x1024xf32, #tpu.memory_space<hbm>>
    tpu.enqueue_indirect_dma source(%dma_start3A_558 : memref<8192x1024xf32, #tpu.memory_space<hbm>>) target(%dma_start3A_552 : memref<32x1024xf32, #tpu.memory_space<vmem>>) offsets(%dma_start3A_555 : memref<32xi32, #tpu.memory_space<vmem>>) semaphore(%arg7 : memref<!tpu.dma_semaphore, #tpu.memory_space<semaphore_mem>>)
    %dma_wait3A_559 = arith.constant 10 : i32
    %dma_wait3A_560 = arith.constant 1 : i32
    %dma_wait3A_561 = arith.constant 0 : i32
    %dma_wait3A_562 = arith.constant 0 : i32
    %dma_wait3A_563 = tpu.memref_slice %arg6[%dma_wait3A_560, %dma_wait3A_561, %dma_wait3A_562] : memref<3x32x1024xf32, #tpu.memory_space<vmem>> -> memref<1x32x1024xf32, #tpu.memory_space<vmem>>
    %dma_wait3A_564 = tpu.memref_squeeze %dma_wait3A_563 : memref<1x32x1024xf32, #tpu.memory_space<vmem>> -> memref<32x1024xf32, #tpu.memory_space<vmem>>
    %dma_wait3A_565 = arith.constant 0 : i32
    %dma_wait3A_566 = tpu.memref_slice %arg5[%dma_wait3A_559, %dma_wait3A_565] : memref<32x32xi32, #tpu.memory_space<vmem>> -> memref<1x32xi32, #tpu.memory_space<vmem>>
    %dma_wait3A_567 = tpu.memref_squeeze %dma_wait3A_566 : memref<1x32xi32, #tpu.memory_space<vmem>> -> memref<32xi32, #tpu.memory_space<vmem>>
    %dma_wait3A_568 = arith.constant 0 : i32
    %dma_wait3A_569 = arith.constant 0 : i32
    %dma_wait3A_570 = tpu.memref_slice %arg3[%dma_wait3A_568, %dma_wait3A_569] : memref<8192x1024xf32, #tpu.memory_space<hbm>> -> memref<8192x1024xf32, #tpu.memory_space<hbm>>
    tpu.wait_indirect_dma semaphore(%arg8 : memref<!tpu.dma_semaphore, #tpu.memory_space<semaphore_mem>>) src(%dma_wait3A_570 : memref<8192x1024xf32, #tpu.memory_space<hbm>>) dst(%dma_wait3A_564 : memref<32x1024xf32, #tpu.memory_space<vmem>>)
    %add3A_571 = arith.constant 320 : i32
    %add3A_572 = arith.addi %mul3A_2, %add3A_571 : i32
    %dma_start3A_573 = arith.constant 1 : i32
    %dma_start3A_574 = arith.constant 0 : i32
    %dma_start3A_575 = arith.constant 0 : i32
    %dma_start3A_576 = tpu.memref_slice %arg6[%dma_start3A_573, %dma_start3A_574, %dma_start3A_575] : memref<3x32x1024xf32, #tpu.memory_space<vmem>> -> memref<1x32x1024xf32, #tpu.memory_space<vmem>>
    %dma_start3A_577 = tpu.memref_squeeze %dma_start3A_576 : memref<1x32x1024xf32, #tpu.memory_space<vmem>> -> memref<32x1024xf32, #tpu.memory_space<vmem>>
    %dma_start3A_578 = arith.constant 0 : i32
    %dma_start3A_579 = tpu.memref_slice %arg4[%add3A_572, %dma_start3A_578] : memref<32768x1024xf32, #tpu.memory_space<hbm>> -> memref<32x1024xf32, #tpu.memory_space<hbm>>
    %dma_start3A_580 = arith.constant 0 : i32
    %dma_start3A_581 = tpu.memref_slice %arg4[%add3A_572, %dma_start3A_580] : memref<32768x1024xf32, #tpu.memory_space<hbm>> -> memref<32x1024xf32, #tpu.memory_space<hbm>>
    %dma_start3A_582 = arith.constant 0 : i32
    %dma_start3A_583 = arith.constant 0 : i32
    %dma_start3A_584 = tpu.memref_slice %arg6[%dma_start3A_573, %dma_start3A_582, %dma_start3A_583] : memref<3x32x1024xf32, #tpu.memory_space<vmem>> -> memref<1x32x1024xf32, #tpu.memory_space<vmem>>
    %dma_start3A_585 = tpu.memref_squeeze %dma_start3A_584 : memref<1x32x1024xf32, #tpu.memory_space<vmem>> -> memref<32x1024xf32, #tpu.memory_space<vmem>>
    tpu.enqueue_dma source(%dma_start3A_585 : memref<32x1024xf32, #tpu.memory_space<vmem>>) target(%dma_start3A_581 : memref<32x1024xf32, #tpu.memory_space<hbm>>) target_semaphore(%arg11 : memref<!tpu.dma_semaphore, #tpu.memory_space<semaphore_mem>>)
    %dma_wait3A_586 = arith.constant 1 : i32
    %dma_wait3A_587 = arith.constant 0 : i32
    %dma_wait3A_588 = arith.constant 0 : i32
    %dma_wait3A_589 = tpu.memref_slice %arg6[%dma_wait3A_586, %dma_wait3A_587, %dma_wait3A_588] : memref<3x32x1024xf32, #tpu.memory_space<vmem>> -> memref<1x32x1024xf32, #tpu.memory_space<vmem>>
    %dma_wait3A_590 = tpu.memref_squeeze %dma_wait3A_589 : memref<1x32x1024xf32, #tpu.memory_space<vmem>> -> memref<32x1024xf32, #tpu.memory_space<vmem>>
    %dma_wait3A_591 = arith.constant 0 : i32
    %dma_wait3A_592 = tpu.memref_slice %arg4[%add3A_572, %dma_wait3A_591] : memref<32768x1024xf32, #tpu.memory_space<hbm>> -> memref<32x1024xf32, #tpu.memory_space<hbm>>
    %dma_wait3A_593 = arith.constant 0 : i32
    %dma_wait3A_594 = tpu.memref_slice %arg4[%add3A_572, %dma_wait3A_593] : memref<32768x1024xf32, #tpu.memory_space<hbm>> -> memref<32x1024xf32, #tpu.memory_space<hbm>>
    %dma_wait3A_595 = arith.constant 0 : i32
    %dma_wait3A_596 = arith.constant 0 : i32
    %dma_wait3A_597 = tpu.memref_slice %arg6[%dma_wait3A_586, %dma_wait3A_595, %dma_wait3A_596] : memref<3x32x1024xf32, #tpu.memory_space<vmem>> -> memref<1x32x1024xf32, #tpu.memory_space<vmem>>
    %dma_wait3A_598 = tpu.memref_squeeze %dma_wait3A_597 : memref<1x32x1024xf32, #tpu.memory_space<vmem>> -> memref<32x1024xf32, #tpu.memory_space<vmem>>
    tpu.wait_dma2 semaphore(%arg11 : memref<!tpu.dma_semaphore, #tpu.memory_space<semaphore_mem>>) src(%dma_wait3A_598 : memref<32x1024xf32, #tpu.memory_space<vmem>>) dst(%dma_wait3A_594 : memref<32x1024xf32, #tpu.memory_space<hbm>>)
    %dma_start3A_599 = arith.constant 13 : i32
    %dma_start3A_600 = arith.constant 1 : i32
    %dma_start3A_601 = arith.constant 0 : i32
    %dma_start3A_602 = arith.constant 0 : i32
    %dma_start3A_603 = tpu.memref_slice %arg6[%dma_start3A_600, %dma_start3A_601, %dma_start3A_602] : memref<3x32x1024xf32, #tpu.memory_space<vmem>> -> memref<1x32x1024xf32, #tpu.memory_space<vmem>>
    %dma_start3A_604 = tpu.memref_squeeze %dma_start3A_603 : memref<1x32x1024xf32, #tpu.memory_space<vmem>> -> memref<32x1024xf32, #tpu.memory_space<vmem>>
    %dma_start3A_605 = arith.constant 0 : i32
    %dma_start3A_606 = tpu.memref_slice %arg5[%dma_start3A_599, %dma_start3A_605] : memref<32x32xi32, #tpu.memory_space<vmem>> -> memref<1x32xi32, #tpu.memory_space<vmem>>
    %dma_start3A_607 = tpu.memref_squeeze %dma_start3A_606 : memref<1x32xi32, #tpu.memory_space<vmem>> -> memref<32xi32, #tpu.memory_space<vmem>>
    %dma_start3A_608 = arith.constant 0 : i32
    %dma_start3A_609 = arith.constant 0 : i32
    %dma_start3A_610 = tpu.memref_slice %arg3[%dma_start3A_608, %dma_start3A_609] : memref<8192x1024xf32, #tpu.memory_space<hbm>> -> memref<8192x1024xf32, #tpu.memory_space<hbm>>
    tpu.enqueue_indirect_dma source(%dma_start3A_610 : memref<8192x1024xf32, #tpu.memory_space<hbm>>) target(%dma_start3A_604 : memref<32x1024xf32, #tpu.memory_space<vmem>>) offsets(%dma_start3A_607 : memref<32xi32, #tpu.memory_space<vmem>>) semaphore(%arg8 : memref<!tpu.dma_semaphore, #tpu.memory_space<semaphore_mem>>)
    %dma_wait3A_611 = arith.constant 11 : i32
    %dma_wait3A_612 = arith.constant 2 : i32
    %dma_wait3A_613 = arith.constant 0 : i32
    %dma_wait3A_614 = arith.constant 0 : i32
    %dma_wait3A_615 = tpu.memref_slice %arg6[%dma_wait3A_612, %dma_wait3A_613, %dma_wait3A_614] : memref<3x32x1024xf32, #tpu.memory_space<vmem>> -> memref<1x32x1024xf32, #tpu.memory_space<vmem>>
    %dma_wait3A_616 = tpu.memref_squeeze %dma_wait3A_615 : memref<1x32x1024xf32, #tpu.memory_space<vmem>> -> memref<32x1024xf32, #tpu.memory_space<vmem>>
    %dma_wait3A_617 = arith.constant 0 : i32
    %dma_wait3A_618 = tpu.memref_slice %arg5[%dma_wait3A_611, %dma_wait3A_617] : memref<32x32xi32, #tpu.memory_space<vmem>> -> memref<1x32xi32, #tpu.memory_space<vmem>>
    %dma_wait3A_619 = tpu.memref_squeeze %dma_wait3A_618 : memref<1x32xi32, #tpu.memory_space<vmem>> -> memref<32xi32, #tpu.memory_space<vmem>>
    %dma_wait3A_620 = arith.constant 0 : i32
    %dma_wait3A_621 = arith.constant 0 : i32
    %dma_wait3A_622 = tpu.memref_slice %arg3[%dma_wait3A_620, %dma_wait3A_621] : memref<8192x1024xf32, #tpu.memory_space<hbm>> -> memref<8192x1024xf32, #tpu.memory_space<hbm>>
    tpu.wait_indirect_dma semaphore(%arg9 : memref<!tpu.dma_semaphore, #tpu.memory_space<semaphore_mem>>) src(%dma_wait3A_622 : memref<8192x1024xf32, #tpu.memory_space<hbm>>) dst(%dma_wait3A_616 : memref<32x1024xf32, #tpu.memory_space<vmem>>)
    %add3A_623 = arith.constant 352 : i32
    %add3A_624 = arith.addi %mul3A_2, %add3A_623 : i32
    %dma_start3A_625 = arith.constant 2 : i32
    %dma_start3A_626 = arith.constant 0 : i32
    %dma_start3A_627 = arith.constant 0 : i32
    %dma_start3A_628 = tpu.memref_slice %arg6[%dma_start3A_625, %dma_start3A_626, %dma_start3A_627] : memref<3x32x1024xf32, #tpu.memory_space<vmem>> -> memref<1x32x1024xf32, #tpu.memory_space<vmem>>
    %dma_start3A_629 = tpu.memref_squeeze %dma_start3A_628 : memref<1x32x1024xf32, #tpu.memory_space<vmem>> -> memref<32x1024xf32, #tpu.memory_space<vmem>>
    %dma_start3A_630 = arith.constant 0 : i32
    %dma_start3A_631 = tpu.memref_slice %arg4[%add3A_624, %dma_start3A_630] : memref<32768x1024xf32, #tpu.memory_space<hbm>> -> memref<32x1024xf32, #tpu.memory_space<hbm>>
    %dma_start3A_632 = arith.constant 0 : i32
    %dma_start3A_633 = tpu.memref_slice %arg4[%add3A_624, %dma_start3A_632] : memref<32768x1024xf32, #tpu.memory_space<hbm>> -> memref<32x1024xf32, #tpu.memory_space<hbm>>
    %dma_start3A_634 = arith.constant 0 : i32
    %dma_start3A_635 = arith.constant 0 : i32
    %dma_start3A_636 = tpu.memref_slice %arg6[%dma_start3A_625, %dma_start3A_634, %dma_start3A_635] : memref<3x32x1024xf32, #tpu.memory_space<vmem>> -> memref<1x32x1024xf32, #tpu.memory_space<vmem>>
    %dma_start3A_637 = tpu.memref_squeeze %dma_start3A_636 : memref<1x32x1024xf32, #tpu.memory_space<vmem>> -> memref<32x1024xf32, #tpu.memory_space<vmem>>
    tpu.enqueue_dma source(%dma_start3A_637 : memref<32x1024xf32, #tpu.memory_space<vmem>>) target(%dma_start3A_633 : memref<32x1024xf32, #tpu.memory_space<hbm>>) target_semaphore(%arg12 : memref<!tpu.dma_semaphore, #tpu.memory_space<semaphore_mem>>)
    %dma_wait3A_638 = arith.constant 2 : i32
    %dma_wait3A_639 = arith.constant 0 : i32
    %dma_wait3A_640 = arith.constant 0 : i32
    %dma_wait3A_641 = tpu.memref_slice %arg6[%dma_wait3A_638, %dma_wait3A_639, %dma_wait3A_640] : memref<3x32x1024xf32, #tpu.memory_space<vmem>> -> memref<1x32x1024xf32, #tpu.memory_space<vmem>>
    %dma_wait3A_642 = tpu.memref_squeeze %dma_wait3A_641 : memref<1x32x1024xf32, #tpu.memory_space<vmem>> -> memref<32x1024xf32, #tpu.memory_space<vmem>>
    %dma_wait3A_643 = arith.constant 0 : i32
    %dma_wait3A_644 = tpu.memref_slice %arg4[%add3A_624, %dma_wait3A_643] : memref<32768x1024xf32, #tpu.memory_space<hbm>> -> memref<32x1024xf32, #tpu.memory_space<hbm>>
    %dma_wait3A_645 = arith.constant 0 : i32
    %dma_wait3A_646 = tpu.memref_slice %arg4[%add3A_624, %dma_wait3A_645] : memref<32768x1024xf32, #tpu.memory_space<hbm>> -> memref<32x1024xf32, #tpu.memory_space<hbm>>
    %dma_wait3A_647 = arith.constant 0 : i32
    %dma_wait3A_648 = arith.constant 0 : i32
    %dma_wait3A_649 = tpu.memref_slice %arg6[%dma_wait3A_638, %dma_wait3A_647, %dma_wait3A_648] : memref<3x32x1024xf32, #tpu.memory_space<vmem>> -> memref<1x32x1024xf32, #tpu.memory_space<vmem>>
    %dma_wait3A_650 = tpu.memref_squeeze %dma_wait3A_649 : memref<1x32x1024xf32, #tpu.memory_space<vmem>> -> memref<32x1024xf32, #tpu.memory_space<vmem>>
    tpu.wait_dma2 semaphore(%arg12 : memref<!tpu.dma_semaphore, #tpu.memory_space<semaphore_mem>>) src(%dma_wait3A_650 : memref<32x1024xf32, #tpu.memory_space<vmem>>) dst(%dma_wait3A_646 : memref<32x1024xf32, #tpu.memory_space<hbm>>)
    %dma_start3A_651 = arith.constant 14 : i32
    %dma_start3A_652 = arith.constant 2 : i32
    %dma_start3A_653 = arith.constant 0 : i32
    %dma_start3A_654 = arith.constant 0 : i32
    %dma_start3A_655 = tpu.memref_slice %arg6[%dma_start3A_652, %dma_start3A_653, %dma_start3A_654] : memref<3x32x1024xf32, #tpu.memory_space<vmem>> -> memref<1x32x1024xf32, #tpu.memory_space<vmem>>
    %dma_start3A_656 = tpu.memref_squeeze %dma_start3A_655 : memref<1x32x1024xf32, #tpu.memory_space<vmem>> -> memref<32x1024xf32, #tpu.memory_space<vmem>>
    %dma_start3A_657 = arith.constant 0 : i32
    %dma_start3A_658 = tpu.memref_slice %arg5[%dma_start3A_651, %dma_start3A_657] : memref<32x32xi32, #tpu.memory_space<vmem>> -> memref<1x32xi32, #tpu.memory_space<vmem>>
    %dma_start3A_659 = tpu.memref_squeeze %dma_start3A_658 : memref<1x32xi32, #tpu.memory_space<vmem>> -> memref<32xi32, #tpu.memory_space<vmem>>
    %dma_start3A_660 = arith.constant 0 : i32
    %dma_start3A_661 = arith.constant 0 : i32
    %dma_start3A_662 = tpu.memref_slice %arg3[%dma_start3A_660, %dma_start3A_661] : memref<8192x1024xf32, #tpu.memory_space<hbm>> -> memref<8192x1024xf32, #tpu.memory_space<hbm>>
    tpu.enqueue_indirect_dma source(%dma_start3A_662 : memref<8192x1024xf32, #tpu.memory_space<hbm>>) target(%dma_start3A_656 : memref<32x1024xf32, #tpu.memory_space<vmem>>) offsets(%dma_start3A_659 : memref<32xi32, #tpu.memory_space<vmem>>) semaphore(%arg9 : memref<!tpu.dma_semaphore, #tpu.memory_space<semaphore_mem>>)
    %dma_wait3A_663 = arith.constant 12 : i32
    %dma_wait3A_664 = arith.constant 0 : i32
    %dma_wait3A_665 = arith.constant 0 : i32
    %dma_wait3A_666 = arith.constant 0 : i32
    %dma_wait3A_667 = tpu.memref_slice %arg6[%dma_wait3A_664, %dma_wait3A_665, %dma_wait3A_666] : memref<3x32x1024xf32, #tpu.memory_space<vmem>> -> memref<1x32x1024xf32, #tpu.memory_space<vmem>>
    %dma_wait3A_668 = tpu.memref_squeeze %dma_wait3A_667 : memref<1x32x1024xf32, #tpu.memory_space<vmem>> -> memref<32x1024xf32, #tpu.memory_space<vmem>>
    %dma_wait3A_669 = arith.constant 0 : i32
    %dma_wait3A_670 = tpu.memref_slice %arg5[%dma_wait3A_663, %dma_wait3A_669] : memref<32x32xi32, #tpu.memory_space<vmem>> -> memref<1x32xi32, #tpu.memory_space<vmem>>
    %dma_wait3A_671 = tpu.memref_squeeze %dma_wait3A_670 : memref<1x32xi32, #tpu.memory_space<vmem>> -> memref<32xi32, #tpu.memory_space<vmem>>
    %dma_wait3A_672 = arith.constant 0 : i32
    %dma_wait3A_673 = arith.constant 0 : i32
    %dma_wait3A_674 = tpu.memref_slice %arg3[%dma_wait3A_672, %dma_wait3A_673] : memref<8192x1024xf32, #tpu.memory_space<hbm>> -> memref<8192x1024xf32, #tpu.memory_space<hbm>>
    tpu.wait_indirect_dma semaphore(%arg7 : memref<!tpu.dma_semaphore, #tpu.memory_space<semaphore_mem>>) src(%dma_wait3A_674 : memref<8192x1024xf32, #tpu.memory_space<hbm>>) dst(%dma_wait3A_668 : memref<32x1024xf32, #tpu.memory_space<vmem>>)
    %add3A_675 = arith.constant 384 : i32
    %add3A_676 = arith.addi %mul3A_2, %add3A_675 : i32
    %dma_start3A_677 = arith.constant 0 : i32
    %dma_start3A_678 = arith.constant 0 : i32
    %dma_start3A_679 = arith.constant 0 : i32
    %dma_start3A_680 = tpu.memref_slice %arg6[%dma_start3A_677, %dma_start3A_678, %dma_start3A_679] : memref<3x32x1024xf32, #tpu.memory_space<vmem>> -> memref<1x32x1024xf32, #tpu.memory_space<vmem>>
    %dma_start3A_681 = tpu.memref_squeeze %dma_start3A_680 : memref<1x32x1024xf32, #tpu.memory_space<vmem>> -> memref<32x1024xf32, #tpu.memory_space<vmem>>
    %dma_start3A_682 = arith.constant 0 : i32
    %dma_start3A_683 = tpu.memref_slice %arg4[%add3A_676, %dma_start3A_682] : memref<32768x1024xf32, #tpu.memory_space<hbm>> -> memref<32x1024xf32, #tpu.memory_space<hbm>>
    %dma_start3A_684 = arith.constant 0 : i32
    %dma_start3A_685 = tpu.memref_slice %arg4[%add3A_676, %dma_start3A_684] : memref<32768x1024xf32, #tpu.memory_space<hbm>> -> memref<32x1024xf32, #tpu.memory_space<hbm>>
    %dma_start3A_686 = arith.constant 0 : i32
    %dma_start3A_687 = arith.constant 0 : i32
    %dma_start3A_688 = tpu.memref_slice %arg6[%dma_start3A_677, %dma_start3A_686, %dma_start3A_687] : memref<3x32x1024xf32, #tpu.memory_space<vmem>> -> memref<1x32x1024xf32, #tpu.memory_space<vmem>>
    %dma_start3A_689 = tpu.memref_squeeze %dma_start3A_688 : memref<1x32x1024xf32, #tpu.memory_space<vmem>> -> memref<32x1024xf32, #tpu.memory_space<vmem>>
    tpu.enqueue_dma source(%dma_start3A_689 : memref<32x1024xf32, #tpu.memory_space<vmem>>) target(%dma_start3A_685 : memref<32x1024xf32, #tpu.memory_space<hbm>>) target_semaphore(%arg10 : memref<!tpu.dma_semaphore, #tpu.memory_space<semaphore_mem>>)
    %dma_wait3A_690 = arith.constant 0 : i32
    %dma_wait3A_691 = arith.constant 0 : i32
    %dma_wait3A_692 = arith.constant 0 : i32
    %dma_wait3A_693 = tpu.memref_slice %arg6[%dma_wait3A_690, %dma_wait3A_691, %dma_wait3A_692] : memref<3x32x1024xf32, #tpu.memory_space<vmem>> -> memref<1x32x1024xf32, #tpu.memory_space<vmem>>
    %dma_wait3A_694 = tpu.memref_squeeze %dma_wait3A_693 : memref<1x32x1024xf32, #tpu.memory_space<vmem>> -> memref<32x1024xf32, #tpu.memory_space<vmem>>
    %dma_wait3A_695 = arith.constant 0 : i32
    %dma_wait3A_696 = tpu.memref_slice %arg4[%add3A_676, %dma_wait3A_695] : memref<32768x1024xf32, #tpu.memory_space<hbm>> -> memref<32x1024xf32, #tpu.memory_space<hbm>>
    %dma_wait3A_697 = arith.constant 0 : i32
    %dma_wait3A_698 = tpu.memref_slice %arg4[%add3A_676, %dma_wait3A_697] : memref<32768x1024xf32, #tpu.memory_space<hbm>> -> memref<32x1024xf32, #tpu.memory_space<hbm>>
    %dma_wait3A_699 = arith.constant 0 : i32
    %dma_wait3A_700 = arith.constant 0 : i32
    %dma_wait3A_701 = tpu.memref_slice %arg6[%dma_wait3A_690, %dma_wait3A_699, %dma_wait3A_700] : memref<3x32x1024xf32, #tpu.memory_space<vmem>> -> memref<1x32x1024xf32, #tpu.memory_space<vmem>>
    %dma_wait3A_702 = tpu.memref_squeeze %dma_wait3A_701 : memref<1x32x1024xf32, #tpu.memory_space<vmem>> -> memref<32x1024xf32, #tpu.memory_space<vmem>>
    tpu.wait_dma2 semaphore(%arg10 : memref<!tpu.dma_semaphore, #tpu.memory_space<semaphore_mem>>) src(%dma_wait3A_702 : memref<32x1024xf32, #tpu.memory_space<vmem>>) dst(%dma_wait3A_698 : memref<32x1024xf32, #tpu.memory_space<hbm>>)
    %dma_start3A_703 = arith.constant 15 : i32
    %dma_start3A_704 = arith.constant 0 : i32
    %dma_start3A_705 = arith.constant 0 : i32
    %dma_start3A_706 = arith.constant 0 : i32
    %dma_start3A_707 = tpu.memref_slice %arg6[%dma_start3A_704, %dma_start3A_705, %dma_start3A_706] : memref<3x32x1024xf32, #tpu.memory_space<vmem>> -> memref<1x32x1024xf32, #tpu.memory_space<vmem>>
    %dma_start3A_708 = tpu.memref_squeeze %dma_start3A_707 : memref<1x32x1024xf32, #tpu.memory_space<vmem>> -> memref<32x1024xf32, #tpu.memory_space<vmem>>
    %dma_start3A_709 = arith.constant 0 : i32
    %dma_start3A_710 = tpu.memref_slice %arg5[%dma_start3A_703, %dma_start3A_709] : memref<32x32xi32, #tpu.memory_space<vmem>> -> memref<1x32xi32, #tpu.memory_space<vmem>>
    %dma_start3A_711 = tpu.memref_squeeze %dma_start3A_710 : memref<1x32xi32, #tpu.memory_space<vmem>> -> memref<32xi32, #tpu.memory_space<vmem>>
    %dma_start3A_712 = arith.constant 0 : i32
    %dma_start3A_713 = arith.constant 0 : i32
    %dma_start3A_714 = tpu.memref_slice %arg3[%dma_start3A_712, %dma_start3A_713] : memref<8192x1024xf32, #tpu.memory_space<hbm>> -> memref<8192x1024xf32, #tpu.memory_space<hbm>>
    tpu.enqueue_indirect_dma source(%dma_start3A_714 : memref<8192x1024xf32, #tpu.memory_space<hbm>>) target(%dma_start3A_708 : memref<32x1024xf32, #tpu.memory_space<vmem>>) offsets(%dma_start3A_711 : memref<32xi32, #tpu.memory_space<vmem>>) semaphore(%arg7 : memref<!tpu.dma_semaphore, #tpu.memory_space<semaphore_mem>>)
    %dma_wait3A_715 = arith.constant 13 : i32
    %dma_wait3A_716 = arith.constant 1 : i32
    %dma_wait3A_717 = arith.constant 0 : i32
    %dma_wait3A_718 = arith.constant 0 : i32
    %dma_wait3A_719 = tpu.memref_slice %arg6[%dma_wait3A_716, %dma_wait3A_717, %dma_wait3A_718] : memref<3x32x1024xf32, #tpu.memory_space<vmem>> -> memref<1x32x1024xf32, #tpu.memory_space<vmem>>
    %dma_wait3A_720 = tpu.memref_squeeze %dma_wait3A_719 : memref<1x32x1024xf32, #tpu.memory_space<vmem>> -> memref<32x1024xf32, #tpu.memory_space<vmem>>
    %dma_wait3A_721 = arith.constant 0 : i32
    %dma_wait3A_722 = tpu.memref_slice %arg5[%dma_wait3A_715, %dma_wait3A_721] : memref<32x32xi32, #tpu.memory_space<vmem>> -> memref<1x32xi32, #tpu.memory_space<vmem>>
    %dma_wait3A_723 = tpu.memref_squeeze %dma_wait3A_722 : memref<1x32xi32, #tpu.memory_space<vmem>> -> memref<32xi32, #tpu.memory_space<vmem>>
    %dma_wait3A_724 = arith.constant 0 : i32
    %dma_wait3A_725 = arith.constant 0 : i32
    %dma_wait3A_726 = tpu.memref_slice %arg3[%dma_wait3A_724, %dma_wait3A_725] : memref<8192x1024xf32, #tpu.memory_space<hbm>> -> memref<8192x1024xf32, #tpu.memory_space<hbm>>
    tpu.wait_indirect_dma semaphore(%arg8 : memref<!tpu.dma_semaphore, #tpu.memory_space<semaphore_mem>>) src(%dma_wait3A_726 : memref<8192x1024xf32, #tpu.memory_space<hbm>>) dst(%dma_wait3A_720 : memref<32x1024xf32, #tpu.memory_space<vmem>>)
    %add3A_727 = arith.constant 416 : i32
    %add3A_728 = arith.addi %mul3A_2, %add3A_727 : i32
    %dma_start3A_729 = arith.constant 1 : i32
    %dma_start3A_730 = arith.constant 0 : i32
    %dma_start3A_731 = arith.constant 0 : i32
    %dma_start3A_732 = tpu.memref_slice %arg6[%dma_start3A_729, %dma_start3A_730, %dma_start3A_731] : memref<3x32x1024xf32, #tpu.memory_space<vmem>> -> memref<1x32x1024xf32, #tpu.memory_space<vmem>>
    %dma_start3A_733 = tpu.memref_squeeze %dma_start3A_732 : memref<1x32x1024xf32, #tpu.memory_space<vmem>> -> memref<32x1024xf32, #tpu.memory_space<vmem>>
    %dma_start3A_734 = arith.constant 0 : i32
    %dma_start3A_735 = tpu.memref_slice %arg4[%add3A_728, %dma_start3A_734] : memref<32768x1024xf32, #tpu.memory_space<hbm>> -> memref<32x1024xf32, #tpu.memory_space<hbm>>
    %dma_start3A_736 = arith.constant 0 : i32
    %dma_start3A_737 = tpu.memref_slice %arg4[%add3A_728, %dma_start3A_736] : memref<32768x1024xf32, #tpu.memory_space<hbm>> -> memref<32x1024xf32, #tpu.memory_space<hbm>>
    %dma_start3A_738 = arith.constant 0 : i32
    %dma_start3A_739 = arith.constant 0 : i32
    %dma_start3A_740 = tpu.memref_slice %arg6[%dma_start3A_729, %dma_start3A_738, %dma_start3A_739] : memref<3x32x1024xf32, #tpu.memory_space<vmem>> -> memref<1x32x1024xf32, #tpu.memory_space<vmem>>
    %dma_start3A_741 = tpu.memref_squeeze %dma_start3A_740 : memref<1x32x1024xf32, #tpu.memory_space<vmem>> -> memref<32x1024xf32, #tpu.memory_space<vmem>>
    tpu.enqueue_dma source(%dma_start3A_741 : memref<32x1024xf32, #tpu.memory_space<vmem>>) target(%dma_start3A_737 : memref<32x1024xf32, #tpu.memory_space<hbm>>) target_semaphore(%arg11 : memref<!tpu.dma_semaphore, #tpu.memory_space<semaphore_mem>>)
    %dma_wait3A_742 = arith.constant 1 : i32
    %dma_wait3A_743 = arith.constant 0 : i32
    %dma_wait3A_744 = arith.constant 0 : i32
    %dma_wait3A_745 = tpu.memref_slice %arg6[%dma_wait3A_742, %dma_wait3A_743, %dma_wait3A_744] : memref<3x32x1024xf32, #tpu.memory_space<vmem>> -> memref<1x32x1024xf32, #tpu.memory_space<vmem>>
    %dma_wait3A_746 = tpu.memref_squeeze %dma_wait3A_745 : memref<1x32x1024xf32, #tpu.memory_space<vmem>> -> memref<32x1024xf32, #tpu.memory_space<vmem>>
    %dma_wait3A_747 = arith.constant 0 : i32
    %dma_wait3A_748 = tpu.memref_slice %arg4[%add3A_728, %dma_wait3A_747] : memref<32768x1024xf32, #tpu.memory_space<hbm>> -> memref<32x1024xf32, #tpu.memory_space<hbm>>
    %dma_wait3A_749 = arith.constant 0 : i32
    %dma_wait3A_750 = tpu.memref_slice %arg4[%add3A_728, %dma_wait3A_749] : memref<32768x1024xf32, #tpu.memory_space<hbm>> -> memref<32x1024xf32, #tpu.memory_space<hbm>>
    %dma_wait3A_751 = arith.constant 0 : i32
    %dma_wait3A_752 = arith.constant 0 : i32
    %dma_wait3A_753 = tpu.memref_slice %arg6[%dma_wait3A_742, %dma_wait3A_751, %dma_wait3A_752] : memref<3x32x1024xf32, #tpu.memory_space<vmem>> -> memref<1x32x1024xf32, #tpu.memory_space<vmem>>
    %dma_wait3A_754 = tpu.memref_squeeze %dma_wait3A_753 : memref<1x32x1024xf32, #tpu.memory_space<vmem>> -> memref<32x1024xf32, #tpu.memory_space<vmem>>
    tpu.wait_dma2 semaphore(%arg11 : memref<!tpu.dma_semaphore, #tpu.memory_space<semaphore_mem>>) src(%dma_wait3A_754 : memref<32x1024xf32, #tpu.memory_space<vmem>>) dst(%dma_wait3A_750 : memref<32x1024xf32, #tpu.memory_space<hbm>>)
    %dma_start3A_755 = arith.constant 16 : i32
    %dma_start3A_756 = arith.constant 1 : i32
    %dma_start3A_757 = arith.constant 0 : i32
    %dma_start3A_758 = arith.constant 0 : i32
    %dma_start3A_759 = tpu.memref_slice %arg6[%dma_start3A_756, %dma_start3A_757, %dma_start3A_758] : memref<3x32x1024xf32, #tpu.memory_space<vmem>> -> memref<1x32x1024xf32, #tpu.memory_space<vmem>>
    %dma_start3A_760 = tpu.memref_squeeze %dma_start3A_759 : memref<1x32x1024xf32, #tpu.memory_space<vmem>> -> memref<32x1024xf32, #tpu.memory_space<vmem>>
    %dma_start3A_761 = arith.constant 0 : i32
    %dma_start3A_762 = tpu.memref_slice %arg5[%dma_start3A_755, %dma_start3A_761] : memref<32x32xi32, #tpu.memory_space<vmem>> -> memref<1x32xi32, #tpu.memory_space<vmem>>
    %dma_start3A_763 = tpu.memref_squeeze %dma_start3A_762 : memref<1x32xi32, #tpu.memory_space<vmem>> -> memref<32xi32, #tpu.memory_space<vmem>>
    %dma_start3A_764 = arith.constant 0 : i32
    %dma_start3A_765 = arith.constant 0 : i32
    %dma_start3A_766 = tpu.memref_slice %arg3[%dma_start3A_764, %dma_start3A_765] : memref<8192x1024xf32, #tpu.memory_space<hbm>> -> memref<8192x1024xf32, #tpu.memory_space<hbm>>
    tpu.enqueue_indirect_dma source(%dma_start3A_766 : memref<8192x1024xf32, #tpu.memory_space<hbm>>) target(%dma_start3A_760 : memref<32x1024xf32, #tpu.memory_space<vmem>>) offsets(%dma_start3A_763 : memref<32xi32, #tpu.memory_space<vmem>>) semaphore(%arg8 : memref<!tpu.dma_semaphore, #tpu.memory_space<semaphore_mem>>)
    %dma_wait3A_767 = arith.constant 14 : i32
    %dma_wait3A_768 = arith.constant 2 : i32
    %dma_wait3A_769 = arith.constant 0 : i32
    %dma_wait3A_770 = arith.constant 0 : i32
    %dma_wait3A_771 = tpu.memref_slice %arg6[%dma_wait3A_768, %dma_wait3A_769, %dma_wait3A_770] : memref<3x32x1024xf32, #tpu.memory_space<vmem>> -> memref<1x32x1024xf32, #tpu.memory_space<vmem>>
    %dma_wait3A_772 = tpu.memref_squeeze %dma_wait3A_771 : memref<1x32x1024xf32, #tpu.memory_space<vmem>> -> memref<32x1024xf32, #tpu.memory_space<vmem>>
    %dma_wait3A_773 = arith.constant 0 : i32
    %dma_wait3A_774 = tpu.memref_slice %arg5[%dma_wait3A_767, %dma_wait3A_773] : memref<32x32xi32, #tpu.memory_space<vmem>> -> memref<1x32xi32, #tpu.memory_space<vmem>>
    %dma_wait3A_775 = tpu.memref_squeeze %dma_wait3A_774 : memref<1x32xi32, #tpu.memory_space<vmem>> -> memref<32xi32, #tpu.memory_space<vmem>>
    %dma_wait3A_776 = arith.constant 0 : i32
    %dma_wait3A_777 = arith.constant 0 : i32
    %dma_wait3A_778 = tpu.memref_slice %arg3[%dma_wait3A_776, %dma_wait3A_777] : memref<8192x1024xf32, #tpu.memory_space<hbm>> -> memref<8192x1024xf32, #tpu.memory_space<hbm>>
    tpu.wait_indirect_dma semaphore(%arg9 : memref<!tpu.dma_semaphore, #tpu.memory_space<semaphore_mem>>) src(%dma_wait3A_778 : memref<8192x1024xf32, #tpu.memory_space<hbm>>) dst(%dma_wait3A_772 : memref<32x1024xf32, #tpu.memory_space<vmem>>)
    %add3A_779 = arith.constant 448 : i32
    %add3A_780 = arith.addi %mul3A_2, %add3A_779 : i32
    %dma_start3A_781 = arith.constant 2 : i32
    %dma_start3A_782 = arith.constant 0 : i32
    %dma_start3A_783 = arith.constant 0 : i32
    %dma_start3A_784 = tpu.memref_slice %arg6[%dma_start3A_781, %dma_start3A_782, %dma_start3A_783] : memref<3x32x1024xf32, #tpu.memory_space<vmem>> -> memref<1x32x1024xf32, #tpu.memory_space<vmem>>
    %dma_start3A_785 = tpu.memref_squeeze %dma_start3A_784 : memref<1x32x1024xf32, #tpu.memory_space<vmem>> -> memref<32x1024xf32, #tpu.memory_space<vmem>>
    %dma_start3A_786 = arith.constant 0 : i32
    %dma_start3A_787 = tpu.memref_slice %arg4[%add3A_780, %dma_start3A_786] : memref<32768x1024xf32, #tpu.memory_space<hbm>> -> memref<32x1024xf32, #tpu.memory_space<hbm>>
    %dma_start3A_788 = arith.constant 0 : i32
    %dma_start3A_789 = tpu.memref_slice %arg4[%add3A_780, %dma_start3A_788] : memref<32768x1024xf32, #tpu.memory_space<hbm>> -> memref<32x1024xf32, #tpu.memory_space<hbm>>
    %dma_start3A_790 = arith.constant 0 : i32
    %dma_start3A_791 = arith.constant 0 : i32
    %dma_start3A_792 = tpu.memref_slice %arg6[%dma_start3A_781, %dma_start3A_790, %dma_start3A_791] : memref<3x32x1024xf32, #tpu.memory_space<vmem>> -> memref<1x32x1024xf32, #tpu.memory_space<vmem>>
    %dma_start3A_793 = tpu.memref_squeeze %dma_start3A_792 : memref<1x32x1024xf32, #tpu.memory_space<vmem>> -> memref<32x1024xf32, #tpu.memory_space<vmem>>
    tpu.enqueue_dma source(%dma_start3A_793 : memref<32x1024xf32, #tpu.memory_space<vmem>>) target(%dma_start3A_789 : memref<32x1024xf32, #tpu.memory_space<hbm>>) target_semaphore(%arg12 : memref<!tpu.dma_semaphore, #tpu.memory_space<semaphore_mem>>)
    %dma_wait3A_794 = arith.constant 2 : i32
    %dma_wait3A_795 = arith.constant 0 : i32
    %dma_wait3A_796 = arith.constant 0 : i32
    %dma_wait3A_797 = tpu.memref_slice %arg6[%dma_wait3A_794, %dma_wait3A_795, %dma_wait3A_796] : memref<3x32x1024xf32, #tpu.memory_space<vmem>> -> memref<1x32x1024xf32, #tpu.memory_space<vmem>>
    %dma_wait3A_798 = tpu.memref_squeeze %dma_wait3A_797 : memref<1x32x1024xf32, #tpu.memory_space<vmem>> -> memref<32x1024xf32, #tpu.memory_space<vmem>>
    %dma_wait3A_799 = arith.constant 0 : i32
    %dma_wait3A_800 = tpu.memref_slice %arg4[%add3A_780, %dma_wait3A_799] : memref<32768x1024xf32, #tpu.memory_space<hbm>> -> memref<32x1024xf32, #tpu.memory_space<hbm>>
    %dma_wait3A_801 = arith.constant 0 : i32
    %dma_wait3A_802 = tpu.memref_slice %arg4[%add3A_780, %dma_wait3A_801] : memref<32768x1024xf32, #tpu.memory_space<hbm>> -> memref<32x1024xf32, #tpu.memory_space<hbm>>
    %dma_wait3A_803 = arith.constant 0 : i32
    %dma_wait3A_804 = arith.constant 0 : i32
    %dma_wait3A_805 = tpu.memref_slice %arg6[%dma_wait3A_794, %dma_wait3A_803, %dma_wait3A_804] : memref<3x32x1024xf32, #tpu.memory_space<vmem>> -> memref<1x32x1024xf32, #tpu.memory_space<vmem>>
    %dma_wait3A_806 = tpu.memref_squeeze %dma_wait3A_805 : memref<1x32x1024xf32, #tpu.memory_space<vmem>> -> memref<32x1024xf32, #tpu.memory_space<vmem>>
    tpu.wait_dma2 semaphore(%arg12 : memref<!tpu.dma_semaphore, #tpu.memory_space<semaphore_mem>>) src(%dma_wait3A_806 : memref<32x1024xf32, #tpu.memory_space<vmem>>) dst(%dma_wait3A_802 : memref<32x1024xf32, #tpu.memory_space<hbm>>)
    %dma_start3A_807 = arith.constant 17 : i32
    %dma_start3A_808 = arith.constant 2 : i32
    %dma_start3A_809 = arith.constant 0 : i32
    %dma_start3A_810 = arith.constant 0 : i32
    %dma_start3A_811 = tpu.memref_slice %arg6[%dma_start3A_808, %dma_start3A_809, %dma_start3A_810] : memref<3x32x1024xf32, #tpu.memory_space<vmem>> -> memref<1x32x1024xf32, #tpu.memory_space<vmem>>
    %dma_start3A_812 = tpu.memref_squeeze %dma_start3A_811 : memref<1x32x1024xf32, #tpu.memory_space<vmem>> -> memref<32x1024xf32, #tpu.memory_space<vmem>>
    %dma_start3A_813 = arith.constant 0 : i32
    %dma_start3A_814 = tpu.memref_slice %arg5[%dma_start3A_807, %dma_start3A_813] : memref<32x32xi32, #tpu.memory_space<vmem>> -> memref<1x32xi32, #tpu.memory_space<vmem>>
    %dma_start3A_815 = tpu.memref_squeeze %dma_start3A_814 : memref<1x32xi32, #tpu.memory_space<vmem>> -> memref<32xi32, #tpu.memory_space<vmem>>
    %dma_start3A_816 = arith.constant 0 : i32
    %dma_start3A_817 = arith.constant 0 : i32
    %dma_start3A_818 = tpu.memref_slice %arg3[%dma_start3A_816, %dma_start3A_817] : memref<8192x1024xf32, #tpu.memory_space<hbm>> -> memref<8192x1024xf32, #tpu.memory_space<hbm>>
    tpu.enqueue_indirect_dma source(%dma_start3A_818 : memref<8192x1024xf32, #tpu.memory_space<hbm>>) target(%dma_start3A_812 : memref<32x1024xf32, #tpu.memory_space<vmem>>) offsets(%dma_start3A_815 : memref<32xi32, #tpu.memory_space<vmem>>) semaphore(%arg9 : memref<!tpu.dma_semaphore, #tpu.memory_space<semaphore_mem>>)
    %dma_wait3A_819 = arith.constant 15 : i32
    %dma_wait3A_820 = arith.constant 0 : i32
    %dma_wait3A_821 = arith.constant 0 : i32
    %dma_wait3A_822 = arith.constant 0 : i32
    %dma_wait3A_823 = tpu.memref_slice %arg6[%dma_wait3A_820, %dma_wait3A_821, %dma_wait3A_822] : memref<3x32x1024xf32, #tpu.memory_space<vmem>> -> memref<1x32x1024xf32, #tpu.memory_space<vmem>>
    %dma_wait3A_824 = tpu.memref_squeeze %dma_wait3A_823 : memref<1x32x1024xf32, #tpu.memory_space<vmem>> -> memref<32x1024xf32, #tpu.memory_space<vmem>>
    %dma_wait3A_825 = arith.constant 0 : i32
    %dma_wait3A_826 = tpu.memref_slice %arg5[%dma_wait3A_819, %dma_wait3A_825] : memref<32x32xi32, #tpu.memory_space<vmem>> -> memref<1x32xi32, #tpu.memory_space<vmem>>
    %dma_wait3A_827 = tpu.memref_squeeze %dma_wait3A_826 : memref<1x32xi32, #tpu.memory_space<vmem>> -> memref<32xi32, #tpu.memory_space<vmem>>
    %dma_wait3A_828 = arith.constant 0 : i32
    %dma_wait3A_829 = arith.constant 0 : i32
    %dma_wait3A_830 = tpu.memref_slice %arg3[%dma_wait3A_828, %dma_wait3A_829] : memref<8192x1024xf32, #tpu.memory_space<hbm>> -> memref<8192x1024xf32, #tpu.memory_space<hbm>>
    tpu.wait_indirect_dma semaphore(%arg7 : memref<!tpu.dma_semaphore, #tpu.memory_space<semaphore_mem>>) src(%dma_wait3A_830 : memref<8192x1024xf32, #tpu.memory_space<hbm>>) dst(%dma_wait3A_824 : memref<32x1024xf32, #tpu.memory_space<vmem>>)
    %add3A_831 = arith.constant 480 : i32
    %add3A_832 = arith.addi %mul3A_2, %add3A_831 : i32
    %dma_start3A_833 = arith.constant 0 : i32
    %dma_start3A_834 = arith.constant 0 : i32
    %dma_start3A_835 = arith.constant 0 : i32
    %dma_start3A_836 = tpu.memref_slice %arg6[%dma_start3A_833, %dma_start3A_834, %dma_start3A_835] : memref<3x32x1024xf32, #tpu.memory_space<vmem>> -> memref<1x32x1024xf32, #tpu.memory_space<vmem>>
    %dma_start3A_837 = tpu.memref_squeeze %dma_start3A_836 : memref<1x32x1024xf32, #tpu.memory_space<vmem>> -> memref<32x1024xf32, #tpu.memory_space<vmem>>
    %dma_start3A_838 = arith.constant 0 : i32
    %dma_start3A_839 = tpu.memref_slice %arg4[%add3A_832, %dma_start3A_838] : memref<32768x1024xf32, #tpu.memory_space<hbm>> -> memref<32x1024xf32, #tpu.memory_space<hbm>>
    %dma_start3A_840 = arith.constant 0 : i32
    %dma_start3A_841 = tpu.memref_slice %arg4[%add3A_832, %dma_start3A_840] : memref<32768x1024xf32, #tpu.memory_space<hbm>> -> memref<32x1024xf32, #tpu.memory_space<hbm>>
    %dma_start3A_842 = arith.constant 0 : i32
    %dma_start3A_843 = arith.constant 0 : i32
    %dma_start3A_844 = tpu.memref_slice %arg6[%dma_start3A_833, %dma_start3A_842, %dma_start3A_843] : memref<3x32x1024xf32, #tpu.memory_space<vmem>> -> memref<1x32x1024xf32, #tpu.memory_space<vmem>>
    %dma_start3A_845 = tpu.memref_squeeze %dma_start3A_844 : memref<1x32x1024xf32, #tpu.memory_space<vmem>> -> memref<32x1024xf32, #tpu.memory_space<vmem>>
    tpu.enqueue_dma source(%dma_start3A_845 : memref<32x1024xf32, #tpu.memory_space<vmem>>) target(%dma_start3A_841 : memref<32x1024xf32, #tpu.memory_space<hbm>>) target_semaphore(%arg10 : memref<!tpu.dma_semaphore, #tpu.memory_space<semaphore_mem>>)
    %dma_wait3A_846 = arith.constant 0 : i32
    %dma_wait3A_847 = arith.constant 0 : i32
    %dma_wait3A_848 = arith.constant 0 : i32
    %dma_wait3A_849 = tpu.memref_slice %arg6[%dma_wait3A_846, %dma_wait3A_847, %dma_wait3A_848] : memref<3x32x1024xf32, #tpu.memory_space<vmem>> -> memref<1x32x1024xf32, #tpu.memory_space<vmem>>
    %dma_wait3A_850 = tpu.memref_squeeze %dma_wait3A_849 : memref<1x32x1024xf32, #tpu.memory_space<vmem>> -> memref<32x1024xf32, #tpu.memory_space<vmem>>
    %dma_wait3A_851 = arith.constant 0 : i32
    %dma_wait3A_852 = tpu.memref_slice %arg4[%add3A_832, %dma_wait3A_851] : memref<32768x1024xf32, #tpu.memory_space<hbm>> -> memref<32x1024xf32, #tpu.memory_space<hbm>>
    %dma_wait3A_853 = arith.constant 0 : i32
    %dma_wait3A_854 = tpu.memref_slice %arg4[%add3A_832, %dma_wait3A_853] : memref<32768x1024xf32, #tpu.memory_space<hbm>> -> memref<32x1024xf32, #tpu.memory_space<hbm>>
    %dma_wait3A_855 = arith.constant 0 : i32
    %dma_wait3A_856 = arith.constant 0 : i32
    %dma_wait3A_857 = tpu.memref_slice %arg6[%dma_wait3A_846, %dma_wait3A_855, %dma_wait3A_856] : memref<3x32x1024xf32, #tpu.memory_space<vmem>> -> memref<1x32x1024xf32, #tpu.memory_space<vmem>>
    %dma_wait3A_858 = tpu.memref_squeeze %dma_wait3A_857 : memref<1x32x1024xf32, #tpu.memory_space<vmem>> -> memref<32x1024xf32, #tpu.memory_space<vmem>>
    tpu.wait_dma2 semaphore(%arg10 : memref<!tpu.dma_semaphore, #tpu.memory_space<semaphore_mem>>) src(%dma_wait3A_858 : memref<32x1024xf32, #tpu.memory_space<vmem>>) dst(%dma_wait3A_854 : memref<32x1024xf32, #tpu.memory_space<hbm>>)
    %dma_start3A_859 = arith.constant 18 : i32
    %dma_start3A_860 = arith.constant 0 : i32
    %dma_start3A_861 = arith.constant 0 : i32
    %dma_start3A_862 = arith.constant 0 : i32
    %dma_start3A_863 = tpu.memref_slice %arg6[%dma_start3A_860, %dma_start3A_861, %dma_start3A_862] : memref<3x32x1024xf32, #tpu.memory_space<vmem>> -> memref<1x32x1024xf32, #tpu.memory_space<vmem>>
    %dma_start3A_864 = tpu.memref_squeeze %dma_start3A_863 : memref<1x32x1024xf32, #tpu.memory_space<vmem>> -> memref<32x1024xf32, #tpu.memory_space<vmem>>
    %dma_start3A_865 = arith.constant 0 : i32
    %dma_start3A_866 = tpu.memref_slice %arg5[%dma_start3A_859, %dma_start3A_865] : memref<32x32xi32, #tpu.memory_space<vmem>> -> memref<1x32xi32, #tpu.memory_space<vmem>>
    %dma_start3A_867 = tpu.memref_squeeze %dma_start3A_866 : memref<1x32xi32, #tpu.memory_space<vmem>> -> memref<32xi32, #tpu.memory_space<vmem>>
    %dma_start3A_868 = arith.constant 0 : i32
    %dma_start3A_869 = arith.constant 0 : i32
    %dma_start3A_870 = tpu.memref_slice %arg3[%dma_start3A_868, %dma_start3A_869] : memref<8192x1024xf32, #tpu.memory_space<hbm>> -> memref<8192x1024xf32, #tpu.memory_space<hbm>>
    tpu.enqueue_indirect_dma source(%dma_start3A_870 : memref<8192x1024xf32, #tpu.memory_space<hbm>>) target(%dma_start3A_864 : memref<32x1024xf32, #tpu.memory_space<vmem>>) offsets(%dma_start3A_867 : memref<32xi32, #tpu.memory_space<vmem>>) semaphore(%arg7 : memref<!tpu.dma_semaphore, #tpu.memory_space<semaphore_mem>>)
    %dma_wait3A_871 = arith.constant 16 : i32
    %dma_wait3A_872 = arith.constant 1 : i32
    %dma_wait3A_873 = arith.constant 0 : i32
    %dma_wait3A_874 = arith.constant 0 : i32
    %dma_wait3A_875 = tpu.memref_slice %arg6[%dma_wait3A_872, %dma_wait3A_873, %dma_wait3A_874] : memref<3x32x1024xf32, #tpu.memory_space<vmem>> -> memref<1x32x1024xf32, #tpu.memory_space<vmem>>
    %dma_wait3A_876 = tpu.memref_squeeze %dma_wait3A_875 : memref<1x32x1024xf32, #tpu.memory_space<vmem>> -> memref<32x1024xf32, #tpu.memory_space<vmem>>
    %dma_wait3A_877 = arith.constant 0 : i32
    %dma_wait3A_878 = tpu.memref_slice %arg5[%dma_wait3A_871, %dma_wait3A_877] : memref<32x32xi32, #tpu.memory_space<vmem>> -> memref<1x32xi32, #tpu.memory_space<vmem>>
    %dma_wait3A_879 = tpu.memref_squeeze %dma_wait3A_878 : memref<1x32xi32, #tpu.memory_space<vmem>> -> memref<32xi32, #tpu.memory_space<vmem>>
    %dma_wait3A_880 = arith.constant 0 : i32
    %dma_wait3A_881 = arith.constant 0 : i32
    %dma_wait3A_882 = tpu.memref_slice %arg3[%dma_wait3A_880, %dma_wait3A_881] : memref<8192x1024xf32, #tpu.memory_space<hbm>> -> memref<8192x1024xf32, #tpu.memory_space<hbm>>
    tpu.wait_indirect_dma semaphore(%arg8 : memref<!tpu.dma_semaphore, #tpu.memory_space<semaphore_mem>>) src(%dma_wait3A_882 : memref<8192x1024xf32, #tpu.memory_space<hbm>>) dst(%dma_wait3A_876 : memref<32x1024xf32, #tpu.memory_space<vmem>>)
    %add3A_883 = arith.constant 512 : i32
    %add3A_884 = arith.addi %mul3A_2, %add3A_883 : i32
    %dma_start3A_885 = arith.constant 1 : i32
    %dma_start3A_886 = arith.constant 0 : i32
    %dma_start3A_887 = arith.constant 0 : i32
    %dma_start3A_888 = tpu.memref_slice %arg6[%dma_start3A_885, %dma_start3A_886, %dma_start3A_887] : memref<3x32x1024xf32, #tpu.memory_space<vmem>> -> memref<1x32x1024xf32, #tpu.memory_space<vmem>>
    %dma_start3A_889 = tpu.memref_squeeze %dma_start3A_888 : memref<1x32x1024xf32, #tpu.memory_space<vmem>> -> memref<32x1024xf32, #tpu.memory_space<vmem>>
    %dma_start3A_890 = arith.constant 0 : i32
    %dma_start3A_891 = tpu.memref_slice %arg4[%add3A_884, %dma_start3A_890] : memref<32768x1024xf32, #tpu.memory_space<hbm>> -> memref<32x1024xf32, #tpu.memory_space<hbm>>
    %dma_start3A_892 = arith.constant 0 : i32
    %dma_start3A_893 = tpu.memref_slice %arg4[%add3A_884, %dma_start3A_892] : memref<32768x1024xf32, #tpu.memory_space<hbm>> -> memref<32x1024xf32, #tpu.memory_space<hbm>>
    %dma_start3A_894 = arith.constant 0 : i32
    %dma_start3A_895 = arith.constant 0 : i32
    %dma_start3A_896 = tpu.memref_slice %arg6[%dma_start3A_885, %dma_start3A_894, %dma_start3A_895] : memref<3x32x1024xf32, #tpu.memory_space<vmem>> -> memref<1x32x1024xf32, #tpu.memory_space<vmem>>
    %dma_start3A_897 = tpu.memref_squeeze %dma_start3A_896 : memref<1x32x1024xf32, #tpu.memory_space<vmem>> -> memref<32x1024xf32, #tpu.memory_space<vmem>>
    tpu.enqueue_dma source(%dma_start3A_897 : memref<32x1024xf32, #tpu.memory_space<vmem>>) target(%dma_start3A_893 : memref<32x1024xf32, #tpu.memory_space<hbm>>) target_semaphore(%arg11 : memref<!tpu.dma_semaphore, #tpu.memory_space<semaphore_mem>>)
    %dma_wait3A_898 = arith.constant 1 : i32
    %dma_wait3A_899 = arith.constant 0 : i32
    %dma_wait3A_900 = arith.constant 0 : i32
    %dma_wait3A_901 = tpu.memref_slice %arg6[%dma_wait3A_898, %dma_wait3A_899, %dma_wait3A_900] : memref<3x32x1024xf32, #tpu.memory_space<vmem>> -> memref<1x32x1024xf32, #tpu.memory_space<vmem>>
    %dma_wait3A_902 = tpu.memref_squeeze %dma_wait3A_901 : memref<1x32x1024xf32, #tpu.memory_space<vmem>> -> memref<32x1024xf32, #tpu.memory_space<vmem>>
    %dma_wait3A_903 = arith.constant 0 : i32
    %dma_wait3A_904 = tpu.memref_slice %arg4[%add3A_884, %dma_wait3A_903] : memref<32768x1024xf32, #tpu.memory_space<hbm>> -> memref<32x1024xf32, #tpu.memory_space<hbm>>
    %dma_wait3A_905 = arith.constant 0 : i32
    %dma_wait3A_906 = tpu.memref_slice %arg4[%add3A_884, %dma_wait3A_905] : memref<32768x1024xf32, #tpu.memory_space<hbm>> -> memref<32x1024xf32, #tpu.memory_space<hbm>>
    %dma_wait3A_907 = arith.constant 0 : i32
    %dma_wait3A_908 = arith.constant 0 : i32
    %dma_wait3A_909 = tpu.memref_slice %arg6[%dma_wait3A_898, %dma_wait3A_907, %dma_wait3A_908] : memref<3x32x1024xf32, #tpu.memory_space<vmem>> -> memref<1x32x1024xf32, #tpu.memory_space<vmem>>
    %dma_wait3A_910 = tpu.memref_squeeze %dma_wait3A_909 : memref<1x32x1024xf32, #tpu.memory_space<vmem>> -> memref<32x1024xf32, #tpu.memory_space<vmem>>
    tpu.wait_dma2 semaphore(%arg11 : memref<!tpu.dma_semaphore, #tpu.memory_space<semaphore_mem>>) src(%dma_wait3A_910 : memref<32x1024xf32, #tpu.memory_space<vmem>>) dst(%dma_wait3A_906 : memref<32x1024xf32, #tpu.memory_space<hbm>>)
    %dma_start3A_911 = arith.constant 19 : i32
    %dma_start3A_912 = arith.constant 1 : i32
    %dma_start3A_913 = arith.constant 0 : i32
    %dma_start3A_914 = arith.constant 0 : i32
    %dma_start3A_915 = tpu.memref_slice %arg6[%dma_start3A_912, %dma_start3A_913, %dma_start3A_914] : memref<3x32x1024xf32, #tpu.memory_space<vmem>> -> memref<1x32x1024xf32, #tpu.memory_space<vmem>>
    %dma_start3A_916 = tpu.memref_squeeze %dma_start3A_915 : memref<1x32x1024xf32, #tpu.memory_space<vmem>> -> memref<32x1024xf32, #tpu.memory_space<vmem>>
    %dma_start3A_917 = arith.constant 0 : i32
    %dma_start3A_918 = tpu.memref_slice %arg5[%dma_start3A_911, %dma_start3A_917] : memref<32x32xi32, #tpu.memory_space<vmem>> -> memref<1x32xi32, #tpu.memory_space<vmem>>
    %dma_start3A_919 = tpu.memref_squeeze %dma_start3A_918 : memref<1x32xi32, #tpu.memory_space<vmem>> -> memref<32xi32, #tpu.memory_space<vmem>>
    %dma_start3A_920 = arith.constant 0 : i32
    %dma_start3A_921 = arith.constant 0 : i32
    %dma_start3A_922 = tpu.memref_slice %arg3[%dma_start3A_920, %dma_start3A_921] : memref<8192x1024xf32, #tpu.memory_space<hbm>> -> memref<8192x1024xf32, #tpu.memory_space<hbm>>
    tpu.enqueue_indirect_dma source(%dma_start3A_922 : memref<8192x1024xf32, #tpu.memory_space<hbm>>) target(%dma_start3A_916 : memref<32x1024xf32, #tpu.memory_space<vmem>>) offsets(%dma_start3A_919 : memref<32xi32, #tpu.memory_space<vmem>>) semaphore(%arg8 : memref<!tpu.dma_semaphore, #tpu.memory_space<semaphore_mem>>)
    %dma_wait3A_923 = arith.constant 17 : i32
    %dma_wait3A_924 = arith.constant 2 : i32
    %dma_wait3A_925 = arith.constant 0 : i32
    %dma_wait3A_926 = arith.constant 0 : i32
    %dma_wait3A_927 = tpu.memref_slice %arg6[%dma_wait3A_924, %dma_wait3A_925, %dma_wait3A_926] : memref<3x32x1024xf32, #tpu.memory_space<vmem>> -> memref<1x32x1024xf32, #tpu.memory_space<vmem>>
    %dma_wait3A_928 = tpu.memref_squeeze %dma_wait3A_927 : memref<1x32x1024xf32, #tpu.memory_space<vmem>> -> memref<32x1024xf32, #tpu.memory_space<vmem>>
    %dma_wait3A_929 = arith.constant 0 : i32
    %dma_wait3A_930 = tpu.memref_slice %arg5[%dma_wait3A_923, %dma_wait3A_929] : memref<32x32xi32, #tpu.memory_space<vmem>> -> memref<1x32xi32, #tpu.memory_space<vmem>>
    %dma_wait3A_931 = tpu.memref_squeeze %dma_wait3A_930 : memref<1x32xi32, #tpu.memory_space<vmem>> -> memref<32xi32, #tpu.memory_space<vmem>>
    %dma_wait3A_932 = arith.constant 0 : i32
    %dma_wait3A_933 = arith.constant 0 : i32
    %dma_wait3A_934 = tpu.memref_slice %arg3[%dma_wait3A_932, %dma_wait3A_933] : memref<8192x1024xf32, #tpu.memory_space<hbm>> -> memref<8192x1024xf32, #tpu.memory_space<hbm>>
    tpu.wait_indirect_dma semaphore(%arg9 : memref<!tpu.dma_semaphore, #tpu.memory_space<semaphore_mem>>) src(%dma_wait3A_934 : memref<8192x1024xf32, #tpu.memory_space<hbm>>) dst(%dma_wait3A_928 : memref<32x1024xf32, #tpu.memory_space<vmem>>)
    %add3A_935 = arith.constant 544 : i32
    %add3A_936 = arith.addi %mul3A_2, %add3A_935 : i32
    %dma_start3A_937 = arith.constant 2 : i32
    %dma_start3A_938 = arith.constant 0 : i32
    %dma_start3A_939 = arith.constant 0 : i32
    %dma_start3A_940 = tpu.memref_slice %arg6[%dma_start3A_937, %dma_start3A_938, %dma_start3A_939] : memref<3x32x1024xf32, #tpu.memory_space<vmem>> -> memref<1x32x1024xf32, #tpu.memory_space<vmem>>
    %dma_start3A_941 = tpu.memref_squeeze %dma_start3A_940 : memref<1x32x1024xf32, #tpu.memory_space<vmem>> -> memref<32x1024xf32, #tpu.memory_space<vmem>>
    %dma_start3A_942 = arith.constant 0 : i32
    %dma_start3A_943 = tpu.memref_slice %arg4[%add3A_936, %dma_start3A_942] : memref<32768x1024xf32, #tpu.memory_space<hbm>> -> memref<32x1024xf32, #tpu.memory_space<hbm>>
    %dma_start3A_944 = arith.constant 0 : i32
    %dma_start3A_945 = tpu.memref_slice %arg4[%add3A_936, %dma_start3A_944] : memref<32768x1024xf32, #tpu.memory_space<hbm>> -> memref<32x1024xf32, #tpu.memory_space<hbm>>
    %dma_start3A_946 = arith.constant 0 : i32
    %dma_start3A_947 = arith.constant 0 : i32
    %dma_start3A_948 = tpu.memref_slice %arg6[%dma_start3A_937, %dma_start3A_946, %dma_start3A_947] : memref<3x32x1024xf32, #tpu.memory_space<vmem>> -> memref<1x32x1024xf32, #tpu.memory_space<vmem>>
    %dma_start3A_949 = tpu.memref_squeeze %dma_start3A_948 : memref<1x32x1024xf32, #tpu.memory_space<vmem>> -> memref<32x1024xf32, #tpu.memory_space<vmem>>
    tpu.enqueue_dma source(%dma_start3A_949 : memref<32x1024xf32, #tpu.memory_space<vmem>>) target(%dma_start3A_945 : memref<32x1024xf32, #tpu.memory_space<hbm>>) target_semaphore(%arg12 : memref<!tpu.dma_semaphore, #tpu.memory_space<semaphore_mem>>)
    %dma_wait3A_950 = arith.constant 2 : i32
    %dma_wait3A_951 = arith.constant 0 : i32
    %dma_wait3A_952 = arith.constant 0 : i32
    %dma_wait3A_953 = tpu.memref_slice %arg6[%dma_wait3A_950, %dma_wait3A_951, %dma_wait3A_952] : memref<3x32x1024xf32, #tpu.memory_space<vmem>> -> memref<1x32x1024xf32, #tpu.memory_space<vmem>>
    %dma_wait3A_954 = tpu.memref_squeeze %dma_wait3A_953 : memref<1x32x1024xf32, #tpu.memory_space<vmem>> -> memref<32x1024xf32, #tpu.memory_space<vmem>>
    %dma_wait3A_955 = arith.constant 0 : i32
    %dma_wait3A_956 = tpu.memref_slice %arg4[%add3A_936, %dma_wait3A_955] : memref<32768x1024xf32, #tpu.memory_space<hbm>> -> memref<32x1024xf32, #tpu.memory_space<hbm>>
    %dma_wait3A_957 = arith.constant 0 : i32
    %dma_wait3A_958 = tpu.memref_slice %arg4[%add3A_936, %dma_wait3A_957] : memref<32768x1024xf32, #tpu.memory_space<hbm>> -> memref<32x1024xf32, #tpu.memory_space<hbm>>
    %dma_wait3A_959 = arith.constant 0 : i32
    %dma_wait3A_960 = arith.constant 0 : i32
    %dma_wait3A_961 = tpu.memref_slice %arg6[%dma_wait3A_950, %dma_wait3A_959, %dma_wait3A_960] : memref<3x32x1024xf32, #tpu.memory_space<vmem>> -> memref<1x32x1024xf32, #tpu.memory_space<vmem>>
    %dma_wait3A_962 = tpu.memref_squeeze %dma_wait3A_961 : memref<1x32x1024xf32, #tpu.memory_space<vmem>> -> memref<32x1024xf32, #tpu.memory_space<vmem>>
    tpu.wait_dma2 semaphore(%arg12 : memref<!tpu.dma_semaphore, #tpu.memory_space<semaphore_mem>>) src(%dma_wait3A_962 : memref<32x1024xf32, #tpu.memory_space<vmem>>) dst(%dma_wait3A_958 : memref<32x1024xf32, #tpu.memory_space<hbm>>)
    %dma_start3A_963 = arith.constant 20 : i32
    %dma_start3A_964 = arith.constant 2 : i32
    %dma_start3A_965 = arith.constant 0 : i32
    %dma_start3A_966 = arith.constant 0 : i32
    %dma_start3A_967 = tpu.memref_slice %arg6[%dma_start3A_964, %dma_start3A_965, %dma_start3A_966] : memref<3x32x1024xf32, #tpu.memory_space<vmem>> -> memref<1x32x1024xf32, #tpu.memory_space<vmem>>
    %dma_start3A_968 = tpu.memref_squeeze %dma_start3A_967 : memref<1x32x1024xf32, #tpu.memory_space<vmem>> -> memref<32x1024xf32, #tpu.memory_space<vmem>>
    %dma_start3A_969 = arith.constant 0 : i32
    %dma_start3A_970 = tpu.memref_slice %arg5[%dma_start3A_963, %dma_start3A_969] : memref<32x32xi32, #tpu.memory_space<vmem>> -> memref<1x32xi32, #tpu.memory_space<vmem>>
    %dma_start3A_971 = tpu.memref_squeeze %dma_start3A_970 : memref<1x32xi32, #tpu.memory_space<vmem>> -> memref<32xi32, #tpu.memory_space<vmem>>
    %dma_start3A_972 = arith.constant 0 : i32
    %dma_start3A_973 = arith.constant 0 : i32
    %dma_start3A_974 = tpu.memref_slice %arg3[%dma_start3A_972, %dma_start3A_973] : memref<8192x1024xf32, #tpu.memory_space<hbm>> -> memref<8192x1024xf32, #tpu.memory_space<hbm>>
    tpu.enqueue_indirect_dma source(%dma_start3A_974 : memref<8192x1024xf32, #tpu.memory_space<hbm>>) target(%dma_start3A_968 : memref<32x1024xf32, #tpu.memory_space<vmem>>) offsets(%dma_start3A_971 : memref<32xi32, #tpu.memory_space<vmem>>) semaphore(%arg9 : memref<!tpu.dma_semaphore, #tpu.memory_space<semaphore_mem>>)
    %dma_wait3A_975 = arith.constant 18 : i32
    %dma_wait3A_976 = arith.constant 0 : i32
    %dma_wait3A_977 = arith.constant 0 : i32
    %dma_wait3A_978 = arith.constant 0 : i32
    %dma_wait3A_979 = tpu.memref_slice %arg6[%dma_wait3A_976, %dma_wait3A_977, %dma_wait3A_978] : memref<3x32x1024xf32, #tpu.memory_space<vmem>> -> memref<1x32x1024xf32, #tpu.memory_space<vmem>>
    %dma_wait3A_980 = tpu.memref_squeeze %dma_wait3A_979 : memref<1x32x1024xf32, #tpu.memory_space<vmem>> -> memref<32x1024xf32, #tpu.memory_space<vmem>>
    %dma_wait3A_981 = arith.constant 0 : i32
    %dma_wait3A_982 = tpu.memref_slice %arg5[%dma_wait3A_975, %dma_wait3A_981] : memref<32x32xi32, #tpu.memory_space<vmem>> -> memref<1x32xi32, #tpu.memory_space<vmem>>
    %dma_wait3A_983 = tpu.memref_squeeze %dma_wait3A_982 : memref<1x32xi32, #tpu.memory_space<vmem>> -> memref<32xi32, #tpu.memory_space<vmem>>
    %dma_wait3A_984 = arith.constant 0 : i32
    %dma_wait3A_985 = arith.constant 0 : i32
    %dma_wait3A_986 = tpu.memref_slice %arg3[%dma_wait3A_984, %dma_wait3A_985] : memref<8192x1024xf32, #tpu.memory_space<hbm>> -> memref<8192x1024xf32, #tpu.memory_space<hbm>>
    tpu.wait_indirect_dma semaphore(%arg7 : memref<!tpu.dma_semaphore, #tpu.memory_space<semaphore_mem>>) src(%dma_wait3A_986 : memref<8192x1024xf32, #tpu.memory_space<hbm>>) dst(%dma_wait3A_980 : memref<32x1024xf32, #tpu.memory_space<vmem>>)
    %add3A_987 = arith.constant 576 : i32
    %add3A_988 = arith.addi %mul3A_2, %add3A_987 : i32
    %dma_start3A_989 = arith.constant 0 : i32
    %dma_start3A_990 = arith.constant 0 : i32
    %dma_start3A_991 = arith.constant 0 : i32
    %dma_start3A_992 = tpu.memref_slice %arg6[%dma_start3A_989, %dma_start3A_990, %dma_start3A_991] : memref<3x32x1024xf32, #tpu.memory_space<vmem>> -> memref<1x32x1024xf32, #tpu.memory_space<vmem>>
    %dma_start3A_993 = tpu.memref_squeeze %dma_start3A_992 : memref<1x32x1024xf32, #tpu.memory_space<vmem>> -> memref<32x1024xf32, #tpu.memory_space<vmem>>
    %dma_start3A_994 = arith.constant 0 : i32
    %dma_start3A_995 = tpu.memref_slice %arg4[%add3A_988, %dma_start3A_994] : memref<32768x1024xf32, #tpu.memory_space<hbm>> -> memref<32x1024xf32, #tpu.memory_space<hbm>>
    %dma_start3A_996 = arith.constant 0 : i32
    %dma_start3A_997 = tpu.memref_slice %arg4[%add3A_988, %dma_start3A_996] : memref<32768x1024xf32, #tpu.memory_space<hbm>> -> memref<32x1024xf32, #tpu.memory_space<hbm>>
    %dma_start3A_998 = arith.constant 0 : i32
    %dma_start3A_999 = arith.constant 0 : i32
    %dma_start3A_1000 = tpu.memref_slice %arg6[%dma_start3A_989, %dma_start3A_998, %dma_start3A_999] : memref<3x32x1024xf32, #tpu.memory_space<vmem>> -> memref<1x32x1024xf32, #tpu.memory_space<vmem>>
    %dma_start3A_1001 = tpu.memref_squeeze %dma_start3A_1000 : memref<1x32x1024xf32, #tpu.memory_space<vmem>> -> memref<32x1024xf32, #tpu.memory_space<vmem>>
    tpu.enqueue_dma source(%dma_start3A_1001 : memref<32x1024xf32, #tpu.memory_space<vmem>>) target(%dma_start3A_997 : memref<32x1024xf32, #tpu.memory_space<hbm>>) target_semaphore(%arg10 : memref<!tpu.dma_semaphore, #tpu.memory_space<semaphore_mem>>)
    %dma_wait3A_1002 = arith.constant 0 : i32
    %dma_wait3A_1003 = arith.constant 0 : i32
    %dma_wait3A_1004 = arith.constant 0 : i32
    %dma_wait3A_1005 = tpu.memref_slice %arg6[%dma_wait3A_1002, %dma_wait3A_1003, %dma_wait3A_1004] : memref<3x32x1024xf32, #tpu.memory_space<vmem>> -> memref<1x32x1024xf32, #tpu.memory_space<vmem>>
    %dma_wait3A_1006 = tpu.memref_squeeze %dma_wait3A_1005 : memref<1x32x1024xf32, #tpu.memory_space<vmem>> -> memref<32x1024xf32, #tpu.memory_space<vmem>>
    %dma_wait3A_1007 = arith.constant 0 : i32
    %dma_wait3A_1008 = tpu.memref_slice %arg4[%add3A_988, %dma_wait3A_1007] : memref<32768x1024xf32, #tpu.memory_space<hbm>> -> memref<32x1024xf32, #tpu.memory_space<hbm>>
    %dma_wait3A_1009 = arith.constant 0 : i32
    %dma_wait3A_1010 = tpu.memref_slice %arg4[%add3A_988, %dma_wait3A_1009] : memref<32768x1024xf32, #tpu.memory_space<hbm>> -> memref<32x1024xf32, #tpu.memory_space<hbm>>
    %dma_wait3A_1011 = arith.constant 0 : i32
    %dma_wait3A_1012 = arith.constant 0 : i32
    %dma_wait3A_1013 = tpu.memref_slice %arg6[%dma_wait3A_1002, %dma_wait3A_1011, %dma_wait3A_1012] : memref<3x32x1024xf32, #tpu.memory_space<vmem>> -> memref<1x32x1024xf32, #tpu.memory_space<vmem>>
    %dma_wait3A_1014 = tpu.memref_squeeze %dma_wait3A_1013 : memref<1x32x1024xf32, #tpu.memory_space<vmem>> -> memref<32x1024xf32, #tpu.memory_space<vmem>>
    tpu.wait_dma2 semaphore(%arg10 : memref<!tpu.dma_semaphore, #tpu.memory_space<semaphore_mem>>) src(%dma_wait3A_1014 : memref<32x1024xf32, #tpu.memory_space<vmem>>) dst(%dma_wait3A_1010 : memref<32x1024xf32, #tpu.memory_space<hbm>>)
    %dma_start3A_1015 = arith.constant 21 : i32
    %dma_start3A_1016 = arith.constant 0 : i32
    %dma_start3A_1017 = arith.constant 0 : i32
    %dma_start3A_1018 = arith.constant 0 : i32
    %dma_start3A_1019 = tpu.memref_slice %arg6[%dma_start3A_1016, %dma_start3A_1017, %dma_start3A_1018] : memref<3x32x1024xf32, #tpu.memory_space<vmem>> -> memref<1x32x1024xf32, #tpu.memory_space<vmem>>
    %dma_start3A_1020 = tpu.memref_squeeze %dma_start3A_1019 : memref<1x32x1024xf32, #tpu.memory_space<vmem>> -> memref<32x1024xf32, #tpu.memory_space<vmem>>
    %dma_start3A_1021 = arith.constant 0 : i32
    %dma_start3A_1022 = tpu.memref_slice %arg5[%dma_start3A_1015, %dma_start3A_1021] : memref<32x32xi32, #tpu.memory_space<vmem>> -> memref<1x32xi32, #tpu.memory_space<vmem>>
    %dma_start3A_1023 = tpu.memref_squeeze %dma_start3A_1022 : memref<1x32xi32, #tpu.memory_space<vmem>> -> memref<32xi32, #tpu.memory_space<vmem>>
    %dma_start3A_1024 = arith.constant 0 : i32
    %dma_start3A_1025 = arith.constant 0 : i32
    %dma_start3A_1026 = tpu.memref_slice %arg3[%dma_start3A_1024, %dma_start3A_1025] : memref<8192x1024xf32, #tpu.memory_space<hbm>> -> memref<8192x1024xf32, #tpu.memory_space<hbm>>
    tpu.enqueue_indirect_dma source(%dma_start3A_1026 : memref<8192x1024xf32, #tpu.memory_space<hbm>>) target(%dma_start3A_1020 : memref<32x1024xf32, #tpu.memory_space<vmem>>) offsets(%dma_start3A_1023 : memref<32xi32, #tpu.memory_space<vmem>>) semaphore(%arg7 : memref<!tpu.dma_semaphore, #tpu.memory_space<semaphore_mem>>)
    %dma_wait3A_1027 = arith.constant 19 : i32
    %dma_wait3A_1028 = arith.constant 1 : i32
    %dma_wait3A_1029 = arith.constant 0 : i32
    %dma_wait3A_1030 = arith.constant 0 : i32
    %dma_wait3A_1031 = tpu.memref_slice %arg6[%dma_wait3A_1028, %dma_wait3A_1029, %dma_wait3A_1030] : memref<3x32x1024xf32, #tpu.memory_space<vmem>> -> memref<1x32x1024xf32, #tpu.memory_space<vmem>>
    %dma_wait3A_1032 = tpu.memref_squeeze %dma_wait3A_1031 : memref<1x32x1024xf32, #tpu.memory_space<vmem>> -> memref<32x1024xf32, #tpu.memory_space<vmem>>
    %dma_wait3A_1033 = arith.constant 0 : i32
    %dma_wait3A_1034 = tpu.memref_slice %arg5[%dma_wait3A_1027, %dma_wait3A_1033] : memref<32x32xi32, #tpu.memory_space<vmem>> -> memref<1x32xi32, #tpu.memory_space<vmem>>
    %dma_wait3A_1035 = tpu.memref_squeeze %dma_wait3A_1034 : memref<1x32xi32, #tpu.memory_space<vmem>> -> memref<32xi32, #tpu.memory_space<vmem>>
    %dma_wait3A_1036 = arith.constant 0 : i32
    %dma_wait3A_1037 = arith.constant 0 : i32
    %dma_wait3A_1038 = tpu.memref_slice %arg3[%dma_wait3A_1036, %dma_wait3A_1037] : memref<8192x1024xf32, #tpu.memory_space<hbm>> -> memref<8192x1024xf32, #tpu.memory_space<hbm>>
    tpu.wait_indirect_dma semaphore(%arg8 : memref<!tpu.dma_semaphore, #tpu.memory_space<semaphore_mem>>) src(%dma_wait3A_1038 : memref<8192x1024xf32, #tpu.memory_space<hbm>>) dst(%dma_wait3A_1032 : memref<32x1024xf32, #tpu.memory_space<vmem>>)
    %add3A_1039 = arith.constant 608 : i32
    %add3A_1040 = arith.addi %mul3A_2, %add3A_1039 : i32
    %dma_start3A_1041 = arith.constant 1 : i32
    %dma_start3A_1042 = arith.constant 0 : i32
    %dma_start3A_1043 = arith.constant 0 : i32
    %dma_start3A_1044 = tpu.memref_slice %arg6[%dma_start3A_1041, %dma_start3A_1042, %dma_start3A_1043] : memref<3x32x1024xf32, #tpu.memory_space<vmem>> -> memref<1x32x1024xf32, #tpu.memory_space<vmem>>
    %dma_start3A_1045 = tpu.memref_squeeze %dma_start3A_1044 : memref<1x32x1024xf32, #tpu.memory_space<vmem>> -> memref<32x1024xf32, #tpu.memory_space<vmem>>
    %dma_start3A_1046 = arith.constant 0 : i32
    %dma_start3A_1047 = tpu.memref_slice %arg4[%add3A_1040, %dma_start3A_1046] : memref<32768x1024xf32, #tpu.memory_space<hbm>> -> memref<32x1024xf32, #tpu.memory_space<hbm>>
    %dma_start3A_1048 = arith.constant 0 : i32
    %dma_start3A_1049 = tpu.memref_slice %arg4[%add3A_1040, %dma_start3A_1048] : memref<32768x1024xf32, #tpu.memory_space<hbm>> -> memref<32x1024xf32, #tpu.memory_space<hbm>>
    %dma_start3A_1050 = arith.constant 0 : i32
    %dma_start3A_1051 = arith.constant 0 : i32
    %dma_start3A_1052 = tpu.memref_slice %arg6[%dma_start3A_1041, %dma_start3A_1050, %dma_start3A_1051] : memref<3x32x1024xf32, #tpu.memory_space<vmem>> -> memref<1x32x1024xf32, #tpu.memory_space<vmem>>
    %dma_start3A_1053 = tpu.memref_squeeze %dma_start3A_1052 : memref<1x32x1024xf32, #tpu.memory_space<vmem>> -> memref<32x1024xf32, #tpu.memory_space<vmem>>
    tpu.enqueue_dma source(%dma_start3A_1053 : memref<32x1024xf32, #tpu.memory_space<vmem>>) target(%dma_start3A_1049 : memref<32x1024xf32, #tpu.memory_space<hbm>>) target_semaphore(%arg11 : memref<!tpu.dma_semaphore, #tpu.memory_space<semaphore_mem>>)
    %dma_wait3A_1054 = arith.constant 1 : i32
    %dma_wait3A_1055 = arith.constant 0 : i32
    %dma_wait3A_1056 = arith.constant 0 : i32
    %dma_wait3A_1057 = tpu.memref_slice %arg6[%dma_wait3A_1054, %dma_wait3A_1055, %dma_wait3A_1056] : memref<3x32x1024xf32, #tpu.memory_space<vmem>> -> memref<1x32x1024xf32, #tpu.memory_space<vmem>>
    %dma_wait3A_1058 = tpu.memref_squeeze %dma_wait3A_1057 : memref<1x32x1024xf32, #tpu.memory_space<vmem>> -> memref<32x1024xf32, #tpu.memory_space<vmem>>
    %dma_wait3A_1059 = arith.constant 0 : i32
    %dma_wait3A_1060 = tpu.memref_slice %arg4[%add3A_1040, %dma_wait3A_1059] : memref<32768x1024xf32, #tpu.memory_space<hbm>> -> memref<32x1024xf32, #tpu.memory_space<hbm>>
    %dma_wait3A_1061 = arith.constant 0 : i32
    %dma_wait3A_1062 = tpu.memref_slice %arg4[%add3A_1040, %dma_wait3A_1061] : memref<32768x1024xf32, #tpu.memory_space<hbm>> -> memref<32x1024xf32, #tpu.memory_space<hbm>>
    %dma_wait3A_1063 = arith.constant 0 : i32
    %dma_wait3A_1064 = arith.constant 0 : i32
    %dma_wait3A_1065 = tpu.memref_slice %arg6[%dma_wait3A_1054, %dma_wait3A_1063, %dma_wait3A_1064] : memref<3x32x1024xf32, #tpu.memory_space<vmem>> -> memref<1x32x1024xf32, #tpu.memory_space<vmem>>
    %dma_wait3A_1066 = tpu.memref_squeeze %dma_wait3A_1065 : memref<1x32x1024xf32, #tpu.memory_space<vmem>> -> memref<32x1024xf32, #tpu.memory_space<vmem>>
    tpu.wait_dma2 semaphore(%arg11 : memref<!tpu.dma_semaphore, #tpu.memory_space<semaphore_mem>>) src(%dma_wait3A_1066 : memref<32x1024xf32, #tpu.memory_space<vmem>>) dst(%dma_wait3A_1062 : memref<32x1024xf32, #tpu.memory_space<hbm>>)
    %dma_start3A_1067 = arith.constant 22 : i32
    %dma_start3A_1068 = arith.constant 1 : i32
    %dma_start3A_1069 = arith.constant 0 : i32
    %dma_start3A_1070 = arith.constant 0 : i32
    %dma_start3A_1071 = tpu.memref_slice %arg6[%dma_start3A_1068, %dma_start3A_1069, %dma_start3A_1070] : memref<3x32x1024xf32, #tpu.memory_space<vmem>> -> memref<1x32x1024xf32, #tpu.memory_space<vmem>>
    %dma_start3A_1072 = tpu.memref_squeeze %dma_start3A_1071 : memref<1x32x1024xf32, #tpu.memory_space<vmem>> -> memref<32x1024xf32, #tpu.memory_space<vmem>>
    %dma_start3A_1073 = arith.constant 0 : i32
    %dma_start3A_1074 = tpu.memref_slice %arg5[%dma_start3A_1067, %dma_start3A_1073] : memref<32x32xi32, #tpu.memory_space<vmem>> -> memref<1x32xi32, #tpu.memory_space<vmem>>
    %dma_start3A_1075 = tpu.memref_squeeze %dma_start3A_1074 : memref<1x32xi32, #tpu.memory_space<vmem>> -> memref<32xi32, #tpu.memory_space<vmem>>
    %dma_start3A_1076 = arith.constant 0 : i32
    %dma_start3A_1077 = arith.constant 0 : i32
    %dma_start3A_1078 = tpu.memref_slice %arg3[%dma_start3A_1076, %dma_start3A_1077] : memref<8192x1024xf32, #tpu.memory_space<hbm>> -> memref<8192x1024xf32, #tpu.memory_space<hbm>>
    tpu.enqueue_indirect_dma source(%dma_start3A_1078 : memref<8192x1024xf32, #tpu.memory_space<hbm>>) target(%dma_start3A_1072 : memref<32x1024xf32, #tpu.memory_space<vmem>>) offsets(%dma_start3A_1075 : memref<32xi32, #tpu.memory_space<vmem>>) semaphore(%arg8 : memref<!tpu.dma_semaphore, #tpu.memory_space<semaphore_mem>>)
    %dma_wait3A_1079 = arith.constant 20 : i32
    %dma_wait3A_1080 = arith.constant 2 : i32
    %dma_wait3A_1081 = arith.constant 0 : i32
    %dma_wait3A_1082 = arith.constant 0 : i32
    %dma_wait3A_1083 = tpu.memref_slice %arg6[%dma_wait3A_1080, %dma_wait3A_1081, %dma_wait3A_1082] : memref<3x32x1024xf32, #tpu.memory_space<vmem>> -> memref<1x32x1024xf32, #tpu.memory_space<vmem>>
    %dma_wait3A_1084 = tpu.memref_squeeze %dma_wait3A_1083 : memref<1x32x1024xf32, #tpu.memory_space<vmem>> -> memref<32x1024xf32, #tpu.memory_space<vmem>>
    %dma_wait3A_1085 = arith.constant 0 : i32
    %dma_wait3A_1086 = tpu.memref_slice %arg5[%dma_wait3A_1079, %dma_wait3A_1085] : memref<32x32xi32, #tpu.memory_space<vmem>> -> memref<1x32xi32, #tpu.memory_space<vmem>>
    %dma_wait3A_1087 = tpu.memref_squeeze %dma_wait3A_1086 : memref<1x32xi32, #tpu.memory_space<vmem>> -> memref<32xi32, #tpu.memory_space<vmem>>
    %dma_wait3A_1088 = arith.constant 0 : i32
    %dma_wait3A_1089 = arith.constant 0 : i32
    %dma_wait3A_1090 = tpu.memref_slice %arg3[%dma_wait3A_1088, %dma_wait3A_1089] : memref<8192x1024xf32, #tpu.memory_space<hbm>> -> memref<8192x1024xf32, #tpu.memory_space<hbm>>
    tpu.wait_indirect_dma semaphore(%arg9 : memref<!tpu.dma_semaphore, #tpu.memory_space<semaphore_mem>>) src(%dma_wait3A_1090 : memref<8192x1024xf32, #tpu.memory_space<hbm>>) dst(%dma_wait3A_1084 : memref<32x1024xf32, #tpu.memory_space<vmem>>)
    %add3A_1091 = arith.constant 640 : i32
    %add3A_1092 = arith.addi %mul3A_2, %add3A_1091 : i32
    %dma_start3A_1093 = arith.constant 2 : i32
    %dma_start3A_1094 = arith.constant 0 : i32
    %dma_start3A_1095 = arith.constant 0 : i32
    %dma_start3A_1096 = tpu.memref_slice %arg6[%dma_start3A_1093, %dma_start3A_1094, %dma_start3A_1095] : memref<3x32x1024xf32, #tpu.memory_space<vmem>> -> memref<1x32x1024xf32, #tpu.memory_space<vmem>>
    %dma_start3A_1097 = tpu.memref_squeeze %dma_start3A_1096 : memref<1x32x1024xf32, #tpu.memory_space<vmem>> -> memref<32x1024xf32, #tpu.memory_space<vmem>>
    %dma_start3A_1098 = arith.constant 0 : i32
    %dma_start3A_1099 = tpu.memref_slice %arg4[%add3A_1092, %dma_start3A_1098] : memref<32768x1024xf32, #tpu.memory_space<hbm>> -> memref<32x1024xf32, #tpu.memory_space<hbm>>
    %dma_start3A_1100 = arith.constant 0 : i32
    %dma_start3A_1101 = tpu.memref_slice %arg4[%add3A_1092, %dma_start3A_1100] : memref<32768x1024xf32, #tpu.memory_space<hbm>> -> memref<32x1024xf32, #tpu.memory_space<hbm>>
    %dma_start3A_1102 = arith.constant 0 : i32
    %dma_start3A_1103 = arith.constant 0 : i32
    %dma_start3A_1104 = tpu.memref_slice %arg6[%dma_start3A_1093, %dma_start3A_1102, %dma_start3A_1103] : memref<3x32x1024xf32, #tpu.memory_space<vmem>> -> memref<1x32x1024xf32, #tpu.memory_space<vmem>>
    %dma_start3A_1105 = tpu.memref_squeeze %dma_start3A_1104 : memref<1x32x1024xf32, #tpu.memory_space<vmem>> -> memref<32x1024xf32, #tpu.memory_space<vmem>>
    tpu.enqueue_dma source(%dma_start3A_1105 : memref<32x1024xf32, #tpu.memory_space<vmem>>) target(%dma_start3A_1101 : memref<32x1024xf32, #tpu.memory_space<hbm>>) target_semaphore(%arg12 : memref<!tpu.dma_semaphore, #tpu.memory_space<semaphore_mem>>)
    %dma_wait3A_1106 = arith.constant 2 : i32
    %dma_wait3A_1107 = arith.constant 0 : i32
    %dma_wait3A_1108 = arith.constant 0 : i32
    %dma_wait3A_1109 = tpu.memref_slice %arg6[%dma_wait3A_1106, %dma_wait3A_1107, %dma_wait3A_1108] : memref<3x32x1024xf32, #tpu.memory_space<vmem>> -> memref<1x32x1024xf32, #tpu.memory_space<vmem>>
    %dma_wait3A_1110 = tpu.memref_squeeze %dma_wait3A_1109 : memref<1x32x1024xf32, #tpu.memory_space<vmem>> -> memref<32x1024xf32, #tpu.memory_space<vmem>>
    %dma_wait3A_1111 = arith.constant 0 : i32
    %dma_wait3A_1112 = tpu.memref_slice %arg4[%add3A_1092, %dma_wait3A_1111] : memref<32768x1024xf32, #tpu.memory_space<hbm>> -> memref<32x1024xf32, #tpu.memory_space<hbm>>
    %dma_wait3A_1113 = arith.constant 0 : i32
    %dma_wait3A_1114 = tpu.memref_slice %arg4[%add3A_1092, %dma_wait3A_1113] : memref<32768x1024xf32, #tpu.memory_space<hbm>> -> memref<32x1024xf32, #tpu.memory_space<hbm>>
    %dma_wait3A_1115 = arith.constant 0 : i32
    %dma_wait3A_1116 = arith.constant 0 : i32
    %dma_wait3A_1117 = tpu.memref_slice %arg6[%dma_wait3A_1106, %dma_wait3A_1115, %dma_wait3A_1116] : memref<3x32x1024xf32, #tpu.memory_space<vmem>> -> memref<1x32x1024xf32, #tpu.memory_space<vmem>>
    %dma_wait3A_1118 = tpu.memref_squeeze %dma_wait3A_1117 : memref<1x32x1024xf32, #tpu.memory_space<vmem>> -> memref<32x1024xf32, #tpu.memory_space<vmem>>
    tpu.wait_dma2 semaphore(%arg12 : memref<!tpu.dma_semaphore, #tpu.memory_space<semaphore_mem>>) src(%dma_wait3A_1118 : memref<32x1024xf32, #tpu.memory_space<vmem>>) dst(%dma_wait3A_1114 : memref<32x1024xf32, #tpu.memory_space<hbm>>)
    %dma_start3A_1119 = arith.constant 23 : i32
    %dma_start3A_1120 = arith.constant 2 : i32
    %dma_start3A_1121 = arith.constant 0 : i32
    %dma_start3A_1122 = arith.constant 0 : i32
    %dma_start3A_1123 = tpu.memref_slice %arg6[%dma_start3A_1120, %dma_start3A_1121, %dma_start3A_1122] : memref<3x32x1024xf32, #tpu.memory_space<vmem>> -> memref<1x32x1024xf32, #tpu.memory_space<vmem>>
    %dma_start3A_1124 = tpu.memref_squeeze %dma_start3A_1123 : memref<1x32x1024xf32, #tpu.memory_space<vmem>> -> memref<32x1024xf32, #tpu.memory_space<vmem>>
    %dma_start3A_1125 = arith.constant 0 : i32
    %dma_start3A_1126 = tpu.memref_slice %arg5[%dma_start3A_1119, %dma_start3A_1125] : memref<32x32xi32, #tpu.memory_space<vmem>> -> memref<1x32xi32, #tpu.memory_space<vmem>>
    %dma_start3A_1127 = tpu.memref_squeeze %dma_start3A_1126 : memref<1x32xi32, #tpu.memory_space<vmem>> -> memref<32xi32, #tpu.memory_space<vmem>>
    %dma_start3A_1128 = arith.constant 0 : i32
    %dma_start3A_1129 = arith.constant 0 : i32
    %dma_start3A_1130 = tpu.memref_slice %arg3[%dma_start3A_1128, %dma_start3A_1129] : memref<8192x1024xf32, #tpu.memory_space<hbm>> -> memref<8192x1024xf32, #tpu.memory_space<hbm>>
    tpu.enqueue_indirect_dma source(%dma_start3A_1130 : memref<8192x1024xf32, #tpu.memory_space<hbm>>) target(%dma_start3A_1124 : memref<32x1024xf32, #tpu.memory_space<vmem>>) offsets(%dma_start3A_1127 : memref<32xi32, #tpu.memory_space<vmem>>) semaphore(%arg9 : memref<!tpu.dma_semaphore, #tpu.memory_space<semaphore_mem>>)
    %dma_wait3A_1131 = arith.constant 21 : i32
    %dma_wait3A_1132 = arith.constant 0 : i32
    %dma_wait3A_1133 = arith.constant 0 : i32
    %dma_wait3A_1134 = arith.constant 0 : i32
    %dma_wait3A_1135 = tpu.memref_slice %arg6[%dma_wait3A_1132, %dma_wait3A_1133, %dma_wait3A_1134] : memref<3x32x1024xf32, #tpu.memory_space<vmem>> -> memref<1x32x1024xf32, #tpu.memory_space<vmem>>
    %dma_wait3A_1136 = tpu.memref_squeeze %dma_wait3A_1135 : memref<1x32x1024xf32, #tpu.memory_space<vmem>> -> memref<32x1024xf32, #tpu.memory_space<vmem>>
    %dma_wait3A_1137 = arith.constant 0 : i32
    %dma_wait3A_1138 = tpu.memref_slice %arg5[%dma_wait3A_1131, %dma_wait3A_1137] : memref<32x32xi32, #tpu.memory_space<vmem>> -> memref<1x32xi32, #tpu.memory_space<vmem>>
    %dma_wait3A_1139 = tpu.memref_squeeze %dma_wait3A_1138 : memref<1x32xi32, #tpu.memory_space<vmem>> -> memref<32xi32, #tpu.memory_space<vmem>>
    %dma_wait3A_1140 = arith.constant 0 : i32
    %dma_wait3A_1141 = arith.constant 0 : i32
    %dma_wait3A_1142 = tpu.memref_slice %arg3[%dma_wait3A_1140, %dma_wait3A_1141] : memref<8192x1024xf32, #tpu.memory_space<hbm>> -> memref<8192x1024xf32, #tpu.memory_space<hbm>>
    tpu.wait_indirect_dma semaphore(%arg7 : memref<!tpu.dma_semaphore, #tpu.memory_space<semaphore_mem>>) src(%dma_wait3A_1142 : memref<8192x1024xf32, #tpu.memory_space<hbm>>) dst(%dma_wait3A_1136 : memref<32x1024xf32, #tpu.memory_space<vmem>>)
    %add3A_1143 = arith.constant 672 : i32
    %add3A_1144 = arith.addi %mul3A_2, %add3A_1143 : i32
    %dma_start3A_1145 = arith.constant 0 : i32
    %dma_start3A_1146 = arith.constant 0 : i32
    %dma_start3A_1147 = arith.constant 0 : i32
    %dma_start3A_1148 = tpu.memref_slice %arg6[%dma_start3A_1145, %dma_start3A_1146, %dma_start3A_1147] : memref<3x32x1024xf32, #tpu.memory_space<vmem>> -> memref<1x32x1024xf32, #tpu.memory_space<vmem>>
    %dma_start3A_1149 = tpu.memref_squeeze %dma_start3A_1148 : memref<1x32x1024xf32, #tpu.memory_space<vmem>> -> memref<32x1024xf32, #tpu.memory_space<vmem>>
    %dma_start3A_1150 = arith.constant 0 : i32
    %dma_start3A_1151 = tpu.memref_slice %arg4[%add3A_1144, %dma_start3A_1150] : memref<32768x1024xf32, #tpu.memory_space<hbm>> -> memref<32x1024xf32, #tpu.memory_space<hbm>>
    %dma_start3A_1152 = arith.constant 0 : i32
    %dma_start3A_1153 = tpu.memref_slice %arg4[%add3A_1144, %dma_start3A_1152] : memref<32768x1024xf32, #tpu.memory_space<hbm>> -> memref<32x1024xf32, #tpu.memory_space<hbm>>
    %dma_start3A_1154 = arith.constant 0 : i32
    %dma_start3A_1155 = arith.constant 0 : i32
    %dma_start3A_1156 = tpu.memref_slice %arg6[%dma_start3A_1145, %dma_start3A_1154, %dma_start3A_1155] : memref<3x32x1024xf32, #tpu.memory_space<vmem>> -> memref<1x32x1024xf32, #tpu.memory_space<vmem>>
    %dma_start3A_1157 = tpu.memref_squeeze %dma_start3A_1156 : memref<1x32x1024xf32, #tpu.memory_space<vmem>> -> memref<32x1024xf32, #tpu.memory_space<vmem>>
    tpu.enqueue_dma source(%dma_start3A_1157 : memref<32x1024xf32, #tpu.memory_space<vmem>>) target(%dma_start3A_1153 : memref<32x1024xf32, #tpu.memory_space<hbm>>) target_semaphore(%arg10 : memref<!tpu.dma_semaphore, #tpu.memory_space<semaphore_mem>>)
    %dma_wait3A_1158 = arith.constant 0 : i32
    %dma_wait3A_1159 = arith.constant 0 : i32
    %dma_wait3A_1160 = arith.constant 0 : i32
    %dma_wait3A_1161 = tpu.memref_slice %arg6[%dma_wait3A_1158, %dma_wait3A_1159, %dma_wait3A_1160] : memref<3x32x1024xf32, #tpu.memory_space<vmem>> -> memref<1x32x1024xf32, #tpu.memory_space<vmem>>
    %dma_wait3A_1162 = tpu.memref_squeeze %dma_wait3A_1161 : memref<1x32x1024xf32, #tpu.memory_space<vmem>> -> memref<32x1024xf32, #tpu.memory_space<vmem>>
    %dma_wait3A_1163 = arith.constant 0 : i32
    %dma_wait3A_1164 = tpu.memref_slice %arg4[%add3A_1144, %dma_wait3A_1163] : memref<32768x1024xf32, #tpu.memory_space<hbm>> -> memref<32x1024xf32, #tpu.memory_space<hbm>>
    %dma_wait3A_1165 = arith.constant 0 : i32
    %dma_wait3A_1166 = tpu.memref_slice %arg4[%add3A_1144, %dma_wait3A_1165] : memref<32768x1024xf32, #tpu.memory_space<hbm>> -> memref<32x1024xf32, #tpu.memory_space<hbm>>
    %dma_wait3A_1167 = arith.constant 0 : i32
    %dma_wait3A_1168 = arith.constant 0 : i32
    %dma_wait3A_1169 = tpu.memref_slice %arg6[%dma_wait3A_1158, %dma_wait3A_1167, %dma_wait3A_1168] : memref<3x32x1024xf32, #tpu.memory_space<vmem>> -> memref<1x32x1024xf32, #tpu.memory_space<vmem>>
    %dma_wait3A_1170 = tpu.memref_squeeze %dma_wait3A_1169 : memref<1x32x1024xf32, #tpu.memory_space<vmem>> -> memref<32x1024xf32, #tpu.memory_space<vmem>>
    tpu.wait_dma2 semaphore(%arg10 : memref<!tpu.dma_semaphore, #tpu.memory_space<semaphore_mem>>) src(%dma_wait3A_1170 : memref<32x1024xf32, #tpu.memory_space<vmem>>) dst(%dma_wait3A_1166 : memref<32x1024xf32, #tpu.memory_space<hbm>>)
    %dma_start3A_1171 = arith.constant 24 : i32
    %dma_start3A_1172 = arith.constant 0 : i32
    %dma_start3A_1173 = arith.constant 0 : i32
    %dma_start3A_1174 = arith.constant 0 : i32
    %dma_start3A_1175 = tpu.memref_slice %arg6[%dma_start3A_1172, %dma_start3A_1173, %dma_start3A_1174] : memref<3x32x1024xf32, #tpu.memory_space<vmem>> -> memref<1x32x1024xf32, #tpu.memory_space<vmem>>
    %dma_start3A_1176 = tpu.memref_squeeze %dma_start3A_1175 : memref<1x32x1024xf32, #tpu.memory_space<vmem>> -> memref<32x1024xf32, #tpu.memory_space<vmem>>
    %dma_start3A_1177 = arith.constant 0 : i32
    %dma_start3A_1178 = tpu.memref_slice %arg5[%dma_start3A_1171, %dma_start3A_1177] : memref<32x32xi32, #tpu.memory_space<vmem>> -> memref<1x32xi32, #tpu.memory_space<vmem>>
    %dma_start3A_1179 = tpu.memref_squeeze %dma_start3A_1178 : memref<1x32xi32, #tpu.memory_space<vmem>> -> memref<32xi32, #tpu.memory_space<vmem>>
    %dma_start3A_1180 = arith.constant 0 : i32
    %dma_start3A_1181 = arith.constant 0 : i32
    %dma_start3A_1182 = tpu.memref_slice %arg3[%dma_start3A_1180, %dma_start3A_1181] : memref<8192x1024xf32, #tpu.memory_space<hbm>> -> memref<8192x1024xf32, #tpu.memory_space<hbm>>
    tpu.enqueue_indirect_dma source(%dma_start3A_1182 : memref<8192x1024xf32, #tpu.memory_space<hbm>>) target(%dma_start3A_1176 : memref<32x1024xf32, #tpu.memory_space<vmem>>) offsets(%dma_start3A_1179 : memref<32xi32, #tpu.memory_space<vmem>>) semaphore(%arg7 : memref<!tpu.dma_semaphore, #tpu.memory_space<semaphore_mem>>)
    %dma_wait3A_1183 = arith.constant 22 : i32
    %dma_wait3A_1184 = arith.constant 1 : i32
    %dma_wait3A_1185 = arith.constant 0 : i32
    %dma_wait3A_1186 = arith.constant 0 : i32
    %dma_wait3A_1187 = tpu.memref_slice %arg6[%dma_wait3A_1184, %dma_wait3A_1185, %dma_wait3A_1186] : memref<3x32x1024xf32, #tpu.memory_space<vmem>> -> memref<1x32x1024xf32, #tpu.memory_space<vmem>>
    %dma_wait3A_1188 = tpu.memref_squeeze %dma_wait3A_1187 : memref<1x32x1024xf32, #tpu.memory_space<vmem>> -> memref<32x1024xf32, #tpu.memory_space<vmem>>
    %dma_wait3A_1189 = arith.constant 0 : i32
    %dma_wait3A_1190 = tpu.memref_slice %arg5[%dma_wait3A_1183, %dma_wait3A_1189] : memref<32x32xi32, #tpu.memory_space<vmem>> -> memref<1x32xi32, #tpu.memory_space<vmem>>
    %dma_wait3A_1191 = tpu.memref_squeeze %dma_wait3A_1190 : memref<1x32xi32, #tpu.memory_space<vmem>> -> memref<32xi32, #tpu.memory_space<vmem>>
    %dma_wait3A_1192 = arith.constant 0 : i32
    %dma_wait3A_1193 = arith.constant 0 : i32
    %dma_wait3A_1194 = tpu.memref_slice %arg3[%dma_wait3A_1192, %dma_wait3A_1193] : memref<8192x1024xf32, #tpu.memory_space<hbm>> -> memref<8192x1024xf32, #tpu.memory_space<hbm>>
    tpu.wait_indirect_dma semaphore(%arg8 : memref<!tpu.dma_semaphore, #tpu.memory_space<semaphore_mem>>) src(%dma_wait3A_1194 : memref<8192x1024xf32, #tpu.memory_space<hbm>>) dst(%dma_wait3A_1188 : memref<32x1024xf32, #tpu.memory_space<vmem>>)
    %add3A_1195 = arith.constant 704 : i32
    %add3A_1196 = arith.addi %mul3A_2, %add3A_1195 : i32
    %dma_start3A_1197 = arith.constant 1 : i32
    %dma_start3A_1198 = arith.constant 0 : i32
    %dma_start3A_1199 = arith.constant 0 : i32
    %dma_start3A_1200 = tpu.memref_slice %arg6[%dma_start3A_1197, %dma_start3A_1198, %dma_start3A_1199] : memref<3x32x1024xf32, #tpu.memory_space<vmem>> -> memref<1x32x1024xf32, #tpu.memory_space<vmem>>
    %dma_start3A_1201 = tpu.memref_squeeze %dma_start3A_1200 : memref<1x32x1024xf32, #tpu.memory_space<vmem>> -> memref<32x1024xf32, #tpu.memory_space<vmem>>
    %dma_start3A_1202 = arith.constant 0 : i32
    %dma_start3A_1203 = tpu.memref_slice %arg4[%add3A_1196, %dma_start3A_1202] : memref<32768x1024xf32, #tpu.memory_space<hbm>> -> memref<32x1024xf32, #tpu.memory_space<hbm>>
    %dma_start3A_1204 = arith.constant 0 : i32
    %dma_start3A_1205 = tpu.memref_slice %arg4[%add3A_1196, %dma_start3A_1204] : memref<32768x1024xf32, #tpu.memory_space<hbm>> -> memref<32x1024xf32, #tpu.memory_space<hbm>>
    %dma_start3A_1206 = arith.constant 0 : i32
    %dma_start3A_1207 = arith.constant 0 : i32
    %dma_start3A_1208 = tpu.memref_slice %arg6[%dma_start3A_1197, %dma_start3A_1206, %dma_start3A_1207] : memref<3x32x1024xf32, #tpu.memory_space<vmem>> -> memref<1x32x1024xf32, #tpu.memory_space<vmem>>
    %dma_start3A_1209 = tpu.memref_squeeze %dma_start3A_1208 : memref<1x32x1024xf32, #tpu.memory_space<vmem>> -> memref<32x1024xf32, #tpu.memory_space<vmem>>
    tpu.enqueue_dma source(%dma_start3A_1209 : memref<32x1024xf32, #tpu.memory_space<vmem>>) target(%dma_start3A_1205 : memref<32x1024xf32, #tpu.memory_space<hbm>>) target_semaphore(%arg11 : memref<!tpu.dma_semaphore, #tpu.memory_space<semaphore_mem>>)
    %dma_wait3A_1210 = arith.constant 1 : i32
    %dma_wait3A_1211 = arith.constant 0 : i32
    %dma_wait3A_1212 = arith.constant 0 : i32
    %dma_wait3A_1213 = tpu.memref_slice %arg6[%dma_wait3A_1210, %dma_wait3A_1211, %dma_wait3A_1212] : memref<3x32x1024xf32, #tpu.memory_space<vmem>> -> memref<1x32x1024xf32, #tpu.memory_space<vmem>>
    %dma_wait3A_1214 = tpu.memref_squeeze %dma_wait3A_1213 : memref<1x32x1024xf32, #tpu.memory_space<vmem>> -> memref<32x1024xf32, #tpu.memory_space<vmem>>
    %dma_wait3A_1215 = arith.constant 0 : i32
    %dma_wait3A_1216 = tpu.memref_slice %arg4[%add3A_1196, %dma_wait3A_1215] : memref<32768x1024xf32, #tpu.memory_space<hbm>> -> memref<32x1024xf32, #tpu.memory_space<hbm>>
    %dma_wait3A_1217 = arith.constant 0 : i32
    %dma_wait3A_1218 = tpu.memref_slice %arg4[%add3A_1196, %dma_wait3A_1217] : memref<32768x1024xf32, #tpu.memory_space<hbm>> -> memref<32x1024xf32, #tpu.memory_space<hbm>>
    %dma_wait3A_1219 = arith.constant 0 : i32
    %dma_wait3A_1220 = arith.constant 0 : i32
    %dma_wait3A_1221 = tpu.memref_slice %arg6[%dma_wait3A_1210, %dma_wait3A_1219, %dma_wait3A_1220] : memref<3x32x1024xf32, #tpu.memory_space<vmem>> -> memref<1x32x1024xf32, #tpu.memory_space<vmem>>
    %dma_wait3A_1222 = tpu.memref_squeeze %dma_wait3A_1221 : memref<1x32x1024xf32, #tpu.memory_space<vmem>> -> memref<32x1024xf32, #tpu.memory_space<vmem>>
    tpu.wait_dma2 semaphore(%arg11 : memref<!tpu.dma_semaphore, #tpu.memory_space<semaphore_mem>>) src(%dma_wait3A_1222 : memref<32x1024xf32, #tpu.memory_space<vmem>>) dst(%dma_wait3A_1218 : memref<32x1024xf32, #tpu.memory_space<hbm>>)
    %dma_start3A_1223 = arith.constant 25 : i32
    %dma_start3A_1224 = arith.constant 1 : i32
    %dma_start3A_1225 = arith.constant 0 : i32
    %dma_start3A_1226 = arith.constant 0 : i32
    %dma_start3A_1227 = tpu.memref_slice %arg6[%dma_start3A_1224, %dma_start3A_1225, %dma_start3A_1226] : memref<3x32x1024xf32, #tpu.memory_space<vmem>> -> memref<1x32x1024xf32, #tpu.memory_space<vmem>>
    %dma_start3A_1228 = tpu.memref_squeeze %dma_start3A_1227 : memref<1x32x1024xf32, #tpu.memory_space<vmem>> -> memref<32x1024xf32, #tpu.memory_space<vmem>>
    %dma_start3A_1229 = arith.constant 0 : i32
    %dma_start3A_1230 = tpu.memref_slice %arg5[%dma_start3A_1223, %dma_start3A_1229] : memref<32x32xi32, #tpu.memory_space<vmem>> -> memref<1x32xi32, #tpu.memory_space<vmem>>
    %dma_start3A_1231 = tpu.memref_squeeze %dma_start3A_1230 : memref<1x32xi32, #tpu.memory_space<vmem>> -> memref<32xi32, #tpu.memory_space<vmem>>
    %dma_start3A_1232 = arith.constant 0 : i32
    %dma_start3A_1233 = arith.constant 0 : i32
    %dma_start3A_1234 = tpu.memref_slice %arg3[%dma_start3A_1232, %dma_start3A_1233] : memref<8192x1024xf32, #tpu.memory_space<hbm>> -> memref<8192x1024xf32, #tpu.memory_space<hbm>>
    tpu.enqueue_indirect_dma source(%dma_start3A_1234 : memref<8192x1024xf32, #tpu.memory_space<hbm>>) target(%dma_start3A_1228 : memref<32x1024xf32, #tpu.memory_space<vmem>>) offsets(%dma_start3A_1231 : memref<32xi32, #tpu.memory_space<vmem>>) semaphore(%arg8 : memref<!tpu.dma_semaphore, #tpu.memory_space<semaphore_mem>>)
    %dma_wait3A_1235 = arith.constant 23 : i32
    %dma_wait3A_1236 = arith.constant 2 : i32
    %dma_wait3A_1237 = arith.constant 0 : i32
    %dma_wait3A_1238 = arith.constant 0 : i32
    %dma_wait3A_1239 = tpu.memref_slice %arg6[%dma_wait3A_1236, %dma_wait3A_1237, %dma_wait3A_1238] : memref<3x32x1024xf32, #tpu.memory_space<vmem>> -> memref<1x32x1024xf32, #tpu.memory_space<vmem>>
    %dma_wait3A_1240 = tpu.memref_squeeze %dma_wait3A_1239 : memref<1x32x1024xf32, #tpu.memory_space<vmem>> -> memref<32x1024xf32, #tpu.memory_space<vmem>>
    %dma_wait3A_1241 = arith.constant 0 : i32
    %dma_wait3A_1242 = tpu.memref_slice %arg5[%dma_wait3A_1235, %dma_wait3A_1241] : memref<32x32xi32, #tpu.memory_space<vmem>> -> memref<1x32xi32, #tpu.memory_space<vmem>>
    %dma_wait3A_1243 = tpu.memref_squeeze %dma_wait3A_1242 : memref<1x32xi32, #tpu.memory_space<vmem>> -> memref<32xi32, #tpu.memory_space<vmem>>
    %dma_wait3A_1244 = arith.constant 0 : i32
    %dma_wait3A_1245 = arith.constant 0 : i32
    %dma_wait3A_1246 = tpu.memref_slice %arg3[%dma_wait3A_1244, %dma_wait3A_1245] : memref<8192x1024xf32, #tpu.memory_space<hbm>> -> memref<8192x1024xf32, #tpu.memory_space<hbm>>
    tpu.wait_indirect_dma semaphore(%arg9 : memref<!tpu.dma_semaphore, #tpu.memory_space<semaphore_mem>>) src(%dma_wait3A_1246 : memref<8192x1024xf32, #tpu.memory_space<hbm>>) dst(%dma_wait3A_1240 : memref<32x1024xf32, #tpu.memory_space<vmem>>)
    %add3A_1247 = arith.constant 736 : i32
    %add3A_1248 = arith.addi %mul3A_2, %add3A_1247 : i32
    %dma_start3A_1249 = arith.constant 2 : i32
    %dma_start3A_1250 = arith.constant 0 : i32
    %dma_start3A_1251 = arith.constant 0 : i32
    %dma_start3A_1252 = tpu.memref_slice %arg6[%dma_start3A_1249, %dma_start3A_1250, %dma_start3A_1251] : memref<3x32x1024xf32, #tpu.memory_space<vmem>> -> memref<1x32x1024xf32, #tpu.memory_space<vmem>>
    %dma_start3A_1253 = tpu.memref_squeeze %dma_start3A_1252 : memref<1x32x1024xf32, #tpu.memory_space<vmem>> -> memref<32x1024xf32, #tpu.memory_space<vmem>>
    %dma_start3A_1254 = arith.constant 0 : i32
    %dma_start3A_1255 = tpu.memref_slice %arg4[%add3A_1248, %dma_start3A_1254] : memref<32768x1024xf32, #tpu.memory_space<hbm>> -> memref<32x1024xf32, #tpu.memory_space<hbm>>
    %dma_start3A_1256 = arith.constant 0 : i32
    %dma_start3A_1257 = tpu.memref_slice %arg4[%add3A_1248, %dma_start3A_1256] : memref<32768x1024xf32, #tpu.memory_space<hbm>> -> memref<32x1024xf32, #tpu.memory_space<hbm>>
    %dma_start3A_1258 = arith.constant 0 : i32
    %dma_start3A_1259 = arith.constant 0 : i32
    %dma_start3A_1260 = tpu.memref_slice %arg6[%dma_start3A_1249, %dma_start3A_1258, %dma_start3A_1259] : memref<3x32x1024xf32, #tpu.memory_space<vmem>> -> memref<1x32x1024xf32, #tpu.memory_space<vmem>>
    %dma_start3A_1261 = tpu.memref_squeeze %dma_start3A_1260 : memref<1x32x1024xf32, #tpu.memory_space<vmem>> -> memref<32x1024xf32, #tpu.memory_space<vmem>>
    tpu.enqueue_dma source(%dma_start3A_1261 : memref<32x1024xf32, #tpu.memory_space<vmem>>) target(%dma_start3A_1257 : memref<32x1024xf32, #tpu.memory_space<hbm>>) target_semaphore(%arg12 : memref<!tpu.dma_semaphore, #tpu.memory_space<semaphore_mem>>)
    %dma_wait3A_1262 = arith.constant 2 : i32
    %dma_wait3A_1263 = arith.constant 0 : i32
    %dma_wait3A_1264 = arith.constant 0 : i32
    %dma_wait3A_1265 = tpu.memref_slice %arg6[%dma_wait3A_1262, %dma_wait3A_1263, %dma_wait3A_1264] : memref<3x32x1024xf32, #tpu.memory_space<vmem>> -> memref<1x32x1024xf32, #tpu.memory_space<vmem>>
    %dma_wait3A_1266 = tpu.memref_squeeze %dma_wait3A_1265 : memref<1x32x1024xf32, #tpu.memory_space<vmem>> -> memref<32x1024xf32, #tpu.memory_space<vmem>>
    %dma_wait3A_1267 = arith.constant 0 : i32
    %dma_wait3A_1268 = tpu.memref_slice %arg4[%add3A_1248, %dma_wait3A_1267] : memref<32768x1024xf32, #tpu.memory_space<hbm>> -> memref<32x1024xf32, #tpu.memory_space<hbm>>
    %dma_wait3A_1269 = arith.constant 0 : i32
    %dma_wait3A_1270 = tpu.memref_slice %arg4[%add3A_1248, %dma_wait3A_1269] : memref<32768x1024xf32, #tpu.memory_space<hbm>> -> memref<32x1024xf32, #tpu.memory_space<hbm>>
    %dma_wait3A_1271 = arith.constant 0 : i32
    %dma_wait3A_1272 = arith.constant 0 : i32
    %dma_wait3A_1273 = tpu.memref_slice %arg6[%dma_wait3A_1262, %dma_wait3A_1271, %dma_wait3A_1272] : memref<3x32x1024xf32, #tpu.memory_space<vmem>> -> memref<1x32x1024xf32, #tpu.memory_space<vmem>>
    %dma_wait3A_1274 = tpu.memref_squeeze %dma_wait3A_1273 : memref<1x32x1024xf32, #tpu.memory_space<vmem>> -> memref<32x1024xf32, #tpu.memory_space<vmem>>
    tpu.wait_dma2 semaphore(%arg12 : memref<!tpu.dma_semaphore, #tpu.memory_space<semaphore_mem>>) src(%dma_wait3A_1274 : memref<32x1024xf32, #tpu.memory_space<vmem>>) dst(%dma_wait3A_1270 : memref<32x1024xf32, #tpu.memory_space<hbm>>)
    %dma_start3A_1275 = arith.constant 26 : i32
    %dma_start3A_1276 = arith.constant 2 : i32
    %dma_start3A_1277 = arith.constant 0 : i32
    %dma_start3A_1278 = arith.constant 0 : i32
    %dma_start3A_1279 = tpu.memref_slice %arg6[%dma_start3A_1276, %dma_start3A_1277, %dma_start3A_1278] : memref<3x32x1024xf32, #tpu.memory_space<vmem>> -> memref<1x32x1024xf32, #tpu.memory_space<vmem>>
    %dma_start3A_1280 = tpu.memref_squeeze %dma_start3A_1279 : memref<1x32x1024xf32, #tpu.memory_space<vmem>> -> memref<32x1024xf32, #tpu.memory_space<vmem>>
    %dma_start3A_1281 = arith.constant 0 : i32
    %dma_start3A_1282 = tpu.memref_slice %arg5[%dma_start3A_1275, %dma_start3A_1281] : memref<32x32xi32, #tpu.memory_space<vmem>> -> memref<1x32xi32, #tpu.memory_space<vmem>>
    %dma_start3A_1283 = tpu.memref_squeeze %dma_start3A_1282 : memref<1x32xi32, #tpu.memory_space<vmem>> -> memref<32xi32, #tpu.memory_space<vmem>>
    %dma_start3A_1284 = arith.constant 0 : i32
    %dma_start3A_1285 = arith.constant 0 : i32
    %dma_start3A_1286 = tpu.memref_slice %arg3[%dma_start3A_1284, %dma_start3A_1285] : memref<8192x1024xf32, #tpu.memory_space<hbm>> -> memref<8192x1024xf32, #tpu.memory_space<hbm>>
    tpu.enqueue_indirect_dma source(%dma_start3A_1286 : memref<8192x1024xf32, #tpu.memory_space<hbm>>) target(%dma_start3A_1280 : memref<32x1024xf32, #tpu.memory_space<vmem>>) offsets(%dma_start3A_1283 : memref<32xi32, #tpu.memory_space<vmem>>) semaphore(%arg9 : memref<!tpu.dma_semaphore, #tpu.memory_space<semaphore_mem>>)
    %dma_wait3A_1287 = arith.constant 24 : i32
    %dma_wait3A_1288 = arith.constant 0 : i32
    %dma_wait3A_1289 = arith.constant 0 : i32
    %dma_wait3A_1290 = arith.constant 0 : i32
    %dma_wait3A_1291 = tpu.memref_slice %arg6[%dma_wait3A_1288, %dma_wait3A_1289, %dma_wait3A_1290] : memref<3x32x1024xf32, #tpu.memory_space<vmem>> -> memref<1x32x1024xf32, #tpu.memory_space<vmem>>
    %dma_wait3A_1292 = tpu.memref_squeeze %dma_wait3A_1291 : memref<1x32x1024xf32, #tpu.memory_space<vmem>> -> memref<32x1024xf32, #tpu.memory_space<vmem>>
    %dma_wait3A_1293 = arith.constant 0 : i32
    %dma_wait3A_1294 = tpu.memref_slice %arg5[%dma_wait3A_1287, %dma_wait3A_1293] : memref<32x32xi32, #tpu.memory_space<vmem>> -> memref<1x32xi32, #tpu.memory_space<vmem>>
    %dma_wait3A_1295 = tpu.memref_squeeze %dma_wait3A_1294 : memref<1x32xi32, #tpu.memory_space<vmem>> -> memref<32xi32, #tpu.memory_space<vmem>>
    %dma_wait3A_1296 = arith.constant 0 : i32
    %dma_wait3A_1297 = arith.constant 0 : i32
    %dma_wait3A_1298 = tpu.memref_slice %arg3[%dma_wait3A_1296, %dma_wait3A_1297] : memref<8192x1024xf32, #tpu.memory_space<hbm>> -> memref<8192x1024xf32, #tpu.memory_space<hbm>>
    tpu.wait_indirect_dma semaphore(%arg7 : memref<!tpu.dma_semaphore, #tpu.memory_space<semaphore_mem>>) src(%dma_wait3A_1298 : memref<8192x1024xf32, #tpu.memory_space<hbm>>) dst(%dma_wait3A_1292 : memref<32x1024xf32, #tpu.memory_space<vmem>>)
    %add3A_1299 = arith.constant 768 : i32
    %add3A_1300 = arith.addi %mul3A_2, %add3A_1299 : i32
    %dma_start3A_1301 = arith.constant 0 : i32
    %dma_start3A_1302 = arith.constant 0 : i32
    %dma_start3A_1303 = arith.constant 0 : i32
    %dma_start3A_1304 = tpu.memref_slice %arg6[%dma_start3A_1301, %dma_start3A_1302, %dma_start3A_1303] : memref<3x32x1024xf32, #tpu.memory_space<vmem>> -> memref<1x32x1024xf32, #tpu.memory_space<vmem>>
    %dma_start3A_1305 = tpu.memref_squeeze %dma_start3A_1304 : memref<1x32x1024xf32, #tpu.memory_space<vmem>> -> memref<32x1024xf32, #tpu.memory_space<vmem>>
    %dma_start3A_1306 = arith.constant 0 : i32
    %dma_start3A_1307 = tpu.memref_slice %arg4[%add3A_1300, %dma_start3A_1306] : memref<32768x1024xf32, #tpu.memory_space<hbm>> -> memref<32x1024xf32, #tpu.memory_space<hbm>>
    %dma_start3A_1308 = arith.constant 0 : i32
    %dma_start3A_1309 = tpu.memref_slice %arg4[%add3A_1300, %dma_start3A_1308] : memref<32768x1024xf32, #tpu.memory_space<hbm>> -> memref<32x1024xf32, #tpu.memory_space<hbm>>
    %dma_start3A_1310 = arith.constant 0 : i32
    %dma_start3A_1311 = arith.constant 0 : i32
    %dma_start3A_1312 = tpu.memref_slice %arg6[%dma_start3A_1301, %dma_start3A_1310, %dma_start3A_1311] : memref<3x32x1024xf32, #tpu.memory_space<vmem>> -> memref<1x32x1024xf32, #tpu.memory_space<vmem>>
    %dma_start3A_1313 = tpu.memref_squeeze %dma_start3A_1312 : memref<1x32x1024xf32, #tpu.memory_space<vmem>> -> memref<32x1024xf32, #tpu.memory_space<vmem>>
    tpu.enqueue_dma source(%dma_start3A_1313 : memref<32x1024xf32, #tpu.memory_space<vmem>>) target(%dma_start3A_1309 : memref<32x1024xf32, #tpu.memory_space<hbm>>) target_semaphore(%arg10 : memref<!tpu.dma_semaphore, #tpu.memory_space<semaphore_mem>>)
    %dma_wait3A_1314 = arith.constant 0 : i32
    %dma_wait3A_1315 = arith.constant 0 : i32
    %dma_wait3A_1316 = arith.constant 0 : i32
    %dma_wait3A_1317 = tpu.memref_slice %arg6[%dma_wait3A_1314, %dma_wait3A_1315, %dma_wait3A_1316] : memref<3x32x1024xf32, #tpu.memory_space<vmem>> -> memref<1x32x1024xf32, #tpu.memory_space<vmem>>
    %dma_wait3A_1318 = tpu.memref_squeeze %dma_wait3A_1317 : memref<1x32x1024xf32, #tpu.memory_space<vmem>> -> memref<32x1024xf32, #tpu.memory_space<vmem>>
    %dma_wait3A_1319 = arith.constant 0 : i32
    %dma_wait3A_1320 = tpu.memref_slice %arg4[%add3A_1300, %dma_wait3A_1319] : memref<32768x1024xf32, #tpu.memory_space<hbm>> -> memref<32x1024xf32, #tpu.memory_space<hbm>>
    %dma_wait3A_1321 = arith.constant 0 : i32
    %dma_wait3A_1322 = tpu.memref_slice %arg4[%add3A_1300, %dma_wait3A_1321] : memref<32768x1024xf32, #tpu.memory_space<hbm>> -> memref<32x1024xf32, #tpu.memory_space<hbm>>
    %dma_wait3A_1323 = arith.constant 0 : i32
    %dma_wait3A_1324 = arith.constant 0 : i32
    %dma_wait3A_1325 = tpu.memref_slice %arg6[%dma_wait3A_1314, %dma_wait3A_1323, %dma_wait3A_1324] : memref<3x32x1024xf32, #tpu.memory_space<vmem>> -> memref<1x32x1024xf32, #tpu.memory_space<vmem>>
    %dma_wait3A_1326 = tpu.memref_squeeze %dma_wait3A_1325 : memref<1x32x1024xf32, #tpu.memory_space<vmem>> -> memref<32x1024xf32, #tpu.memory_space<vmem>>
    tpu.wait_dma2 semaphore(%arg10 : memref<!tpu.dma_semaphore, #tpu.memory_space<semaphore_mem>>) src(%dma_wait3A_1326 : memref<32x1024xf32, #tpu.memory_space<vmem>>) dst(%dma_wait3A_1322 : memref<32x1024xf32, #tpu.memory_space<hbm>>)
    %dma_start3A_1327 = arith.constant 27 : i32
    %dma_start3A_1328 = arith.constant 0 : i32
    %dma_start3A_1329 = arith.constant 0 : i32
    %dma_start3A_1330 = arith.constant 0 : i32
    %dma_start3A_1331 = tpu.memref_slice %arg6[%dma_start3A_1328, %dma_start3A_1329, %dma_start3A_1330] : memref<3x32x1024xf32, #tpu.memory_space<vmem>> -> memref<1x32x1024xf32, #tpu.memory_space<vmem>>
    %dma_start3A_1332 = tpu.memref_squeeze %dma_start3A_1331 : memref<1x32x1024xf32, #tpu.memory_space<vmem>> -> memref<32x1024xf32, #tpu.memory_space<vmem>>
    %dma_start3A_1333 = arith.constant 0 : i32
    %dma_start3A_1334 = tpu.memref_slice %arg5[%dma_start3A_1327, %dma_start3A_1333] : memref<32x32xi32, #tpu.memory_space<vmem>> -> memref<1x32xi32, #tpu.memory_space<vmem>>
    %dma_start3A_1335 = tpu.memref_squeeze %dma_start3A_1334 : memref<1x32xi32, #tpu.memory_space<vmem>> -> memref<32xi32, #tpu.memory_space<vmem>>
    %dma_start3A_1336 = arith.constant 0 : i32
    %dma_start3A_1337 = arith.constant 0 : i32
    %dma_start3A_1338 = tpu.memref_slice %arg3[%dma_start3A_1336, %dma_start3A_1337] : memref<8192x1024xf32, #tpu.memory_space<hbm>> -> memref<8192x1024xf32, #tpu.memory_space<hbm>>
    tpu.enqueue_indirect_dma source(%dma_start3A_1338 : memref<8192x1024xf32, #tpu.memory_space<hbm>>) target(%dma_start3A_1332 : memref<32x1024xf32, #tpu.memory_space<vmem>>) offsets(%dma_start3A_1335 : memref<32xi32, #tpu.memory_space<vmem>>) semaphore(%arg7 : memref<!tpu.dma_semaphore, #tpu.memory_space<semaphore_mem>>)
    %dma_wait3A_1339 = arith.constant 25 : i32
    %dma_wait3A_1340 = arith.constant 1 : i32
    %dma_wait3A_1341 = arith.constant 0 : i32
    %dma_wait3A_1342 = arith.constant 0 : i32
    %dma_wait3A_1343 = tpu.memref_slice %arg6[%dma_wait3A_1340, %dma_wait3A_1341, %dma_wait3A_1342] : memref<3x32x1024xf32, #tpu.memory_space<vmem>> -> memref<1x32x1024xf32, #tpu.memory_space<vmem>>
    %dma_wait3A_1344 = tpu.memref_squeeze %dma_wait3A_1343 : memref<1x32x1024xf32, #tpu.memory_space<vmem>> -> memref<32x1024xf32, #tpu.memory_space<vmem>>
    %dma_wait3A_1345 = arith.constant 0 : i32
    %dma_wait3A_1346 = tpu.memref_slice %arg5[%dma_wait3A_1339, %dma_wait3A_1345] : memref<32x32xi32, #tpu.memory_space<vmem>> -> memref<1x32xi32, #tpu.memory_space<vmem>>
    %dma_wait3A_1347 = tpu.memref_squeeze %dma_wait3A_1346 : memref<1x32xi32, #tpu.memory_space<vmem>> -> memref<32xi32, #tpu.memory_space<vmem>>
    %dma_wait3A_1348 = arith.constant 0 : i32
    %dma_wait3A_1349 = arith.constant 0 : i32
    %dma_wait3A_1350 = tpu.memref_slice %arg3[%dma_wait3A_1348, %dma_wait3A_1349] : memref<8192x1024xf32, #tpu.memory_space<hbm>> -> memref<8192x1024xf32, #tpu.memory_space<hbm>>
    tpu.wait_indirect_dma semaphore(%arg8 : memref<!tpu.dma_semaphore, #tpu.memory_space<semaphore_mem>>) src(%dma_wait3A_1350 : memref<8192x1024xf32, #tpu.memory_space<hbm>>) dst(%dma_wait3A_1344 : memref<32x1024xf32, #tpu.memory_space<vmem>>)
    %add3A_1351 = arith.constant 800 : i32
    %add3A_1352 = arith.addi %mul3A_2, %add3A_1351 : i32
    %dma_start3A_1353 = arith.constant 1 : i32
    %dma_start3A_1354 = arith.constant 0 : i32
    %dma_start3A_1355 = arith.constant 0 : i32
    %dma_start3A_1356 = tpu.memref_slice %arg6[%dma_start3A_1353, %dma_start3A_1354, %dma_start3A_1355] : memref<3x32x1024xf32, #tpu.memory_space<vmem>> -> memref<1x32x1024xf32, #tpu.memory_space<vmem>>
    %dma_start3A_1357 = tpu.memref_squeeze %dma_start3A_1356 : memref<1x32x1024xf32, #tpu.memory_space<vmem>> -> memref<32x1024xf32, #tpu.memory_space<vmem>>
    %dma_start3A_1358 = arith.constant 0 : i32
    %dma_start3A_1359 = tpu.memref_slice %arg4[%add3A_1352, %dma_start3A_1358] : memref<32768x1024xf32, #tpu.memory_space<hbm>> -> memref<32x1024xf32, #tpu.memory_space<hbm>>
    %dma_start3A_1360 = arith.constant 0 : i32
    %dma_start3A_1361 = tpu.memref_slice %arg4[%add3A_1352, %dma_start3A_1360] : memref<32768x1024xf32, #tpu.memory_space<hbm>> -> memref<32x1024xf32, #tpu.memory_space<hbm>>
    %dma_start3A_1362 = arith.constant 0 : i32
    %dma_start3A_1363 = arith.constant 0 : i32
    %dma_start3A_1364 = tpu.memref_slice %arg6[%dma_start3A_1353, %dma_start3A_1362, %dma_start3A_1363] : memref<3x32x1024xf32, #tpu.memory_space<vmem>> -> memref<1x32x1024xf32, #tpu.memory_space<vmem>>
    %dma_start3A_1365 = tpu.memref_squeeze %dma_start3A_1364 : memref<1x32x1024xf32, #tpu.memory_space<vmem>> -> memref<32x1024xf32, #tpu.memory_space<vmem>>
    tpu.enqueue_dma source(%dma_start3A_1365 : memref<32x1024xf32, #tpu.memory_space<vmem>>) target(%dma_start3A_1361 : memref<32x1024xf32, #tpu.memory_space<hbm>>) target_semaphore(%arg11 : memref<!tpu.dma_semaphore, #tpu.memory_space<semaphore_mem>>)
    %dma_wait3A_1366 = arith.constant 1 : i32
    %dma_wait3A_1367 = arith.constant 0 : i32
    %dma_wait3A_1368 = arith.constant 0 : i32
    %dma_wait3A_1369 = tpu.memref_slice %arg6[%dma_wait3A_1366, %dma_wait3A_1367, %dma_wait3A_1368] : memref<3x32x1024xf32, #tpu.memory_space<vmem>> -> memref<1x32x1024xf32, #tpu.memory_space<vmem>>
    %dma_wait3A_1370 = tpu.memref_squeeze %dma_wait3A_1369 : memref<1x32x1024xf32, #tpu.memory_space<vmem>> -> memref<32x1024xf32, #tpu.memory_space<vmem>>
    %dma_wait3A_1371 = arith.constant 0 : i32
    %dma_wait3A_1372 = tpu.memref_slice %arg4[%add3A_1352, %dma_wait3A_1371] : memref<32768x1024xf32, #tpu.memory_space<hbm>> -> memref<32x1024xf32, #tpu.memory_space<hbm>>
    %dma_wait3A_1373 = arith.constant 0 : i32
    %dma_wait3A_1374 = tpu.memref_slice %arg4[%add3A_1352, %dma_wait3A_1373] : memref<32768x1024xf32, #tpu.memory_space<hbm>> -> memref<32x1024xf32, #tpu.memory_space<hbm>>
    %dma_wait3A_1375 = arith.constant 0 : i32
    %dma_wait3A_1376 = arith.constant 0 : i32
    %dma_wait3A_1377 = tpu.memref_slice %arg6[%dma_wait3A_1366, %dma_wait3A_1375, %dma_wait3A_1376] : memref<3x32x1024xf32, #tpu.memory_space<vmem>> -> memref<1x32x1024xf32, #tpu.memory_space<vmem>>
    %dma_wait3A_1378 = tpu.memref_squeeze %dma_wait3A_1377 : memref<1x32x1024xf32, #tpu.memory_space<vmem>> -> memref<32x1024xf32, #tpu.memory_space<vmem>>
    tpu.wait_dma2 semaphore(%arg11 : memref<!tpu.dma_semaphore, #tpu.memory_space<semaphore_mem>>) src(%dma_wait3A_1378 : memref<32x1024xf32, #tpu.memory_space<vmem>>) dst(%dma_wait3A_1374 : memref<32x1024xf32, #tpu.memory_space<hbm>>)
    %dma_start3A_1379 = arith.constant 28 : i32
    %dma_start3A_1380 = arith.constant 1 : i32
    %dma_start3A_1381 = arith.constant 0 : i32
    %dma_start3A_1382 = arith.constant 0 : i32
    %dma_start3A_1383 = tpu.memref_slice %arg6[%dma_start3A_1380, %dma_start3A_1381, %dma_start3A_1382] : memref<3x32x1024xf32, #tpu.memory_space<vmem>> -> memref<1x32x1024xf32, #tpu.memory_space<vmem>>
    %dma_start3A_1384 = tpu.memref_squeeze %dma_start3A_1383 : memref<1x32x1024xf32, #tpu.memory_space<vmem>> -> memref<32x1024xf32, #tpu.memory_space<vmem>>
    %dma_start3A_1385 = arith.constant 0 : i32
    %dma_start3A_1386 = tpu.memref_slice %arg5[%dma_start3A_1379, %dma_start3A_1385] : memref<32x32xi32, #tpu.memory_space<vmem>> -> memref<1x32xi32, #tpu.memory_space<vmem>>
    %dma_start3A_1387 = tpu.memref_squeeze %dma_start3A_1386 : memref<1x32xi32, #tpu.memory_space<vmem>> -> memref<32xi32, #tpu.memory_space<vmem>>
    %dma_start3A_1388 = arith.constant 0 : i32
    %dma_start3A_1389 = arith.constant 0 : i32
    %dma_start3A_1390 = tpu.memref_slice %arg3[%dma_start3A_1388, %dma_start3A_1389] : memref<8192x1024xf32, #tpu.memory_space<hbm>> -> memref<8192x1024xf32, #tpu.memory_space<hbm>>
    tpu.enqueue_indirect_dma source(%dma_start3A_1390 : memref<8192x1024xf32, #tpu.memory_space<hbm>>) target(%dma_start3A_1384 : memref<32x1024xf32, #tpu.memory_space<vmem>>) offsets(%dma_start3A_1387 : memref<32xi32, #tpu.memory_space<vmem>>) semaphore(%arg8 : memref<!tpu.dma_semaphore, #tpu.memory_space<semaphore_mem>>)
    %dma_wait3A_1391 = arith.constant 26 : i32
    %dma_wait3A_1392 = arith.constant 2 : i32
    %dma_wait3A_1393 = arith.constant 0 : i32
    %dma_wait3A_1394 = arith.constant 0 : i32
    %dma_wait3A_1395 = tpu.memref_slice %arg6[%dma_wait3A_1392, %dma_wait3A_1393, %dma_wait3A_1394] : memref<3x32x1024xf32, #tpu.memory_space<vmem>> -> memref<1x32x1024xf32, #tpu.memory_space<vmem>>
    %dma_wait3A_1396 = tpu.memref_squeeze %dma_wait3A_1395 : memref<1x32x1024xf32, #tpu.memory_space<vmem>> -> memref<32x1024xf32, #tpu.memory_space<vmem>>
    %dma_wait3A_1397 = arith.constant 0 : i32
    %dma_wait3A_1398 = tpu.memref_slice %arg5[%dma_wait3A_1391, %dma_wait3A_1397] : memref<32x32xi32, #tpu.memory_space<vmem>> -> memref<1x32xi32, #tpu.memory_space<vmem>>
    %dma_wait3A_1399 = tpu.memref_squeeze %dma_wait3A_1398 : memref<1x32xi32, #tpu.memory_space<vmem>> -> memref<32xi32, #tpu.memory_space<vmem>>
    %dma_wait3A_1400 = arith.constant 0 : i32
    %dma_wait3A_1401 = arith.constant 0 : i32
    %dma_wait3A_1402 = tpu.memref_slice %arg3[%dma_wait3A_1400, %dma_wait3A_1401] : memref<8192x1024xf32, #tpu.memory_space<hbm>> -> memref<8192x1024xf32, #tpu.memory_space<hbm>>
    tpu.wait_indirect_dma semaphore(%arg9 : memref<!tpu.dma_semaphore, #tpu.memory_space<semaphore_mem>>) src(%dma_wait3A_1402 : memref<8192x1024xf32, #tpu.memory_space<hbm>>) dst(%dma_wait3A_1396 : memref<32x1024xf32, #tpu.memory_space<vmem>>)
    %add3A_1403 = arith.constant 832 : i32
    %add3A_1404 = arith.addi %mul3A_2, %add3A_1403 : i32
    %dma_start3A_1405 = arith.constant 2 : i32
    %dma_start3A_1406 = arith.constant 0 : i32
    %dma_start3A_1407 = arith.constant 0 : i32
    %dma_start3A_1408 = tpu.memref_slice %arg6[%dma_start3A_1405, %dma_start3A_1406, %dma_start3A_1407] : memref<3x32x1024xf32, #tpu.memory_space<vmem>> -> memref<1x32x1024xf32, #tpu.memory_space<vmem>>
    %dma_start3A_1409 = tpu.memref_squeeze %dma_start3A_1408 : memref<1x32x1024xf32, #tpu.memory_space<vmem>> -> memref<32x1024xf32, #tpu.memory_space<vmem>>
    %dma_start3A_1410 = arith.constant 0 : i32
    %dma_start3A_1411 = tpu.memref_slice %arg4[%add3A_1404, %dma_start3A_1410] : memref<32768x1024xf32, #tpu.memory_space<hbm>> -> memref<32x1024xf32, #tpu.memory_space<hbm>>
    %dma_start3A_1412 = arith.constant 0 : i32
    %dma_start3A_1413 = tpu.memref_slice %arg4[%add3A_1404, %dma_start3A_1412] : memref<32768x1024xf32, #tpu.memory_space<hbm>> -> memref<32x1024xf32, #tpu.memory_space<hbm>>
    %dma_start3A_1414 = arith.constant 0 : i32
    %dma_start3A_1415 = arith.constant 0 : i32
    %dma_start3A_1416 = tpu.memref_slice %arg6[%dma_start3A_1405, %dma_start3A_1414, %dma_start3A_1415] : memref<3x32x1024xf32, #tpu.memory_space<vmem>> -> memref<1x32x1024xf32, #tpu.memory_space<vmem>>
    %dma_start3A_1417 = tpu.memref_squeeze %dma_start3A_1416 : memref<1x32x1024xf32, #tpu.memory_space<vmem>> -> memref<32x1024xf32, #tpu.memory_space<vmem>>
    tpu.enqueue_dma source(%dma_start3A_1417 : memref<32x1024xf32, #tpu.memory_space<vmem>>) target(%dma_start3A_1413 : memref<32x1024xf32, #tpu.memory_space<hbm>>) target_semaphore(%arg12 : memref<!tpu.dma_semaphore, #tpu.memory_space<semaphore_mem>>)
    %dma_wait3A_1418 = arith.constant 2 : i32
    %dma_wait3A_1419 = arith.constant 0 : i32
    %dma_wait3A_1420 = arith.constant 0 : i32
    %dma_wait3A_1421 = tpu.memref_slice %arg6[%dma_wait3A_1418, %dma_wait3A_1419, %dma_wait3A_1420] : memref<3x32x1024xf32, #tpu.memory_space<vmem>> -> memref<1x32x1024xf32, #tpu.memory_space<vmem>>
    %dma_wait3A_1422 = tpu.memref_squeeze %dma_wait3A_1421 : memref<1x32x1024xf32, #tpu.memory_space<vmem>> -> memref<32x1024xf32, #tpu.memory_space<vmem>>
    %dma_wait3A_1423 = arith.constant 0 : i32
    %dma_wait3A_1424 = tpu.memref_slice %arg4[%add3A_1404, %dma_wait3A_1423] : memref<32768x1024xf32, #tpu.memory_space<hbm>> -> memref<32x1024xf32, #tpu.memory_space<hbm>>
    %dma_wait3A_1425 = arith.constant 0 : i32
    %dma_wait3A_1426 = tpu.memref_slice %arg4[%add3A_1404, %dma_wait3A_1425] : memref<32768x1024xf32, #tpu.memory_space<hbm>> -> memref<32x1024xf32, #tpu.memory_space<hbm>>
    %dma_wait3A_1427 = arith.constant 0 : i32
    %dma_wait3A_1428 = arith.constant 0 : i32
    %dma_wait3A_1429 = tpu.memref_slice %arg6[%dma_wait3A_1418, %dma_wait3A_1427, %dma_wait3A_1428] : memref<3x32x1024xf32, #tpu.memory_space<vmem>> -> memref<1x32x1024xf32, #tpu.memory_space<vmem>>
    %dma_wait3A_1430 = tpu.memref_squeeze %dma_wait3A_1429 : memref<1x32x1024xf32, #tpu.memory_space<vmem>> -> memref<32x1024xf32, #tpu.memory_space<vmem>>
    tpu.wait_dma2 semaphore(%arg12 : memref<!tpu.dma_semaphore, #tpu.memory_space<semaphore_mem>>) src(%dma_wait3A_1430 : memref<32x1024xf32, #tpu.memory_space<vmem>>) dst(%dma_wait3A_1426 : memref<32x1024xf32, #tpu.memory_space<hbm>>)
    %dma_start3A_1431 = arith.constant 29 : i32
    %dma_start3A_1432 = arith.constant 2 : i32
    %dma_start3A_1433 = arith.constant 0 : i32
    %dma_start3A_1434 = arith.constant 0 : i32
    %dma_start3A_1435 = tpu.memref_slice %arg6[%dma_start3A_1432, %dma_start3A_1433, %dma_start3A_1434] : memref<3x32x1024xf32, #tpu.memory_space<vmem>> -> memref<1x32x1024xf32, #tpu.memory_space<vmem>>
    %dma_start3A_1436 = tpu.memref_squeeze %dma_start3A_1435 : memref<1x32x1024xf32, #tpu.memory_space<vmem>> -> memref<32x1024xf32, #tpu.memory_space<vmem>>
    %dma_start3A_1437 = arith.constant 0 : i32
    %dma_start3A_1438 = tpu.memref_slice %arg5[%dma_start3A_1431, %dma_start3A_1437] : memref<32x32xi32, #tpu.memory_space<vmem>> -> memref<1x32xi32, #tpu.memory_space<vmem>>
    %dma_start3A_1439 = tpu.memref_squeeze %dma_start3A_1438 : memref<1x32xi32, #tpu.memory_space<vmem>> -> memref<32xi32, #tpu.memory_space<vmem>>
    %dma_start3A_1440 = arith.constant 0 : i32
    %dma_start3A_1441 = arith.constant 0 : i32
    %dma_start3A_1442 = tpu.memref_slice %arg3[%dma_start3A_1440, %dma_start3A_1441] : memref<8192x1024xf32, #tpu.memory_space<hbm>> -> memref<8192x1024xf32, #tpu.memory_space<hbm>>
    tpu.enqueue_indirect_dma source(%dma_start3A_1442 : memref<8192x1024xf32, #tpu.memory_space<hbm>>) target(%dma_start3A_1436 : memref<32x1024xf32, #tpu.memory_space<vmem>>) offsets(%dma_start3A_1439 : memref<32xi32, #tpu.memory_space<vmem>>) semaphore(%arg9 : memref<!tpu.dma_semaphore, #tpu.memory_space<semaphore_mem>>)
    %dma_wait3A_1443 = arith.constant 27 : i32
    %dma_wait3A_1444 = arith.constant 0 : i32
    %dma_wait3A_1445 = arith.constant 0 : i32
    %dma_wait3A_1446 = arith.constant 0 : i32
    %dma_wait3A_1447 = tpu.memref_slice %arg6[%dma_wait3A_1444, %dma_wait3A_1445, %dma_wait3A_1446] : memref<3x32x1024xf32, #tpu.memory_space<vmem>> -> memref<1x32x1024xf32, #tpu.memory_space<vmem>>
    %dma_wait3A_1448 = tpu.memref_squeeze %dma_wait3A_1447 : memref<1x32x1024xf32, #tpu.memory_space<vmem>> -> memref<32x1024xf32, #tpu.memory_space<vmem>>
    %dma_wait3A_1449 = arith.constant 0 : i32
    %dma_wait3A_1450 = tpu.memref_slice %arg5[%dma_wait3A_1443, %dma_wait3A_1449] : memref<32x32xi32, #tpu.memory_space<vmem>> -> memref<1x32xi32, #tpu.memory_space<vmem>>
    %dma_wait3A_1451 = tpu.memref_squeeze %dma_wait3A_1450 : memref<1x32xi32, #tpu.memory_space<vmem>> -> memref<32xi32, #tpu.memory_space<vmem>>
    %dma_wait3A_1452 = arith.constant 0 : i32
    %dma_wait3A_1453 = arith.constant 0 : i32
    %dma_wait3A_1454 = tpu.memref_slice %arg3[%dma_wait3A_1452, %dma_wait3A_1453] : memref<8192x1024xf32, #tpu.memory_space<hbm>> -> memref<8192x1024xf32, #tpu.memory_space<hbm>>
    tpu.wait_indirect_dma semaphore(%arg7 : memref<!tpu.dma_semaphore, #tpu.memory_space<semaphore_mem>>) src(%dma_wait3A_1454 : memref<8192x1024xf32, #tpu.memory_space<hbm>>) dst(%dma_wait3A_1448 : memref<32x1024xf32, #tpu.memory_space<vmem>>)
    %add3A_1455 = arith.constant 864 : i32
    %add3A_1456 = arith.addi %mul3A_2, %add3A_1455 : i32
    %dma_start3A_1457 = arith.constant 0 : i32
    %dma_start3A_1458 = arith.constant 0 : i32
    %dma_start3A_1459 = arith.constant 0 : i32
    %dma_start3A_1460 = tpu.memref_slice %arg6[%dma_start3A_1457, %dma_start3A_1458, %dma_start3A_1459] : memref<3x32x1024xf32, #tpu.memory_space<vmem>> -> memref<1x32x1024xf32, #tpu.memory_space<vmem>>
    %dma_start3A_1461 = tpu.memref_squeeze %dma_start3A_1460 : memref<1x32x1024xf32, #tpu.memory_space<vmem>> -> memref<32x1024xf32, #tpu.memory_space<vmem>>
    %dma_start3A_1462 = arith.constant 0 : i32
    %dma_start3A_1463 = tpu.memref_slice %arg4[%add3A_1456, %dma_start3A_1462] : memref<32768x1024xf32, #tpu.memory_space<hbm>> -> memref<32x1024xf32, #tpu.memory_space<hbm>>
    %dma_start3A_1464 = arith.constant 0 : i32
    %dma_start3A_1465 = tpu.memref_slice %arg4[%add3A_1456, %dma_start3A_1464] : memref<32768x1024xf32, #tpu.memory_space<hbm>> -> memref<32x1024xf32, #tpu.memory_space<hbm>>
    %dma_start3A_1466 = arith.constant 0 : i32
    %dma_start3A_1467 = arith.constant 0 : i32
    %dma_start3A_1468 = tpu.memref_slice %arg6[%dma_start3A_1457, %dma_start3A_1466, %dma_start3A_1467] : memref<3x32x1024xf32, #tpu.memory_space<vmem>> -> memref<1x32x1024xf32, #tpu.memory_space<vmem>>
    %dma_start3A_1469 = tpu.memref_squeeze %dma_start3A_1468 : memref<1x32x1024xf32, #tpu.memory_space<vmem>> -> memref<32x1024xf32, #tpu.memory_space<vmem>>
    tpu.enqueue_dma source(%dma_start3A_1469 : memref<32x1024xf32, #tpu.memory_space<vmem>>) target(%dma_start3A_1465 : memref<32x1024xf32, #tpu.memory_space<hbm>>) target_semaphore(%arg10 : memref<!tpu.dma_semaphore, #tpu.memory_space<semaphore_mem>>)
    %dma_wait3A_1470 = arith.constant 0 : i32
    %dma_wait3A_1471 = arith.constant 0 : i32
    %dma_wait3A_1472 = arith.constant 0 : i32
    %dma_wait3A_1473 = tpu.memref_slice %arg6[%dma_wait3A_1470, %dma_wait3A_1471, %dma_wait3A_1472] : memref<3x32x1024xf32, #tpu.memory_space<vmem>> -> memref<1x32x1024xf32, #tpu.memory_space<vmem>>
    %dma_wait3A_1474 = tpu.memref_squeeze %dma_wait3A_1473 : memref<1x32x1024xf32, #tpu.memory_space<vmem>> -> memref<32x1024xf32, #tpu.memory_space<vmem>>
    %dma_wait3A_1475 = arith.constant 0 : i32
    %dma_wait3A_1476 = tpu.memref_slice %arg4[%add3A_1456, %dma_wait3A_1475] : memref<32768x1024xf32, #tpu.memory_space<hbm>> -> memref<32x1024xf32, #tpu.memory_space<hbm>>
    %dma_wait3A_1477 = arith.constant 0 : i32
    %dma_wait3A_1478 = tpu.memref_slice %arg4[%add3A_1456, %dma_wait3A_1477] : memref<32768x1024xf32, #tpu.memory_space<hbm>> -> memref<32x1024xf32, #tpu.memory_space<hbm>>
    %dma_wait3A_1479 = arith.constant 0 : i32
    %dma_wait3A_1480 = arith.constant 0 : i32
    %dma_wait3A_1481 = tpu.memref_slice %arg6[%dma_wait3A_1470, %dma_wait3A_1479, %dma_wait3A_1480] : memref<3x32x1024xf32, #tpu.memory_space<vmem>> -> memref<1x32x1024xf32, #tpu.memory_space<vmem>>
    %dma_wait3A_1482 = tpu.memref_squeeze %dma_wait3A_1481 : memref<1x32x1024xf32, #tpu.memory_space<vmem>> -> memref<32x1024xf32, #tpu.memory_space<vmem>>
    tpu.wait_dma2 semaphore(%arg10 : memref<!tpu.dma_semaphore, #tpu.memory_space<semaphore_mem>>) src(%dma_wait3A_1482 : memref<32x1024xf32, #tpu.memory_space<vmem>>) dst(%dma_wait3A_1478 : memref<32x1024xf32, #tpu.memory_space<hbm>>)
    %dma_start3A_1483 = arith.constant 30 : i32
    %dma_start3A_1484 = arith.constant 0 : i32
    %dma_start3A_1485 = arith.constant 0 : i32
    %dma_start3A_1486 = arith.constant 0 : i32
    %dma_start3A_1487 = tpu.memref_slice %arg6[%dma_start3A_1484, %dma_start3A_1485, %dma_start3A_1486] : memref<3x32x1024xf32, #tpu.memory_space<vmem>> -> memref<1x32x1024xf32, #tpu.memory_space<vmem>>
    %dma_start3A_1488 = tpu.memref_squeeze %dma_start3A_1487 : memref<1x32x1024xf32, #tpu.memory_space<vmem>> -> memref<32x1024xf32, #tpu.memory_space<vmem>>
    %dma_start3A_1489 = arith.constant 0 : i32
    %dma_start3A_1490 = tpu.memref_slice %arg5[%dma_start3A_1483, %dma_start3A_1489] : memref<32x32xi32, #tpu.memory_space<vmem>> -> memref<1x32xi32, #tpu.memory_space<vmem>>
    %dma_start3A_1491 = tpu.memref_squeeze %dma_start3A_1490 : memref<1x32xi32, #tpu.memory_space<vmem>> -> memref<32xi32, #tpu.memory_space<vmem>>
    %dma_start3A_1492 = arith.constant 0 : i32
    %dma_start3A_1493 = arith.constant 0 : i32
    %dma_start3A_1494 = tpu.memref_slice %arg3[%dma_start3A_1492, %dma_start3A_1493] : memref<8192x1024xf32, #tpu.memory_space<hbm>> -> memref<8192x1024xf32, #tpu.memory_space<hbm>>
    tpu.enqueue_indirect_dma source(%dma_start3A_1494 : memref<8192x1024xf32, #tpu.memory_space<hbm>>) target(%dma_start3A_1488 : memref<32x1024xf32, #tpu.memory_space<vmem>>) offsets(%dma_start3A_1491 : memref<32xi32, #tpu.memory_space<vmem>>) semaphore(%arg7 : memref<!tpu.dma_semaphore, #tpu.memory_space<semaphore_mem>>)
    %dma_wait3A_1495 = arith.constant 28 : i32
    %dma_wait3A_1496 = arith.constant 1 : i32
    %dma_wait3A_1497 = arith.constant 0 : i32
    %dma_wait3A_1498 = arith.constant 0 : i32
    %dma_wait3A_1499 = tpu.memref_slice %arg6[%dma_wait3A_1496, %dma_wait3A_1497, %dma_wait3A_1498] : memref<3x32x1024xf32, #tpu.memory_space<vmem>> -> memref<1x32x1024xf32, #tpu.memory_space<vmem>>
    %dma_wait3A_1500 = tpu.memref_squeeze %dma_wait3A_1499 : memref<1x32x1024xf32, #tpu.memory_space<vmem>> -> memref<32x1024xf32, #tpu.memory_space<vmem>>
    %dma_wait3A_1501 = arith.constant 0 : i32
    %dma_wait3A_1502 = tpu.memref_slice %arg5[%dma_wait3A_1495, %dma_wait3A_1501] : memref<32x32xi32, #tpu.memory_space<vmem>> -> memref<1x32xi32, #tpu.memory_space<vmem>>
    %dma_wait3A_1503 = tpu.memref_squeeze %dma_wait3A_1502 : memref<1x32xi32, #tpu.memory_space<vmem>> -> memref<32xi32, #tpu.memory_space<vmem>>
    %dma_wait3A_1504 = arith.constant 0 : i32
    %dma_wait3A_1505 = arith.constant 0 : i32
    %dma_wait3A_1506 = tpu.memref_slice %arg3[%dma_wait3A_1504, %dma_wait3A_1505] : memref<8192x1024xf32, #tpu.memory_space<hbm>> -> memref<8192x1024xf32, #tpu.memory_space<hbm>>
    tpu.wait_indirect_dma semaphore(%arg8 : memref<!tpu.dma_semaphore, #tpu.memory_space<semaphore_mem>>) src(%dma_wait3A_1506 : memref<8192x1024xf32, #tpu.memory_space<hbm>>) dst(%dma_wait3A_1500 : memref<32x1024xf32, #tpu.memory_space<vmem>>)
    %add3A_1507 = arith.constant 896 : i32
    %add3A_1508 = arith.addi %mul3A_2, %add3A_1507 : i32
    %dma_start3A_1509 = arith.constant 1 : i32
    %dma_start3A_1510 = arith.constant 0 : i32
    %dma_start3A_1511 = arith.constant 0 : i32
    %dma_start3A_1512 = tpu.memref_slice %arg6[%dma_start3A_1509, %dma_start3A_1510, %dma_start3A_1511] : memref<3x32x1024xf32, #tpu.memory_space<vmem>> -> memref<1x32x1024xf32, #tpu.memory_space<vmem>>
    %dma_start3A_1513 = tpu.memref_squeeze %dma_start3A_1512 : memref<1x32x1024xf32, #tpu.memory_space<vmem>> -> memref<32x1024xf32, #tpu.memory_space<vmem>>
    %dma_start3A_1514 = arith.constant 0 : i32
    %dma_start3A_1515 = tpu.memref_slice %arg4[%add3A_1508, %dma_start3A_1514] : memref<32768x1024xf32, #tpu.memory_space<hbm>> -> memref<32x1024xf32, #tpu.memory_space<hbm>>
    %dma_start3A_1516 = arith.constant 0 : i32
    %dma_start3A_1517 = tpu.memref_slice %arg4[%add3A_1508, %dma_start3A_1516] : memref<32768x1024xf32, #tpu.memory_space<hbm>> -> memref<32x1024xf32, #tpu.memory_space<hbm>>
    %dma_start3A_1518 = arith.constant 0 : i32
    %dma_start3A_1519 = arith.constant 0 : i32
    %dma_start3A_1520 = tpu.memref_slice %arg6[%dma_start3A_1509, %dma_start3A_1518, %dma_start3A_1519] : memref<3x32x1024xf32, #tpu.memory_space<vmem>> -> memref<1x32x1024xf32, #tpu.memory_space<vmem>>
    %dma_start3A_1521 = tpu.memref_squeeze %dma_start3A_1520 : memref<1x32x1024xf32, #tpu.memory_space<vmem>> -> memref<32x1024xf32, #tpu.memory_space<vmem>>
    tpu.enqueue_dma source(%dma_start3A_1521 : memref<32x1024xf32, #tpu.memory_space<vmem>>) target(%dma_start3A_1517 : memref<32x1024xf32, #tpu.memory_space<hbm>>) target_semaphore(%arg11 : memref<!tpu.dma_semaphore, #tpu.memory_space<semaphore_mem>>)
    %dma_wait3A_1522 = arith.constant 1 : i32
    %dma_wait3A_1523 = arith.constant 0 : i32
    %dma_wait3A_1524 = arith.constant 0 : i32
    %dma_wait3A_1525 = tpu.memref_slice %arg6[%dma_wait3A_1522, %dma_wait3A_1523, %dma_wait3A_1524] : memref<3x32x1024xf32, #tpu.memory_space<vmem>> -> memref<1x32x1024xf32, #tpu.memory_space<vmem>>
    %dma_wait3A_1526 = tpu.memref_squeeze %dma_wait3A_1525 : memref<1x32x1024xf32, #tpu.memory_space<vmem>> -> memref<32x1024xf32, #tpu.memory_space<vmem>>
    %dma_wait3A_1527 = arith.constant 0 : i32
    %dma_wait3A_1528 = tpu.memref_slice %arg4[%add3A_1508, %dma_wait3A_1527] : memref<32768x1024xf32, #tpu.memory_space<hbm>> -> memref<32x1024xf32, #tpu.memory_space<hbm>>
    %dma_wait3A_1529 = arith.constant 0 : i32
    %dma_wait3A_1530 = tpu.memref_slice %arg4[%add3A_1508, %dma_wait3A_1529] : memref<32768x1024xf32, #tpu.memory_space<hbm>> -> memref<32x1024xf32, #tpu.memory_space<hbm>>
    %dma_wait3A_1531 = arith.constant 0 : i32
    %dma_wait3A_1532 = arith.constant 0 : i32
    %dma_wait3A_1533 = tpu.memref_slice %arg6[%dma_wait3A_1522, %dma_wait3A_1531, %dma_wait3A_1532] : memref<3x32x1024xf32, #tpu.memory_space<vmem>> -> memref<1x32x1024xf32, #tpu.memory_space<vmem>>
    %dma_wait3A_1534 = tpu.memref_squeeze %dma_wait3A_1533 : memref<1x32x1024xf32, #tpu.memory_space<vmem>> -> memref<32x1024xf32, #tpu.memory_space<vmem>>
    tpu.wait_dma2 semaphore(%arg11 : memref<!tpu.dma_semaphore, #tpu.memory_space<semaphore_mem>>) src(%dma_wait3A_1534 : memref<32x1024xf32, #tpu.memory_space<vmem>>) dst(%dma_wait3A_1530 : memref<32x1024xf32, #tpu.memory_space<hbm>>)
    %dma_start3A_1535 = arith.constant 31 : i32
    %dma_start3A_1536 = arith.constant 1 : i32
    %dma_start3A_1537 = arith.constant 0 : i32
    %dma_start3A_1538 = arith.constant 0 : i32
    %dma_start3A_1539 = tpu.memref_slice %arg6[%dma_start3A_1536, %dma_start3A_1537, %dma_start3A_1538] : memref<3x32x1024xf32, #tpu.memory_space<vmem>> -> memref<1x32x1024xf32, #tpu.memory_space<vmem>>
    %dma_start3A_1540 = tpu.memref_squeeze %dma_start3A_1539 : memref<1x32x1024xf32, #tpu.memory_space<vmem>> -> memref<32x1024xf32, #tpu.memory_space<vmem>>
    %dma_start3A_1541 = arith.constant 0 : i32
    %dma_start3A_1542 = tpu.memref_slice %arg5[%dma_start3A_1535, %dma_start3A_1541] : memref<32x32xi32, #tpu.memory_space<vmem>> -> memref<1x32xi32, #tpu.memory_space<vmem>>
    %dma_start3A_1543 = tpu.memref_squeeze %dma_start3A_1542 : memref<1x32xi32, #tpu.memory_space<vmem>> -> memref<32xi32, #tpu.memory_space<vmem>>
    %dma_start3A_1544 = arith.constant 0 : i32
    %dma_start3A_1545 = arith.constant 0 : i32
    %dma_start3A_1546 = tpu.memref_slice %arg3[%dma_start3A_1544, %dma_start3A_1545] : memref<8192x1024xf32, #tpu.memory_space<hbm>> -> memref<8192x1024xf32, #tpu.memory_space<hbm>>
    tpu.enqueue_indirect_dma source(%dma_start3A_1546 : memref<8192x1024xf32, #tpu.memory_space<hbm>>) target(%dma_start3A_1540 : memref<32x1024xf32, #tpu.memory_space<vmem>>) offsets(%dma_start3A_1543 : memref<32xi32, #tpu.memory_space<vmem>>) semaphore(%arg8 : memref<!tpu.dma_semaphore, #tpu.memory_space<semaphore_mem>>)
    %dma_wait3A_1547 = arith.constant 29 : i32
    %dma_wait3A_1548 = arith.constant 2 : i32
    %dma_wait3A_1549 = arith.constant 0 : i32
    %dma_wait3A_1550 = arith.constant 0 : i32
    %dma_wait3A_1551 = tpu.memref_slice %arg6[%dma_wait3A_1548, %dma_wait3A_1549, %dma_wait3A_1550] : memref<3x32x1024xf32, #tpu.memory_space<vmem>> -> memref<1x32x1024xf32, #tpu.memory_space<vmem>>
    %dma_wait3A_1552 = tpu.memref_squeeze %dma_wait3A_1551 : memref<1x32x1024xf32, #tpu.memory_space<vmem>> -> memref<32x1024xf32, #tpu.memory_space<vmem>>
    %dma_wait3A_1553 = arith.constant 0 : i32
    %dma_wait3A_1554 = tpu.memref_slice %arg5[%dma_wait3A_1547, %dma_wait3A_1553] : memref<32x32xi32, #tpu.memory_space<vmem>> -> memref<1x32xi32, #tpu.memory_space<vmem>>
    %dma_wait3A_1555 = tpu.memref_squeeze %dma_wait3A_1554 : memref<1x32xi32, #tpu.memory_space<vmem>> -> memref<32xi32, #tpu.memory_space<vmem>>
    %dma_wait3A_1556 = arith.constant 0 : i32
    %dma_wait3A_1557 = arith.constant 0 : i32
    %dma_wait3A_1558 = tpu.memref_slice %arg3[%dma_wait3A_1556, %dma_wait3A_1557] : memref<8192x1024xf32, #tpu.memory_space<hbm>> -> memref<8192x1024xf32, #tpu.memory_space<hbm>>
    tpu.wait_indirect_dma semaphore(%arg9 : memref<!tpu.dma_semaphore, #tpu.memory_space<semaphore_mem>>) src(%dma_wait3A_1558 : memref<8192x1024xf32, #tpu.memory_space<hbm>>) dst(%dma_wait3A_1552 : memref<32x1024xf32, #tpu.memory_space<vmem>>)
    %add3A_1559 = arith.constant 928 : i32
    %add3A_1560 = arith.addi %mul3A_2, %add3A_1559 : i32
    %dma_start3A_1561 = arith.constant 2 : i32
    %dma_start3A_1562 = arith.constant 0 : i32
    %dma_start3A_1563 = arith.constant 0 : i32
    %dma_start3A_1564 = tpu.memref_slice %arg6[%dma_start3A_1561, %dma_start3A_1562, %dma_start3A_1563] : memref<3x32x1024xf32, #tpu.memory_space<vmem>> -> memref<1x32x1024xf32, #tpu.memory_space<vmem>>
    %dma_start3A_1565 = tpu.memref_squeeze %dma_start3A_1564 : memref<1x32x1024xf32, #tpu.memory_space<vmem>> -> memref<32x1024xf32, #tpu.memory_space<vmem>>
    %dma_start3A_1566 = arith.constant 0 : i32
    %dma_start3A_1567 = tpu.memref_slice %arg4[%add3A_1560, %dma_start3A_1566] : memref<32768x1024xf32, #tpu.memory_space<hbm>> -> memref<32x1024xf32, #tpu.memory_space<hbm>>
    %dma_start3A_1568 = arith.constant 0 : i32
    %dma_start3A_1569 = tpu.memref_slice %arg4[%add3A_1560, %dma_start3A_1568] : memref<32768x1024xf32, #tpu.memory_space<hbm>> -> memref<32x1024xf32, #tpu.memory_space<hbm>>
    %dma_start3A_1570 = arith.constant 0 : i32
    %dma_start3A_1571 = arith.constant 0 : i32
    %dma_start3A_1572 = tpu.memref_slice %arg6[%dma_start3A_1561, %dma_start3A_1570, %dma_start3A_1571] : memref<3x32x1024xf32, #tpu.memory_space<vmem>> -> memref<1x32x1024xf32, #tpu.memory_space<vmem>>
    %dma_start3A_1573 = tpu.memref_squeeze %dma_start3A_1572 : memref<1x32x1024xf32, #tpu.memory_space<vmem>> -> memref<32x1024xf32, #tpu.memory_space<vmem>>
    tpu.enqueue_dma source(%dma_start3A_1573 : memref<32x1024xf32, #tpu.memory_space<vmem>>) target(%dma_start3A_1569 : memref<32x1024xf32, #tpu.memory_space<hbm>>) target_semaphore(%arg12 : memref<!tpu.dma_semaphore, #tpu.memory_space<semaphore_mem>>)
    %dma_wait3A_1574 = arith.constant 30 : i32
    %dma_wait3A_1575 = arith.constant 0 : i32
    %dma_wait3A_1576 = arith.constant 0 : i32
    %dma_wait3A_1577 = arith.constant 0 : i32
    %dma_wait3A_1578 = tpu.memref_slice %arg6[%dma_wait3A_1575, %dma_wait3A_1576, %dma_wait3A_1577] : memref<3x32x1024xf32, #tpu.memory_space<vmem>> -> memref<1x32x1024xf32, #tpu.memory_space<vmem>>
    %dma_wait3A_1579 = tpu.memref_squeeze %dma_wait3A_1578 : memref<1x32x1024xf32, #tpu.memory_space<vmem>> -> memref<32x1024xf32, #tpu.memory_space<vmem>>
    %dma_wait3A_1580 = arith.constant 0 : i32
    %dma_wait3A_1581 = tpu.memref_slice %arg5[%dma_wait3A_1574, %dma_wait3A_1580] : memref<32x32xi32, #tpu.memory_space<vmem>> -> memref<1x32xi32, #tpu.memory_space<vmem>>
    %dma_wait3A_1582 = tpu.memref_squeeze %dma_wait3A_1581 : memref<1x32xi32, #tpu.memory_space<vmem>> -> memref<32xi32, #tpu.memory_space<vmem>>
    %dma_wait3A_1583 = arith.constant 0 : i32
    %dma_wait3A_1584 = arith.constant 0 : i32
    %dma_wait3A_1585 = tpu.memref_slice %arg3[%dma_wait3A_1583, %dma_wait3A_1584] : memref<8192x1024xf32, #tpu.memory_space<hbm>> -> memref<8192x1024xf32, #tpu.memory_space<hbm>>
    tpu.wait_indirect_dma semaphore(%arg7 : memref<!tpu.dma_semaphore, #tpu.memory_space<semaphore_mem>>) src(%dma_wait3A_1585 : memref<8192x1024xf32, #tpu.memory_space<hbm>>) dst(%dma_wait3A_1579 : memref<32x1024xf32, #tpu.memory_space<vmem>>)
    %add3A_1586 = arith.constant 960 : i32
    %add3A_1587 = arith.addi %mul3A_2, %add3A_1586 : i32
    %dma_start3A_1588 = arith.constant 0 : i32
    %dma_start3A_1589 = arith.constant 0 : i32
    %dma_start3A_1590 = arith.constant 0 : i32
    %dma_start3A_1591 = tpu.memref_slice %arg6[%dma_start3A_1588, %dma_start3A_1589, %dma_start3A_1590] : memref<3x32x1024xf32, #tpu.memory_space<vmem>> -> memref<1x32x1024xf32, #tpu.memory_space<vmem>>
    %dma_start3A_1592 = tpu.memref_squeeze %dma_start3A_1591 : memref<1x32x1024xf32, #tpu.memory_space<vmem>> -> memref<32x1024xf32, #tpu.memory_space<vmem>>
    %dma_start3A_1593 = arith.constant 0 : i32
    %dma_start3A_1594 = tpu.memref_slice %arg4[%add3A_1587, %dma_start3A_1593] : memref<32768x1024xf32, #tpu.memory_space<hbm>> -> memref<32x1024xf32, #tpu.memory_space<hbm>>
    %dma_start3A_1595 = arith.constant 0 : i32
    %dma_start3A_1596 = tpu.memref_slice %arg4[%add3A_1587, %dma_start3A_1595] : memref<32768x1024xf32, #tpu.memory_space<hbm>> -> memref<32x1024xf32, #tpu.memory_space<hbm>>
    %dma_start3A_1597 = arith.constant 0 : i32
    %dma_start3A_1598 = arith.constant 0 : i32
    %dma_start3A_1599 = tpu.memref_slice %arg6[%dma_start3A_1588, %dma_start3A_1597, %dma_start3A_1598] : memref<3x32x1024xf32, #tpu.memory_space<vmem>> -> memref<1x32x1024xf32, #tpu.memory_space<vmem>>
    %dma_start3A_1600 = tpu.memref_squeeze %dma_start3A_1599 : memref<1x32x1024xf32, #tpu.memory_space<vmem>> -> memref<32x1024xf32, #tpu.memory_space<vmem>>
    tpu.enqueue_dma source(%dma_start3A_1600 : memref<32x1024xf32, #tpu.memory_space<vmem>>) target(%dma_start3A_1596 : memref<32x1024xf32, #tpu.memory_space<hbm>>) target_semaphore(%arg10 : memref<!tpu.dma_semaphore, #tpu.memory_space<semaphore_mem>>)
    %dma_wait3A_1601 = arith.constant 31 : i32
    %dma_wait3A_1602 = arith.constant 1 : i32
    %dma_wait3A_1603 = arith.constant 0 : i32
    %dma_wait3A_1604 = arith.constant 0 : i32
    %dma_wait3A_1605 = tpu.memref_slice %arg6[%dma_wait3A_1602, %dma_wait3A_1603, %dma_wait3A_1604] : memref<3x32x1024xf32, #tpu.memory_space<vmem>> -> memref<1x32x1024xf32, #tpu.memory_space<vmem>>
    %dma_wait3A_1606 = tpu.memref_squeeze %dma_wait3A_1605 : memref<1x32x1024xf32, #tpu.memory_space<vmem>> -> memref<32x1024xf32, #tpu.memory_space<vmem>>
    %dma_wait3A_1607 = arith.constant 0 : i32
    %dma_wait3A_1608 = tpu.memref_slice %arg5[%dma_wait3A_1601, %dma_wait3A_1607] : memref<32x32xi32, #tpu.memory_space<vmem>> -> memref<1x32xi32, #tpu.memory_space<vmem>>
    %dma_wait3A_1609 = tpu.memref_squeeze %dma_wait3A_1608 : memref<1x32xi32, #tpu.memory_space<vmem>> -> memref<32xi32, #tpu.memory_space<vmem>>
    %dma_wait3A_1610 = arith.constant 0 : i32
    %dma_wait3A_1611 = arith.constant 0 : i32
    %dma_wait3A_1612 = tpu.memref_slice %arg3[%dma_wait3A_1610, %dma_wait3A_1611] : memref<8192x1024xf32, #tpu.memory_space<hbm>> -> memref<8192x1024xf32, #tpu.memory_space<hbm>>
    tpu.wait_indirect_dma semaphore(%arg8 : memref<!tpu.dma_semaphore, #tpu.memory_space<semaphore_mem>>) src(%dma_wait3A_1612 : memref<8192x1024xf32, #tpu.memory_space<hbm>>) dst(%dma_wait3A_1606 : memref<32x1024xf32, #tpu.memory_space<vmem>>)
    %add3A_1613 = arith.constant 992 : i32
    %add3A_1614 = arith.addi %mul3A_2, %add3A_1613 : i32
    %dma_start3A_1615 = arith.constant 1 : i32
    %dma_start3A_1616 = arith.constant 0 : i32
    %dma_start3A_1617 = arith.constant 0 : i32
    %dma_start3A_1618 = tpu.memref_slice %arg6[%dma_start3A_1615, %dma_start3A_1616, %dma_start3A_1617] : memref<3x32x1024xf32, #tpu.memory_space<vmem>> -> memref<1x32x1024xf32, #tpu.memory_space<vmem>>
    %dma_start3A_1619 = tpu.memref_squeeze %dma_start3A_1618 : memref<1x32x1024xf32, #tpu.memory_space<vmem>> -> memref<32x1024xf32, #tpu.memory_space<vmem>>
    %dma_start3A_1620 = arith.constant 0 : i32
    %dma_start3A_1621 = tpu.memref_slice %arg4[%add3A_1614, %dma_start3A_1620] : memref<32768x1024xf32, #tpu.memory_space<hbm>> -> memref<32x1024xf32, #tpu.memory_space<hbm>>
    %dma_start3A_1622 = arith.constant 0 : i32
    %dma_start3A_1623 = tpu.memref_slice %arg4[%add3A_1614, %dma_start3A_1622] : memref<32768x1024xf32, #tpu.memory_space<hbm>> -> memref<32x1024xf32, #tpu.memory_space<hbm>>
    %dma_start3A_1624 = arith.constant 0 : i32
    %dma_start3A_1625 = arith.constant 0 : i32
    %dma_start3A_1626 = tpu.memref_slice %arg6[%dma_start3A_1615, %dma_start3A_1624, %dma_start3A_1625] : memref<3x32x1024xf32, #tpu.memory_space<vmem>> -> memref<1x32x1024xf32, #tpu.memory_space<vmem>>
    %dma_start3A_1627 = tpu.memref_squeeze %dma_start3A_1626 : memref<1x32x1024xf32, #tpu.memory_space<vmem>> -> memref<32x1024xf32, #tpu.memory_space<vmem>>
    tpu.enqueue_dma source(%dma_start3A_1627 : memref<32x1024xf32, #tpu.memory_space<vmem>>) target(%dma_start3A_1623 : memref<32x1024xf32, #tpu.memory_space<hbm>>) target_semaphore(%arg11 : memref<!tpu.dma_semaphore, #tpu.memory_space<semaphore_mem>>)
    %dma_wait3A_1628 = arith.constant 1 : i32
    %dma_wait3A_1629 = arith.constant 0 : i32
    %dma_wait3A_1630 = arith.constant 0 : i32
    %dma_wait3A_1631 = tpu.memref_slice %arg6[%dma_wait3A_1628, %dma_wait3A_1629, %dma_wait3A_1630] : memref<3x32x1024xf32, #tpu.memory_space<vmem>> -> memref<1x32x1024xf32, #tpu.memory_space<vmem>>
    %dma_wait3A_1632 = tpu.memref_squeeze %dma_wait3A_1631 : memref<1x32x1024xf32, #tpu.memory_space<vmem>> -> memref<32x1024xf32, #tpu.memory_space<vmem>>
    %dma_wait3A_1633 = arith.constant 0 : i32
    %dma_wait3A_1634 = tpu.memref_slice %arg4[%add3A_1614, %dma_wait3A_1633] : memref<32768x1024xf32, #tpu.memory_space<hbm>> -> memref<32x1024xf32, #tpu.memory_space<hbm>>
    %dma_wait3A_1635 = arith.constant 0 : i32
    %dma_wait3A_1636 = tpu.memref_slice %arg4[%add3A_1614, %dma_wait3A_1635] : memref<32768x1024xf32, #tpu.memory_space<hbm>> -> memref<32x1024xf32, #tpu.memory_space<hbm>>
    %dma_wait3A_1637 = arith.constant 0 : i32
    %dma_wait3A_1638 = arith.constant 0 : i32
    %dma_wait3A_1639 = tpu.memref_slice %arg6[%dma_wait3A_1628, %dma_wait3A_1637, %dma_wait3A_1638] : memref<3x32x1024xf32, #tpu.memory_space<vmem>> -> memref<1x32x1024xf32, #tpu.memory_space<vmem>>
    %dma_wait3A_1640 = tpu.memref_squeeze %dma_wait3A_1639 : memref<1x32x1024xf32, #tpu.memory_space<vmem>> -> memref<32x1024xf32, #tpu.memory_space<vmem>>
    tpu.wait_dma2 semaphore(%arg11 : memref<!tpu.dma_semaphore, #tpu.memory_space<semaphore_mem>>) src(%dma_wait3A_1640 : memref<32x1024xf32, #tpu.memory_space<vmem>>) dst(%dma_wait3A_1636 : memref<32x1024xf32, #tpu.memory_space<hbm>>)
    %dma_wait3A_1641 = arith.constant 0 : i32
    %dma_wait3A_1642 = arith.constant 0 : i32
    %dma_wait3A_1643 = arith.constant 0 : i32
    %dma_wait3A_1644 = tpu.memref_slice %arg6[%dma_wait3A_1641, %dma_wait3A_1642, %dma_wait3A_1643] : memref<3x32x1024xf32, #tpu.memory_space<vmem>> -> memref<1x32x1024xf32, #tpu.memory_space<vmem>>
    %dma_wait3A_1645 = tpu.memref_squeeze %dma_wait3A_1644 : memref<1x32x1024xf32, #tpu.memory_space<vmem>> -> memref<32x1024xf32, #tpu.memory_space<vmem>>
    %dma_wait3A_1646 = arith.constant 0 : i32
    %dma_wait3A_1647 = tpu.memref_slice %arg4[%add3A_1587, %dma_wait3A_1646] : memref<32768x1024xf32, #tpu.memory_space<hbm>> -> memref<32x1024xf32, #tpu.memory_space<hbm>>
    %dma_wait3A_1648 = arith.constant 0 : i32
    %dma_wait3A_1649 = tpu.memref_slice %arg4[%add3A_1587, %dma_wait3A_1648] : memref<32768x1024xf32, #tpu.memory_space<hbm>> -> memref<32x1024xf32, #tpu.memory_space<hbm>>
    %dma_wait3A_1650 = arith.constant 0 : i32
    %dma_wait3A_1651 = arith.constant 0 : i32
    %dma_wait3A_1652 = tpu.memref_slice %arg6[%dma_wait3A_1641, %dma_wait3A_1650, %dma_wait3A_1651] : memref<3x32x1024xf32, #tpu.memory_space<vmem>> -> memref<1x32x1024xf32, #tpu.memory_space<vmem>>
    %dma_wait3A_1653 = tpu.memref_squeeze %dma_wait3A_1652 : memref<1x32x1024xf32, #tpu.memory_space<vmem>> -> memref<32x1024xf32, #tpu.memory_space<vmem>>
    tpu.wait_dma2 semaphore(%arg10 : memref<!tpu.dma_semaphore, #tpu.memory_space<semaphore_mem>>) src(%dma_wait3A_1653 : memref<32x1024xf32, #tpu.memory_space<vmem>>) dst(%dma_wait3A_1649 : memref<32x1024xf32, #tpu.memory_space<hbm>>)
    %dma_wait3A_1654 = arith.constant 2 : i32
    %dma_wait3A_1655 = arith.constant 0 : i32
    %dma_wait3A_1656 = arith.constant 0 : i32
    %dma_wait3A_1657 = tpu.memref_slice %arg6[%dma_wait3A_1654, %dma_wait3A_1655, %dma_wait3A_1656] : memref<3x32x1024xf32, #tpu.memory_space<vmem>> -> memref<1x32x1024xf32, #tpu.memory_space<vmem>>
    %dma_wait3A_1658 = tpu.memref_squeeze %dma_wait3A_1657 : memref<1x32x1024xf32, #tpu.memory_space<vmem>> -> memref<32x1024xf32, #tpu.memory_space<vmem>>
    %dma_wait3A_1659 = arith.constant 0 : i32
    %dma_wait3A_1660 = tpu.memref_slice %arg4[%add3A_1560, %dma_wait3A_1659] : memref<32768x1024xf32, #tpu.memory_space<hbm>> -> memref<32x1024xf32, #tpu.memory_space<hbm>>
    %dma_wait3A_1661 = arith.constant 0 : i32
    %dma_wait3A_1662 = tpu.memref_slice %arg4[%add3A_1560, %dma_wait3A_1661] : memref<32768x1024xf32, #tpu.memory_space<hbm>> -> memref<32x1024xf32, #tpu.memory_space<hbm>>
    %dma_wait3A_1663 = arith.constant 0 : i32
    %dma_wait3A_1664 = arith.constant 0 : i32
    %dma_wait3A_1665 = tpu.memref_slice %arg6[%dma_wait3A_1654, %dma_wait3A_1663, %dma_wait3A_1664] : memref<3x32x1024xf32, #tpu.memory_space<vmem>> -> memref<1x32x1024xf32, #tpu.memory_space<vmem>>
    %dma_wait3A_1666 = tpu.memref_squeeze %dma_wait3A_1665 : memref<1x32x1024xf32, #tpu.memory_space<vmem>> -> memref<32x1024xf32, #tpu.memory_space<vmem>>
    tpu.wait_dma2 semaphore(%arg12 : memref<!tpu.dma_semaphore, #tpu.memory_space<semaphore_mem>>) src(%dma_wait3A_1666 : memref<32x1024xf32, #tpu.memory_space<vmem>>) dst(%dma_wait3A_1662 : memref<32x1024xf32, #tpu.memory_space<hbm>>)
    return
  }
}

</mosaic_0001>

<sc_bundles>
// kernel: kernel.3.cloned.1.call-start
scs
__scs_entry_jumppad:
0x0: {  	(pc) =	sbr.rel $0x88, $3  }
0x1: {  	(tag) =	ssettag $0x0;
	lr =	simm.s32 $0x1  }
0x2: {  	[smem:$0x3F9F] =	sst lr;
	_ =	strace $0xD0000000  }
0x3: {  	_ = 	snop  }
0x4: {  	_ = 	snop  }
0x5: {  	_ = 	snop  }
0x6: {  	_ = 	snop  }
0x7: {  	_ = 	snop  }
__scs_overlays_trampoline_lowered:
0x8: {  	[smem:$0x3FAE] =	sst s0  }
0x9: {  	[smem:$0x3FAF] =	sst s1  }
0xa: {  	[smem:$0x3FB0] =	sst s2  }
0xb: {  	[smem:$0x3FB1] =	sst s3  }
0xc: {  	[smem:$0x3FB2] =	sst s4  }
0xd: {  	[smem:$0x3FB3] =	sst s5  }
0xe: {  	[smem:$0x3FB4] =	sst s6  }
0xf: {  	[smem:$0x3FB5] =	sst s7  }
0x10: {  	[smem:$0x3FB6] =	sst s8  }
0x11: {  	[smem:$0x3FB7] =	sst s9;
	s0 =	simm.s32 @!p0 $0x0  }
0x12: {  	s1 =	sld [smem:$0x3F9D];
	s0 =	simm.s32 @p0 $0x1  }
0x13: {  	[smem:$0x3FB8] =	sst s0;
	s0 =	simm.s32 @!p1 $0x0  }
0x14: {  	s2 =	sld [smem:$0x3F9C];
	s0 =	simm.s32 @p1 $0x1  }
0x15: {  	[smem:$0x3FB9] =	sst s0;
	s0 =	simm.s32 @!p2 $0x0  }
0x16: {  	s3 =	sld [smem:$0x3FDB];
	s0 =	simm.s32 @p2 $0x1  }
0x17: {  	s4 =	simm.s32 $0x1BF5;
	[smem:$0x3FBB] =	sst s0  }
0x18: {  	s0 =	sld [smem:$0x3F9E];
	_ =	swait.ge [sflag:s4], $0x0  }
0x19: {  	s7 =	sld [smem:$0x3F9F]  }
0x1a: {  	s8 =	sadd.s32 $0xFFFFE003, lr  }
0x1b: {  	s9 =	sadd.s32 $0xFFFFFEF7, lr;
	s5 =	simm.s32 $0xFFFFFFFF;
	p2 =	slt.u32 s8, $0xFFFFF086  }
0x1c: {  	p1 =	slt.u32 s9, $0xF7A;
	s5 =	simm.s32 @!p2 $0x0  }
0x1d: {  	s5 =	simm.s32 @p1 $0x1;
	p0 =	seq.s32 s7, s2  }
0x1e: {  	s7 =	smul.u32 @!p0 $0xF7A, s2;
	p2 =	seq.s32 @!p0 s5, $0x0  }
0x1f: {  	s9 =	smul.u32 $0xF7A, s1;
	s8 =	simm.s32 @!p0 $0x1BF5;
	p2 =	por !p2, p0  }
0x20: {  	[sflag:s8] =	ssyncset.s32 @!p0 $0xFFFFF086;
	s6 =	sadd.s32 @!p0 s3, s7;
	s7 =	simm.s32 @!p0 $0x108  }
0x21: {  	s3 =	sadd.s32 s3, s9;
	s6 =	sadd.s32 @!p0 $0x88, s6;
	s7 =	simm.s32 @p2 $0x1082  }
0x22: {  	[simem:s7], [sflag:s8] =	dma.local @!p0 [hbm:s6], $0xF7A  }
0x23: {  	s9 =	sor.u32 $0xD0000000, s2;
	s6 =	simm.s32 $0x108;
	_ =	swait.ge @!p0 [sflag:s8], $0x0  }
0x24: {  	s3 =	sadd.s32 $0x88, s3;
	s6 =	simm.s32 @!p1 $0x1082;
	[sflag:s4] =	ssyncset.s32 $0xFFFFF086  }
0x25: {  	[simem:s6], [sflag:s4] =	dma.local [hbm:s3], $0xF7A  }
0x26: {  	[smem:$0x3F9F] =	sst s1;
	(tag) =	ssettag s2;
	_ =	strace s9  }
0x27: {  	s1 =	sld [smem:$0x3FAF]  }
0x28: {  	s2 =	sld [smem:$0x3FB0]  }
0x29: {  	s4 =	sld [smem:$0x3FB2]  }
0x2a: {  	p0 =	seq.s32 s5, $0x0;
	s5 =	sld [smem:$0x3FB3]  }
0x2b: {  	s6 =	sld [smem:$0x3FB4]  }
0x2c: {  	s7 =	sld [smem:$0x3FB5]  }
0x2d: {  	s3 =	simm.s32 $0x108;
	s8 =	sld [smem:$0x3FB6]  }
0x2e: {  	s3 =	simm.s32 @!p0 $0x1082;
	s9 =	sld [smem:$0x3FB7]  }
0x2f: {  	lr =	sadd.s32 s0, s3;
	s0 =	sld [smem:$0x3FAE]  }
0x30: {  	s3 =	sld [smem:$0x3FB1]  }
0x31: {  	[smem:$0x3FBA] =	sst s10  }
0x32: {  	s10 =	sld [smem:$0x3FB8];
	_ =	sdelay $0x3  }
0x33: {  	p0 =	seq.s32 s10, $0x1;
	s10 =	sld [smem:$0x3FBA];
	_ =	sdelay $0x3  }
0x34: {  	[smem:$0x3FBA] =	sst s10  }
0x35: {  	s10 =	sld [smem:$0x3FB9];
	_ =	sdelay $0x3  }
0x36: {  	p1 =	seq.s32 s10, $0x1;
	s10 =	sld [smem:$0x3FBA];
	_ =	sdelay $0x3  }
0x37: {  	[smem:$0x3FBA] =	sst s10  }
0x38: {  	s10 =	sld [smem:$0x3FBB]  }
0x39: {  	_ = 	snop;
	(pc) =	sbr.ind lr, $3  }
0x3a: {  	_ = 	snop  }
0x3b: {  	_ = 	snop  }
0x3c: {  	p2 =	seq.s32 s10, $0x1;
	s10 =	sld [smem:$0x3FBA]  }
0x3d: {  	_ =	shalt  }
0x3e: {  	_ =	shalt  }
0x3f: {  	_ =	shalt  }
0x40: {  	_ =	shalt  }
0x41: {  	_ =	shalt  }
0x42: {  	_ =	shalt  }
0x43: {  	_ =	shalt  }
0x44: {  	_ =	shalt  }
0x45: {  	_ =	shalt  }
0x46: {  	_ =	shalt  }
0x47: {  	_ =	shalt  }
0x48: {  	_ =	shalt  }
0x49: {  	_ =	shalt  }
0x4a: {  	_ =	shalt  }
0x4b: {  	_ =	shalt  }
0x4c: {  	_ =	shalt  }
0x4d: {  	_ =	shalt  }
0x4e: {  	_ =	shalt  }
0x4f: {  	_ =	shalt  }
0x50: {  	_ =	shalt  }
0x51: {  	_ =	shalt  }
0x52: {  	_ =	shalt  }
0x53: {  	_ =	shalt  }
0x54: {  	_ =	shalt  }
0x55: {  	_ =	shalt  }
0x56: {  	_ =	shalt  }
0x57: {  	_ =	shalt  }
0x58: {  	_ =	shalt  }
0x59: {  	_ =	shalt  }
0x5a: {  	_ =	shalt  }
0x5b: {  	_ =	shalt  }
0x5c: {  	_ =	shalt  }
0x5d: {  	_ =	shalt  }
0x5e: {  	_ =	shalt  }
0x5f: {  	_ =	shalt  }
0x60: {  	_ =	shalt  }
0x61: {  	_ =	shalt  }
0x62: {  	_ =	shalt  }
0x63: {  	_ =	shalt  }
0x64: {  	_ =	shalt  }
0x65: {  	_ =	shalt  }
0x66: {  	_ =	shalt  }
0x67: {  	_ =	shalt  }
0x68: {  	_ =	shalt  }
0x69: {  	_ =	shalt  }
0x6a: {  	_ =	shalt  }
0x6b: {  	_ =	shalt  }
0x6c: {  	_ =	shalt  }
0x6d: {  	_ =	shalt  }
0x6e: {  	_ =	shalt  }
0x6f: {  	_ =	shalt  }
0x70: {  	_ =	shalt  }
0x71: {  	_ =	shalt  }
0x72: {  	_ =	shalt  }
0x73: {  	_ =	shalt  }
0x74: {  	_ =	shalt  }
0x75: {  	_ =	shalt  }
0x76: {  	_ =	shalt  }
0x77: {  	_ =	shalt  }
0x78: {  	_ =	shalt  }
0x79: {  	_ =	shalt  }
0x7a: {  	_ =	shalt  }
0x7b: {  	_ =	shalt  }
0x7c: {  	_ =	shalt  }
0x7d: {  	_ =	shalt  }
0x7e: {  	_ =	shalt  }
0x7f: {  	_ =	shalt  }
0x80: {  	_ =	shalt  }
0x81: {  	_ =	shalt  }
0x82: {  	_ =	shalt  }
0x83: {  	_ =	shalt  }
0x84: {  	_ =	shalt  }
0x85: {  	_ =	shalt  }
0x86: {  	_ =	shalt  }
0x87: {  	_ =	shalt  }
.Lfunc_end0:
.L_simem_size_0:
called_computation_lowered:
.L_overlay_start_0:
0x88: {  	s2 =	sld [smem:$0x3FD9]  }
0x89: {  	s3 =	sld [smem:$0x3FFE];
	_ =	sdelay $0x1  }
0x8a: {  	s1 =	srdreg.scid  }
0x8b: {  	s0 =	sand.u32 $0x1, s1  }
0x8c: {  	s17 =	sshll.u32 s0, $0xA;
	s2 =	sadd.s32 s3, s2  }
0x8d: {  	s2 =	sadd.s32 s2, s17  }
0x8e: {  	[smem:$0x3FC6] =	sst s2  }
0x8f: {  	_ = 	snop  }
0x90: {  	s2 =	sld [smem:$0x3FC8]  }
0x91: {  	s18 =	sld [smem:$0x3FD0];
	(tm) =	ssettm $0x1  }
0x92: {  	s4 =	sld [smem:$0x3FFB];
	_ =	sdelay $0x3  }
0x93: {  	_ =	strace s4  }
0x94: {  	s4 =	sld [smem:$0x3FFC];
	_ =	sdelay $0x3  }
0x95: {  	_ =	strace s4  }
0x96: {  	s4 =	sld [smem:$0x3FFD];
	_ =	sdelay $0x3  }
0x97: {  	_ =	strace s4  }
0x98: {  	_ =	strace $0x8FFFFFFF  }
0x99: {  	s19 =	sld [smem:$0x3FDB];
	_ =	sdelay $0x1  }
0x9a: {  	s5 =	simm.s32 $_scs_section_size  }
0x9b: {  	s6 =	simm.s32 $_size__tile_overlayer_lowered;
	s7 =	simm.s32 $_tile_overlayer_lowered  }
0x9c: {  	s22 =	simm.s32 $0x1BFF;
	s21 =	sshll.u32 s7, $0x1;
	s4 =	sadd.s32 s5, s19  }
0x9d: {  	s8 =	simm.s32 $0x0;
	s20 =	sshll.u32 s6, $0x1;
	s6 =	sadd.s32 s21, s4  }
0x9e: {  	[timem:s8], [sflag:s22] =	dma.local [hbm:s6], s20  }
0x9f: {  	_ =	swait.ge [sflag:s22], s20  }
0xa0: {  	s5 =	ssub.s32 $0x0, s20;
	[sflag:s22] =	ssyncset.done $0x0  }
0xa1: {  	[sflag:s22] =	ssyncadd.s32 s5;
	_ =	sdelay $0x1  }
0xa2: {  	s23 =	simm.s32 $0x1B8B  }
0xa3: {  	_ =	swait.ge [sflag:s23], $0x1  }
0xa4: {  	[sflag:s23] =	ssyncset.done $0x0  }
0xa5: {  	s25 =	simm.s32 $0x1B8E;
	s24 =	sld [smem:$0x3FFE];
	[sflag:s23] =	ssyncadd.s32 $0xFFFFFFFF  }
0xa6: {  	s26 =	simm.s32 $execute0_lowered;
	[smem:$0x3FD2] =	sst s25  }
0xa7: {  	s6 =	sshll.u32 s26, $0x1;
	_ =	strace $0x80000046;
	[dreg:$0x1] =	wrdreg $0xFFFFFFFF  }
0xa8: {  	s28 =	simm.s32 $_size_execute0_lowered;
	s4 =	sadd.s32 s4, s6;
	[dreg:$0x0] =	wrdreg $0x0  }
0xa9: {  	s6 =	sshll.u32 s28, $0x1;
	[dreg:$0x2] =	wrdreg s4  }
0xaa: {  	[dreg:$0x3] =	wrdreg s6  }
0xab: {  	[dreg:$0x4] =	wrdreg $0xC0  }
0xac: {  	_ =	task [dreg:s8], $0x5FFFF  }
0xad: {  	[dreg:$0x1] =	wrdreg $0xFFFFFFFF  }
0xae: {  	[dreg:$0x0] =	wrdreg $0x60  }
0xaf: {  	[dreg:$0x2] =	wrdreg s24  }
0xb0: {  	[dreg:$0x3] =	wrdreg s2  }
0xb1: {  	[dreg:$0x4] =	wrdreg s18  }
0xb2: {  	[dreg:$0x5] =	wrdreg $0x9  }
0xb3: {  	_ =	task.clear_ibuf [dreg:s8], $0x6FFFF;
	_ =	strace $0x90000046  }
0xb4: {  	s29 =	simm.s32 $0x9;
	_ =	strace $0x80000048  }
0xb5: {  	_ =	swait.ge [sflag:s29], $0x1  }
0xb6: {  	[sflag:s29] =	ssyncadd.s32 $0xFFFFFFFF  }
0xb7: {  	_ =	strace $0x90000048  }
0xb8: {  	_ =	sfence  }
0xb9: {  	s30 =	sld [smem:$0x0];
	_ =	sdelay $0x2  }
0xba: {  	s31 =	sshll.u32 s1, $0xD;
	s1 =	sshrl.u32 s1, $0x2  }
0xbb: {  	s3 =	sand.u32 $0x4000, s31;
	s1 =	sadd.s32 s1, s30  }
0xbc: {  	s0 =	sor.u32 s3, s0;
	s1 =	sshll.u32 s1, $0x11  }
0xbd: {  	s0 =	sor.u32 s1, s0  }
0xbe: {  	s0 =	sadd.s32 $0x8F2B, s0  }
0xbf: {  	[sflag:s0] =	ssyncadd.remote.s32 $0x1  }
0xc0: {  	_ =	sfence.sel $0xFFFF  }
0xc1: {  	[dreg:$0x0] =	wrdreg $0xFFFFFFFF;
	(pc) =	sbr.abs _section_cstart, $3  }
0xc2: {  	[dreg:$0x1] =	wrdreg $0xFFFFFFFF  }
0xc3: {  	_ =	task.clear_ibuf [dreg:s8], $0x2FFFF;
	_ =	strace $0x9FFFFFFF  }
0xc4: {  	(tm) =	ssettm $0x7FFFFFFF  }
0xc5: {  	_ =	shalt  }
tec
execute0_lowered:
.L_overlay_start_1:
0x0: {  	(tag) =	ssettag $0x1  }
0x1: {  	s1 =	rddreg [dreg:$0x0]  }
0x2: {  	s0 =	srdreg.scid;
	s3 =	stileid.u32  }
0x3: {  	s2 =	rddreg [dreg:$0x1];
	s0 =	sand.u32 $0x1, s0;
	s3 =	sshll.u32 s3, $0x1  }
0x4: {  	s4 =	rddreg [dreg:$0x2];
	s5 =	sor.u32 s0, s3  }
0x5: {  	s3 =	simm.s32 $0x0;
	s6 =	sshll.u32 s5, $0x9;
	s5 =	sshll.u32 s5, $0x11  }
0x6: {  	[smem:$0x7FF] =	sst s3;
	s1 =	sadd.s32 s6, s1;
	s8 =	sadd.s32 s4, s5  }
0x7: {  	_ =	strace $0x80000047;
	s1 =	sadd.s32 $0x400, s1;
	[smem:$0x7FC] =	sst s8  }
0x8: {  	s25 =	sadd.s32 $0x1000, s8;
	[dreg:$0x4] =	wrdreg s1  }
0x9: {  	s26 =	sadd.s32 $0x2000, s8;
	[dreg:$0x5] =	wrdreg s25  }
0xa: {  	s28 =	sadd.s32 $0x3000, s8;
	[dreg:$0x6] =	wrdreg s26  }
0xb: {  	s29 =	sadd.s32 $0x4000, s8;
	[dreg:$0x7] =	wrdreg s28  }
0xc: {  	s30 =	sadd.s32 $0x5000, s8;
	[dreg:$0x8] =	wrdreg s29  }
0xd: {  	s31 =	sadd.s32 $0x6000, s8;
	[dreg:$0x9] =	wrdreg s30  }
0xe: {  	s4 =	sadd.s32 $0x7000, s8;
	[dreg:$0xa] =	wrdreg s31  }
0xf: {  	s5 =	sadd.s32 $0x8000, s8;
	[dreg:$0xb] =	wrdreg s4  }
0x10: {  	s6 =	sadd.s32 $0x9000, s8;
	[dreg:$0xc] =	wrdreg s5  }
0x11: {  	s7 =	sadd.s32 $0xA000, s8;
	[dreg:$0xd] =	wrdreg s6  }
0x12: {  	s9 =	sadd.s32 $0xB000, s8;
	[dreg:$0xe] =	wrdreg s7  }
0x13: {  	s10 =	sadd.s32 $0xC000, s8;
	[dreg:$0xf] =	wrdreg s9  }
0x14: {  	s11 =	sadd.s32 $0xD000, s8;
	[dreg:$0x10] =	wrdreg s10  }
0x15: {  	s12 =	sadd.s32 $0xE000, s8;
	[dreg:$0x11] =	wrdreg s11  }
0x16: {  	s13 =	sadd.s32 $0xF000, s8;
	[dreg:$0x12] =	wrdreg s12  }
0x17: {  	s14 =	sadd.s32 $0x10000, s8;
	[dreg:$0x13] =	wrdreg s13  }
0x18: {  	s15 =	sadd.s32 $0x11000, s8;
	[dreg:$0x14] =	wrdreg s14  }
0x19: {  	s16 =	sadd.s32 $0x12000, s8;
	[dreg:$0x15] =	wrdreg s15  }
0x1a: {  	s17 =	sadd.s32 $0x13000, s8;
	[dreg:$0x16] =	wrdreg s16  }
0x1b: {  	s18 =	sadd.s32 $0x14000, s8;
	[dreg:$0x17] =	wrdreg s17  }
0x1c: {  	s19 =	sadd.s32 $0x15000, s8;
	[dreg:$0x18] =	wrdreg s18  }
0x1d: {  	s20 =	sadd.s32 $0x16000, s8;
	[dreg:$0x19] =	wrdreg s19  }
0x1e: {  	s21 =	sadd.s32 $0x17000, s8;
	[dreg:$0x1a] =	wrdreg s20  }
0x1f: {  	s22 =	sadd.s32 $0x18000, s8;
	[dreg:$0x1b] =	wrdreg s21  }
0x20: {  	s23 =	sadd.s32 $0x19000, s8;
	[dreg:$0x1c] =	wrdreg s22  }
0x21: {  	s0 =	ssub.s32 $0x2, s0;
	s24 =	sadd.s32 $0x1A000, s8;
	[dreg:$0x1d] =	wrdreg s23  }
0x22: {  	s25 =	sshrl.u32 s0, $0x1;
	[dreg:$0x1e] =	wrdreg s24  }
0x23: {  	s26 =	sadd.s32 $0x1B000, s8;
	s28 =	sadd.s32 $0x1C000, s8;
	s5 =	sadd.s32 $0x100, s2  }
0x24: {  	s29 =	sadd.s32 $0x1D000, s8;
	s6 =	sadd.s32 $0x200, s2;
	s30 =	sadd.s32 $0x1E000, s8  }
0x25: {  	s7 =	sadd.s32 $0x300, s2;
	s31 =	sadd.s32 $0x1F000, s8;
	[dreg:$0x1f] =	wrdreg s26  }
0x26: {  	s19 =	simm.s32 $0x1;
	s20 =	simm.s32 $0x4;
	[smem:$0x7F9] =	sst s28  }
0x27: {  	v2 =	vlaneseq.u32;
	s21 =	simm.s32 $0x2;
	s22 =	simm.s32 $0x5;
	[smem:$0x7FA] =	sst s29  }
0x28: {  	vm0 =	vmmov $0xffff;
	v1 =	vshrl.u32 v2, $0x3;
	s23 =	simm.s32 $0x3;
	s0 =	ssub.s32 s0, s25;
	[smem:$0x7FB] =	sst s30  }
0x29: {  	v0 =	vand.u32 $0x7, v2;
	v2 =	vor.u32 $0x8, v2;
	v1 =	vmul.u32 $0x8, v1;
	s24 =	simm.s32 $0x6;
	[smem:$0x7FD] =	sst s31;
	s0 =	smax.u32 s0, $0x1  }
.LBB2_1:
0x2a: {  	[smem:$0x7F8] =	sst s0  }
0x2b: {  	s25 =	rddreg [dreg:$0x4];
	s30 =	simm.s32 $0x7  }
0x2c: {  	[tilespmem:s3], [sflag:$0x7] =	stream.linear.gather [hbm4b:s25+s3], $0x1000, $0x38;
	[tilespmem:$0x19000] =	vst v63  }
0x2d: {  	_ =	swait.ge [sflag:s30], $0x1000  }
0x2e: {  	[sflag:s30] =	ssyncset.done $0x0  }
0x2f: {  	[sflag:s30] =	ssyncadd.s32 $0xFFFFF000  }
0x30: {  	v3 =	vld [tilespmem:$0x0];
	_ =	sdelay $0x4  }
0x31: {  	v4 =	vshll.u32 v3, $0x3  }
0x32: {  	v3 =	vand.u32 $0x7, v3;
	v4 =	vand.u32 $0xFFFFFFC0, v4  }
0x33: {  	v3 =	vor.u32 v3, v4  }
0x34: {  	v4 =	vperm.xlane v3, v0;
	_ =	sdelay $0x1  }
0x35: {  	v4 =	vadd.s32 v1, v4;
	_ =	sdelay $0x3  }
0x36: {  	s31 =	simm.s32 $0x1000  }
0x37: {  	[tilespmem:s31], [sflag:$0x1] =	stream.indirect_vreg.gather [hbm4b:s2+s3], $0x80, v4, vm0, $0xb8;
	[tilespmem:$0x19000] =	vst v63  }
0x38: {  	s1 =	simm.s32 $0x1800;
	v3 =	vperm.xlane v3, v2  }
0x39: {  	[tilespmem:s1], [sflag:$0x1] =	stream.indirect_vreg.gather [hbm4b:s5+s3], $0x80, v4, vm0, $0xb8;
	[tilespmem:$0x19000] =	vst v63  }
0x3a: {  	s4 =	simm.s32 $0x2000;
	v3 =	vadd.s32 v1, v3  }
0x3b: {  	[tilespmem:s4], [sflag:$0x1] =	stream.indirect_vreg.gather [hbm4b:s6+s3], $0x80, v4, vm0, $0xb8;
	[tilespmem:$0x19000] =	vst v63  }
0x3c: {  	s8 =	simm.s32 $0x2800  }
0x3d: {  	[tilespmem:s8], [sflag:$0x1] =	stream.indirect_vreg.gather [hbm4b:s7+s3], $0x80, v4, vm0, $0xb8;
	[tilespmem:$0x19000] =	vst v63  }
0x3e: {  	s9 =	simm.s32 $0x3000  }
0x3f: {  	[tilespmem:s9], [sflag:$0x1] =	stream.indirect_vreg.gather [hbm4b:s2+s3], $0x80, v3, vm0, $0xb8;
	[tilespmem:$0x19000] =	vst v63  }
0x40: {  	s10 =	simm.s32 $0x3800  }
0x41: {  	[tilespmem:s10], [sflag:$0x1] =	stream.indirect_vreg.gather [hbm4b:s5+s3], $0x80, v3, vm0, $0xb8;
	[tilespmem:$0x19000] =	vst v63  }
0x42: {  	s11 =	simm.s32 $0x4000  }
0x43: {  	[tilespmem:s11], [sflag:$0x1] =	stream.indirect_vreg.gather [hbm4b:s6+s3], $0x80, v3, vm0, $0xb8;
	[tilespmem:$0x19000] =	vst v63  }
0x44: {  	s12 =	simm.s32 $0x4800  }
0x45: {  	[tilespmem:s12], [sflag:$0x1] =	stream.indirect_vreg.gather [hbm4b:s7+s3], $0x80, v3, vm0, $0xb8;
	[tilespmem:$0x19000] =	vst v63  }
0x46: {  	v3 =	vld [tilespmem:$0x10];
	_ =	sdelay $0x4  }
0x47: {  	v57 =	vshll.u32 v3, $0x3  }
0x48: {  	v3 =	vand.u32 $0x7, v3;
	v4 =	vand.u32 $0xFFFFFFC0, v57  }
0x49: {  	v3 =	vor.u32 v3, v4  }
0x4a: {  	v4 =	vperm.xlane v3, v0;
	_ =	sdelay $0x1  }
0x4b: {  	v4 =	vadd.s32 v1, v4;
	_ =	sdelay $0x3  }
0x4c: {  	s13 =	simm.s32 $0x5000  }
0x4d: {  	[tilespmem:s13], [sflag:$0x1] =	stream.indirect_vreg.gather [hbm4b:s2+s3], $0x80, v4, vm0, $0xb8;
	[tilespmem:$0x19000] =	vst v63  }
0x4e: {  	s14 =	simm.s32 $0x5800;
	v3 =	vperm.xlane v3, v2  }
0x4f: {  	[tilespmem:s14], [sflag:$0x1] =	stream.indirect_vreg.gather [hbm4b:s5+s3], $0x80, v4, vm0, $0xb8;
	[tilespmem:$0x19000] =	vst v63  }
0x50: {  	s15 =	simm.s32 $0x6000;
	v3 =	vadd.s32 v1, v3  }
0x51: {  	[tilespmem:s15], [sflag:$0x1] =	stream.indirect_vreg.gather [hbm4b:s6+s3], $0x80, v4, vm0, $0xb8;
	[tilespmem:$0x19000] =	vst v63  }
0x52: {  	s16 =	simm.s32 $0x6800  }
0x53: {  	[tilespmem:s16], [sflag:$0x1] =	stream.indirect_vreg.gather [hbm4b:s7+s3], $0x80, v4, vm0, $0xb8;
	[tilespmem:$0x19000] =	vst v63  }
0x54: {  	s17 =	simm.s32 $0x7000  }
0x55: {  	[tilespmem:s17], [sflag:$0x1] =	stream.indirect_vreg.gather [hbm4b:s2+s3], $0x80, v3, vm0, $0xb8;
	[tilespmem:$0x19000] =	vst v63  }
0x56: {  	s18 =	simm.s32 $0x7800  }
0x57: {  	[tilespmem:s18], [sflag:$0x1] =	stream.indirect_vreg.gather [hbm4b:s5+s3], $0x80, v3, vm0, $0xb8;
	[tilespmem:$0x19000] =	vst v63  }
0x58: {  	s25 =	simm.s32 $0x8000  }
0x59: {  	[tilespmem:s25], [sflag:$0x1] =	stream.indirect_vreg.gather [hbm4b:s6+s3], $0x80, v3, vm0, $0xb8;
	[tilespmem:$0x19000] =	vst v63  }
0x5a: {  	s26 =	simm.s32 $0x8800  }
0x5b: {  	[tilespmem:s26], [sflag:$0x1] =	stream.indirect_vreg.gather [hbm4b:s7+s3], $0x80, v3, vm0, $0xb8;
	[tilespmem:$0x19000] =	vst v63  }
0x5c: {  	v3 =	vld [tilespmem:$0x80];
	_ =	sdelay $0x4  }
0x5d: {  	v58 =	vshll.u32 v3, $0x3  }
0x5e: {  	v3 =	vand.u32 $0x7, v3;
	v4 =	vand.u32 $0xFFFFFFC0, v58  }
0x5f: {  	v3 =	vor.u32 v3, v4  }
0x60: {  	v4 =	vperm.xlane v3, v0;
	_ =	sdelay $0x1  }
0x61: {  	v4 =	vadd.s32 v1, v4;
	_ =	sdelay $0x3  }
0x62: {  	s28 =	simm.s32 $0x9000  }
0x63: {  	[tilespmem:s28], [sflag:$0x2] =	stream.indirect_vreg.gather [hbm4b:s2+s3], $0x80, v4, vm0, $0xb8;
	[tilespmem:$0x19000] =	vst v63  }
0x64: {  	s29 =	simm.s32 $0x9800;
	v3 =	vperm.xlane v3, v2  }
0x65: {  	[tilespmem:s29], [sflag:$0x2] =	stream.indirect_vreg.gather [hbm4b:s5+s3], $0x80, v4, vm0, $0xb8;
	[tilespmem:$0x19000] =	vst v63  }
0x66: {  	s30 =	simm.s32 $0xA000;
	v3 =	vadd.s32 v1, v3  }
0x67: {  	[tilespmem:s30], [sflag:$0x2] =	stream.indirect_vreg.gather [hbm4b:s6+s3], $0x80, v4, vm0, $0xb8;
	[tilespmem:$0x19000] =	vst v63  }
0x68: {  	s4 =	simm.s32 $0xA800  }
0x69: {  	[tilespmem:s4], [sflag:$0x2] =	stream.indirect_vreg.gather [hbm4b:s7+s3], $0x80, v4, vm0, $0xb8;
	[tilespmem:$0x19000] =	vst v63  }
0x6a: {  	s8 =	simm.s32 $0xB000  }
0x6b: {  	[tilespmem:s8], [sflag:$0x2] =	stream.indirect_vreg.gather [hbm4b:s2+s3], $0x80, v3, vm0, $0xb8;
	[tilespmem:$0x19000] =	vst v63  }
0x6c: {  	s13 =	simm.s32 $0xB800  }
0x6d: {  	[tilespmem:s13], [sflag:$0x2] =	stream.indirect_vreg.gather [hbm4b:s5+s3], $0x80, v3, vm0, $0xb8;
	[tilespmem:$0x19000] =	vst v63  }
0x6e: {  	s14 =	simm.s32 $0xC000  }
0x6f: {  	[tilespmem:s14], [sflag:$0x2] =	stream.indirect_vreg.gather [hbm4b:s6+s3], $0x80, v3, vm0, $0xb8;
	[tilespmem:$0x19000] =	vst v63  }
0x70: {  	s16 =	simm.s32 $0xC800  }
0x71: {  	[tilespmem:s16], [sflag:$0x2] =	stream.indirect_vreg.gather [hbm4b:s7+s3], $0x80, v3, vm0, $0xb8;
	[tilespmem:$0x19000] =	vst v63  }
0x72: {  	v3 =	vld [tilespmem:$0x90];
	_ =	sdelay $0x4  }
0x73: {  	v59 =	vshll.u32 v3, $0x3  }
0x74: {  	v3 =	vand.u32 $0x7, v3;
	v4 =	vand.u32 $0xFFFFFFC0, v59  }
0x75: {  	v3 =	vor.u32 v3, v4  }
0x76: {  	v4 =	vperm.xlane v3, v0;
	_ =	sdelay $0x1  }
0x77: {  	v4 =	vadd.s32 v1, v4;
	_ =	sdelay $0x3  }
0x78: {  	s17 =	simm.s32 $0xD000  }
0x79: {  	[tilespmem:s17], [sflag:$0x2] =	stream.indirect_vreg.gather [hbm4b:s2+s3], $0x80, v4, vm0, $0xb8;
	[tilespmem:$0x19000] =	vst v63  }
0x7a: {  	s18 =	simm.s32 $0xD800;
	v3 =	vperm.xlane v3, v2  }
0x7b: {  	[tilespmem:s18], [sflag:$0x2] =	stream.indirect_vreg.gather [hbm4b:s5+s3], $0x80, v4, vm0, $0xb8;
	[tilespmem:$0x19000] =	vst v63  }
0x7c: {  	s25 =	simm.s32 $0xE000;
	v3 =	vadd.s32 v1, v3  }
0x7d: {  	[tilespmem:s25], [sflag:$0x2] =	stream.indirect_vreg.gather [hbm4b:s6+s3], $0x80, v4, vm0, $0xb8;
	[tilespmem:$0x19000] =	vst v63  }
0x7e: {  	s26 =	simm.s32 $0xE800  }
0x7f: {  	[tilespmem:s26], [sflag:$0x2] =	stream.indirect_vreg.gather [hbm4b:s7+s3], $0x80, v4, vm0, $0xb8;
	[tilespmem:$0x19000] =	vst v63  }
0x80: {  	s29 =	simm.s32 $0xF000  }
0x81: {  	[tilespmem:s29], [sflag:$0x2] =	stream.indirect_vreg.gather [hbm4b:s2+s3], $0x80, v3, vm0, $0xb8;
	[tilespmem:$0x19000] =	vst v63  }
0x82: {  	s30 =	simm.s32 $0xF800  }
0x83: {  	[tilespmem:s30], [sflag:$0x2] =	stream.indirect_vreg.gather [hbm4b:s5+s3], $0x80, v3, vm0, $0xb8;
	[tilespmem:$0x19000] =	vst v63  }
0x84: {  	s4 =	simm.s32 $0x10000  }
0x85: {  	[tilespmem:s4], [sflag:$0x2] =	stream.indirect_vreg.gather [hbm4b:s6+s3], $0x80, v3, vm0, $0xb8;
	[tilespmem:$0x19000] =	vst v63  }
0x86: {  	s8 =	simm.s32 $0x10800  }
0x87: {  	[tilespmem:s8], [sflag:$0x2] =	stream.indirect_vreg.gather [hbm4b:s7+s3], $0x80, v3, vm0, $0xb8;
	[tilespmem:$0x19000] =	vst v63  }
0x88: {  	v3 =	vld [tilespmem:$0x100];
	_ =	sdelay $0x4  }
0x89: {  	v60 =	vshll.u32 v3, $0x3  }
0x8a: {  	v3 =	vand.u32 $0x7, v3;
	v4 =	vand.u32 $0xFFFFFFC0, v60  }
0x8b: {  	v3 =	vor.u32 v3, v4  }
0x8c: {  	v4 =	vperm.xlane v3, v0;
	_ =	sdelay $0x1  }
0x8d: {  	v4 =	vadd.s32 v1, v4;
	_ =	sdelay $0x3  }
0x8e: {  	s13 =	simm.s32 $0x11000  }
0x8f: {  	[tilespmem:s13], [sflag:$0x3] =	stream.indirect_vreg.gather [hbm4b:s2+s3], $0x80, v4, vm0, $0xb8;
	[tilespmem:$0x19000] =	vst v63  }
0x90: {  	s14 =	simm.s32 $0x11800;
	v3 =	vperm.xlane v3, v2  }
0x91: {  	[tilespmem:s14], [sflag:$0x3] =	stream.indirect_vreg.gather [hbm4b:s5+s3], $0x80, v4, vm0, $0xb8;
	[tilespmem:$0x19000] =	vst v63  }
0x92: {  	s18 =	simm.s32 $0x12000;
	v3 =	vadd.s32 v1, v3  }
0x93: {  	[tilespmem:s18], [sflag:$0x3] =	stream.indirect_vreg.gather [hbm4b:s6+s3], $0x80, v4, vm0, $0xb8;
	[tilespmem:$0x19000] =	vst v63  }
0x94: {  	s25 =	simm.s32 $0x12800  }
0x95: {  	[tilespmem:s25], [sflag:$0x3] =	stream.indirect_vreg.gather [hbm4b:s7+s3], $0x80, v4, vm0, $0xb8;
	[tilespmem:$0x19000] =	vst v63  }
0x96: {  	s26 =	simm.s32 $0x13000  }
0x97: {  	[tilespmem:s26], [sflag:$0x3] =	stream.indirect_vreg.gather [hbm4b:s2+s3], $0x80, v3, vm0, $0xb8;
	[tilespmem:$0x19000] =	vst v63  }
0x98: {  	s4 =	simm.s32 $0x13800  }
0x99: {  	[tilespmem:s4], [sflag:$0x3] =	stream.indirect_vreg.gather [hbm4b:s5+s3], $0x80, v3, vm0, $0xb8;
	[tilespmem:$0x19000] =	vst v63  }
0x9a: {  	s8 =	simm.s32 $0x14000  }
0x9b: {  	[tilespmem:s8], [sflag:$0x3] =	stream.indirect_vreg.gather [hbm4b:s6+s3], $0x80, v3, vm0, $0xb8;
	[tilespmem:$0x19000] =	vst v63  }
0x9c: {  	s13 =	simm.s32 $0x14800  }
0x9d: {  	[tilespmem:s13], [sflag:$0x3] =	stream.indirect_vreg.gather [hbm4b:s7+s3], $0x80, v3, vm0, $0xb8;
	[tilespmem:$0x19000] =	vst v63  }
0x9e: {  	v3 =	vld [tilespmem:$0x110];
	_ =	sdelay $0x4  }
0x9f: {  	v61 =	vshll.u32 v3, $0x3  }
0xa0: {  	v3 =	vand.u32 $0x7, v3;
	v4 =	vand.u32 $0xFFFFFFC0, v61  }
0xa1: {  	v3 =	vor.u32 v3, v4  }
0xa2: {  	v4 =	vperm.xlane v3, v0;
	_ =	sdelay $0x1  }
0xa3: {  	v4 =	vadd.s32 v1, v4;
	_ =	sdelay $0x3  }
0xa4: {  	s14 =	simm.s32 $0x15000  }
0xa5: {  	[tilespmem:s14], [sflag:$0x3] =	stream.indirect_vreg.gather [hbm4b:s2+s3], $0x80, v4, vm0, $0xb8;
	[tilespmem:$0x19000] =	vst v63  }
0xa6: {  	s18 =	simm.s32 $0x15800;
	v3 =	vperm.xlane v3, v2  }
0xa7: {  	[tilespmem:s18], [sflag:$0x3] =	stream.indirect_vreg.gather [hbm4b:s5+s3], $0x80, v4, vm0, $0xb8;
	[tilespmem:$0x19000] =	vst v63  }
0xa8: {  	s25 =	simm.s32 $0x16000;
	v3 =	vadd.s32 v1, v3  }
0xa9: {  	[tilespmem:s25], [sflag:$0x3] =	stream.indirect_vreg.gather [hbm4b:s6+s3], $0x80, v4, vm0, $0xb8;
	[tilespmem:$0x19000] =	vst v63  }
0xaa: {  	s26 =	simm.s32 $0x16800  }
0xab: {  	[tilespmem:s26], [sflag:$0x3] =	stream.indirect_vreg.gather [hbm4b:s7+s3], $0x80, v4, vm0, $0xb8;
	[tilespmem:$0x19000] =	vst v63  }
0xac: {  	s4 =	simm.s32 $0x17000  }
0xad: {  	[tilespmem:s4], [sflag:$0x3] =	stream.indirect_vreg.gather [hbm4b:s2+s3], $0x80, v3, vm0, $0xb8;
	[tilespmem:$0x19000] =	vst v63  }
0xae: {  	s8 =	simm.s32 $0x17800  }
0xaf: {  	[tilespmem:s8], [sflag:$0x3] =	stream.indirect_vreg.gather [hbm4b:s5+s3], $0x80, v3, vm0, $0xb8;
	[tilespmem:$0x19000] =	vst v63  }
0xb0: {  	s13 =	simm.s32 $0x18000  }
0xb1: {  	[tilespmem:s13], [sflag:$0x3] =	stream.indirect_vreg.gather [hbm4b:s6+s3], $0x80, v3, vm0, $0xb8;
	[tilespmem:$0x19000] =	vst v63  }
0xb2: {  	s14 =	simm.s32 $0x18800  }
0xb3: {  	[tilespmem:s14], [sflag:$0x3] =	stream.indirect_vreg.gather [hbm4b:s7+s3], $0x80, v3, vm0, $0xb8;
	[tilespmem:$0x19000] =	vst v63  }
0xb4: {  	_ =	swait.ge [sflag:s19], $0x8000  }
0xb5: {  	s18 =	sld [smem:$0x7FC]  }
0xb6: {  	[sflag:s19] =	ssyncset.done $0x0  }
0xb7: {  	s26 =	simm.s32 $0x1000;
	[sflag:s19] =	ssyncadd.s32 $0xFFFF8000  }
0xb8: {  	[hbm4b:s18+s3] =	stream.linear.scatter [tilespmem:s26], [sflag:$0x4], $0x8000, $0x38;
	[tilespmem:$0x19000] =	vst v63  }
0xb9: {  	_ =	swait.ge [sflag:s20], $0x8000  }
0xba: {  	[sflag:s20] =	ssyncset.done $0x0  }
0xbb: {  	[sflag:s20] =	ssyncadd.s32 $0xFFFF8000  }
0xbc: {  	v3 =	vld [tilespmem:$0x180];
	_ =	sdelay $0x4  }
0xbd: {  	v62 =	vshll.u32 v3, $0x3  }
0xbe: {  	v3 =	vand.u32 $0x7, v3;
	v4 =	vand.u32 $0xFFFFFFC0, v62  }
0xbf: {  	v3 =	vor.u32 v3, v4  }
0xc0: {  	v4 =	vperm.xlane v3, v0;
	_ =	sdelay $0x1  }
0xc1: {  	v4 =	vadd.s32 v1, v4;
	_ =	sdelay $0x4  }
0xc2: {  	[tilespmem:s26], [sflag:$0x1] =	stream.indirect_vreg.gather [hbm4b:s2+s3], $0x80, v4, vm0, $0xb8;
	[tilespmem:$0x19000] =	vst v63  }
0xc3: {  	s1 =	simm.s32 $0x1800;
	v3 =	vperm.xlane v3, v2  }
0xc4: {  	[tilespmem:s1], [sflag:$0x1] =	stream.indirect_vreg.gather [hbm4b:s5+s3], $0x80, v4, vm0, $0xb8;
	[tilespmem:$0x19000] =	vst v63  }
0xc5: {  	s31 =	simm.s32 $0x2000;
	v3 =	vadd.s32 v1, v3  }
0xc6: {  	[tilespmem:s31], [sflag:$0x1] =	stream.indirect_vreg.gather [hbm4b:s6+s3], $0x80, v4, vm0, $0xb8;
	[tilespmem:$0x19000] =	vst v63  }
0xc7: {  	s31 =	simm.s32 $0x2800  }
0xc8: {  	[tilespmem:s31], [sflag:$0x1] =	stream.indirect_vreg.gather [hbm4b:s7+s3], $0x80, v4, vm0, $0xb8;
	[tilespmem:$0x19000] =	vst v63  }
0xc9: {  	s1 =	simm.s32 $0x3000  }
0xca: {  	[tilespmem:s1], [sflag:$0x1] =	stream.indirect_vreg.gather [hbm4b:s2+s3], $0x80, v3, vm0, $0xb8;
	[tilespmem:$0x19000] =	vst v63  }
0xcb: {  	s4 =	simm.s32 $0x3800  }
0xcc: {  	[tilespmem:s4], [sflag:$0x1] =	stream.indirect_vreg.gather [hbm4b:s5+s3], $0x80, v3, vm0, $0xb8;
	[tilespmem:$0x19000] =	vst v63  }
0xcd: {  	s8 =	simm.s32 $0x4000  }
0xce: {  	[tilespmem:s8], [sflag:$0x1] =	stream.indirect_vreg.gather [hbm4b:s6+s3], $0x80, v3, vm0, $0xb8;
	[tilespmem:$0x19000] =	vst v63  }
0xcf: {  	s9 =	simm.s32 $0x4800  }
0xd0: {  	[tilespmem:s9], [sflag:$0x1] =	stream.indirect_vreg.gather [hbm4b:s7+s3], $0x80, v3, vm0, $0xb8;
	[tilespmem:$0x19000] =	vst v63  }
0xd1: {  	v3 =	vld [tilespmem:$0x190];
	_ =	sdelay $0x4  }
0xd2: {  	v63 =	vshll.u32 v3, $0x3  }
0xd3: {  	v3 =	vand.u32 $0x7, v3;
	v4 =	vand.u32 $0xFFFFFFC0, v63  }
0xd4: {  	v3 =	vor.u32 v3, v4  }
0xd5: {  	v4 =	vperm.xlane v3, v0;
	_ =	sdelay $0x1  }
0xd6: {  	v4 =	vadd.s32 v1, v4;
	_ =	sdelay $0x3  }
0xd7: {  	s11 =	simm.s32 $0x5000  }
0xd8: {  	[tilespmem:s11], [sflag:$0x1] =	stream.indirect_vreg.gather [hbm4b:s2+s3], $0x80, v4, vm0, $0xb8;
	[tilespmem:$0x19000] =	vst v63  }
0xd9: {  	s12 =	simm.s32 $0x5800;
	v3 =	vperm.xlane v3, v2  }
0xda: {  	[tilespmem:s12], [sflag:$0x1] =	stream.indirect_vreg.gather [hbm4b:s5+s3], $0x80, v4, vm0, $0xb8;
	[tilespmem:$0x19000] =	vst v63  }
0xdb: {  	s9 =	simm.s32 $0x6000;
	v3 =	vadd.s32 v1, v3  }
0xdc: {  	[tilespmem:s9], [sflag:$0x1] =	stream.indirect_vreg.gather [hbm4b:s6+s3], $0x80, v4, vm0, $0xb8;
	[tilespmem:$0x19000] =	vst v63  }
0xdd: {  	s18 =	simm.s32 $0x6800  }
0xde: {  	[tilespmem:s18], [sflag:$0x1] =	stream.indirect_vreg.gather [hbm4b:s7+s3], $0x80, v4, vm0, $0xb8;
	[tilespmem:$0x19000] =	vst v63  }
0xdf: {  	s11 =	simm.s32 $0x7000  }
0xe0: {  	[tilespmem:s11], [sflag:$0x1] =	stream.indirect_vreg.gather [hbm4b:s2+s3], $0x80, v3, vm0, $0xb8;
	[tilespmem:$0x19000] =	vst v63  }
0xe1: {  	s12 =	simm.s32 $0x7800  }
0xe2: {  	[tilespmem:s12], [sflag:$0x1] =	stream.indirect_vreg.gather [hbm4b:s5+s3], $0x80, v3, vm0, $0xb8;
	[tilespmem:$0x19000] =	vst v63  }
0xe3: {  	s13 =	simm.s32 $0x8000  }
0xe4: {  	[tilespmem:s13], [sflag:$0x1] =	stream.indirect_vreg.gather [hbm4b:s6+s3], $0x80, v3, vm0, $0xb8;
	[tilespmem:$0x19000] =	vst v63  }
0xe5: {  	s14 =	simm.s32 $0x8800  }
0xe6: {  	[tilespmem:s14], [sflag:$0x1] =	stream.indirect_vreg.gather [hbm4b:s7+s3], $0x80, v3, vm0, $0xb8;
	[tilespmem:$0x19000] =	vst v63  }
0xe7: {  	_ =	swait.ge [sflag:s21], $0x8000  }
0xe8: {  	[sflag:s21] =	ssyncset.done $0x0  }
0xe9: {  	s10 =	simm.s32 $0x9000;
	s0 =	rddreg [dreg:$0x5];
	[sflag:s21] =	ssyncadd.s32 $0xFFFF8000  }
0xea: {  	[hbm4b:s0+s3] =	stream.linear.scatter [tilespmem:s10], [sflag:$0x5], $0x8000, $0x38;
	[tilespmem:$0x19000] =	vst v63  }
0xeb: {  	_ =	swait.ge [sflag:s22], $0x8000  }
0xec: {  	[sflag:s22] =	ssyncset.done $0x0  }
0xed: {  	[sflag:s22] =	ssyncadd.s32 $0xFFFF8000  }
0xee: {  	v3 =	vld [tilespmem:$0x200];
	_ =	sdelay $0x4  }
0xef: {  	v8 =	vshll.u32 v3, $0x3  }
0xf0: {  	v3 =	vand.u32 $0x7, v3;
	v4 =	vand.u32 $0xFFFFFFC0, v8  }
0xf1: {  	v3 =	vor.u32 v3, v4  }
0xf2: {  	v4 =	vperm.xlane v3, v0;
	_ =	sdelay $0x1  }
0xf3: {  	v4 =	vadd.s32 v1, v4;
	_ =	sdelay $0x4  }
0xf4: {  	[tilespmem:s10], [sflag:$0x2] =	stream.indirect_vreg.gather [hbm4b:s2+s3], $0x80, v4, vm0, $0xb8;
	[tilespmem:$0x19000] =	vst v63  }
0xf5: {  	s15 =	simm.s32 $0x9800;
	v3 =	vperm.xlane v3, v2  }
0xf6: {  	[tilespmem:s15], [sflag:$0x2] =	stream.indirect_vreg.gather [hbm4b:s5+s3], $0x80, v4, vm0, $0xb8;
	[tilespmem:$0x19000] =	vst v63  }
0xf7: {  	s26 =	simm.s32 $0xA000;
	v3 =	vadd.s32 v1, v3  }
0xf8: {  	[tilespmem:s26], [sflag:$0x2] =	stream.indirect_vreg.gather [hbm4b:s6+s3], $0x80, v4, vm0, $0xb8;
	[tilespmem:$0x19000] =	vst v63  }
0xf9: {  	s15 =	simm.s32 $0xA800  }
0xfa: {  	[tilespmem:s15], [sflag:$0x2] =	stream.indirect_vreg.gather [hbm4b:s7+s3], $0x80, v4, vm0, $0xb8;
	[tilespmem:$0x19000] =	vst v63  }
0xfb: {  	s25 =	simm.s32 $0xB000  }
0xfc: {  	[tilespmem:s25], [sflag:$0x2] =	stream.indirect_vreg.gather [hbm4b:s2+s3], $0x80, v3, vm0, $0xb8;
	[tilespmem:$0x19000] =	vst v63  }
0xfd: {  	s10 =	simm.s32 $0xB800  }
0xfe: {  	[tilespmem:s10], [sflag:$0x2] =	stream.indirect_vreg.gather [hbm4b:s5+s3], $0x80, v3, vm0, $0xb8;
	[tilespmem:$0x19000] =	vst v63  }
0xff: {  	s15 =	simm.s32 $0xC000  }
0x100: {  	[tilespmem:s15], [sflag:$0x2] =	stream.indirect_vreg.gather [hbm4b:s6+s3], $0x80, v3, vm0, $0xb8;
	[tilespmem:$0x19000] =	vst v63  }
0x101: {  	s16 =	simm.s32 $0xC800  }
0x102: {  	[tilespmem:s16], [sflag:$0x2] =	stream.indirect_vreg.gather [hbm4b:s7+s3], $0x80, v3, vm0, $0xb8;
	[tilespmem:$0x19000] =	vst v63  }
0x103: {  	v3 =	vld [tilespmem:$0x210];
	_ =	sdelay $0x4  }
0x104: {  	v9 =	vshll.u32 v3, $0x3  }
0x105: {  	v3 =	vand.u32 $0x7, v3;
	v4 =	vand.u32 $0xFFFFFFC0, v9  }
0x106: {  	v3 =	vor.u32 v3, v4  }
0x107: {  	v4 =	vperm.xlane v3, v0;
	_ =	sdelay $0x1  }
0x108: {  	v4 =	vadd.s32 v1, v4;
	_ =	sdelay $0x3  }
0x109: {  	s17 =	simm.s32 $0xD000  }
0x10a: {  	[tilespmem:s17], [sflag:$0x2] =	stream.indirect_vreg.gather [hbm4b:s2+s3], $0x80, v4, vm0, $0xb8;
	[tilespmem:$0x19000] =	vst v63  }
0x10b: {  	s28 =	simm.s32 $0xD800;
	v3 =	vperm.xlane v3, v2  }
0x10c: {  	[tilespmem:s28], [sflag:$0x2] =	stream.indirect_vreg.gather [hbm4b:s5+s3], $0x80, v4, vm0, $0xb8;
	[tilespmem:$0x19000] =	vst v63  }
0x10d: {  	v3 =	vadd.s32 v1, v3;
	s17 =	simm.s32 $0xE000  }
0x10e: {  	[tilespmem:s17], [sflag:$0x2] =	stream.indirect_vreg.gather [hbm4b:s6+s3], $0x80, v4, vm0, $0xb8;
	[tilespmem:$0x19000] =	vst v63  }
0x10f: {  	s25 =	simm.s32 $0xE800  }
0x110: {  	[tilespmem:s25], [sflag:$0x2] =	stream.indirect_vreg.gather [hbm4b:s7+s3], $0x80, v4, vm0, $0xb8;
	[tilespmem:$0x19000] =	vst v63  }
0x111: {  	s28 =	simm.s32 $0xF000  }
0x112: {  	[tilespmem:s28], [sflag:$0x2] =	stream.indirect_vreg.gather [hbm4b:s2+s3], $0x80, v3, vm0, $0xb8;
	[tilespmem:$0x19000] =	vst v63  }
0x113: {  	s10 =	simm.s32 $0xF800  }
0x114: {  	[tilespmem:s10], [sflag:$0x2] =	stream.indirect_vreg.gather [hbm4b:s5+s3], $0x80, v3, vm0, $0xb8;
	[tilespmem:$0x19000] =	vst v63  }
0x115: {  	s15 =	simm.s32 $0x10000  }
0x116: {  	[tilespmem:s15], [sflag:$0x2] =	stream.indirect_vreg.gather [hbm4b:s6+s3], $0x80, v3, vm0, $0xb8;
	[tilespmem:$0x19000] =	vst v63  }
0x117: {  	s29 =	simm.s32 $0x10800  }
0x118: {  	[tilespmem:s29], [sflag:$0x2] =	stream.indirect_vreg.gather [hbm4b:s7+s3], $0x80, v3, vm0, $0xb8;
	[tilespmem:$0x19000] =	vst v63  }
0x119: {  	_ =	swait.ge [sflag:s23], $0x8000  }
0x11a: {  	[sflag:s23] =	ssyncset.done $0x0  }
0x11b: {  	s17 =	simm.s32 $0x11000;
	s16 =	rddreg [dreg:$0x6];
	[sflag:s23] =	ssyncadd.s32 $0xFFFF8000  }
0x11c: {  	[hbm4b:s16+s3] =	stream.linear.scatter [tilespmem:s17], [sflag:$0x6], $0x8000, $0x38;
	[tilespmem:$0x19000] =	vst v63  }
0x11d: {  	_ =	swait.ge [sflag:s24], $0x8000  }
0x11e: {  	[sflag:s24] =	ssyncset.done $0x0  }
0x11f: {  	[sflag:s24] =	ssyncadd.s32 $0xFFFF8000  }
0x120: {  	v3 =	vld [tilespmem:$0x280];
	_ =	sdelay $0x4  }
0x121: {  	v10 =	vshll.u32 v3, $0x3  }
0x122: {  	v3 =	vand.u32 $0x7, v3;
	v4 =	vand.u32 $0xFFFFFFC0, v10  }
0x123: {  	v3 =	vor.u32 v3, v4  }
0x124: {  	v4 =	vperm.xlane v3, v0;
	_ =	sdelay $0x1  }
0x125: {  	v4 =	vadd.s32 v1, v4;
	_ =	sdelay $0x4  }
0x126: {  	[tilespmem:s17], [sflag:$0x3] =	stream.indirect_vreg.gather [hbm4b:s2+s3], $0x80, v4, vm0, $0xb8;
	[tilespmem:$0x19000] =	vst v63  }
0x127: {  	s30 =	simm.s32 $0x11800;
	v3 =	vperm.xlane v3, v2  }
0x128: {  	[tilespmem:s30], [sflag:$0x3] =	stream.indirect_vreg.gather [hbm4b:s5+s3], $0x80, v4, vm0, $0xb8;
	[tilespmem:$0x19000] =	vst v63  }
0x129: {  	s15 =	simm.s32 $0x12000;
	v3 =	vadd.s32 v1, v3  }
0x12a: {  	[tilespmem:s15], [sflag:$0x3] =	stream.indirect_vreg.gather [hbm4b:s6+s3], $0x80, v4, vm0, $0xb8;
	[tilespmem:$0x19000] =	vst v63  }
0x12b: {  	s16 =	simm.s32 $0x12800  }
0x12c: {  	[tilespmem:s16], [sflag:$0x3] =	stream.indirect_vreg.gather [hbm4b:s7+s3], $0x80, v4, vm0, $0xb8;
	[tilespmem:$0x19000] =	vst v63  }
0x12d: {  	s17 =	simm.s32 $0x13000  }
0x12e: {  	[tilespmem:s17], [sflag:$0x3] =	stream.indirect_vreg.gather [hbm4b:s2+s3], $0x80, v3, vm0, $0xb8;
	[tilespmem:$0x19000] =	vst v63  }
0x12f: {  	s28 =	simm.s32 $0x13800  }
0x130: {  	[tilespmem:s28], [sflag:$0x3] =	stream.indirect_vreg.gather [hbm4b:s5+s3], $0x80, v3, vm0, $0xb8;
	[tilespmem:$0x19000] =	vst v63  }
0x131: {  	s29 =	simm.s32 $0x14000  }
0x132: {  	[tilespmem:s29], [sflag:$0x3] =	stream.indirect_vreg.gather [hbm4b:s6+s3], $0x80, v3, vm0, $0xb8;
	[tilespmem:$0x19000] =	vst v63  }
0x133: {  	s25 =	simm.s32 $0x14800  }
0x134: {  	[tilespmem:s25], [sflag:$0x3] =	stream.indirect_vreg.gather [hbm4b:s7+s3], $0x80, v3, vm0, $0xb8;
	[tilespmem:$0x19000] =	vst v63  }
0x135: {  	v3 =	vld [tilespmem:$0x290];
	_ =	sdelay $0x4  }
0x136: {  	v11 =	vshll.u32 v3, $0x3  }
0x137: {  	v3 =	vand.u32 $0x7, v3;
	v4 =	vand.u32 $0xFFFFFFC0, v11  }
0x138: {  	v3 =	vor.u32 v3, v4  }
0x139: {  	v4 =	vperm.xlane v3, v0;
	_ =	sdelay $0x1  }
0x13a: {  	v4 =	vadd.s32 v1, v4;
	_ =	sdelay $0x3  }
0x13b: {  	s30 =	simm.s32 $0x15000  }
0x13c: {  	[tilespmem:s30], [sflag:$0x3] =	stream.indirect_vreg.gather [hbm4b:s2+s3], $0x80, v4, vm0, $0xb8;
	[tilespmem:$0x19000] =	vst v63  }
0x13d: {  	s10 =	simm.s32 $0x15800;
	v3 =	vperm.xlane v3, v2  }
0x13e: {  	[tilespmem:s10], [sflag:$0x3] =	stream.indirect_vreg.gather [hbm4b:s5+s3], $0x80, v4, vm0, $0xb8;
	[tilespmem:$0x19000] =	vst v63  }
0x13f: {  	v3 =	vadd.s32 v1, v3;
	s30 =	simm.s32 $0x16000  }
0x140: {  	[tilespmem:s30], [sflag:$0x3] =	stream.indirect_vreg.gather [hbm4b:s6+s3], $0x80, v4, vm0, $0xb8;
	[tilespmem:$0x19000] =	vst v63  }
0x141: {  	s10 =	simm.s32 $0x16800  }
0x142: {  	[tilespmem:s10], [sflag:$0x3] =	stream.indirect_vreg.gather [hbm4b:s7+s3], $0x80, v4, vm0, $0xb8;
	[tilespmem:$0x19000] =	vst v63  }
0x143: {  	s25 =	simm.s32 $0x17000  }
0x144: {  	[tilespmem:s25], [sflag:$0x3] =	stream.indirect_vreg.gather [hbm4b:s2+s3], $0x80, v3, vm0, $0xb8;
	[tilespmem:$0x19000] =	vst v63  }
0x145: {  	s25 =	simm.s32 $0x17800  }
0x146: {  	[tilespmem:s25], [sflag:$0x3] =	stream.indirect_vreg.gather [hbm4b:s5+s3], $0x80, v3, vm0, $0xb8;
	[tilespmem:$0x19000] =	vst v63  }
0x147: {  	s25 =	simm.s32 $0x18000  }
0x148: {  	[tilespmem:s25], [sflag:$0x3] =	stream.indirect_vreg.gather [hbm4b:s6+s3], $0x80, v3, vm0, $0xb8;
	[tilespmem:$0x19000] =	vst v63  }
0x149: {  	s25 =	simm.s32 $0x18800  }
0x14a: {  	[tilespmem:s25], [sflag:$0x3] =	stream.indirect_vreg.gather [hbm4b:s7+s3], $0x80, v3, vm0, $0xb8;
	[tilespmem:$0x19000] =	vst v63  }
0x14b: {  	_ =	swait.ge [sflag:s19], $0x8000  }
0x14c: {  	[sflag:s19] =	ssyncset.done $0x0  }
0x14d: {  	s0 =	simm.s32 $0x1000;
	s25 =	rddreg [dreg:$0x7];
	[sflag:s19] =	ssyncadd.s32 $0xFFFF8000  }
0x14e: {  	[hbm4b:s25+s3] =	stream.linear.scatter [tilespmem:s0], [sflag:$0x4], $0x8000, $0x38;
	[tilespmem:$0x19000] =	vst v63  }
0x14f: {  	_ =	swait.ge [sflag:s20], $0x8000  }
0x150: {  	[sflag:s20] =	ssyncset.done $0x0  }
0x151: {  	[sflag:s20] =	ssyncadd.s32 $0xFFFF8000  }
0x152: {  	v3 =	vld [tilespmem:$0x300];
	_ =	sdelay $0x4  }
0x153: {  	v12 =	vshll.u32 v3, $0x3  }
0x154: {  	v3 =	vand.u32 $0x7, v3;
	v4 =	vand.u32 $0xFFFFFFC0, v12  }
0x155: {  	v3 =	vor.u32 v3, v4  }
0x156: {  	v4 =	vperm.xlane v3, v0;
	_ =	sdelay $0x1  }
0x157: {  	v4 =	vadd.s32 v1, v4;
	_ =	sdelay $0x4  }
0x158: {  	[tilespmem:s0], [sflag:$0x1] =	stream.indirect_vreg.gather [hbm4b:s2+s3], $0x80, v4, vm0, $0xb8;
	[tilespmem:$0x19000] =	vst v63  }
0x159: {  	s25 =	simm.s32 $0x1800;
	v3 =	vperm.xlane v3, v2  }
0x15a: {  	[tilespmem:s25], [sflag:$0x1] =	stream.indirect_vreg.gather [hbm4b:s5+s3], $0x80, v4, vm0, $0xb8;
	[tilespmem:$0x19000] =	vst v63  }
0x15b: {  	v3 =	vadd.s32 v1, v3;
	s25 =	simm.s32 $0x2000  }
0x15c: {  	[tilespmem:s25], [sflag:$0x1] =	stream.indirect_vreg.gather [hbm4b:s6+s3], $0x80, v4, vm0, $0xb8;
	[tilespmem:$0x19000] =	vst v63  }
0x15d: {  	_ = 	snop  }
0x15e: {  	[tilespmem:s31], [sflag:$0x1] =	stream.indirect_vreg.gather [hbm4b:s7+s3], $0x80, v4, vm0, $0xb8;
	[tilespmem:$0x19000] =	vst v63  }
0x15f: {  	_ = 	snop  }
0x160: {  	[tilespmem:s1], [sflag:$0x1] =	stream.indirect_vreg.gather [hbm4b:s2+s3], $0x80, v3, vm0, $0xb8;
	[tilespmem:$0x19000] =	vst v63  }
0x161: {  	_ = 	snop  }
0x162: {  	[tilespmem:s4], [sflag:$0x1] =	stream.indirect_vreg.gather [hbm4b:s5+s3], $0x80, v3, vm0, $0xb8;
	[tilespmem:$0x19000] =	vst v63  }
0x163: {  	_ = 	snop  }
0x164: {  	[tilespmem:s8], [sflag:$0x1] =	stream.indirect_vreg.gather [hbm4b:s6+s3], $0x80, v3, vm0, $0xb8;
	[tilespmem:$0x19000] =	vst v63  }
0x165: {  	s31 =	simm.s32 $0x4800  }
0x166: {  	[tilespmem:s31], [sflag:$0x1] =	stream.indirect_vreg.gather [hbm4b:s7+s3], $0x80, v3, vm0, $0xb8;
	[tilespmem:$0x19000] =	vst v63  }
0x167: {  	v3 =	vld [tilespmem:$0x310];
	_ =	sdelay $0x4  }
0x168: {  	v13 =	vshll.u32 v3, $0x3  }
0x169: {  	v3 =	vand.u32 $0x7, v3;
	v4 =	vand.u32 $0xFFFFFFC0, v13  }
0x16a: {  	v3 =	vor.u32 v3, v4  }
0x16b: {  	v4 =	vperm.xlane v3, v0;
	_ =	sdelay $0x1  }
0x16c: {  	v4 =	vadd.s32 v1, v4;
	_ =	sdelay $0x3  }
0x16d: {  	s1 =	simm.s32 $0x5000  }
0x16e: {  	[tilespmem:s1], [sflag:$0x1] =	stream.indirect_vreg.gather [hbm4b:s2+s3], $0x80, v4, vm0, $0xb8;
	[tilespmem:$0x19000] =	vst v63  }
0x16f: {  	s4 =	simm.s32 $0x5800;
	v3 =	vperm.xlane v3, v2  }
0x170: {  	[tilespmem:s4], [sflag:$0x1] =	stream.indirect_vreg.gather [hbm4b:s5+s3], $0x80, v4, vm0, $0xb8;
	[tilespmem:$0x19000] =	vst v63  }
0x171: {  	v3 =	vadd.s32 v1, v3  }
0x172: {  	[tilespmem:s9], [sflag:$0x1] =	stream.indirect_vreg.gather [hbm4b:s6+s3], $0x80, v4, vm0, $0xb8;
	[tilespmem:$0x19000] =	vst v63  }
0x173: {  	_ = 	snop  }
0x174: {  	[tilespmem:s18], [sflag:$0x1] =	stream.indirect_vreg.gather [hbm4b:s7+s3], $0x80, v4, vm0, $0xb8;
	[tilespmem:$0x19000] =	vst v63  }
0x175: {  	_ = 	snop  }
0x176: {  	[tilespmem:s11], [sflag:$0x1] =	stream.indirect_vreg.gather [hbm4b:s2+s3], $0x80, v3, vm0, $0xb8;
	[tilespmem:$0x19000] =	vst v63  }
0x177: {  	_ = 	snop  }
0x178: {  	[tilespmem:s12], [sflag:$0x1] =	stream.indirect_vreg.gather [hbm4b:s5+s3], $0x80, v3, vm0, $0xb8;
	[tilespmem:$0x19000] =	vst v63  }
0x179: {  	_ = 	snop  }
0x17a: {  	[tilespmem:s13], [sflag:$0x1] =	stream.indirect_vreg.gather [hbm4b:s6+s3], $0x80, v3, vm0, $0xb8;
	[tilespmem:$0x19000] =	vst v63  }
0x17b: {  	_ = 	snop  }
0x17c: {  	[tilespmem:s14], [sflag:$0x1] =	stream.indirect_vreg.gather [hbm4b:s7+s3], $0x80, v3, vm0, $0xb8;
	[tilespmem:$0x19000] =	vst v63  }
0x17d: {  	_ =	swait.ge [sflag:s21], $0x8000  }
0x17e: {  	[sflag:s21] =	ssyncset.done $0x0  }
0x17f: {  	s18 =	simm.s32 $0x9000;
	s14 =	rddreg [dreg:$0x8];
	[sflag:s21] =	ssyncadd.s32 $0xFFFF8000  }
0x180: {  	[hbm4b:s14+s3] =	stream.linear.scatter [tilespmem:s18], [sflag:$0x5], $0x8000, $0x38;
	[tilespmem:$0x19000] =	vst v63  }
0x181: {  	_ =	swait.ge [sflag:s22], $0x8000  }
0x182: {  	[sflag:s22] =	ssyncset.done $0x0  }
0x183: {  	[sflag:s22] =	ssyncadd.s32 $0xFFFF8000  }
0x184: {  	v3 =	vld [tilespmem:$0x380];
	_ =	sdelay $0x4  }
0x185: {  	v14 =	vshll.u32 v3, $0x3  }
0x186: {  	v3 =	vand.u32 $0x7, v3;
	v4 =	vand.u32 $0xFFFFFFC0, v14  }
0x187: {  	v3 =	vor.u32 v3, v4  }
0x188: {  	v4 =	vperm.xlane v3, v0;
	_ =	sdelay $0x1  }
0x189: {  	v4 =	vadd.s32 v1, v4;
	_ =	sdelay $0x4  }
0x18a: {  	[tilespmem:s18], [sflag:$0x2] =	stream.indirect_vreg.gather [hbm4b:s2+s3], $0x80, v4, vm0, $0xb8;
	[tilespmem:$0x19000] =	vst v63  }
0x18b: {  	s25 =	simm.s32 $0x9800;
	v3 =	vperm.xlane v3, v2  }
0x18c: {  	[tilespmem:s25], [sflag:$0x2] =	stream.indirect_vreg.gather [hbm4b:s5+s3], $0x80, v4, vm0, $0xb8;
	[tilespmem:$0x19000] =	vst v63  }
0x18d: {  	v3 =	vadd.s32 v1, v3  }
0x18e: {  	[tilespmem:s26], [sflag:$0x2] =	stream.indirect_vreg.gather [hbm4b:s6+s3], $0x80, v4, vm0, $0xb8;
	[tilespmem:$0x19000] =	vst v63  }
0x18f: {  	s31 =	simm.s32 $0xA800  }
0x190: {  	[tilespmem:s31], [sflag:$0x2] =	stream.indirect_vreg.gather [hbm4b:s7+s3], $0x80, v4, vm0, $0xb8;
	[tilespmem:$0x19000] =	vst v63  }
0x191: {  	s1 =	simm.s32 $0xB000  }
0x192: {  	[tilespmem:s1], [sflag:$0x2] =	stream.indirect_vreg.gather [hbm4b:s2+s3], $0x80, v3, vm0, $0xb8;
	[tilespmem:$0x19000] =	vst v63  }
0x193: {  	s9 =	simm.s32 $0xB800  }
0x194: {  	[tilespmem:s9], [sflag:$0x2] =	stream.indirect_vreg.gather [hbm4b:s5+s3], $0x80, v3, vm0, $0xb8;
	[tilespmem:$0x19000] =	vst v63  }
0x195: {  	s11 =	simm.s32 $0xC000  }
0x196: {  	[tilespmem:s11], [sflag:$0x2] =	stream.indirect_vreg.gather [hbm4b:s6+s3], $0x80, v3, vm0, $0xb8;
	[tilespmem:$0x19000] =	vst v63  }
0x197: {  	s12 =	simm.s32 $0xC800  }
0x198: {  	[tilespmem:s12], [sflag:$0x2] =	stream.indirect_vreg.gather [hbm4b:s7+s3], $0x80, v3, vm0, $0xb8;
	[tilespmem:$0x19000] =	vst v63  }
0x199: {  	v3 =	vld [tilespmem:$0x390];
	_ =	sdelay $0x4  }
0x19a: {  	v15 =	vshll.u32 v3, $0x3  }
0x19b: {  	v3 =	vand.u32 $0x7, v3;
	v4 =	vand.u32 $0xFFFFFFC0, v15  }
0x19c: {  	v3 =	vor.u32 v3, v4  }
0x19d: {  	v4 =	vperm.xlane v3, v0;
	_ =	sdelay $0x1  }
0x19e: {  	v4 =	vadd.s32 v1, v4;
	_ =	sdelay $0x3  }
0x19f: {  	s13 =	simm.s32 $0xD000  }
0x1a0: {  	[tilespmem:s13], [sflag:$0x2] =	stream.indirect_vreg.gather [hbm4b:s2+s3], $0x80, v4, vm0, $0xb8;
	[tilespmem:$0x19000] =	vst v63  }
0x1a1: {  	s18 =	simm.s32 $0xD800;
	v3 =	vperm.xlane v3, v2  }
0x1a2: {  	[tilespmem:s18], [sflag:$0x2] =	stream.indirect_vreg.gather [hbm4b:s5+s3], $0x80, v4, vm0, $0xb8;
	[tilespmem:$0x19000] =	vst v63  }
0x1a3: {  	s25 =	simm.s32 $0xE000;
	v3 =	vadd.s32 v1, v3  }
0x1a4: {  	[tilespmem:s25], [sflag:$0x2] =	stream.indirect_vreg.gather [hbm4b:s6+s3], $0x80, v4, vm0, $0xb8;
	[tilespmem:$0x19000] =	vst v63  }
0x1a5: {  	s26 =	simm.s32 $0xE800  }
0x1a6: {  	[tilespmem:s26], [sflag:$0x2] =	stream.indirect_vreg.gather [hbm4b:s7+s3], $0x80, v4, vm0, $0xb8;
	[tilespmem:$0x19000] =	vst v63  }
0x1a7: {  	s1 =	simm.s32 $0xF000  }
0x1a8: {  	[tilespmem:s1], [sflag:$0x2] =	stream.indirect_vreg.gather [hbm4b:s2+s3], $0x80, v3, vm0, $0xb8;
	[tilespmem:$0x19000] =	vst v63  }
0x1a9: {  	s9 =	simm.s32 $0xF800  }
0x1aa: {  	[tilespmem:s9], [sflag:$0x2] =	stream.indirect_vreg.gather [hbm4b:s5+s3], $0x80, v3, vm0, $0xb8;
	[tilespmem:$0x19000] =	vst v63  }
0x1ab: {  	s11 =	simm.s32 $0x10000  }
0x1ac: {  	[tilespmem:s11], [sflag:$0x2] =	stream.indirect_vreg.gather [hbm4b:s6+s3], $0x80, v3, vm0, $0xb8;
	[tilespmem:$0x19000] =	vst v63  }
0x1ad: {  	s12 =	simm.s32 $0x10800  }
0x1ae: {  	[tilespmem:s12], [sflag:$0x2] =	stream.indirect_vreg.gather [hbm4b:s7+s3], $0x80, v3, vm0, $0xb8;
	[tilespmem:$0x19000] =	vst v63  }
0x1af: {  	_ =	swait.ge [sflag:s23], $0x8000  }
0x1b0: {  	[sflag:s23] =	ssyncset.done $0x0  }
0x1b1: {  	s18 =	simm.s32 $0x11000;
	s13 =	rddreg [dreg:$0x9];
	[sflag:s23] =	ssyncadd.s32 $0xFFFF8000  }
0x1b2: {  	[hbm4b:s13+s3] =	stream.linear.scatter [tilespmem:s18], [sflag:$0x6], $0x8000, $0x38;
	[tilespmem:$0x19000] =	vst v63  }
0x1b3: {  	_ =	swait.ge [sflag:s24], $0x8000  }
0x1b4: {  	[sflag:s24] =	ssyncset.done $0x0  }
0x1b5: {  	[sflag:s24] =	ssyncadd.s32 $0xFFFF8000  }
0x1b6: {  	v3 =	vld [tilespmem:$0x400];
	_ =	sdelay $0x4  }
0x1b7: {  	v16 =	vshll.u32 v3, $0x3  }
0x1b8: {  	v3 =	vand.u32 $0x7, v3;
	v4 =	vand.u32 $0xFFFFFFC0, v16  }
0x1b9: {  	v3 =	vor.u32 v3, v4  }
0x1ba: {  	v4 =	vperm.xlane v3, v0;
	_ =	sdelay $0x1  }
0x1bb: {  	v4 =	vadd.s32 v1, v4;
	_ =	sdelay $0x4  }
0x1bc: {  	[tilespmem:s18], [sflag:$0x3] =	stream.indirect_vreg.gather [hbm4b:s2+s3], $0x80, v4, vm0, $0xb8;
	[tilespmem:$0x19000] =	vst v63  }
0x1bd: {  	s26 =	simm.s32 $0x11800;
	v3 =	vperm.xlane v3, v2  }
0x1be: {  	[tilespmem:s26], [sflag:$0x3] =	stream.indirect_vreg.gather [hbm4b:s5+s3], $0x80, v4, vm0, $0xb8;
	[tilespmem:$0x19000] =	vst v63  }
0x1bf: {  	v3 =	vadd.s32 v1, v3  }
0x1c0: {  	[tilespmem:s15], [sflag:$0x3] =	stream.indirect_vreg.gather [hbm4b:s6+s3], $0x80, v4, vm0, $0xb8;
	[tilespmem:$0x19000] =	vst v63  }
0x1c1: {  	_ = 	snop  }
0x1c2: {  	[tilespmem:s16], [sflag:$0x3] =	stream.indirect_vreg.gather [hbm4b:s7+s3], $0x80, v4, vm0, $0xb8;
	[tilespmem:$0x19000] =	vst v63  }
0x1c3: {  	_ = 	snop  }
0x1c4: {  	[tilespmem:s17], [sflag:$0x3] =	stream.indirect_vreg.gather [hbm4b:s2+s3], $0x80, v3, vm0, $0xb8;
	[tilespmem:$0x19000] =	vst v63  }
0x1c5: {  	_ = 	snop  }
0x1c6: {  	[tilespmem:s28], [sflag:$0x3] =	stream.indirect_vreg.gather [hbm4b:s5+s3], $0x80, v3, vm0, $0xb8;
	[tilespmem:$0x19000] =	vst v63  }
0x1c7: {  	_ = 	snop  }
0x1c8: {  	[tilespmem:s29], [sflag:$0x3] =	stream.indirect_vreg.gather [hbm4b:s6+s3], $0x80, v3, vm0, $0xb8;
	[tilespmem:$0x19000] =	vst v63  }
0x1c9: {  	s29 =	simm.s32 $0x14800  }
0x1ca: {  	[tilespmem:s29], [sflag:$0x3] =	stream.indirect_vreg.gather [hbm4b:s7+s3], $0x80, v3, vm0, $0xb8;
	[tilespmem:$0x19000] =	vst v63  }
0x1cb: {  	v3 =	vld [tilespmem:$0x410];
	_ =	sdelay $0x4  }
0x1cc: {  	v17 =	vshll.u32 v3, $0x3  }
0x1cd: {  	v3 =	vand.u32 $0x7, v3;
	v4 =	vand.u32 $0xFFFFFFC0, v17  }
0x1ce: {  	v3 =	vor.u32 v3, v4  }
0x1cf: {  	v4 =	vperm.xlane v3, v0;
	_ =	sdelay $0x1  }
0x1d0: {  	v4 =	vadd.s32 v1, v4;
	_ =	sdelay $0x3  }
0x1d1: {  	s1 =	simm.s32 $0x15000  }
0x1d2: {  	[tilespmem:s1], [sflag:$0x3] =	stream.indirect_vreg.gather [hbm4b:s2+s3], $0x80, v4, vm0, $0xb8;
	[tilespmem:$0x19000] =	vst v63  }
0x1d3: {  	s9 =	simm.s32 $0x15800;
	v3 =	vperm.xlane v3, v2  }
0x1d4: {  	[tilespmem:s9], [sflag:$0x3] =	stream.indirect_vreg.gather [hbm4b:s5+s3], $0x80, v4, vm0, $0xb8;
	[tilespmem:$0x19000] =	vst v63  }
0x1d5: {  	v3 =	vadd.s32 v1, v3  }
0x1d6: {  	[tilespmem:s30], [sflag:$0x3] =	stream.indirect_vreg.gather [hbm4b:s6+s3], $0x80, v4, vm0, $0xb8;
	[tilespmem:$0x19000] =	vst v63  }
0x1d7: {  	_ = 	snop  }
0x1d8: {  	[tilespmem:s10], [sflag:$0x3] =	stream.indirect_vreg.gather [hbm4b:s7+s3], $0x80, v4, vm0, $0xb8;
	[tilespmem:$0x19000] =	vst v63  }
0x1d9: {  	s11 =	simm.s32 $0x17000  }
0x1da: {  	[tilespmem:s11], [sflag:$0x3] =	stream.indirect_vreg.gather [hbm4b:s2+s3], $0x80, v3, vm0, $0xb8;
	[tilespmem:$0x19000] =	vst v63  }
0x1db: {  	s12 =	simm.s32 $0x17800  }
0x1dc: {  	[tilespmem:s12], [sflag:$0x3] =	stream.indirect_vreg.gather [hbm4b:s5+s3], $0x80, v3, vm0, $0xb8;
	[tilespmem:$0x19000] =	vst v63  }
0x1dd: {  	s13 =	simm.s32 $0x18000  }
0x1de: {  	[tilespmem:s13], [sflag:$0x3] =	stream.indirect_vreg.gather [hbm4b:s6+s3], $0x80, v3, vm0, $0xb8;
	[tilespmem:$0x19000] =	vst v63  }
0x1df: {  	s15 =	simm.s32 $0x18800  }
0x1e0: {  	[tilespmem:s15], [sflag:$0x3] =	stream.indirect_vreg.gather [hbm4b:s7+s3], $0x80, v3, vm0, $0xb8;
	[tilespmem:$0x19000] =	vst v63  }
0x1e1: {  	_ =	swait.ge [sflag:s19], $0x8000  }
0x1e2: {  	[sflag:s19] =	ssyncset.done $0x0  }
0x1e3: {  	s17 =	simm.s32 $0x1000;
	s16 =	rddreg [dreg:$0xa];
	[sflag:s19] =	ssyncadd.s32 $0xFFFF8000  }
0x1e4: {  	[hbm4b:s16+s3] =	stream.linear.scatter [tilespmem:s17], [sflag:$0x4], $0x8000, $0x38;
	[tilespmem:$0x19000] =	vst v63  }
0x1e5: {  	_ =	swait.ge [sflag:s20], $0x8000  }
0x1e6: {  	[sflag:s20] =	ssyncset.done $0x0  }
0x1e7: {  	[sflag:s20] =	ssyncadd.s32 $0xFFFF8000  }
0x1e8: {  	v3 =	vld [tilespmem:$0x480];
	_ =	sdelay $0x4  }
0x1e9: {  	v18 =	vshll.u32 v3, $0x3  }
0x1ea: {  	v3 =	vand.u32 $0x7, v3;
	v4 =	vand.u32 $0xFFFFFFC0, v18  }
0x1eb: {  	v3 =	vor.u32 v3, v4  }
0x1ec: {  	v4 =	vperm.xlane v3, v0;
	_ =	sdelay $0x1  }
0x1ed: {  	v4 =	vadd.s32 v1, v4;
	_ =	sdelay $0x4  }
0x1ee: {  	[tilespmem:s17], [sflag:$0x1] =	stream.indirect_vreg.gather [hbm4b:s2+s3], $0x80, v4, vm0, $0xb8;
	[tilespmem:$0x19000] =	vst v63  }
0x1ef: {  	s18 =	simm.s32 $0x1800;
	v3 =	vperm.xlane v3, v2  }
0x1f0: {  	[tilespmem:s18], [sflag:$0x1] =	stream.indirect_vreg.gather [hbm4b:s5+s3], $0x80, v4, vm0, $0xb8;
	[tilespmem:$0x19000] =	vst v63  }
0x1f1: {  	s25 =	simm.s32 $0x2000;
	v3 =	vadd.s32 v1, v3  }
0x1f2: {  	[tilespmem:s25], [sflag:$0x1] =	stream.indirect_vreg.gather [hbm4b:s6+s3], $0x80, v4, vm0, $0xb8;
	[tilespmem:$0x19000] =	vst v63  }
0x1f3: {  	s9 =	simm.s32 $0x2800  }
0x1f4: {  	[tilespmem:s9], [sflag:$0x1] =	stream.indirect_vreg.gather [hbm4b:s7+s3], $0x80, v4, vm0, $0xb8;
	[tilespmem:$0x19000] =	vst v63  }
0x1f5: {  	s10 =	simm.s32 $0x3000  }
0x1f6: {  	[tilespmem:s10], [sflag:$0x1] =	stream.indirect_vreg.gather [hbm4b:s2+s3], $0x80, v3, vm0, $0xb8;
	[tilespmem:$0x19000] =	vst v63  }
0x1f7: {  	s11 =	simm.s32 $0x3800  }
0x1f8: {  	[tilespmem:s11], [sflag:$0x1] =	stream.indirect_vreg.gather [hbm4b:s5+s3], $0x80, v3, vm0, $0xb8;
	[tilespmem:$0x19000] =	vst v63  }
0x1f9: {  	s8 =	simm.s32 $0x4000  }
0x1fa: {  	[tilespmem:s8], [sflag:$0x1] =	stream.indirect_vreg.gather [hbm4b:s6+s3], $0x80, v3, vm0, $0xb8;
	[tilespmem:$0x19000] =	vst v63  }
0x1fb: {  	s1 =	simm.s32 $0x4800  }
0x1fc: {  	[tilespmem:s1], [sflag:$0x1] =	stream.indirect_vreg.gather [hbm4b:s7+s3], $0x80, v3, vm0, $0xb8;
	[tilespmem:$0x19000] =	vst v63  }
0x1fd: {  	v3 =	vld [tilespmem:$0x490];
	_ =	sdelay $0x4  }
0x1fe: {  	v19 =	vshll.u32 v3, $0x3  }
0x1ff: {  	v3 =	vand.u32 $0x7, v3;
	v4 =	vand.u32 $0xFFFFFFC0, v19  }
0x200: {  	v3 =	vor.u32 v3, v4  }
0x201: {  	v4 =	vperm.xlane v3, v0;
	_ =	sdelay $0x1  }
0x202: {  	v4 =	vadd.s32 v1, v4;
	_ =	sdelay $0x3  }
0x203: {  	s26 =	simm.s32 $0x5000  }
0x204: {  	[tilespmem:s26], [sflag:$0x1] =	stream.indirect_vreg.gather [hbm4b:s2+s3], $0x80, v4, vm0, $0xb8;
	[tilespmem:$0x19000] =	vst v63  }
0x205: {  	s28 =	simm.s32 $0x5800;
	v3 =	vperm.xlane v3, v2  }
0x206: {  	[tilespmem:s28], [sflag:$0x1] =	stream.indirect_vreg.gather [hbm4b:s5+s3], $0x80, v4, vm0, $0xb8;
	[tilespmem:$0x19000] =	vst v63  }
0x207: {  	s12 =	simm.s32 $0x6000;
	v3 =	vadd.s32 v1, v3  }
0x208: {  	[tilespmem:s12], [sflag:$0x1] =	stream.indirect_vreg.gather [hbm4b:s6+s3], $0x80, v4, vm0, $0xb8;
	[tilespmem:$0x19000] =	vst v63  }
0x209: {  	s13 =	simm.s32 $0x6800  }
0x20a: {  	[tilespmem:s13], [sflag:$0x1] =	stream.indirect_vreg.gather [hbm4b:s7+s3], $0x80, v4, vm0, $0xb8;
	[tilespmem:$0x19000] =	vst v63  }
0x20b: {  	s15 =	simm.s32 $0x7000  }
0x20c: {  	[tilespmem:s15], [sflag:$0x1] =	stream.indirect_vreg.gather [hbm4b:s2+s3], $0x80, v3, vm0, $0xb8;
	[tilespmem:$0x19000] =	vst v63  }
0x20d: {  	s16 =	simm.s32 $0x7800  }
0x20e: {  	[tilespmem:s16], [sflag:$0x1] =	stream.indirect_vreg.gather [hbm4b:s5+s3], $0x80, v3, vm0, $0xb8;
	[tilespmem:$0x19000] =	vst v63  }
0x20f: {  	s17 =	simm.s32 $0x8000  }
0x210: {  	[tilespmem:s17], [sflag:$0x1] =	stream.indirect_vreg.gather [hbm4b:s6+s3], $0x80, v3, vm0, $0xb8;
	[tilespmem:$0x19000] =	vst v63  }
0x211: {  	s18 =	simm.s32 $0x8800  }
0x212: {  	[tilespmem:s18], [sflag:$0x1] =	stream.indirect_vreg.gather [hbm4b:s7+s3], $0x80, v3, vm0, $0xb8;
	[tilespmem:$0x19000] =	vst v63  }
0x213: {  	_ =	swait.ge [sflag:s21], $0x8000  }
0x214: {  	[sflag:s21] =	ssyncset.done $0x0  }
0x215: {  	s30 =	simm.s32 $0x9000;
	s29 =	rddreg [dreg:$0xb];
	[sflag:s21] =	ssyncadd.s32 $0xFFFF8000  }
0x216: {  	[hbm4b:s29+s3] =	stream.linear.scatter [tilespmem:s30], [sflag:$0x5], $0x8000, $0x38;
	[tilespmem:$0x19000] =	vst v63  }
0x217: {  	_ =	swait.ge [sflag:s22], $0x8000  }
0x218: {  	[sflag:s22] =	ssyncset.done $0x0  }
0x219: {  	[sflag:s22] =	ssyncadd.s32 $0xFFFF8000  }
0x21a: {  	v3 =	vld [tilespmem:$0x500];
	_ =	sdelay $0x4  }
0x21b: {  	v20 =	vshll.u32 v3, $0x3  }
0x21c: {  	v3 =	vand.u32 $0x7, v3;
	v4 =	vand.u32 $0xFFFFFFC0, v20  }
0x21d: {  	v3 =	vor.u32 v3, v4  }
0x21e: {  	v4 =	vperm.xlane v3, v0;
	_ =	sdelay $0x1  }
0x21f: {  	v4 =	vadd.s32 v1, v4;
	_ =	sdelay $0x4  }
0x220: {  	[tilespmem:s30], [sflag:$0x2] =	stream.indirect_vreg.gather [hbm4b:s2+s3], $0x80, v4, vm0, $0xb8;
	[tilespmem:$0x19000] =	vst v63  }
0x221: {  	s4 =	simm.s32 $0x9800;
	v3 =	vperm.xlane v3, v2  }
0x222: {  	[tilespmem:s4], [sflag:$0x2] =	stream.indirect_vreg.gather [hbm4b:s5+s3], $0x80, v4, vm0, $0xb8;
	[tilespmem:$0x19000] =	vst v63  }
0x223: {  	s8 =	simm.s32 $0xA000;
	v3 =	vadd.s32 v1, v3  }
0x224: {  	[tilespmem:s8], [sflag:$0x2] =	stream.indirect_vreg.gather [hbm4b:s6+s3], $0x80, v4, vm0, $0xb8;
	[tilespmem:$0x19000] =	vst v63  }
0x225: {  	s26 =	simm.s32 $0xA800  }
0x226: {  	[tilespmem:s26], [sflag:$0x2] =	stream.indirect_vreg.gather [hbm4b:s7+s3], $0x80, v4, vm0, $0xb8;
	[tilespmem:$0x19000] =	vst v63  }
0x227: {  	s28 =	simm.s32 $0xB000  }
0x228: {  	[tilespmem:s28], [sflag:$0x2] =	stream.indirect_vreg.gather [hbm4b:s2+s3], $0x80, v3, vm0, $0xb8;
	[tilespmem:$0x19000] =	vst v63  }
0x229: {  	s29 =	simm.s32 $0xB800  }
0x22a: {  	[tilespmem:s29], [sflag:$0x2] =	stream.indirect_vreg.gather [hbm4b:s5+s3], $0x80, v3, vm0, $0xb8;
	[tilespmem:$0x19000] =	vst v63  }
0x22b: {  	s30 =	simm.s32 $0xC000  }
0x22c: {  	[tilespmem:s30], [sflag:$0x2] =	stream.indirect_vreg.gather [hbm4b:s6+s3], $0x80, v3, vm0, $0xb8;
	[tilespmem:$0x19000] =	vst v63  }
0x22d: {  	s14 =	simm.s32 $0xC800  }
0x22e: {  	[tilespmem:s14], [sflag:$0x2] =	stream.indirect_vreg.gather [hbm4b:s7+s3], $0x80, v3, vm0, $0xb8;
	[tilespmem:$0x19000] =	vst v63  }
0x22f: {  	v3 =	vld [tilespmem:$0x510];
	_ =	sdelay $0x4  }
0x230: {  	v21 =	vshll.u32 v3, $0x3  }
0x231: {  	v3 =	vand.u32 $0x7, v3;
	v4 =	vand.u32 $0xFFFFFFC0, v21  }
0x232: {  	v3 =	vor.u32 v3, v4  }
0x233: {  	v4 =	vperm.xlane v3, v0;
	_ =	sdelay $0x1  }
0x234: {  	v4 =	vadd.s32 v1, v4;
	_ =	sdelay $0x3  }
0x235: {  	s31 =	simm.s32 $0xD000  }
0x236: {  	[tilespmem:s31], [sflag:$0x2] =	stream.indirect_vreg.gather [hbm4b:s2+s3], $0x80, v4, vm0, $0xb8;
	[tilespmem:$0x19000] =	vst v63  }
0x237: {  	v3 =	vperm.xlane v3, v2;
	s31 =	simm.s32 $0xD800  }
0x238: {  	[tilespmem:s31], [sflag:$0x2] =	stream.indirect_vreg.gather [hbm4b:s5+s3], $0x80, v4, vm0, $0xb8;
	[tilespmem:$0x19000] =	vst v63  }
0x239: {  	v3 =	vadd.s32 v1, v3;
	s31 =	simm.s32 $0xE000  }
0x23a: {  	[tilespmem:s31], [sflag:$0x2] =	stream.indirect_vreg.gather [hbm4b:s6+s3], $0x80, v4, vm0, $0xb8;
	[tilespmem:$0x19000] =	vst v63  }
0x23b: {  	s4 =	simm.s32 $0xE800  }
0x23c: {  	[tilespmem:s4], [sflag:$0x2] =	stream.indirect_vreg.gather [hbm4b:s7+s3], $0x80, v4, vm0, $0xb8;
	[tilespmem:$0x19000] =	vst v63  }
0x23d: {  	s14 =	simm.s32 $0xF000  }
0x23e: {  	[tilespmem:s14], [sflag:$0x2] =	stream.indirect_vreg.gather [hbm4b:s2+s3], $0x80, v3, vm0, $0xb8;
	[tilespmem:$0x19000] =	vst v63  }
0x23f: {  	s4 =	simm.s32 $0xF800  }
0x240: {  	[tilespmem:s4], [sflag:$0x2] =	stream.indirect_vreg.gather [hbm4b:s5+s3], $0x80, v3, vm0, $0xb8;
	[tilespmem:$0x19000] =	vst v63  }
0x241: {  	s14 =	simm.s32 $0x10000  }
0x242: {  	[tilespmem:s14], [sflag:$0x2] =	stream.indirect_vreg.gather [hbm4b:s6+s3], $0x80, v3, vm0, $0xb8;
	[tilespmem:$0x19000] =	vst v63  }
0x243: {  	s25 =	simm.s32 $0x10800  }
0x244: {  	[tilespmem:s25], [sflag:$0x2] =	stream.indirect_vreg.gather [hbm4b:s7+s3], $0x80, v3, vm0, $0xb8;
	[tilespmem:$0x19000] =	vst v63  }
0x245: {  	_ =	swait.ge [sflag:s23], $0x8000  }
0x246: {  	[sflag:s23] =	ssyncset.done $0x0  }
0x247: {  	s0 =	simm.s32 $0x11000;
	s25 =	rddreg [dreg:$0xc];
	[sflag:s23] =	ssyncadd.s32 $0xFFFF8000  }
0x248: {  	[hbm4b:s25+s3] =	stream.linear.scatter [tilespmem:s0], [sflag:$0x6], $0x8000, $0x38;
	[tilespmem:$0x19000] =	vst v63  }
0x249: {  	_ =	swait.ge [sflag:s24], $0x8000  }
0x24a: {  	[sflag:s24] =	ssyncset.done $0x0  }
0x24b: {  	[sflag:s24] =	ssyncadd.s32 $0xFFFF8000  }
0x24c: {  	v3 =	vld [tilespmem:$0x580];
	_ =	sdelay $0x4  }
0x24d: {  	v22 =	vshll.u32 v3, $0x3  }
0x24e: {  	v3 =	vand.u32 $0x7, v3;
	v4 =	vand.u32 $0xFFFFFFC0, v22  }
0x24f: {  	v3 =	vor.u32 v3, v4  }
0x250: {  	v4 =	vperm.xlane v3, v0;
	_ =	sdelay $0x1  }
0x251: {  	v4 =	vadd.s32 v1, v4;
	_ =	sdelay $0x4  }
0x252: {  	[tilespmem:s0], [sflag:$0x3] =	stream.indirect_vreg.gather [hbm4b:s2+s3], $0x80, v4, vm0, $0xb8;
	[tilespmem:$0x19000] =	vst v63  }
0x253: {  	s25 =	simm.s32 $0x11800;
	v3 =	vperm.xlane v3, v2  }
0x254: {  	[tilespmem:s25], [sflag:$0x3] =	stream.indirect_vreg.gather [hbm4b:s5+s3], $0x80, v4, vm0, $0xb8;
	[tilespmem:$0x19000] =	vst v63  }
0x255: {  	v3 =	vadd.s32 v1, v3;
	s25 =	simm.s32 $0x12000  }
0x256: {  	[tilespmem:s25], [sflag:$0x3] =	stream.indirect_vreg.gather [hbm4b:s6+s3], $0x80, v4, vm0, $0xb8;
	[tilespmem:$0x19000] =	vst v63  }
0x257: {  	s25 =	simm.s32 $0x12800  }
0x258: {  	[tilespmem:s25], [sflag:$0x3] =	stream.indirect_vreg.gather [hbm4b:s7+s3], $0x80, v4, vm0, $0xb8;
	[tilespmem:$0x19000] =	vst v63  }
0x259: {  	s25 =	simm.s32 $0x13000  }
0x25a: {  	[tilespmem:s25], [sflag:$0x3] =	stream.indirect_vreg.gather [hbm4b:s2+s3], $0x80, v3, vm0, $0xb8;
	[tilespmem:$0x19000] =	vst v63  }
0x25b: {  	s25 =	simm.s32 $0x13800  }
0x25c: {  	[tilespmem:s25], [sflag:$0x3] =	stream.indirect_vreg.gather [hbm4b:s5+s3], $0x80, v3, vm0, $0xb8;
	[tilespmem:$0x19000] =	vst v63  }
0x25d: {  	s25 =	simm.s32 $0x14000  }
0x25e: {  	[tilespmem:s25], [sflag:$0x3] =	stream.indirect_vreg.gather [hbm4b:s6+s3], $0x80, v3, vm0, $0xb8;
	[tilespmem:$0x19000] =	vst v63  }
0x25f: {  	s25 =	simm.s32 $0x14800  }
0x260: {  	[tilespmem:s25], [sflag:$0x3] =	stream.indirect_vreg.gather [hbm4b:s7+s3], $0x80, v3, vm0, $0xb8;
	[tilespmem:$0x19000] =	vst v63  }
0x261: {  	v3 =	vld [tilespmem:$0x590];
	_ =	sdelay $0x4  }
0x262: {  	v23 =	vshll.u32 v3, $0x3  }
0x263: {  	v3 =	vand.u32 $0x7, v3;
	v4 =	vand.u32 $0xFFFFFFC0, v23  }
0x264: {  	v3 =	vor.u32 v3, v4  }
0x265: {  	v4 =	vperm.xlane v3, v0;
	_ =	sdelay $0x1  }
0x266: {  	v4 =	vadd.s32 v1, v4;
	_ =	sdelay $0x3  }
0x267: {  	s25 =	simm.s32 $0x15000  }
0x268: {  	[tilespmem:s25], [sflag:$0x3] =	stream.indirect_vreg.gather [hbm4b:s2+s3], $0x80, v4, vm0, $0xb8;
	[tilespmem:$0x19000] =	vst v63  }
0x269: {  	v3 =	vperm.xlane v3, v2;
	s25 =	simm.s32 $0x15800  }
0x26a: {  	[tilespmem:s25], [sflag:$0x3] =	stream.indirect_vreg.gather [hbm4b:s5+s3], $0x80, v4, vm0, $0xb8;
	[tilespmem:$0x19000] =	vst v63  }
0x26b: {  	v3 =	vadd.s32 v1, v3;
	s25 =	simm.s32 $0x16000  }
0x26c: {  	[tilespmem:s25], [sflag:$0x3] =	stream.indirect_vreg.gather [hbm4b:s6+s3], $0x80, v4, vm0, $0xb8;
	[tilespmem:$0x19000] =	vst v63  }
0x26d: {  	s25 =	simm.s32 $0x16800  }
0x26e: {  	[tilespmem:s25], [sflag:$0x3] =	stream.indirect_vreg.gather [hbm4b:s7+s3], $0x80, v4, vm0, $0xb8;
	[tilespmem:$0x19000] =	vst v63  }
0x26f: {  	s25 =	simm.s32 $0x17000  }
0x270: {  	[tilespmem:s25], [sflag:$0x3] =	stream.indirect_vreg.gather [hbm4b:s2+s3], $0x80, v3, vm0, $0xb8;
	[tilespmem:$0x19000] =	vst v63  }
0x271: {  	s25 =	simm.s32 $0x17800  }
0x272: {  	[tilespmem:s25], [sflag:$0x3] =	stream.indirect_vreg.gather [hbm4b:s5+s3], $0x80, v3, vm0, $0xb8;
	[tilespmem:$0x19000] =	vst v63  }
0x273: {  	s25 =	simm.s32 $0x18000  }
0x274: {  	[tilespmem:s25], [sflag:$0x3] =	stream.indirect_vreg.gather [hbm4b:s6+s3], $0x80, v3, vm0, $0xb8;
	[tilespmem:$0x19000] =	vst v63  }
0x275: {  	s25 =	simm.s32 $0x18800  }
0x276: {  	[tilespmem:s25], [sflag:$0x3] =	stream.indirect_vreg.gather [hbm4b:s7+s3], $0x80, v3, vm0, $0xb8;
	[tilespmem:$0x19000] =	vst v63  }
0x277: {  	_ =	swait.ge [sflag:s19], $0x8000  }
0x278: {  	[sflag:s19] =	ssyncset.done $0x0  }
0x279: {  	s0 =	simm.s32 $0x1000;
	s25 =	rddreg [dreg:$0xd];
	[sflag:s19] =	ssyncadd.s32 $0xFFFF8000  }
0x27a: {  	[hbm4b:s25+s3] =	stream.linear.scatter [tilespmem:s0], [sflag:$0x4], $0x8000, $0x38;
	[tilespmem:$0x19000] =	vst v63  }
0x27b: {  	_ =	swait.ge [sflag:s20], $0x8000  }
0x27c: {  	[sflag:s20] =	ssyncset.done $0x0  }
0x27d: {  	[sflag:s20] =	ssyncadd.s32 $0xFFFF8000  }
0x27e: {  	v3 =	vld [tilespmem:$0x600];
	_ =	sdelay $0x4  }
0x27f: {  	v24 =	vshll.u32 v3, $0x3  }
0x280: {  	v3 =	vand.u32 $0x7, v3;
	v4 =	vand.u32 $0xFFFFFFC0, v24  }
0x281: {  	v3 =	vor.u32 v3, v4  }
0x282: {  	v4 =	vperm.xlane v3, v0;
	_ =	sdelay $0x1  }
0x283: {  	v4 =	vadd.s32 v1, v4;
	_ =	sdelay $0x4  }
0x284: {  	[tilespmem:s0], [sflag:$0x1] =	stream.indirect_vreg.gather [hbm4b:s2+s3], $0x80, v4, vm0, $0xb8;
	[tilespmem:$0x19000] =	vst v63  }
0x285: {  	s25 =	simm.s32 $0x1800;
	v3 =	vperm.xlane v3, v2  }
0x286: {  	[tilespmem:s25], [sflag:$0x1] =	stream.indirect_vreg.gather [hbm4b:s5+s3], $0x80, v4, vm0, $0xb8;
	[tilespmem:$0x19000] =	vst v63  }
0x287: {  	v3 =	vadd.s32 v1, v3;
	s25 =	simm.s32 $0x2000  }
0x288: {  	[tilespmem:s25], [sflag:$0x1] =	stream.indirect_vreg.gather [hbm4b:s6+s3], $0x80, v4, vm0, $0xb8;
	[tilespmem:$0x19000] =	vst v63  }
0x289: {  	_ = 	snop  }
0x28a: {  	[tilespmem:s9], [sflag:$0x1] =	stream.indirect_vreg.gather [hbm4b:s7+s3], $0x80, v4, vm0, $0xb8;
	[tilespmem:$0x19000] =	vst v63  }
0x28b: {  	_ = 	snop  }
0x28c: {  	[tilespmem:s10], [sflag:$0x1] =	stream.indirect_vreg.gather [hbm4b:s2+s3], $0x80, v3, vm0, $0xb8;
	[tilespmem:$0x19000] =	vst v63  }
0x28d: {  	_ = 	snop  }
0x28e: {  	[tilespmem:s11], [sflag:$0x1] =	stream.indirect_vreg.gather [hbm4b:s5+s3], $0x80, v3, vm0, $0xb8;
	[tilespmem:$0x19000] =	vst v63  }
0x28f: {  	s9 =	simm.s32 $0x4000  }
0x290: {  	[tilespmem:s9], [sflag:$0x1] =	stream.indirect_vreg.gather [hbm4b:s6+s3], $0x80, v3, vm0, $0xb8;
	[tilespmem:$0x19000] =	vst v63  }
0x291: {  	_ = 	snop  }
0x292: {  	[tilespmem:s1], [sflag:$0x1] =	stream.indirect_vreg.gather [hbm4b:s7+s3], $0x80, v3, vm0, $0xb8;
	[tilespmem:$0x19000] =	vst v63  }
0x293: {  	v3 =	vld [tilespmem:$0x610];
	_ =	sdelay $0x4  }
0x294: {  	v25 =	vshll.u32 v3, $0x3  }
0x295: {  	v3 =	vand.u32 $0x7, v3;
	v4 =	vand.u32 $0xFFFFFFC0, v25  }
0x296: {  	v3 =	vor.u32 v3, v4  }
0x297: {  	v4 =	vperm.xlane v3, v0;
	_ =	sdelay $0x1  }
0x298: {  	v4 =	vadd.s32 v1, v4;
	_ =	sdelay $0x3  }
0x299: {  	s10 =	simm.s32 $0x5000  }
0x29a: {  	[tilespmem:s10], [sflag:$0x1] =	stream.indirect_vreg.gather [hbm4b:s2+s3], $0x80, v4, vm0, $0xb8;
	[tilespmem:$0x19000] =	vst v63  }
0x29b: {  	s11 =	simm.s32 $0x5800;
	v3 =	vperm.xlane v3, v2  }
0x29c: {  	[tilespmem:s11], [sflag:$0x1] =	stream.indirect_vreg.gather [hbm4b:s5+s3], $0x80, v4, vm0, $0xb8;
	[tilespmem:$0x19000] =	vst v63  }
0x29d: {  	v3 =	vadd.s32 v1, v3  }
0x29e: {  	[tilespmem:s12], [sflag:$0x1] =	stream.indirect_vreg.gather [hbm4b:s6+s3], $0x80, v4, vm0, $0xb8;
	[tilespmem:$0x19000] =	vst v63  }
0x29f: {  	_ = 	snop  }
0x2a0: {  	[tilespmem:s13], [sflag:$0x1] =	stream.indirect_vreg.gather [hbm4b:s7+s3], $0x80, v4, vm0, $0xb8;
	[tilespmem:$0x19000] =	vst v63  }
0x2a1: {  	_ = 	snop  }
0x2a2: {  	[tilespmem:s15], [sflag:$0x1] =	stream.indirect_vreg.gather [hbm4b:s2+s3], $0x80, v3, vm0, $0xb8;
	[tilespmem:$0x19000] =	vst v63  }
0x2a3: {  	_ = 	snop  }
0x2a4: {  	[tilespmem:s16], [sflag:$0x1] =	stream.indirect_vreg.gather [hbm4b:s5+s3], $0x80, v3, vm0, $0xb8;
	[tilespmem:$0x19000] =	vst v63  }
0x2a5: {  	_ = 	snop  }
0x2a6: {  	[tilespmem:s17], [sflag:$0x1] =	stream.indirect_vreg.gather [hbm4b:s6+s3], $0x80, v3, vm0, $0xb8;
	[tilespmem:$0x19000] =	vst v63  }
0x2a7: {  	_ = 	snop  }
0x2a8: {  	[tilespmem:s18], [sflag:$0x1] =	stream.indirect_vreg.gather [hbm4b:s7+s3], $0x80, v3, vm0, $0xb8;
	[tilespmem:$0x19000] =	vst v63  }
0x2a9: {  	_ =	swait.ge [sflag:s21], $0x8000  }
0x2aa: {  	[sflag:s21] =	ssyncset.done $0x0  }
0x2ab: {  	s13 =	simm.s32 $0x9000;
	s12 =	rddreg [dreg:$0xe];
	[sflag:s21] =	ssyncadd.s32 $0xFFFF8000  }
0x2ac: {  	[hbm4b:s12+s3] =	stream.linear.scatter [tilespmem:s13], [sflag:$0x5], $0x8000, $0x38;
	[tilespmem:$0x19000] =	vst v63  }
0x2ad: {  	_ =	swait.ge [sflag:s22], $0x8000  }
0x2ae: {  	[sflag:s22] =	ssyncset.done $0x0  }
0x2af: {  	[sflag:s22] =	ssyncadd.s32 $0xFFFF8000  }
0x2b0: {  	v3 =	vld [tilespmem:$0x680];
	_ =	sdelay $0x4  }
0x2b1: {  	v26 =	vshll.u32 v3, $0x3  }
0x2b2: {  	v3 =	vand.u32 $0x7, v3;
	v4 =	vand.u32 $0xFFFFFFC0, v26  }
0x2b3: {  	v3 =	vor.u32 v3, v4  }
0x2b4: {  	v4 =	vperm.xlane v3, v0;
	_ =	sdelay $0x1  }
0x2b5: {  	v4 =	vadd.s32 v1, v4;
	_ =	sdelay $0x4  }
0x2b6: {  	[tilespmem:s13], [sflag:$0x2] =	stream.indirect_vreg.gather [hbm4b:s2+s3], $0x80, v4, vm0, $0xb8;
	[tilespmem:$0x19000] =	vst v63  }
0x2b7: {  	s15 =	simm.s32 $0x9800;
	v3 =	vperm.xlane v3, v2  }
0x2b8: {  	[tilespmem:s15], [sflag:$0x2] =	stream.indirect_vreg.gather [hbm4b:s5+s3], $0x80, v4, vm0, $0xb8;
	[tilespmem:$0x19000] =	vst v63  }
0x2b9: {  	v3 =	vadd.s32 v1, v3  }
0x2ba: {  	[tilespmem:s8], [sflag:$0x2] =	stream.indirect_vreg.gather [hbm4b:s6+s3], $0x80, v4, vm0, $0xb8;
	[tilespmem:$0x19000] =	vst v63  }
0x2bb: {  	_ = 	snop  }
0x2bc: {  	[tilespmem:s26], [sflag:$0x2] =	stream.indirect_vreg.gather [hbm4b:s7+s3], $0x80, v4, vm0, $0xb8;
	[tilespmem:$0x19000] =	vst v63  }
0x2bd: {  	_ = 	snop  }
0x2be: {  	[tilespmem:s28], [sflag:$0x2] =	stream.indirect_vreg.gather [hbm4b:s2+s3], $0x80, v3, vm0, $0xb8;
	[tilespmem:$0x19000] =	vst v63  }
0x2bf: {  	_ = 	snop  }
0x2c0: {  	[tilespmem:s29], [sflag:$0x2] =	stream.indirect_vreg.gather [hbm4b:s5+s3], $0x80, v3, vm0, $0xb8;
	[tilespmem:$0x19000] =	vst v63  }
0x2c1: {  	_ = 	snop  }
0x2c2: {  	[tilespmem:s30], [sflag:$0x2] =	stream.indirect_vreg.gather [hbm4b:s6+s3], $0x80, v3, vm0, $0xb8;
	[tilespmem:$0x19000] =	vst v63  }
0x2c3: {  	s0 =	simm.s32 $0xC800  }
0x2c4: {  	[tilespmem:s0], [sflag:$0x2] =	stream.indirect_vreg.gather [hbm4b:s7+s3], $0x80, v3, vm0, $0xb8;
	[tilespmem:$0x19000] =	vst v63  }
0x2c5: {  	v3 =	vld [tilespmem:$0x690];
	_ =	sdelay $0x4  }
0x2c6: {  	v27 =	vshll.u32 v3, $0x3  }
0x2c7: {  	v3 =	vand.u32 $0x7, v3;
	v4 =	vand.u32 $0xFFFFFFC0, v27  }
0x2c8: {  	v3 =	vor.u32 v3, v4  }
0x2c9: {  	v4 =	vperm.xlane v3, v0;
	_ =	sdelay $0x1  }
0x2ca: {  	v4 =	vadd.s32 v1, v4;
	_ =	sdelay $0x3  }
0x2cb: {  	s29 =	simm.s32 $0xD000  }
0x2cc: {  	[tilespmem:s29], [sflag:$0x2] =	stream.indirect_vreg.gather [hbm4b:s2+s3], $0x80, v4, vm0, $0xb8;
	[tilespmem:$0x19000] =	vst v63  }
0x2cd: {  	s16 =	simm.s32 $0xD800;
	v3 =	vperm.xlane v3, v2  }
0x2ce: {  	[tilespmem:s16], [sflag:$0x2] =	stream.indirect_vreg.gather [hbm4b:s5+s3], $0x80, v4, vm0, $0xb8;
	[tilespmem:$0x19000] =	vst v63  }
0x2cf: {  	v3 =	vadd.s32 v1, v3  }
0x2d0: {  	[tilespmem:s31], [sflag:$0x2] =	stream.indirect_vreg.gather [hbm4b:s6+s3], $0x80, v4, vm0, $0xb8;
	[tilespmem:$0x19000] =	vst v63  }
0x2d1: {  	s17 =	simm.s32 $0xE800  }
0x2d2: {  	[tilespmem:s17], [sflag:$0x2] =	stream.indirect_vreg.gather [hbm4b:s7+s3], $0x80, v4, vm0, $0xb8;
	[tilespmem:$0x19000] =	vst v63  }
0x2d3: {  	s18 =	simm.s32 $0xF000  }
0x2d4: {  	[tilespmem:s18], [sflag:$0x2] =	stream.indirect_vreg.gather [hbm4b:s2+s3], $0x80, v3, vm0, $0xb8;
	[tilespmem:$0x19000] =	vst v63  }
0x2d5: {  	_ = 	snop  }
0x2d6: {  	[tilespmem:s4], [sflag:$0x2] =	stream.indirect_vreg.gather [hbm4b:s5+s3], $0x80, v3, vm0, $0xb8;
	[tilespmem:$0x19000] =	vst v63  }
0x2d7: {  	_ = 	snop  }
0x2d8: {  	[tilespmem:s14], [sflag:$0x2] =	stream.indirect_vreg.gather [hbm4b:s6+s3], $0x80, v3, vm0, $0xb8;
	[tilespmem:$0x19000] =	vst v63  }
0x2d9: {  	s25 =	simm.s32 $0x10800  }
0x2da: {  	[tilespmem:s25], [sflag:$0x2] =	stream.indirect_vreg.gather [hbm4b:s7+s3], $0x80, v3, vm0, $0xb8;
	[tilespmem:$0x19000] =	vst v63  }
0x2db: {  	_ =	swait.ge [sflag:s23], $0x8000  }
0x2dc: {  	[sflag:s23] =	ssyncset.done $0x0  }
0x2dd: {  	s28 =	simm.s32 $0x11000;
	s26 =	rddreg [dreg:$0xf];
	[sflag:s23] =	ssyncadd.s32 $0xFFFF8000  }
0x2de: {  	[hbm4b:s26+s3] =	stream.linear.scatter [tilespmem:s28], [sflag:$0x6], $0x8000, $0x38;
	[tilespmem:$0x19000] =	vst v63  }
0x2df: {  	_ =	swait.ge [sflag:s24], $0x8000  }
0x2e0: {  	[sflag:s24] =	ssyncset.done $0x0  }
0x2e1: {  	[sflag:s24] =	ssyncadd.s32 $0xFFFF8000  }
0x2e2: {  	v3 =	vld [tilespmem:$0x700];
	_ =	sdelay $0x4  }
0x2e3: {  	v28 =	vshll.u32 v3, $0x3  }
0x2e4: {  	v3 =	vand.u32 $0x7, v3;
	v4 =	vand.u32 $0xFFFFFFC0, v28  }
0x2e5: {  	v3 =	vor.u32 v3, v4  }
0x2e6: {  	v4 =	vperm.xlane v3, v0;
	_ =	sdelay $0x1  }
0x2e7: {  	v4 =	vadd.s32 v1, v4;
	_ =	sdelay $0x4  }
0x2e8: {  	[tilespmem:s28], [sflag:$0x3] =	stream.indirect_vreg.gather [hbm4b:s2+s3], $0x80, v4, vm0, $0xb8;
	[tilespmem:$0x19000] =	vst v63  }
0x2e9: {  	s30 =	simm.s32 $0x11800;
	v3 =	vperm.xlane v3, v2  }
0x2ea: {  	[tilespmem:s30], [sflag:$0x3] =	stream.indirect_vreg.gather [hbm4b:s5+s3], $0x80, v4, vm0, $0xb8;
	[tilespmem:$0x19000] =	vst v63  }
0x2eb: {  	s1 =	simm.s32 $0x12000;
	v3 =	vadd.s32 v1, v3  }
0x2ec: {  	[tilespmem:s1], [sflag:$0x3] =	stream.indirect_vreg.gather [hbm4b:s6+s3], $0x80, v4, vm0, $0xb8;
	[tilespmem:$0x19000] =	vst v63  }
0x2ed: {  	s4 =	simm.s32 $0x12800  }
0x2ee: {  	[tilespmem:s4], [sflag:$0x3] =	stream.indirect_vreg.gather [hbm4b:s7+s3], $0x80, v4, vm0, $0xb8;
	[tilespmem:$0x19000] =	vst v63  }
0x2ef: {  	s8 =	simm.s32 $0x13000  }
0x2f0: {  	[tilespmem:s8], [sflag:$0x3] =	stream.indirect_vreg.gather [hbm4b:s2+s3], $0x80, v3, vm0, $0xb8;
	[tilespmem:$0x19000] =	vst v63  }
0x2f1: {  	s9 =	simm.s32 $0x13800  }
0x2f2: {  	[tilespmem:s9], [sflag:$0x3] =	stream.indirect_vreg.gather [hbm4b:s5+s3], $0x80, v3, vm0, $0xb8;
	[tilespmem:$0x19000] =	vst v63  }
0x2f3: {  	s10 =	simm.s32 $0x14000  }
0x2f4: {  	[tilespmem:s10], [sflag:$0x3] =	stream.indirect_vreg.gather [hbm4b:s6+s3], $0x80, v3, vm0, $0xb8;
	[tilespmem:$0x19000] =	vst v63  }
0x2f5: {  	s16 =	simm.s32 $0x14800  }
0x2f6: {  	[tilespmem:s16], [sflag:$0x3] =	stream.indirect_vreg.gather [hbm4b:s7+s3], $0x80, v3, vm0, $0xb8;
	[tilespmem:$0x19000] =	vst v63  }
0x2f7: {  	v3 =	vld [tilespmem:$0x710];
	_ =	sdelay $0x4  }
0x2f8: {  	v29 =	vshll.u32 v3, $0x3  }
0x2f9: {  	v3 =	vand.u32 $0x7, v3;
	v4 =	vand.u32 $0xFFFFFFC0, v29  }
0x2fa: {  	v3 =	vor.u32 v3, v4  }
0x2fb: {  	v4 =	vperm.xlane v3, v0;
	_ =	sdelay $0x1  }
0x2fc: {  	v4 =	vadd.s32 v1, v4;
	_ =	sdelay $0x3  }
0x2fd: {  	s17 =	simm.s32 $0x15000  }
0x2fe: {  	[tilespmem:s17], [sflag:$0x3] =	stream.indirect_vreg.gather [hbm4b:s2+s3], $0x80, v4, vm0, $0xb8;
	[tilespmem:$0x19000] =	vst v63  }
0x2ff: {  	s18 =	simm.s32 $0x15800;
	v3 =	vperm.xlane v3, v2  }
0x300: {  	[tilespmem:s18], [sflag:$0x3] =	stream.indirect_vreg.gather [hbm4b:s5+s3], $0x80, v4, vm0, $0xb8;
	[tilespmem:$0x19000] =	vst v63  }
0x301: {  	s11 =	simm.s32 $0x16000;
	v3 =	vadd.s32 v1, v3  }
0x302: {  	[tilespmem:s11], [sflag:$0x3] =	stream.indirect_vreg.gather [hbm4b:s6+s3], $0x80, v4, vm0, $0xb8;
	[tilespmem:$0x19000] =	vst v63  }
0x303: {  	s12 =	simm.s32 $0x16800  }
0x304: {  	[tilespmem:s12], [sflag:$0x3] =	stream.indirect_vreg.gather [hbm4b:s7+s3], $0x80, v4, vm0, $0xb8;
	[tilespmem:$0x19000] =	vst v63  }
0x305: {  	s13 =	simm.s32 $0x17000  }
0x306: {  	[tilespmem:s13], [sflag:$0x3] =	stream.indirect_vreg.gather [hbm4b:s2+s3], $0x80, v3, vm0, $0xb8;
	[tilespmem:$0x19000] =	vst v63  }
0x307: {  	s14 =	simm.s32 $0x17800  }
0x308: {  	[tilespmem:s14], [sflag:$0x3] =	stream.indirect_vreg.gather [hbm4b:s5+s3], $0x80, v3, vm0, $0xb8;
	[tilespmem:$0x19000] =	vst v63  }
0x309: {  	s15 =	simm.s32 $0x18000  }
0x30a: {  	[tilespmem:s15], [sflag:$0x3] =	stream.indirect_vreg.gather [hbm4b:s6+s3], $0x80, v3, vm0, $0xb8;
	[tilespmem:$0x19000] =	vst v63  }
0x30b: {  	s26 =	simm.s32 $0x18800  }
0x30c: {  	[tilespmem:s26], [sflag:$0x3] =	stream.indirect_vreg.gather [hbm4b:s7+s3], $0x80, v3, vm0, $0xb8;
	[tilespmem:$0x19000] =	vst v63  }
0x30d: {  	_ =	swait.ge [sflag:s19], $0x8000  }
0x30e: {  	[sflag:s19] =	ssyncset.done $0x0  }
0x30f: {  	s30 =	simm.s32 $0x1000;
	s31 =	rddreg [dreg:$0x10];
	[sflag:s19] =	ssyncadd.s32 $0xFFFF8000  }
0x310: {  	[hbm4b:s31+s3] =	stream.linear.scatter [tilespmem:s30], [sflag:$0x4], $0x8000, $0x38;
	[tilespmem:$0x19000] =	vst v63  }
0x311: {  	_ =	swait.ge [sflag:s20], $0x8000  }
0x312: {  	[sflag:s20] =	ssyncset.done $0x0  }
0x313: {  	[sflag:s20] =	ssyncadd.s32 $0xFFFF8000  }
0x314: {  	v3 =	vld [tilespmem:$0x780];
	_ =	sdelay $0x4  }
0x315: {  	v30 =	vshll.u32 v3, $0x3  }
0x316: {  	v3 =	vand.u32 $0x7, v3;
	v4 =	vand.u32 $0xFFFFFFC0, v30  }
0x317: {  	v3 =	vor.u32 v3, v4  }
0x318: {  	v4 =	vperm.xlane v3, v0;
	_ =	sdelay $0x1  }
0x319: {  	v4 =	vadd.s32 v1, v4;
	_ =	sdelay $0x4  }
0x31a: {  	[tilespmem:s30], [sflag:$0x1] =	stream.indirect_vreg.gather [hbm4b:s2+s3], $0x80, v4, vm0, $0xb8;
	[tilespmem:$0x19000] =	vst v63  }
0x31b: {  	s31 =	simm.s32 $0x1800;
	v3 =	vperm.xlane v3, v2  }
0x31c: {  	[tilespmem:s31], [sflag:$0x1] =	stream.indirect_vreg.gather [hbm4b:s5+s3], $0x80, v4, vm0, $0xb8;
	[tilespmem:$0x19000] =	vst v63  }
0x31d: {  	s28 =	simm.s32 $0x2000;
	v3 =	vadd.s32 v1, v3  }
0x31e: {  	[tilespmem:s28], [sflag:$0x1] =	stream.indirect_vreg.gather [hbm4b:s6+s3], $0x80, v4, vm0, $0xb8;
	[tilespmem:$0x19000] =	vst v63  }
0x31f: {  	s30 =	simm.s32 $0x2800  }
0x320: {  	[tilespmem:s30], [sflag:$0x1] =	stream.indirect_vreg.gather [hbm4b:s7+s3], $0x80, v4, vm0, $0xb8;
	[tilespmem:$0x19000] =	vst v63  }
0x321: {  	s31 =	simm.s32 $0x3000  }
0x322: {  	[tilespmem:s31], [sflag:$0x1] =	stream.indirect_vreg.gather [hbm4b:s2+s3], $0x80, v3, vm0, $0xb8;
	[tilespmem:$0x19000] =	vst v63  }
0x323: {  	s28 =	simm.s32 $0x3800  }
0x324: {  	[tilespmem:s28], [sflag:$0x1] =	stream.indirect_vreg.gather [hbm4b:s5+s3], $0x80, v3, vm0, $0xb8;
	[tilespmem:$0x19000] =	vst v63  }
0x325: {  	s28 =	simm.s32 $0x4000  }
0x326: {  	[tilespmem:s28], [sflag:$0x1] =	stream.indirect_vreg.gather [hbm4b:s6+s3], $0x80, v3, vm0, $0xb8;
	[tilespmem:$0x19000] =	vst v63  }
0x327: {  	s30 =	simm.s32 $0x4800  }
0x328: {  	[tilespmem:s30], [sflag:$0x1] =	stream.indirect_vreg.gather [hbm4b:s7+s3], $0x80, v3, vm0, $0xb8;
	[tilespmem:$0x19000] =	vst v63  }
0x329: {  	v3 =	vld [tilespmem:$0x790];
	_ =	sdelay $0x4  }
0x32a: {  	v31 =	vshll.u32 v3, $0x3  }
0x32b: {  	v3 =	vand.u32 $0x7, v3;
	v4 =	vand.u32 $0xFFFFFFC0, v31  }
0x32c: {  	v3 =	vor.u32 v3, v4  }
0x32d: {  	v4 =	vperm.xlane v3, v0;
	_ =	sdelay $0x1  }
0x32e: {  	v4 =	vadd.s32 v1, v4;
	_ =	sdelay $0x3  }
0x32f: {  	s31 =	simm.s32 $0x5000  }
0x330: {  	[tilespmem:s31], [sflag:$0x1] =	stream.indirect_vreg.gather [hbm4b:s2+s3], $0x80, v4, vm0, $0xb8;
	[tilespmem:$0x19000] =	vst v63  }
0x331: {  	s30 =	simm.s32 $0x5800;
	v3 =	vperm.xlane v3, v2  }
0x332: {  	[tilespmem:s30], [sflag:$0x1] =	stream.indirect_vreg.gather [hbm4b:s5+s3], $0x80, v4, vm0, $0xb8;
	[tilespmem:$0x19000] =	vst v63  }
0x333: {  	v3 =	vadd.s32 v1, v3;
	s31 =	simm.s32 $0x6000  }
0x334: {  	[tilespmem:s31], [sflag:$0x1] =	stream.indirect_vreg.gather [hbm4b:s6+s3], $0x80, v4, vm0, $0xb8;
	[tilespmem:$0x19000] =	vst v63  }
0x335: {  	s30 =	simm.s32 $0x6800  }
0x336: {  	[tilespmem:s30], [sflag:$0x1] =	stream.indirect_vreg.gather [hbm4b:s7+s3], $0x80, v4, vm0, $0xb8;
	[tilespmem:$0x19000] =	vst v63  }
0x337: {  	s31 =	simm.s32 $0x7000  }
0x338: {  	[tilespmem:s31], [sflag:$0x1] =	stream.indirect_vreg.gather [hbm4b:s2+s3], $0x80, v3, vm0, $0xb8;
	[tilespmem:$0x19000] =	vst v63  }
0x339: {  	s30 =	simm.s32 $0x7800  }
0x33a: {  	[tilespmem:s30], [sflag:$0x1] =	stream.indirect_vreg.gather [hbm4b:s5+s3], $0x80, v3, vm0, $0xb8;
	[tilespmem:$0x19000] =	vst v63  }
0x33b: {  	s31 =	simm.s32 $0x8000  }
0x33c: {  	[tilespmem:s31], [sflag:$0x1] =	stream.indirect_vreg.gather [hbm4b:s6+s3], $0x80, v3, vm0, $0xb8;
	[tilespmem:$0x19000] =	vst v63  }
0x33d: {  	s30 =	simm.s32 $0x8800  }
0x33e: {  	[tilespmem:s30], [sflag:$0x1] =	stream.indirect_vreg.gather [hbm4b:s7+s3], $0x80, v3, vm0, $0xb8;
	[tilespmem:$0x19000] =	vst v63  }
0x33f: {  	_ =	swait.ge [sflag:s21], $0x8000  }
0x340: {  	[sflag:s21] =	ssyncset.done $0x0  }
0x341: {  	s31 =	simm.s32 $0x9000;
	s25 =	rddreg [dreg:$0x11];
	[sflag:s21] =	ssyncadd.s32 $0xFFFF8000  }
0x342: {  	[hbm4b:s25+s3] =	stream.linear.scatter [tilespmem:s31], [sflag:$0x5], $0x8000, $0x38;
	[tilespmem:$0x19000] =	vst v63  }
0x343: {  	_ =	swait.ge [sflag:s22], $0x8000  }
0x344: {  	[sflag:s22] =	ssyncset.done $0x0  }
0x345: {  	[sflag:s22] =	ssyncadd.s32 $0xFFFF8000  }
0x346: {  	v3 =	vld [tilespmem:$0x800];
	_ =	sdelay $0x4  }
0x347: {  	v32 =	vshll.u32 v3, $0x3  }
0x348: {  	v3 =	vand.u32 $0x7, v3;
	v4 =	vand.u32 $0xFFFFFFC0, v32  }
0x349: {  	v3 =	vor.u32 v3, v4  }
0x34a: {  	v4 =	vperm.xlane v3, v0;
	_ =	sdelay $0x1  }
0x34b: {  	v4 =	vadd.s32 v1, v4;
	_ =	sdelay $0x4  }
0x34c: {  	[tilespmem:s31], [sflag:$0x2] =	stream.indirect_vreg.gather [hbm4b:s2+s3], $0x80, v4, vm0, $0xb8;
	[tilespmem:$0x19000] =	vst v63  }
0x34d: {  	v3 =	vperm.xlane v3, v2;
	s31 =	simm.s32 $0x9800  }
0x34e: {  	[tilespmem:s31], [sflag:$0x2] =	stream.indirect_vreg.gather [hbm4b:s5+s3], $0x80, v4, vm0, $0xb8;
	[tilespmem:$0x19000] =	vst v63  }
0x34f: {  	s30 =	simm.s32 $0xA000;
	v3 =	vadd.s32 v1, v3  }
0x350: {  	[tilespmem:s30], [sflag:$0x2] =	stream.indirect_vreg.gather [hbm4b:s6+s3], $0x80, v4, vm0, $0xb8;
	[tilespmem:$0x19000] =	vst v63  }
0x351: {  	s31 =	simm.s32 $0xA800  }
0x352: {  	[tilespmem:s31], [sflag:$0x2] =	stream.indirect_vreg.gather [hbm4b:s7+s3], $0x80, v4, vm0, $0xb8;
	[tilespmem:$0x19000] =	vst v63  }
0x353: {  	s25 =	simm.s32 $0xB000  }
0x354: {  	[tilespmem:s25], [sflag:$0x2] =	stream.indirect_vreg.gather [hbm4b:s2+s3], $0x80, v3, vm0, $0xb8;
	[tilespmem:$0x19000] =	vst v63  }
0x355: {  	s25 =	simm.s32 $0xB800  }
0x356: {  	[tilespmem:s25], [sflag:$0x2] =	stream.indirect_vreg.gather [hbm4b:s5+s3], $0x80, v3, vm0, $0xb8;
	[tilespmem:$0x19000] =	vst v63  }
0x357: {  	s25 =	simm.s32 $0xC000  }
0x358: {  	[tilespmem:s25], [sflag:$0x2] =	stream.indirect_vreg.gather [hbm4b:s6+s3], $0x80, v3, vm0, $0xb8;
	[tilespmem:$0x19000] =	vst v63  }
0x359: {  	_ = 	snop  }
0x35a: {  	[tilespmem:s0], [sflag:$0x2] =	stream.indirect_vreg.gather [hbm4b:s7+s3], $0x80, v3, vm0, $0xb8;
	[tilespmem:$0x19000] =	vst v63  }
0x35b: {  	v3 =	vld [tilespmem:$0x810];
	_ =	sdelay $0x4  }
0x35c: {  	v33 =	vshll.u32 v3, $0x3  }
0x35d: {  	v3 =	vand.u32 $0x7, v3;
	v4 =	vand.u32 $0xFFFFFFC0, v33  }
0x35e: {  	v3 =	vor.u32 v3, v4  }
0x35f: {  	v4 =	vperm.xlane v3, v0;
	_ =	sdelay $0x1  }
0x360: {  	v4 =	vadd.s32 v1, v4;
	_ =	sdelay $0x4  }
0x361: {  	[tilespmem:s29], [sflag:$0x2] =	stream.indirect_vreg.gather [hbm4b:s2+s3], $0x80, v4, vm0, $0xb8;
	[tilespmem:$0x19000] =	vst v63  }
0x362: {  	v3 =	vperm.xlane v3, v2;
	s29 =	simm.s32 $0xD800  }
0x363: {  	[tilespmem:s29], [sflag:$0x2] =	stream.indirect_vreg.gather [hbm4b:s5+s3], $0x80, v4, vm0, $0xb8;
	[tilespmem:$0x19000] =	vst v63  }
0x364: {  	v3 =	vadd.s32 v1, v3;
	s29 =	simm.s32 $0xE000  }
0x365: {  	[tilespmem:s29], [sflag:$0x2] =	stream.indirect_vreg.gather [hbm4b:s6+s3], $0x80, v4, vm0, $0xb8;
	[tilespmem:$0x19000] =	vst v63  }
0x366: {  	s25 =	simm.s32 $0xE800  }
0x367: {  	[tilespmem:s25], [sflag:$0x2] =	stream.indirect_vreg.gather [hbm4b:s7+s3], $0x80, v4, vm0, $0xb8;
	[tilespmem:$0x19000] =	vst v63  }
0x368: {  	s25 =	simm.s32 $0xF000  }
0x369: {  	[tilespmem:s25], [sflag:$0x2] =	stream.indirect_vreg.gather [hbm4b:s2+s3], $0x80, v3, vm0, $0xb8;
	[tilespmem:$0x19000] =	vst v63  }
0x36a: {  	s25 =	simm.s32 $0xF800  }
0x36b: {  	[tilespmem:s25], [sflag:$0x2] =	stream.indirect_vreg.gather [hbm4b:s5+s3], $0x80, v3, vm0, $0xb8;
	[tilespmem:$0x19000] =	vst v63  }
0x36c: {  	s25 =	simm.s32 $0x10000  }
0x36d: {  	[tilespmem:s25], [sflag:$0x2] =	stream.indirect_vreg.gather [hbm4b:s6+s3], $0x80, v3, vm0, $0xb8;
	[tilespmem:$0x19000] =	vst v63  }
0x36e: {  	s25 =	simm.s32 $0x10800  }
0x36f: {  	[tilespmem:s25], [sflag:$0x2] =	stream.indirect_vreg.gather [hbm4b:s7+s3], $0x80, v3, vm0, $0xb8;
	[tilespmem:$0x19000] =	vst v63  }
0x370: {  	_ =	swait.ge [sflag:s23], $0x8000  }
0x371: {  	[sflag:s23] =	ssyncset.done $0x0  }
0x372: {  	s0 =	simm.s32 $0x11000;
	s25 =	rddreg [dreg:$0x12];
	[sflag:s23] =	ssyncadd.s32 $0xFFFF8000  }
0x373: {  	[hbm4b:s25+s3] =	stream.linear.scatter [tilespmem:s0], [sflag:$0x6], $0x8000, $0x38;
	[tilespmem:$0x19000] =	vst v63  }
0x374: {  	_ =	swait.ge [sflag:s24], $0x8000  }
0x375: {  	[sflag:s24] =	ssyncset.done $0x0  }
0x376: {  	[sflag:s24] =	ssyncadd.s32 $0xFFFF8000  }
0x377: {  	v3 =	vld [tilespmem:$0x880];
	_ =	sdelay $0x4  }
0x378: {  	v34 =	vshll.u32 v3, $0x3  }
0x379: {  	v3 =	vand.u32 $0x7, v3;
	v4 =	vand.u32 $0xFFFFFFC0, v34  }
0x37a: {  	v3 =	vor.u32 v3, v4  }
0x37b: {  	v4 =	vperm.xlane v3, v0;
	_ =	sdelay $0x1  }
0x37c: {  	v4 =	vadd.s32 v1, v4;
	_ =	sdelay $0x4  }
0x37d: {  	[tilespmem:s0], [sflag:$0x3] =	stream.indirect_vreg.gather [hbm4b:s2+s3], $0x80, v4, vm0, $0xb8;
	[tilespmem:$0x19000] =	vst v63  }
0x37e: {  	s25 =	simm.s32 $0x11800;
	v3 =	vperm.xlane v3, v2  }
0x37f: {  	[tilespmem:s25], [sflag:$0x3] =	stream.indirect_vreg.gather [hbm4b:s5+s3], $0x80, v4, vm0, $0xb8;
	[tilespmem:$0x19000] =	vst v63  }
0x380: {  	v3 =	vadd.s32 v1, v3  }
0x381: {  	[tilespmem:s1], [sflag:$0x3] =	stream.indirect_vreg.gather [hbm4b:s6+s3], $0x80, v4, vm0, $0xb8;
	[tilespmem:$0x19000] =	vst v63  }
0x382: {  	_ = 	snop  }
0x383: {  	[tilespmem:s4], [sflag:$0x3] =	stream.indirect_vreg.gather [hbm4b:s7+s3], $0x80, v4, vm0, $0xb8;
	[tilespmem:$0x19000] =	vst v63  }
0x384: {  	_ = 	snop  }
0x385: {  	[tilespmem:s8], [sflag:$0x3] =	stream.indirect_vreg.gather [hbm4b:s2+s3], $0x80, v3, vm0, $0xb8;
	[tilespmem:$0x19000] =	vst v63  }
0x386: {  	_ = 	snop  }
0x387: {  	[tilespmem:s9], [sflag:$0x3] =	stream.indirect_vreg.gather [hbm4b:s5+s3], $0x80, v3, vm0, $0xb8;
	[tilespmem:$0x19000] =	vst v63  }
0x388: {  	_ = 	snop  }
0x389: {  	[tilespmem:s10], [sflag:$0x3] =	stream.indirect_vreg.gather [hbm4b:s6+s3], $0x80, v3, vm0, $0xb8;
	[tilespmem:$0x19000] =	vst v63  }
0x38a: {  	_ = 	snop  }
0x38b: {  	[tilespmem:s16], [sflag:$0x3] =	stream.indirect_vreg.gather [hbm4b:s7+s3], $0x80, v3, vm0, $0xb8;
	[tilespmem:$0x19000] =	vst v63  }
0x38c: {  	v3 =	vld [tilespmem:$0x890];
	_ =	sdelay $0x4  }
0x38d: {  	v35 =	vshll.u32 v3, $0x3  }
0x38e: {  	v3 =	vand.u32 $0x7, v3;
	v4 =	vand.u32 $0xFFFFFFC0, v35  }
0x38f: {  	v3 =	vor.u32 v3, v4  }
0x390: {  	v4 =	vperm.xlane v3, v0;
	_ =	sdelay $0x1  }
0x391: {  	v4 =	vadd.s32 v1, v4;
	_ =	sdelay $0x4  }
0x392: {  	[tilespmem:s17], [sflag:$0x3] =	stream.indirect_vreg.gather [hbm4b:s2+s3], $0x80, v4, vm0, $0xb8;
	[tilespmem:$0x19000] =	vst v63  }
0x393: {  	v3 =	vperm.xlane v3, v2  }
0x394: {  	[tilespmem:s18], [sflag:$0x3] =	stream.indirect_vreg.gather [hbm4b:s5+s3], $0x80, v4, vm0, $0xb8;
	[tilespmem:$0x19000] =	vst v63  }
0x395: {  	v3 =	vadd.s32 v1, v3  }
0x396: {  	[tilespmem:s11], [sflag:$0x3] =	stream.indirect_vreg.gather [hbm4b:s6+s3], $0x80, v4, vm0, $0xb8;
	[tilespmem:$0x19000] =	vst v63  }
0x397: {  	_ = 	snop  }
0x398: {  	[tilespmem:s12], [sflag:$0x3] =	stream.indirect_vreg.gather [hbm4b:s7+s3], $0x80, v4, vm0, $0xb8;
	[tilespmem:$0x19000] =	vst v63  }
0x399: {  	_ = 	snop  }
0x39a: {  	[tilespmem:s13], [sflag:$0x3] =	stream.indirect_vreg.gather [hbm4b:s2+s3], $0x80, v3, vm0, $0xb8;
	[tilespmem:$0x19000] =	vst v63  }
0x39b: {  	_ = 	snop  }
0x39c: {  	[tilespmem:s14], [sflag:$0x3] =	stream.indirect_vreg.gather [hbm4b:s5+s3], $0x80, v3, vm0, $0xb8;
	[tilespmem:$0x19000] =	vst v63  }
0x39d: {  	_ = 	snop  }
0x39e: {  	[tilespmem:s15], [sflag:$0x3] =	stream.indirect_vreg.gather [hbm4b:s6+s3], $0x80, v3, vm0, $0xb8;
	[tilespmem:$0x19000] =	vst v63  }
0x39f: {  	_ = 	snop  }
0x3a0: {  	[tilespmem:s26], [sflag:$0x3] =	stream.indirect_vreg.gather [hbm4b:s7+s3], $0x80, v3, vm0, $0xb8;
	[tilespmem:$0x19000] =	vst v63  }
0x3a1: {  	_ =	swait.ge [sflag:s19], $0x8000  }
0x3a2: {  	[sflag:s19] =	ssyncset.done $0x0  }
0x3a3: {  	s18 =	simm.s32 $0x1000;
	s17 =	rddreg [dreg:$0x13];
	[sflag:s19] =	ssyncadd.s32 $0xFFFF8000  }
0x3a4: {  	[hbm4b:s17+s3] =	stream.linear.scatter [tilespmem:s18], [sflag:$0x4], $0x8000, $0x38;
	[tilespmem:$0x19000] =	vst v63  }
0x3a5: {  	_ =	swait.ge [sflag:s20], $0x8000  }
0x3a6: {  	[sflag:s20] =	ssyncset.done $0x0  }
0x3a7: {  	[sflag:s20] =	ssyncadd.s32 $0xFFFF8000  }
0x3a8: {  	v3 =	vld [tilespmem:$0x900];
	_ =	sdelay $0x4  }
0x3a9: {  	v36 =	vshll.u32 v3, $0x3  }
0x3aa: {  	v3 =	vand.u32 $0x7, v3;
	v4 =	vand.u32 $0xFFFFFFC0, v36  }
0x3ab: {  	v3 =	vor.u32 v3, v4  }
0x3ac: {  	v4 =	vperm.xlane v3, v0;
	_ =	sdelay $0x1  }
0x3ad: {  	v4 =	vadd.s32 v1, v4;
	_ =	sdelay $0x4  }
0x3ae: {  	[tilespmem:s18], [sflag:$0x1] =	stream.indirect_vreg.gather [hbm4b:s2+s3], $0x80, v4, vm0, $0xb8;
	[tilespmem:$0x19000] =	vst v63  }
0x3af: {  	s15 =	simm.s32 $0x1800;
	v3 =	vperm.xlane v3, v2  }
0x3b0: {  	[tilespmem:s15], [sflag:$0x1] =	stream.indirect_vreg.gather [hbm4b:s5+s3], $0x80, v4, vm0, $0xb8;
	[tilespmem:$0x19000] =	vst v63  }
0x3b1: {  	s14 =	simm.s32 $0x2000;
	v3 =	vadd.s32 v1, v3  }
0x3b2: {  	[tilespmem:s14], [sflag:$0x1] =	stream.indirect_vreg.gather [hbm4b:s6+s3], $0x80, v4, vm0, $0xb8;
	[tilespmem:$0x19000] =	vst v63  }
0x3b3: {  	s8 =	simm.s32 $0x2800  }
0x3b4: {  	[tilespmem:s8], [sflag:$0x1] =	stream.indirect_vreg.gather [hbm4b:s7+s3], $0x80, v4, vm0, $0xb8;
	[tilespmem:$0x19000] =	vst v63  }
0x3b5: {  	s1 =	simm.s32 $0x3000  }
0x3b6: {  	[tilespmem:s1], [sflag:$0x1] =	stream.indirect_vreg.gather [hbm4b:s2+s3], $0x80, v3, vm0, $0xb8;
	[tilespmem:$0x19000] =	vst v63  }
0x3b7: {  	s4 =	simm.s32 $0x3800  }
0x3b8: {  	[tilespmem:s4], [sflag:$0x1] =	stream.indirect_vreg.gather [hbm4b:s5+s3], $0x80, v3, vm0, $0xb8;
	[tilespmem:$0x19000] =	vst v63  }
0x3b9: {  	_ = 	snop  }
0x3ba: {  	[tilespmem:s28], [sflag:$0x1] =	stream.indirect_vreg.gather [hbm4b:s6+s3], $0x80, v3, vm0, $0xb8;
	[tilespmem:$0x19000] =	vst v63  }
0x3bb: {  	s16 =	simm.s32 $0x4800  }
0x3bc: {  	[tilespmem:s16], [sflag:$0x1] =	stream.indirect_vreg.gather [hbm4b:s7+s3], $0x80, v3, vm0, $0xb8;
	[tilespmem:$0x19000] =	vst v63  }
0x3bd: {  	v3 =	vld [tilespmem:$0x910];
	_ =	sdelay $0x4  }
0x3be: {  	v37 =	vshll.u32 v3, $0x3  }
0x3bf: {  	v3 =	vand.u32 $0x7, v3;
	v4 =	vand.u32 $0xFFFFFFC0, v37  }
0x3c0: {  	v3 =	vor.u32 v3, v4  }
0x3c1: {  	v4 =	vperm.xlane v3, v0;
	_ =	sdelay $0x1  }
0x3c2: {  	v4 =	vadd.s32 v1, v4;
	_ =	sdelay $0x3  }
0x3c3: {  	s17 =	simm.s32 $0x5000  }
0x3c4: {  	[tilespmem:s17], [sflag:$0x1] =	stream.indirect_vreg.gather [hbm4b:s2+s3], $0x80, v4, vm0, $0xb8;
	[tilespmem:$0x19000] =	vst v63  }
0x3c5: {  	s18 =	simm.s32 $0x5800;
	v3 =	vperm.xlane v3, v2  }
0x3c6: {  	[tilespmem:s18], [sflag:$0x1] =	stream.indirect_vreg.gather [hbm4b:s5+s3], $0x80, v4, vm0, $0xb8;
	[tilespmem:$0x19000] =	vst v63  }
0x3c7: {  	s25 =	simm.s32 $0x6000;
	v3 =	vadd.s32 v1, v3  }
0x3c8: {  	[tilespmem:s25], [sflag:$0x1] =	stream.indirect_vreg.gather [hbm4b:s6+s3], $0x80, v4, vm0, $0xb8;
	[tilespmem:$0x19000] =	vst v63  }
0x3c9: {  	s9 =	simm.s32 $0x6800  }
0x3ca: {  	[tilespmem:s9], [sflag:$0x1] =	stream.indirect_vreg.gather [hbm4b:s7+s3], $0x80, v4, vm0, $0xb8;
	[tilespmem:$0x19000] =	vst v63  }
0x3cb: {  	s10 =	simm.s32 $0x7000  }
0x3cc: {  	[tilespmem:s10], [sflag:$0x1] =	stream.indirect_vreg.gather [hbm4b:s2+s3], $0x80, v3, vm0, $0xb8;
	[tilespmem:$0x19000] =	vst v63  }
0x3cd: {  	s11 =	simm.s32 $0x7800  }
0x3ce: {  	[tilespmem:s11], [sflag:$0x1] =	stream.indirect_vreg.gather [hbm4b:s5+s3], $0x80, v3, vm0, $0xb8;
	[tilespmem:$0x19000] =	vst v63  }
0x3cf: {  	s12 =	simm.s32 $0x8000  }
0x3d0: {  	[tilespmem:s12], [sflag:$0x1] =	stream.indirect_vreg.gather [hbm4b:s6+s3], $0x80, v3, vm0, $0xb8;
	[tilespmem:$0x19000] =	vst v63  }
0x3d1: {  	s13 =	simm.s32 $0x8800  }
0x3d2: {  	[tilespmem:s13], [sflag:$0x1] =	stream.indirect_vreg.gather [hbm4b:s7+s3], $0x80, v3, vm0, $0xb8;
	[tilespmem:$0x19000] =	vst v63  }
0x3d3: {  	_ =	swait.ge [sflag:s21], $0x8000  }
0x3d4: {  	[sflag:s21] =	ssyncset.done $0x0  }
0x3d5: {  	s28 =	simm.s32 $0x9000;
	s26 =	rddreg [dreg:$0x14];
	[sflag:s21] =	ssyncadd.s32 $0xFFFF8000  }
0x3d6: {  	[hbm4b:s26+s3] =	stream.linear.scatter [tilespmem:s28], [sflag:$0x5], $0x8000, $0x38;
	[tilespmem:$0x19000] =	vst v63  }
0x3d7: {  	_ =	swait.ge [sflag:s22], $0x8000  }
0x3d8: {  	[sflag:s22] =	ssyncset.done $0x0  }
0x3d9: {  	[sflag:s22] =	ssyncadd.s32 $0xFFFF8000  }
0x3da: {  	v3 =	vld [tilespmem:$0x980];
	_ =	sdelay $0x4  }
0x3db: {  	v38 =	vshll.u32 v3, $0x3  }
0x3dc: {  	v3 =	vand.u32 $0x7, v3;
	v4 =	vand.u32 $0xFFFFFFC0, v38  }
0x3dd: {  	v3 =	vor.u32 v3, v4  }
0x3de: {  	v4 =	vperm.xlane v3, v0;
	_ =	sdelay $0x1  }
0x3df: {  	v4 =	vadd.s32 v1, v4;
	_ =	sdelay $0x4  }
0x3e0: {  	[tilespmem:s28], [sflag:$0x2] =	stream.indirect_vreg.gather [hbm4b:s2+s3], $0x80, v4, vm0, $0xb8;
	[tilespmem:$0x19000] =	vst v63  }
0x3e1: {  	v3 =	vperm.xlane v3, v2;
	s28 =	simm.s32 $0x9800  }
0x3e2: {  	[tilespmem:s28], [sflag:$0x2] =	stream.indirect_vreg.gather [hbm4b:s5+s3], $0x80, v4, vm0, $0xb8;
	[tilespmem:$0x19000] =	vst v63  }
0x3e3: {  	v3 =	vadd.s32 v1, v3  }
0x3e4: {  	[tilespmem:s30], [sflag:$0x2] =	stream.indirect_vreg.gather [hbm4b:s6+s3], $0x80, v4, vm0, $0xb8;
	[tilespmem:$0x19000] =	vst v63  }
0x3e5: {  	_ = 	snop  }
0x3e6: {  	[tilespmem:s31], [sflag:$0x2] =	stream.indirect_vreg.gather [hbm4b:s7+s3], $0x80, v4, vm0, $0xb8;
	[tilespmem:$0x19000] =	vst v63  }
0x3e7: {  	s30 =	simm.s32 $0xB000  }
0x3e8: {  	[tilespmem:s30], [sflag:$0x2] =	stream.indirect_vreg.gather [hbm4b:s2+s3], $0x80, v3, vm0, $0xb8;
	[tilespmem:$0x19000] =	vst v63  }
0x3e9: {  	s31 =	simm.s32 $0xB800  }
0x3ea: {  	[tilespmem:s31], [sflag:$0x2] =	stream.indirect_vreg.gather [hbm4b:s5+s3], $0x80, v3, vm0, $0xb8;
	[tilespmem:$0x19000] =	vst v63  }
0x3eb: {  	s25 =	simm.s32 $0xC000  }
0x3ec: {  	[tilespmem:s25], [sflag:$0x2] =	stream.indirect_vreg.gather [hbm4b:s6+s3], $0x80, v3, vm0, $0xb8;
	[tilespmem:$0x19000] =	vst v63  }
0x3ed: {  	s0 =	simm.s32 $0xC800  }
0x3ee: {  	[tilespmem:s0], [sflag:$0x2] =	stream.indirect_vreg.gather [hbm4b:s7+s3], $0x80, v3, vm0, $0xb8;
	[tilespmem:$0x19000] =	vst v63  }
0x3ef: {  	v3 =	vld [tilespmem:$0x990];
	_ =	sdelay $0x4  }
0x3f0: {  	v39 =	vshll.u32 v3, $0x3  }
0x3f1: {  	v3 =	vand.u32 $0x7, v3;
	v4 =	vand.u32 $0xFFFFFFC0, v39  }
0x3f2: {  	v3 =	vor.u32 v3, v4  }
0x3f3: {  	v4 =	vperm.xlane v3, v0;
	_ =	sdelay $0x1  }
0x3f4: {  	v4 =	vadd.s32 v1, v4;
	_ =	sdelay $0x3  }
0x3f5: {  	s30 =	simm.s32 $0xD000  }
0x3f6: {  	[tilespmem:s30], [sflag:$0x2] =	stream.indirect_vreg.gather [hbm4b:s2+s3], $0x80, v4, vm0, $0xb8;
	[tilespmem:$0x19000] =	vst v63  }
0x3f7: {  	s26 =	simm.s32 $0xD800;
	v3 =	vperm.xlane v3, v2  }
0x3f8: {  	[tilespmem:s26], [sflag:$0x2] =	stream.indirect_vreg.gather [hbm4b:s5+s3], $0x80, v4, vm0, $0xb8;
	[tilespmem:$0x19000] =	vst v63  }
0x3f9: {  	v3 =	vadd.s32 v1, v3  }
0x3fa: {  	[tilespmem:s29], [sflag:$0x2] =	stream.indirect_vreg.gather [hbm4b:s6+s3], $0x80, v4, vm0, $0xb8;
	[tilespmem:$0x19000] =	vst v63  }
0x3fb: {  	s29 =	simm.s32 $0xE800  }
0x3fc: {  	[tilespmem:s29], [sflag:$0x2] =	stream.indirect_vreg.gather [hbm4b:s7+s3], $0x80, v4, vm0, $0xb8;
	[tilespmem:$0x19000] =	vst v63  }
0x3fd: {  	s31 =	simm.s32 $0xF000  }
0x3fe: {  	[tilespmem:s31], [sflag:$0x2] =	stream.indirect_vreg.gather [hbm4b:s2+s3], $0x80, v3, vm0, $0xb8;
	[tilespmem:$0x19000] =	vst v63  }
0x3ff: {  	s26 =	simm.s32 $0xF800  }
0x400: {  	[tilespmem:s26], [sflag:$0x2] =	stream.indirect_vreg.gather [hbm4b:s5+s3], $0x80, v3, vm0, $0xb8;
	[tilespmem:$0x19000] =	vst v63  }
0x401: {  	s29 =	simm.s32 $0x10000  }
0x402: {  	[tilespmem:s29], [sflag:$0x2] =	stream.indirect_vreg.gather [hbm4b:s6+s3], $0x80, v3, vm0, $0xb8;
	[tilespmem:$0x19000] =	vst v63  }
0x403: {  	s31 =	simm.s32 $0x10800  }
0x404: {  	[tilespmem:s31], [sflag:$0x2] =	stream.indirect_vreg.gather [hbm4b:s7+s3], $0x80, v3, vm0, $0xb8;
	[tilespmem:$0x19000] =	vst v63  }
0x405: {  	_ =	swait.ge [sflag:s23], $0x8000  }
0x406: {  	[sflag:s23] =	ssyncset.done $0x0  }
0x407: {  	s29 =	simm.s32 $0x11000;
	s26 =	rddreg [dreg:$0x15];
	[sflag:s23] =	ssyncadd.s32 $0xFFFF8000  }
0x408: {  	[hbm4b:s26+s3] =	stream.linear.scatter [tilespmem:s29], [sflag:$0x6], $0x8000, $0x38;
	[tilespmem:$0x19000] =	vst v63  }
0x409: {  	_ =	swait.ge [sflag:s24], $0x8000  }
0x40a: {  	[sflag:s24] =	ssyncset.done $0x0  }
0x40b: {  	[sflag:s24] =	ssyncadd.s32 $0xFFFF8000  }
0x40c: {  	v3 =	vld [tilespmem:$0xA00];
	_ =	sdelay $0x4  }
0x40d: {  	v40 =	vshll.u32 v3, $0x3  }
0x40e: {  	v3 =	vand.u32 $0x7, v3;
	v4 =	vand.u32 $0xFFFFFFC0, v40  }
0x40f: {  	v3 =	vor.u32 v3, v4  }
0x410: {  	v4 =	vperm.xlane v3, v0;
	_ =	sdelay $0x1  }
0x411: {  	v4 =	vadd.s32 v1, v4;
	_ =	sdelay $0x4  }
0x412: {  	[tilespmem:s29], [sflag:$0x3] =	stream.indirect_vreg.gather [hbm4b:s2+s3], $0x80, v4, vm0, $0xb8;
	[tilespmem:$0x19000] =	vst v63  }
0x413: {  	s26 =	simm.s32 $0x11800;
	v3 =	vperm.xlane v3, v2  }
0x414: {  	[tilespmem:s26], [sflag:$0x3] =	stream.indirect_vreg.gather [hbm4b:s5+s3], $0x80, v4, vm0, $0xb8;
	[tilespmem:$0x19000] =	vst v63  }
0x415: {  	s31 =	simm.s32 $0x12000;
	v3 =	vadd.s32 v1, v3  }
0x416: {  	[tilespmem:s31], [sflag:$0x3] =	stream.indirect_vreg.gather [hbm4b:s6+s3], $0x80, v4, vm0, $0xb8;
	[tilespmem:$0x19000] =	vst v63  }
0x417: {  	s29 =	simm.s32 $0x12800  }
0x418: {  	[tilespmem:s29], [sflag:$0x3] =	stream.indirect_vreg.gather [hbm4b:s7+s3], $0x80, v4, vm0, $0xb8;
	[tilespmem:$0x19000] =	vst v63  }
0x419: {  	s31 =	simm.s32 $0x13000  }
0x41a: {  	[tilespmem:s31], [sflag:$0x3] =	stream.indirect_vreg.gather [hbm4b:s2+s3], $0x80, v3, vm0, $0xb8;
	[tilespmem:$0x19000] =	vst v63  }
0x41b: {  	s29 =	simm.s32 $0x13800  }
0x41c: {  	[tilespmem:s29], [sflag:$0x3] =	stream.indirect_vreg.gather [hbm4b:s5+s3], $0x80, v3, vm0, $0xb8;
	[tilespmem:$0x19000] =	vst v63  }
0x41d: {  	s31 =	simm.s32 $0x14000  }
0x41e: {  	[tilespmem:s31], [sflag:$0x3] =	stream.indirect_vreg.gather [hbm4b:s6+s3], $0x80, v3, vm0, $0xb8;
	[tilespmem:$0x19000] =	vst v63  }
0x41f: {  	s29 =	simm.s32 $0x14800  }
0x420: {  	[tilespmem:s29], [sflag:$0x3] =	stream.indirect_vreg.gather [hbm4b:s7+s3], $0x80, v3, vm0, $0xb8;
	[tilespmem:$0x19000] =	vst v63  }
0x421: {  	v3 =	vld [tilespmem:$0xA10];
	_ =	sdelay $0x4  }
0x422: {  	v41 =	vshll.u32 v3, $0x3  }
0x423: {  	v3 =	vand.u32 $0x7, v3;
	v4 =	vand.u32 $0xFFFFFFC0, v41  }
0x424: {  	v3 =	vor.u32 v3, v4  }
0x425: {  	v4 =	vperm.xlane v3, v0;
	_ =	sdelay $0x1  }
0x426: {  	v4 =	vadd.s32 v1, v4;
	_ =	sdelay $0x3  }
0x427: {  	s31 =	simm.s32 $0x15000  }
0x428: {  	[tilespmem:s31], [sflag:$0x3] =	stream.indirect_vreg.gather [hbm4b:s2+s3], $0x80, v4, vm0, $0xb8;
	[tilespmem:$0x19000] =	vst v63  }
0x429: {  	s29 =	simm.s32 $0x15800;
	v3 =	vperm.xlane v3, v2  }
0x42a: {  	[tilespmem:s29], [sflag:$0x3] =	stream.indirect_vreg.gather [hbm4b:s5+s3], $0x80, v4, vm0, $0xb8;
	[tilespmem:$0x19000] =	vst v63  }
0x42b: {  	v3 =	vadd.s32 v1, v3;
	s31 =	simm.s32 $0x16000  }
0x42c: {  	[tilespmem:s31], [sflag:$0x3] =	stream.indirect_vreg.gather [hbm4b:s6+s3], $0x80, v4, vm0, $0xb8;
	[tilespmem:$0x19000] =	vst v63  }
0x42d: {  	s29 =	simm.s32 $0x16800  }
0x42e: {  	[tilespmem:s29], [sflag:$0x3] =	stream.indirect_vreg.gather [hbm4b:s7+s3], $0x80, v4, vm0, $0xb8;
	[tilespmem:$0x19000] =	vst v63  }
0x42f: {  	s31 =	simm.s32 $0x17000  }
0x430: {  	[tilespmem:s31], [sflag:$0x3] =	stream.indirect_vreg.gather [hbm4b:s2+s3], $0x80, v3, vm0, $0xb8;
	[tilespmem:$0x19000] =	vst v63  }
0x431: {  	s29 =	simm.s32 $0x17800  }
0x432: {  	[tilespmem:s29], [sflag:$0x3] =	stream.indirect_vreg.gather [hbm4b:s5+s3], $0x80, v3, vm0, $0xb8;
	[tilespmem:$0x19000] =	vst v63  }
0x433: {  	s31 =	simm.s32 $0x18000  }
0x434: {  	[tilespmem:s31], [sflag:$0x3] =	stream.indirect_vreg.gather [hbm4b:s6+s3], $0x80, v3, vm0, $0xb8;
	[tilespmem:$0x19000] =	vst v63  }
0x435: {  	s29 =	simm.s32 $0x18800  }
0x436: {  	[tilespmem:s29], [sflag:$0x3] =	stream.indirect_vreg.gather [hbm4b:s7+s3], $0x80, v3, vm0, $0xb8;
	[tilespmem:$0x19000] =	vst v63  }
0x437: {  	_ =	swait.ge [sflag:s19], $0x8000  }
0x438: {  	[sflag:s19] =	ssyncset.done $0x0  }
0x439: {  	s31 =	simm.s32 $0x1000;
	s25 =	rddreg [dreg:$0x16];
	[sflag:s19] =	ssyncadd.s32 $0xFFFF8000  }
0x43a: {  	[hbm4b:s25+s3] =	stream.linear.scatter [tilespmem:s31], [sflag:$0x4], $0x8000, $0x38;
	[tilespmem:$0x19000] =	vst v63  }
0x43b: {  	_ =	swait.ge [sflag:s20], $0x8000  }
0x43c: {  	[sflag:s20] =	ssyncset.done $0x0  }
0x43d: {  	[sflag:s20] =	ssyncadd.s32 $0xFFFF8000  }
0x43e: {  	v3 =	vld [tilespmem:$0xA80];
	_ =	sdelay $0x4  }
0x43f: {  	v42 =	vshll.u32 v3, $0x3  }
0x440: {  	v3 =	vand.u32 $0x7, v3;
	v4 =	vand.u32 $0xFFFFFFC0, v42  }
0x441: {  	v3 =	vor.u32 v3, v4  }
0x442: {  	v4 =	vperm.xlane v3, v0;
	_ =	sdelay $0x1  }
0x443: {  	v4 =	vadd.s32 v1, v4;
	_ =	sdelay $0x4  }
0x444: {  	[tilespmem:s31], [sflag:$0x1] =	stream.indirect_vreg.gather [hbm4b:s2+s3], $0x80, v4, vm0, $0xb8;
	[tilespmem:$0x19000] =	vst v63  }
0x445: {  	v3 =	vperm.xlane v3, v2  }
0x446: {  	[tilespmem:s15], [sflag:$0x1] =	stream.indirect_vreg.gather [hbm4b:s5+s3], $0x80, v4, vm0, $0xb8;
	[tilespmem:$0x19000] =	vst v63  }
0x447: {  	v3 =	vadd.s32 v1, v3  }
0x448: {  	[tilespmem:s14], [sflag:$0x1] =	stream.indirect_vreg.gather [hbm4b:s6+s3], $0x80, v4, vm0, $0xb8;
	[tilespmem:$0x19000] =	vst v63  }
0x449: {  	_ = 	snop  }
0x44a: {  	[tilespmem:s8], [sflag:$0x1] =	stream.indirect_vreg.gather [hbm4b:s7+s3], $0x80, v4, vm0, $0xb8;
	[tilespmem:$0x19000] =	vst v63  }
0x44b: {  	_ = 	snop  }
0x44c: {  	[tilespmem:s1], [sflag:$0x1] =	stream.indirect_vreg.gather [hbm4b:s2+s3], $0x80, v3, vm0, $0xb8;
	[tilespmem:$0x19000] =	vst v63  }
0x44d: {  	_ = 	snop  }
0x44e: {  	[tilespmem:s4], [sflag:$0x1] =	stream.indirect_vreg.gather [hbm4b:s5+s3], $0x80, v3, vm0, $0xb8;
	[tilespmem:$0x19000] =	vst v63  }
0x44f: {  	s8 =	simm.s32 $0x4000  }
0x450: {  	[tilespmem:s8], [sflag:$0x1] =	stream.indirect_vreg.gather [hbm4b:s6+s3], $0x80, v3, vm0, $0xb8;
	[tilespmem:$0x19000] =	vst v63  }
0x451: {  	_ = 	snop  }
0x452: {  	[tilespmem:s16], [sflag:$0x1] =	stream.indirect_vreg.gather [hbm4b:s7+s3], $0x80, v3, vm0, $0xb8;
	[tilespmem:$0x19000] =	vst v63  }
0x453: {  	v3 =	vld [tilespmem:$0xA90];
	_ =	sdelay $0x4  }
0x454: {  	v43 =	vshll.u32 v3, $0x3  }
0x455: {  	v3 =	vand.u32 $0x7, v3;
	v4 =	vand.u32 $0xFFFFFFC0, v43  }
0x456: {  	v3 =	vor.u32 v3, v4  }
0x457: {  	v4 =	vperm.xlane v3, v0;
	_ =	sdelay $0x1  }
0x458: {  	v4 =	vadd.s32 v1, v4;
	_ =	sdelay $0x4  }
0x459: {  	[tilespmem:s17], [sflag:$0x1] =	stream.indirect_vreg.gather [hbm4b:s2+s3], $0x80, v4, vm0, $0xb8;
	[tilespmem:$0x19000] =	vst v63  }
0x45a: {  	v3 =	vperm.xlane v3, v2  }
0x45b: {  	[tilespmem:s18], [sflag:$0x1] =	stream.indirect_vreg.gather [hbm4b:s5+s3], $0x80, v4, vm0, $0xb8;
	[tilespmem:$0x19000] =	vst v63  }
0x45c: {  	s16 =	simm.s32 $0x6000;
	v3 =	vadd.s32 v1, v3  }
0x45d: {  	[tilespmem:s16], [sflag:$0x1] =	stream.indirect_vreg.gather [hbm4b:s6+s3], $0x80, v4, vm0, $0xb8;
	[tilespmem:$0x19000] =	vst v63  }
0x45e: {  	_ = 	snop  }
0x45f: {  	[tilespmem:s9], [sflag:$0x1] =	stream.indirect_vreg.gather [hbm4b:s7+s3], $0x80, v4, vm0, $0xb8;
	[tilespmem:$0x19000] =	vst v63  }
0x460: {  	_ = 	snop  }
0x461: {  	[tilespmem:s10], [sflag:$0x1] =	stream.indirect_vreg.gather [hbm4b:s2+s3], $0x80, v3, vm0, $0xb8;
	[tilespmem:$0x19000] =	vst v63  }
0x462: {  	_ = 	snop  }
0x463: {  	[tilespmem:s11], [sflag:$0x1] =	stream.indirect_vreg.gather [hbm4b:s5+s3], $0x80, v3, vm0, $0xb8;
	[tilespmem:$0x19000] =	vst v63  }
0x464: {  	_ = 	snop  }
0x465: {  	[tilespmem:s12], [sflag:$0x1] =	stream.indirect_vreg.gather [hbm4b:s6+s3], $0x80, v3, vm0, $0xb8;
	[tilespmem:$0x19000] =	vst v63  }
0x466: {  	_ = 	snop  }
0x467: {  	[tilespmem:s13], [sflag:$0x1] =	stream.indirect_vreg.gather [hbm4b:s7+s3], $0x80, v3, vm0, $0xb8;
	[tilespmem:$0x19000] =	vst v63  }
0x468: {  	_ =	swait.ge [sflag:s21], $0x8000  }
0x469: {  	[sflag:s21] =	ssyncset.done $0x0  }
0x46a: {  	s18 =	simm.s32 $0x9000;
	s17 =	rddreg [dreg:$0x17];
	[sflag:s21] =	ssyncadd.s32 $0xFFFF8000  }
0x46b: {  	[hbm4b:s17+s3] =	stream.linear.scatter [tilespmem:s18], [sflag:$0x5], $0x8000, $0x38;
	[tilespmem:$0x19000] =	vst v63  }
0x46c: {  	_ =	swait.ge [sflag:s22], $0x8000  }
0x46d: {  	[sflag:s22] =	ssyncset.done $0x0  }
0x46e: {  	[sflag:s22] =	ssyncadd.s32 $0xFFFF8000  }
0x46f: {  	v3 =	vld [tilespmem:$0xB00];
	_ =	sdelay $0x4  }
0x470: {  	v44 =	vshll.u32 v3, $0x3  }
0x471: {  	v3 =	vand.u32 $0x7, v3;
	v4 =	vand.u32 $0xFFFFFFC0, v44  }
0x472: {  	v3 =	vor.u32 v3, v4  }
0x473: {  	v4 =	vperm.xlane v3, v0;
	_ =	sdelay $0x1  }
0x474: {  	v4 =	vadd.s32 v1, v4;
	_ =	sdelay $0x4  }
0x475: {  	[tilespmem:s18], [sflag:$0x2] =	stream.indirect_vreg.gather [hbm4b:s2+s3], $0x80, v4, vm0, $0xb8;
	[tilespmem:$0x19000] =	vst v63  }
0x476: {  	v3 =	vperm.xlane v3, v2  }
0x477: {  	[tilespmem:s28], [sflag:$0x2] =	stream.indirect_vreg.gather [hbm4b:s5+s3], $0x80, v4, vm0, $0xb8;
	[tilespmem:$0x19000] =	vst v63  }
0x478: {  	v3 =	vadd.s32 v1, v3;
	s18 =	simm.s32 $0xA000  }
0x479: {  	[tilespmem:s18], [sflag:$0x2] =	stream.indirect_vreg.gather [hbm4b:s6+s3], $0x80, v4, vm0, $0xb8;
	[tilespmem:$0x19000] =	vst v63  }
0x47a: {  	s28 =	simm.s32 $0xA800  }
0x47b: {  	[tilespmem:s28], [sflag:$0x2] =	stream.indirect_vreg.gather [hbm4b:s7+s3], $0x80, v4, vm0, $0xb8;
	[tilespmem:$0x19000] =	vst v63  }
0x47c: {  	s29 =	simm.s32 $0xB000  }
0x47d: {  	[tilespmem:s29], [sflag:$0x2] =	stream.indirect_vreg.gather [hbm4b:s2+s3], $0x80, v3, vm0, $0xb8;
	[tilespmem:$0x19000] =	vst v63  }
0x47e: {  	s31 =	simm.s32 $0xB800  }
0x47f: {  	[tilespmem:s31], [sflag:$0x2] =	stream.indirect_vreg.gather [hbm4b:s5+s3], $0x80, v3, vm0, $0xb8;
	[tilespmem:$0x19000] =	vst v63  }
0x480: {  	s25 =	simm.s32 $0xC000  }
0x481: {  	[tilespmem:s25], [sflag:$0x2] =	stream.indirect_vreg.gather [hbm4b:s6+s3], $0x80, v3, vm0, $0xb8;
	[tilespmem:$0x19000] =	vst v63  }
0x482: {  	_ = 	snop  }
0x483: {  	[tilespmem:s0], [sflag:$0x2] =	stream.indirect_vreg.gather [hbm4b:s7+s3], $0x80, v3, vm0, $0xb8;
	[tilespmem:$0x19000] =	vst v63  }
0x484: {  	v3 =	vld [tilespmem:$0xB10];
	_ =	sdelay $0x4  }
0x485: {  	v45 =	vshll.u32 v3, $0x3  }
0x486: {  	v3 =	vand.u32 $0x7, v3;
	v4 =	vand.u32 $0xFFFFFFC0, v45  }
0x487: {  	v3 =	vor.u32 v3, v4  }
0x488: {  	v4 =	vperm.xlane v3, v0;
	_ =	sdelay $0x1  }
0x489: {  	v4 =	vadd.s32 v1, v4;
	_ =	sdelay $0x4  }
0x48a: {  	[tilespmem:s30], [sflag:$0x2] =	stream.indirect_vreg.gather [hbm4b:s2+s3], $0x80, v4, vm0, $0xb8;
	[tilespmem:$0x19000] =	vst v63  }
0x48b: {  	s1 =	simm.s32 $0xD800;
	v3 =	vperm.xlane v3, v2  }
0x48c: {  	[tilespmem:s1], [sflag:$0x2] =	stream.indirect_vreg.gather [hbm4b:s5+s3], $0x80, v4, vm0, $0xb8;
	[tilespmem:$0x19000] =	vst v63  }
0x48d: {  	s4 =	simm.s32 $0xE000;
	v3 =	vadd.s32 v1, v3  }
0x48e: {  	[tilespmem:s4], [sflag:$0x2] =	stream.indirect_vreg.gather [hbm4b:s6+s3], $0x80, v4, vm0, $0xb8;
	[tilespmem:$0x19000] =	vst v63  }
0x48f: {  	s9 =	simm.s32 $0xE800  }
0x490: {  	[tilespmem:s9], [sflag:$0x2] =	stream.indirect_vreg.gather [hbm4b:s7+s3], $0x80, v4, vm0, $0xb8;
	[tilespmem:$0x19000] =	vst v63  }
0x491: {  	s10 =	simm.s32 $0xF000  }
0x492: {  	[tilespmem:s10], [sflag:$0x2] =	stream.indirect_vreg.gather [hbm4b:s2+s3], $0x80, v3, vm0, $0xb8;
	[tilespmem:$0x19000] =	vst v63  }
0x493: {  	s11 =	simm.s32 $0xF800  }
0x494: {  	[tilespmem:s11], [sflag:$0x2] =	stream.indirect_vreg.gather [hbm4b:s5+s3], $0x80, v3, vm0, $0xb8;
	[tilespmem:$0x19000] =	vst v63  }
0x495: {  	s12 =	simm.s32 $0x10000  }
0x496: {  	[tilespmem:s12], [sflag:$0x2] =	stream.indirect_vreg.gather [hbm4b:s6+s3], $0x80, v3, vm0, $0xb8;
	[tilespmem:$0x19000] =	vst v63  }
0x497: {  	s13 =	simm.s32 $0x10800  }
0x498: {  	[tilespmem:s13], [sflag:$0x2] =	stream.indirect_vreg.gather [hbm4b:s7+s3], $0x80, v3, vm0, $0xb8;
	[tilespmem:$0x19000] =	vst v63  }
0x499: {  	_ =	swait.ge [sflag:s23], $0x8000  }
0x49a: {  	[sflag:s23] =	ssyncset.done $0x0  }
0x49b: {  	s15 =	simm.s32 $0x11000;
	s14 =	rddreg [dreg:$0x18];
	[sflag:s23] =	ssyncadd.s32 $0xFFFF8000  }
0x49c: {  	[hbm4b:s14+s3] =	stream.linear.scatter [tilespmem:s15], [sflag:$0x6], $0x8000, $0x38;
	[tilespmem:$0x19000] =	vst v63  }
0x49d: {  	_ =	swait.ge [sflag:s24], $0x8000  }
0x49e: {  	[sflag:s24] =	ssyncset.done $0x0  }
0x49f: {  	[sflag:s24] =	ssyncadd.s32 $0xFFFF8000  }
0x4a0: {  	v3 =	vld [tilespmem:$0xB80];
	_ =	sdelay $0x4  }
0x4a1: {  	v46 =	vshll.u32 v3, $0x3  }
0x4a2: {  	v3 =	vand.u32 $0x7, v3;
	v4 =	vand.u32 $0xFFFFFFC0, v46  }
0x4a3: {  	v3 =	vor.u32 v3, v4  }
0x4a4: {  	v4 =	vperm.xlane v3, v0;
	_ =	sdelay $0x1  }
0x4a5: {  	v4 =	vadd.s32 v1, v4;
	_ =	sdelay $0x4  }
0x4a6: {  	[tilespmem:s15], [sflag:$0x3] =	stream.indirect_vreg.gather [hbm4b:s2+s3], $0x80, v4, vm0, $0xb8;
	[tilespmem:$0x19000] =	vst v63  }
0x4a7: {  	v3 =	vperm.xlane v3, v2  }
0x4a8: {  	[tilespmem:s26], [sflag:$0x3] =	stream.indirect_vreg.gather [hbm4b:s5+s3], $0x80, v4, vm0, $0xb8;
	[tilespmem:$0x19000] =	vst v63  }
0x4a9: {  	v3 =	vadd.s32 v1, v3;
	s26 =	simm.s32 $0x12000  }
0x4aa: {  	[tilespmem:s26], [sflag:$0x3] =	stream.indirect_vreg.gather [hbm4b:s6+s3], $0x80, v4, vm0, $0xb8;
	[tilespmem:$0x19000] =	vst v63  }
0x4ab: {  	s30 =	simm.s32 $0x12800  }
0x4ac: {  	[tilespmem:s30], [sflag:$0x3] =	stream.indirect_vreg.gather [hbm4b:s7+s3], $0x80, v4, vm0, $0xb8;
	[tilespmem:$0x19000] =	vst v63  }
0x4ad: {  	s16 =	simm.s32 $0x13000  }
0x4ae: {  	[tilespmem:s16], [sflag:$0x3] =	stream.indirect_vreg.gather [hbm4b:s2+s3], $0x80, v3, vm0, $0xb8;
	[tilespmem:$0x19000] =	vst v63  }
0x4af: {  	s17 =	simm.s32 $0x13800  }
0x4b0: {  	[tilespmem:s17], [sflag:$0x3] =	stream.indirect_vreg.gather [hbm4b:s5+s3], $0x80, v3, vm0, $0xb8;
	[tilespmem:$0x19000] =	vst v63  }
0x4b1: {  	s17 =	simm.s32 $0x14000  }
0x4b2: {  	[tilespmem:s17], [sflag:$0x3] =	stream.indirect_vreg.gather [hbm4b:s6+s3], $0x80, v3, vm0, $0xb8;
	[tilespmem:$0x19000] =	vst v63  }
0x4b3: {  	s13 =	simm.s32 $0x14800  }
0x4b4: {  	[tilespmem:s13], [sflag:$0x3] =	stream.indirect_vreg.gather [hbm4b:s7+s3], $0x80, v3, vm0, $0xb8;
	[tilespmem:$0x19000] =	vst v63  }
0x4b5: {  	v3 =	vld [tilespmem:$0xB90];
	_ =	sdelay $0x4  }
0x4b6: {  	v47 =	vshll.u32 v3, $0x3  }
0x4b7: {  	v3 =	vand.u32 $0x7, v3;
	v4 =	vand.u32 $0xFFFFFFC0, v47  }
0x4b8: {  	v3 =	vor.u32 v3, v4  }
0x4b9: {  	v4 =	vperm.xlane v3, v0;
	_ =	sdelay $0x1  }
0x4ba: {  	v4 =	vadd.s32 v1, v4;
	_ =	sdelay $0x3  }
0x4bb: {  	s14 =	simm.s32 $0x15000  }
0x4bc: {  	[tilespmem:s14], [sflag:$0x3] =	stream.indirect_vreg.gather [hbm4b:s2+s3], $0x80, v4, vm0, $0xb8;
	[tilespmem:$0x19000] =	vst v63  }
0x4bd: {  	s15 =	simm.s32 $0x15800;
	v3 =	vperm.xlane v3, v2  }
0x4be: {  	[tilespmem:s15], [sflag:$0x3] =	stream.indirect_vreg.gather [hbm4b:s5+s3], $0x80, v4, vm0, $0xb8;
	[tilespmem:$0x19000] =	vst v63  }
0x4bf: {  	s25 =	simm.s32 $0x16000;
	v3 =	vadd.s32 v1, v3  }
0x4c0: {  	[tilespmem:s25], [sflag:$0x3] =	stream.indirect_vreg.gather [hbm4b:s6+s3], $0x80, v4, vm0, $0xb8;
	[tilespmem:$0x19000] =	vst v63  }
0x4c1: {  	s9 =	simm.s32 $0x16800  }
0x4c2: {  	[tilespmem:s9], [sflag:$0x3] =	stream.indirect_vreg.gather [hbm4b:s7+s3], $0x80, v4, vm0, $0xb8;
	[tilespmem:$0x19000] =	vst v63  }
0x4c3: {  	s10 =	simm.s32 $0x17000  }
0x4c4: {  	[tilespmem:s10], [sflag:$0x3] =	stream.indirect_vreg.gather [hbm4b:s2+s3], $0x80, v3, vm0, $0xb8;
	[tilespmem:$0x19000] =	vst v63  }
0x4c5: {  	s11 =	simm.s32 $0x17800  }
0x4c6: {  	[tilespmem:s11], [sflag:$0x3] =	stream.indirect_vreg.gather [hbm4b:s5+s3], $0x80, v3, vm0, $0xb8;
	[tilespmem:$0x19000] =	vst v63  }
0x4c7: {  	s12 =	simm.s32 $0x18000  }
0x4c8: {  	[tilespmem:s12], [sflag:$0x3] =	stream.indirect_vreg.gather [hbm4b:s6+s3], $0x80, v3, vm0, $0xb8;
	[tilespmem:$0x19000] =	vst v63  }
0x4c9: {  	s16 =	simm.s32 $0x18800  }
0x4ca: {  	[tilespmem:s16], [sflag:$0x3] =	stream.indirect_vreg.gather [hbm4b:s7+s3], $0x80, v3, vm0, $0xb8;
	[tilespmem:$0x19000] =	vst v63  }
0x4cb: {  	_ =	swait.ge [sflag:s19], $0x8000  }
0x4cc: {  	[sflag:s19] =	ssyncset.done $0x0  }
0x4cd: {  	s4 =	simm.s32 $0x1000;
	s0 =	rddreg [dreg:$0x19];
	[sflag:s19] =	ssyncadd.s32 $0xFFFF8000  }
0x4ce: {  	[hbm4b:s0+s3] =	stream.linear.scatter [tilespmem:s4], [sflag:$0x4], $0x8000, $0x38;
	[tilespmem:$0x19000] =	vst v63  }
0x4cf: {  	_ =	swait.ge [sflag:s20], $0x8000  }
0x4d0: {  	[sflag:s20] =	ssyncset.done $0x0  }
0x4d1: {  	[sflag:s20] =	ssyncadd.s32 $0xFFFF8000  }
0x4d2: {  	v3 =	vld [tilespmem:$0xC00];
	_ =	sdelay $0x4  }
0x4d3: {  	v48 =	vshll.u32 v3, $0x3  }
0x4d4: {  	v3 =	vand.u32 $0x7, v3;
	v4 =	vand.u32 $0xFFFFFFC0, v48  }
0x4d5: {  	v3 =	vor.u32 v3, v4  }
0x4d6: {  	v4 =	vperm.xlane v3, v0;
	_ =	sdelay $0x1  }
0x4d7: {  	v4 =	vadd.s32 v1, v4;
	_ =	sdelay $0x4  }
0x4d8: {  	[tilespmem:s4], [sflag:$0x1] =	stream.indirect_vreg.gather [hbm4b:s2+s3], $0x80, v4, vm0, $0xb8;
	[tilespmem:$0x19000] =	vst v63  }
0x4d9: {  	s25 =	simm.s32 $0x1800;
	v3 =	vperm.xlane v3, v2  }
0x4da: {  	[tilespmem:s25], [sflag:$0x1] =	stream.indirect_vreg.gather [hbm4b:s5+s3], $0x80, v4, vm0, $0xb8;
	[tilespmem:$0x19000] =	vst v63  }
0x4db: {  	v3 =	vadd.s32 v1, v3;
	s25 =	simm.s32 $0x2000  }
0x4dc: {  	[tilespmem:s25], [sflag:$0x1] =	stream.indirect_vreg.gather [hbm4b:s6+s3], $0x80, v4, vm0, $0xb8;
	[tilespmem:$0x19000] =	vst v63  }
0x4dd: {  	s25 =	simm.s32 $0x2800  }
0x4de: {  	[tilespmem:s25], [sflag:$0x1] =	stream.indirect_vreg.gather [hbm4b:s7+s3], $0x80, v4, vm0, $0xb8;
	[tilespmem:$0x19000] =	vst v63  }
0x4df: {  	s25 =	simm.s32 $0x3000  }
0x4e0: {  	[tilespmem:s25], [sflag:$0x1] =	stream.indirect_vreg.gather [hbm4b:s2+s3], $0x80, v3, vm0, $0xb8;
	[tilespmem:$0x19000] =	vst v63  }
0x4e1: {  	s25 =	simm.s32 $0x3800  }
0x4e2: {  	[tilespmem:s25], [sflag:$0x1] =	stream.indirect_vreg.gather [hbm4b:s5+s3], $0x80, v3, vm0, $0xb8;
	[tilespmem:$0x19000] =	vst v63  }
0x4e3: {  	_ = 	snop  }
0x4e4: {  	[tilespmem:s8], [sflag:$0x1] =	stream.indirect_vreg.gather [hbm4b:s6+s3], $0x80, v3, vm0, $0xb8;
	[tilespmem:$0x19000] =	vst v63  }
0x4e5: {  	s8 =	simm.s32 $0x4800  }
0x4e6: {  	[tilespmem:s8], [sflag:$0x1] =	stream.indirect_vreg.gather [hbm4b:s7+s3], $0x80, v3, vm0, $0xb8;
	[tilespmem:$0x19000] =	vst v63  }
0x4e7: {  	v3 =	vld [tilespmem:$0xC10];
	_ =	sdelay $0x4  }
0x4e8: {  	v49 =	vshll.u32 v3, $0x3  }
0x4e9: {  	v3 =	vand.u32 $0x7, v3;
	v4 =	vand.u32 $0xFFFFFFC0, v49  }
0x4ea: {  	v3 =	vor.u32 v3, v4  }
0x4eb: {  	v4 =	vperm.xlane v3, v0;
	_ =	sdelay $0x1  }
0x4ec: {  	v4 =	vadd.s32 v1, v4;
	_ =	sdelay $0x3  }
0x4ed: {  	s25 =	simm.s32 $0x5000  }
0x4ee: {  	[tilespmem:s25], [sflag:$0x1] =	stream.indirect_vreg.gather [hbm4b:s2+s3], $0x80, v4, vm0, $0xb8;
	[tilespmem:$0x19000] =	vst v63  }
0x4ef: {  	v3 =	vperm.xlane v3, v2;
	s25 =	simm.s32 $0x5800  }
0x4f0: {  	[tilespmem:s25], [sflag:$0x1] =	stream.indirect_vreg.gather [hbm4b:s5+s3], $0x80, v4, vm0, $0xb8;
	[tilespmem:$0x19000] =	vst v63  }
0x4f1: {  	v3 =	vadd.s32 v1, v3;
	s25 =	simm.s32 $0x6000  }
0x4f2: {  	[tilespmem:s25], [sflag:$0x1] =	stream.indirect_vreg.gather [hbm4b:s6+s3], $0x80, v4, vm0, $0xb8;
	[tilespmem:$0x19000] =	vst v63  }
0x4f3: {  	s25 =	simm.s32 $0x6800  }
0x4f4: {  	[tilespmem:s25], [sflag:$0x1] =	stream.indirect_vreg.gather [hbm4b:s7+s3], $0x80, v4, vm0, $0xb8;
	[tilespmem:$0x19000] =	vst v63  }
0x4f5: {  	s25 =	simm.s32 $0x7000  }
0x4f6: {  	[tilespmem:s25], [sflag:$0x1] =	stream.indirect_vreg.gather [hbm4b:s2+s3], $0x80, v3, vm0, $0xb8;
	[tilespmem:$0x19000] =	vst v63  }
0x4f7: {  	s25 =	simm.s32 $0x7800  }
0x4f8: {  	[tilespmem:s25], [sflag:$0x1] =	stream.indirect_vreg.gather [hbm4b:s5+s3], $0x80, v3, vm0, $0xb8;
	[tilespmem:$0x19000] =	vst v63  }
0x4f9: {  	s25 =	simm.s32 $0x8000  }
0x4fa: {  	[tilespmem:s25], [sflag:$0x1] =	stream.indirect_vreg.gather [hbm4b:s6+s3], $0x80, v3, vm0, $0xb8;
	[tilespmem:$0x19000] =	vst v63  }
0x4fb: {  	s25 =	simm.s32 $0x8800  }
0x4fc: {  	[tilespmem:s25], [sflag:$0x1] =	stream.indirect_vreg.gather [hbm4b:s7+s3], $0x80, v3, vm0, $0xb8;
	[tilespmem:$0x19000] =	vst v63  }
0x4fd: {  	_ =	swait.ge [sflag:s21], $0x8000  }
0x4fe: {  	[sflag:s21] =	ssyncset.done $0x0  }
0x4ff: {  	s0 =	simm.s32 $0x9000;
	s25 =	rddreg [dreg:$0x1a];
	[sflag:s21] =	ssyncadd.s32 $0xFFFF8000  }
0x500: {  	[hbm4b:s25+s3] =	stream.linear.scatter [tilespmem:s0], [sflag:$0x5], $0x8000, $0x38;
	[tilespmem:$0x19000] =	vst v63  }
0x501: {  	_ =	swait.ge [sflag:s22], $0x8000  }
0x502: {  	[sflag:s22] =	ssyncset.done $0x0  }
0x503: {  	[sflag:s22] =	ssyncadd.s32 $0xFFFF8000  }
0x504: {  	v3 =	vld [tilespmem:$0xC80];
	_ =	sdelay $0x4  }
0x505: {  	v50 =	vshll.u32 v3, $0x3  }
0x506: {  	v3 =	vand.u32 $0x7, v3;
	v4 =	vand.u32 $0xFFFFFFC0, v50  }
0x507: {  	v3 =	vor.u32 v3, v4  }
0x508: {  	v4 =	vperm.xlane v3, v0;
	_ =	sdelay $0x1  }
0x509: {  	v4 =	vadd.s32 v1, v4;
	_ =	sdelay $0x4  }
0x50a: {  	[tilespmem:s0], [sflag:$0x2] =	stream.indirect_vreg.gather [hbm4b:s2+s3], $0x80, v4, vm0, $0xb8;
	[tilespmem:$0x19000] =	vst v63  }
0x50b: {  	s25 =	simm.s32 $0x9800;
	v3 =	vperm.xlane v3, v2  }
0x50c: {  	[tilespmem:s25], [sflag:$0x2] =	stream.indirect_vreg.gather [hbm4b:s5+s3], $0x80, v4, vm0, $0xb8;
	[tilespmem:$0x19000] =	vst v63  }
0x50d: {  	v3 =	vadd.s32 v1, v3  }
0x50e: {  	[tilespmem:s18], [sflag:$0x2] =	stream.indirect_vreg.gather [hbm4b:s6+s3], $0x80, v4, vm0, $0xb8;
	[tilespmem:$0x19000] =	vst v63  }
0x50f: {  	_ = 	snop  }
0x510: {  	[tilespmem:s28], [sflag:$0x2] =	stream.indirect_vreg.gather [hbm4b:s7+s3], $0x80, v4, vm0, $0xb8;
	[tilespmem:$0x19000] =	vst v63  }
0x511: {  	_ = 	snop  }
0x512: {  	[tilespmem:s29], [sflag:$0x2] =	stream.indirect_vreg.gather [hbm4b:s2+s3], $0x80, v3, vm0, $0xb8;
	[tilespmem:$0x19000] =	vst v63  }
0x513: {  	_ = 	snop  }
0x514: {  	[tilespmem:s31], [sflag:$0x2] =	stream.indirect_vreg.gather [hbm4b:s5+s3], $0x80, v3, vm0, $0xb8;
	[tilespmem:$0x19000] =	vst v63  }
0x515: {  	s25 =	simm.s32 $0xC000  }
0x516: {  	[tilespmem:s25], [sflag:$0x2] =	stream.indirect_vreg.gather [hbm4b:s6+s3], $0x80, v3, vm0, $0xb8;
	[tilespmem:$0x19000] =	vst v63  }
0x517: {  	s0 =	simm.s32 $0xC800  }
0x518: {  	[tilespmem:s0], [sflag:$0x2] =	stream.indirect_vreg.gather [hbm4b:s7+s3], $0x80, v3, vm0, $0xb8;
	[tilespmem:$0x19000] =	vst v63  }
0x519: {  	v3 =	vld [tilespmem:$0xC90];
	_ =	sdelay $0x4  }
0x51a: {  	v51 =	vshll.u32 v3, $0x3  }
0x51b: {  	v3 =	vand.u32 $0x7, v3;
	v4 =	vand.u32 $0xFFFFFFC0, v51  }
0x51c: {  	v3 =	vor.u32 v3, v4  }
0x51d: {  	v4 =	vperm.xlane v3, v0;
	_ =	sdelay $0x1  }
0x51e: {  	v4 =	vadd.s32 v1, v4;
	_ =	sdelay $0x3  }
0x51f: {  	s18 =	simm.s32 $0xD000  }
0x520: {  	[tilespmem:s18], [sflag:$0x2] =	stream.indirect_vreg.gather [hbm4b:s2+s3], $0x80, v4, vm0, $0xb8;
	[tilespmem:$0x19000] =	vst v63  }
0x521: {  	s28 =	simm.s32 $0xD800;
	v3 =	vperm.xlane v3, v2  }
0x522: {  	[tilespmem:s28], [sflag:$0x2] =	stream.indirect_vreg.gather [hbm4b:s5+s3], $0x80, v4, vm0, $0xb8;
	[tilespmem:$0x19000] =	vst v63  }
0x523: {  	s29 =	simm.s32 $0xE000;
	v3 =	vadd.s32 v1, v3  }
0x524: {  	[tilespmem:s29], [sflag:$0x2] =	stream.indirect_vreg.gather [hbm4b:s6+s3], $0x80, v4, vm0, $0xb8;
	[tilespmem:$0x19000] =	vst v63  }
0x525: {  	s31 =	simm.s32 $0xE800  }
0x526: {  	[tilespmem:s31], [sflag:$0x2] =	stream.indirect_vreg.gather [hbm4b:s7+s3], $0x80, v4, vm0, $0xb8;
	[tilespmem:$0x19000] =	vst v63  }
0x527: {  	s28 =	simm.s32 $0xF000  }
0x528: {  	[tilespmem:s28], [sflag:$0x2] =	stream.indirect_vreg.gather [hbm4b:s2+s3], $0x80, v3, vm0, $0xb8;
	[tilespmem:$0x19000] =	vst v63  }
0x529: {  	s29 =	simm.s32 $0xF800  }
0x52a: {  	[tilespmem:s29], [sflag:$0x2] =	stream.indirect_vreg.gather [hbm4b:s5+s3], $0x80, v3, vm0, $0xb8;
	[tilespmem:$0x19000] =	vst v63  }
0x52b: {  	s31 =	simm.s32 $0x10000  }
0x52c: {  	[tilespmem:s31], [sflag:$0x2] =	stream.indirect_vreg.gather [hbm4b:s6+s3], $0x80, v3, vm0, $0xb8;
	[tilespmem:$0x19000] =	vst v63  }
0x52d: {  	s28 =	simm.s32 $0x10800  }
0x52e: {  	[tilespmem:s28], [sflag:$0x2] =	stream.indirect_vreg.gather [hbm4b:s7+s3], $0x80, v3, vm0, $0xb8;
	[tilespmem:$0x19000] =	vst v63  }
0x52f: {  	_ =	swait.ge [sflag:s23], $0x8000  }
0x530: {  	[sflag:s23] =	ssyncset.done $0x0  }
0x531: {  	s1 =	simm.s32 $0x11000;
	s29 =	rddreg [dreg:$0x1b];
	[sflag:s23] =	ssyncadd.s32 $0xFFFF8000  }
0x532: {  	[hbm4b:s29+s3] =	stream.linear.scatter [tilespmem:s1], [sflag:$0x6], $0x8000, $0x38;
	[tilespmem:$0x19000] =	vst v63  }
0x533: {  	_ =	swait.ge [sflag:s24], $0x8000  }
0x534: {  	[sflag:s24] =	ssyncset.done $0x0  }
0x535: {  	[sflag:s24] =	ssyncadd.s32 $0xFFFF8000  }
0x536: {  	v3 =	vld [tilespmem:$0xD00];
	_ =	sdelay $0x4  }
0x537: {  	v52 =	vshll.u32 v3, $0x3  }
0x538: {  	v3 =	vand.u32 $0x7, v3;
	v4 =	vand.u32 $0xFFFFFFC0, v52  }
0x539: {  	v3 =	vor.u32 v3, v4  }
0x53a: {  	v4 =	vperm.xlane v3, v0;
	_ =	sdelay $0x1  }
0x53b: {  	v4 =	vadd.s32 v1, v4;
	_ =	sdelay $0x4  }
0x53c: {  	[tilespmem:s1], [sflag:$0x3] =	stream.indirect_vreg.gather [hbm4b:s2+s3], $0x80, v4, vm0, $0xb8;
	[tilespmem:$0x19000] =	vst v63  }
0x53d: {  	s31 =	simm.s32 $0x11800;
	v3 =	vperm.xlane v3, v2  }
0x53e: {  	[tilespmem:s31], [sflag:$0x3] =	stream.indirect_vreg.gather [hbm4b:s5+s3], $0x80, v4, vm0, $0xb8;
	[tilespmem:$0x19000] =	vst v63  }
0x53f: {  	v3 =	vadd.s32 v1, v3  }
0x540: {  	[tilespmem:s26], [sflag:$0x3] =	stream.indirect_vreg.gather [hbm4b:s6+s3], $0x80, v4, vm0, $0xb8;
	[tilespmem:$0x19000] =	vst v63  }
0x541: {  	_ = 	snop  }
0x542: {  	[tilespmem:s30], [sflag:$0x3] =	stream.indirect_vreg.gather [hbm4b:s7+s3], $0x80, v4, vm0, $0xb8;
	[tilespmem:$0x19000] =	vst v63  }
0x543: {  	s25 =	simm.s32 $0x13000  }
0x544: {  	[tilespmem:s25], [sflag:$0x3] =	stream.indirect_vreg.gather [hbm4b:s2+s3], $0x80, v3, vm0, $0xb8;
	[tilespmem:$0x19000] =	vst v63  }
0x545: {  	s28 =	simm.s32 $0x13800  }
0x546: {  	[tilespmem:s28], [sflag:$0x3] =	stream.indirect_vreg.gather [hbm4b:s5+s3], $0x80, v3, vm0, $0xb8;
	[tilespmem:$0x19000] =	vst v63  }
0x547: {  	_ = 	snop  }
0x548: {  	[tilespmem:s17], [sflag:$0x3] =	stream.indirect_vreg.gather [hbm4b:s6+s3], $0x80, v3, vm0, $0xb8;
	[tilespmem:$0x19000] =	vst v63  }
0x549: {  	_ = 	snop  }
0x54a: {  	[tilespmem:s13], [sflag:$0x3] =	stream.indirect_vreg.gather [hbm4b:s7+s3], $0x80, v3, vm0, $0xb8;
	[tilespmem:$0x19000] =	vst v63  }
0x54b: {  	v3 =	vld [tilespmem:$0xD10];
	_ =	sdelay $0x4  }
0x54c: {  	v53 =	vshll.u32 v3, $0x3  }
0x54d: {  	v3 =	vand.u32 $0x7, v3;
	v4 =	vand.u32 $0xFFFFFFC0, v53  }
0x54e: {  	v3 =	vor.u32 v3, v4  }
0x54f: {  	v4 =	vperm.xlane v3, v0;
	_ =	sdelay $0x1  }
0x550: {  	v4 =	vadd.s32 v1, v4;
	_ =	sdelay $0x4  }
0x551: {  	[tilespmem:s14], [sflag:$0x3] =	stream.indirect_vreg.gather [hbm4b:s2+s3], $0x80, v4, vm0, $0xb8;
	[tilespmem:$0x19000] =	vst v63  }
0x552: {  	v3 =	vperm.xlane v3, v2  }
0x553: {  	[tilespmem:s15], [sflag:$0x3] =	stream.indirect_vreg.gather [hbm4b:s5+s3], $0x80, v4, vm0, $0xb8;
	[tilespmem:$0x19000] =	vst v63  }
0x554: {  	s29 =	simm.s32 $0x16000;
	v3 =	vadd.s32 v1, v3  }
0x555: {  	[tilespmem:s29], [sflag:$0x3] =	stream.indirect_vreg.gather [hbm4b:s6+s3], $0x80, v4, vm0, $0xb8;
	[tilespmem:$0x19000] =	vst v63  }
0x556: {  	_ = 	snop  }
0x557: {  	[tilespmem:s9], [sflag:$0x3] =	stream.indirect_vreg.gather [hbm4b:s7+s3], $0x80, v4, vm0, $0xb8;
	[tilespmem:$0x19000] =	vst v63  }
0x558: {  	_ = 	snop  }
0x559: {  	[tilespmem:s10], [sflag:$0x3] =	stream.indirect_vreg.gather [hbm4b:s2+s3], $0x80, v3, vm0, $0xb8;
	[tilespmem:$0x19000] =	vst v63  }
0x55a: {  	_ = 	snop  }
0x55b: {  	[tilespmem:s11], [sflag:$0x3] =	stream.indirect_vreg.gather [hbm4b:s5+s3], $0x80, v3, vm0, $0xb8;
	[tilespmem:$0x19000] =	vst v63  }
0x55c: {  	_ = 	snop  }
0x55d: {  	[tilespmem:s12], [sflag:$0x3] =	stream.indirect_vreg.gather [hbm4b:s6+s3], $0x80, v3, vm0, $0xb8;
	[tilespmem:$0x19000] =	vst v63  }
0x55e: {  	_ = 	snop  }
0x55f: {  	[tilespmem:s16], [sflag:$0x3] =	stream.indirect_vreg.gather [hbm4b:s7+s3], $0x80, v3, vm0, $0xb8;
	[tilespmem:$0x19000] =	vst v63  }
0x560: {  	_ =	swait.ge [sflag:s19], $0x8000  }
0x561: {  	[sflag:s19] =	ssyncset.done $0x0  }
0x562: {  	s4 =	simm.s32 $0x1000;
	s1 =	rddreg [dreg:$0x1c];
	[sflag:s19] =	ssyncadd.s32 $0xFFFF8000  }
0x563: {  	[hbm4b:s1+s3] =	stream.linear.scatter [tilespmem:s4], [sflag:$0x4], $0x8000, $0x38;
	[tilespmem:$0x19000] =	vst v63  }
0x564: {  	_ =	swait.ge [sflag:s20], $0x8000  }
0x565: {  	[sflag:s20] =	ssyncset.done $0x0  }
0x566: {  	[sflag:s20] =	ssyncadd.s32 $0xFFFF8000  }
0x567: {  	v3 =	vld [tilespmem:$0xD80];
	_ =	sdelay $0x4  }
0x568: {  	v54 =	vshll.u32 v3, $0x3  }
0x569: {  	v3 =	vand.u32 $0x7, v3;
	v4 =	vand.u32 $0xFFFFFFC0, v54  }
0x56a: {  	v3 =	vor.u32 v3, v4  }
0x56b: {  	v4 =	vperm.xlane v3, v0;
	_ =	sdelay $0x1  }
0x56c: {  	v4 =	vadd.s32 v1, v4;
	_ =	sdelay $0x4  }
0x56d: {  	[tilespmem:s4], [sflag:$0x1] =	stream.indirect_vreg.gather [hbm4b:s2+s3], $0x80, v4, vm0, $0xb8;
	[tilespmem:$0x19000] =	vst v63  }
0x56e: {  	s9 =	simm.s32 $0x1800;
	v3 =	vperm.xlane v3, v2  }
0x56f: {  	[tilespmem:s9], [sflag:$0x1] =	stream.indirect_vreg.gather [hbm4b:s5+s3], $0x80, v4, vm0, $0xb8;
	[tilespmem:$0x19000] =	vst v63  }
0x570: {  	s25 =	simm.s32 $0x2000;
	v3 =	vadd.s32 v1, v3  }
0x571: {  	[tilespmem:s25], [sflag:$0x1] =	stream.indirect_vreg.gather [hbm4b:s6+s3], $0x80, v4, vm0, $0xb8;
	[tilespmem:$0x19000] =	vst v63  }
0x572: {  	s28 =	simm.s32 $0x2800  }
0x573: {  	[tilespmem:s28], [sflag:$0x1] =	stream.indirect_vreg.gather [hbm4b:s7+s3], $0x80, v4, vm0, $0xb8;
	[tilespmem:$0x19000] =	vst v63  }
0x574: {  	s29 =	simm.s32 $0x3000  }
0x575: {  	[tilespmem:s29], [sflag:$0x1] =	stream.indirect_vreg.gather [hbm4b:s2+s3], $0x80, v3, vm0, $0xb8;
	[tilespmem:$0x19000] =	vst v63  }
0x576: {  	s1 =	simm.s32 $0x3800  }
0x577: {  	[tilespmem:s1], [sflag:$0x1] =	stream.indirect_vreg.gather [hbm4b:s5+s3], $0x80, v3, vm0, $0xb8;
	[tilespmem:$0x19000] =	vst v63  }
0x578: {  	s9 =	simm.s32 $0x4000  }
0x579: {  	[tilespmem:s9], [sflag:$0x1] =	stream.indirect_vreg.gather [hbm4b:s6+s3], $0x80, v3, vm0, $0xb8;
	[tilespmem:$0x19000] =	vst v63  }
0x57a: {  	_ = 	snop  }
0x57b: {  	[tilespmem:s8], [sflag:$0x1] =	stream.indirect_vreg.gather [hbm4b:s7+s3], $0x80, v3, vm0, $0xb8;
	[tilespmem:$0x19000] =	vst v63  }
0x57c: {  	v3 =	vld [tilespmem:$0xD90];
	_ =	sdelay $0x4  }
0x57d: {  	v55 =	vshll.u32 v3, $0x3  }
0x57e: {  	v3 =	vand.u32 $0x7, v3;
	v4 =	vand.u32 $0xFFFFFFC0, v55  }
0x57f: {  	v3 =	vor.u32 v3, v4  }
0x580: {  	v4 =	vperm.xlane v3, v0;
	_ =	sdelay $0x1  }
0x581: {  	v4 =	vadd.s32 v1, v4;
	_ =	sdelay $0x3  }
0x582: {  	s4 =	simm.s32 $0x5000  }
0x583: {  	[tilespmem:s4], [sflag:$0x1] =	stream.indirect_vreg.gather [hbm4b:s2+s3], $0x80, v4, vm0, $0xb8;
	[tilespmem:$0x19000] =	vst v63  }
0x584: {  	s8 =	simm.s32 $0x5800;
	v3 =	vperm.xlane v3, v2  }
0x585: {  	[tilespmem:s8], [sflag:$0x1] =	stream.indirect_vreg.gather [hbm4b:s5+s3], $0x80, v4, vm0, $0xb8;
	[tilespmem:$0x19000] =	vst v63  }
0x586: {  	s1 =	simm.s32 $0x6000;
	v3 =	vadd.s32 v1, v3  }
0x587: {  	[tilespmem:s1], [sflag:$0x1] =	stream.indirect_vreg.gather [hbm4b:s6+s3], $0x80, v4, vm0, $0xb8;
	[tilespmem:$0x19000] =	vst v63  }
0x588: {  	s4 =	simm.s32 $0x6800  }
0x589: {  	[tilespmem:s4], [sflag:$0x1] =	stream.indirect_vreg.gather [hbm4b:s7+s3], $0x80, v4, vm0, $0xb8;
	[tilespmem:$0x19000] =	vst v63  }
0x58a: {  	s8 =	simm.s32 $0x7000  }
0x58b: {  	[tilespmem:s8], [sflag:$0x1] =	stream.indirect_vreg.gather [hbm4b:s2+s3], $0x80, v3, vm0, $0xb8;
	[tilespmem:$0x19000] =	vst v63  }
0x58c: {  	s1 =	simm.s32 $0x7800  }
0x58d: {  	[tilespmem:s1], [sflag:$0x1] =	stream.indirect_vreg.gather [hbm4b:s5+s3], $0x80, v3, vm0, $0xb8;
	[tilespmem:$0x19000] =	vst v63  }
0x58e: {  	s4 =	simm.s32 $0x8000  }
0x58f: {  	[tilespmem:s4], [sflag:$0x1] =	stream.indirect_vreg.gather [hbm4b:s6+s3], $0x80, v3, vm0, $0xb8;
	[tilespmem:$0x19000] =	vst v63  }
0x590: {  	s8 =	simm.s32 $0x8800  }
0x591: {  	[tilespmem:s8], [sflag:$0x1] =	stream.indirect_vreg.gather [hbm4b:s7+s3], $0x80, v3, vm0, $0xb8;
	[tilespmem:$0x19000] =	vst v63  }
0x592: {  	_ =	swait.ge [sflag:s21], $0x8000  }
0x593: {  	[sflag:s21] =	ssyncset.done $0x0  }
0x594: {  	s4 =	simm.s32 $0x9000;
	s1 =	rddreg [dreg:$0x1d];
	[sflag:s21] =	ssyncadd.s32 $0xFFFF8000  }
0x595: {  	[hbm4b:s1+s3] =	stream.linear.scatter [tilespmem:s4], [sflag:$0x5], $0x8000, $0x38;
	[tilespmem:$0x19000] =	vst v63  }
0x596: {  	_ =	swait.ge [sflag:s22], $0x8000  }
0x597: {  	[sflag:s22] =	ssyncset.done $0x0  }
0x598: {  	[sflag:s22] =	ssyncadd.s32 $0xFFFF8000  }
0x599: {  	v3 =	vld [tilespmem:$0xE00];
	_ =	sdelay $0x4  }
0x59a: {  	v56 =	vshll.u32 v3, $0x3  }
0x59b: {  	v3 =	vand.u32 $0x7, v3;
	v4 =	vand.u32 $0xFFFFFFC0, v56  }
0x59c: {  	v3 =	vor.u32 v3, v4  }
0x59d: {  	v4 =	vperm.xlane v3, v0;
	_ =	sdelay $0x1  }
0x59e: {  	v4 =	vadd.s32 v1, v4;
	_ =	sdelay $0x4  }
0x59f: {  	[tilespmem:s4], [sflag:$0x2] =	stream.indirect_vreg.gather [hbm4b:s2+s3], $0x80, v4, vm0, $0xb8;
	[tilespmem:$0x19000] =	vst v63  }
0x5a0: {  	s8 =	simm.s32 $0x9800;
	v3 =	vperm.xlane v3, v2  }
0x5a1: {  	[tilespmem:s8], [sflag:$0x2] =	stream.indirect_vreg.gather [hbm4b:s5+s3], $0x80, v4, vm0, $0xb8;
	[tilespmem:$0x19000] =	vst v63  }
0x5a2: {  	v3 =	vadd.s32 v1, v3;
	s4 =	simm.s32 $0xA000  }
0x5a3: {  	[tilespmem:s4], [sflag:$0x2] =	stream.indirect_vreg.gather [hbm4b:s6+s3], $0x80, v4, vm0, $0xb8;
	[tilespmem:$0x19000] =	vst v63  }
0x5a4: {  	s25 =	simm.s32 $0xA800  }
0x5a5: {  	[tilespmem:s25], [sflag:$0x2] =	stream.indirect_vreg.gather [hbm4b:s7+s3], $0x80, v4, vm0, $0xb8;
	[tilespmem:$0x19000] =	vst v63  }
0x5a6: {  	s25 =	simm.s32 $0xB000  }
0x5a7: {  	[tilespmem:s25], [sflag:$0x2] =	stream.indirect_vreg.gather [hbm4b:s2+s3], $0x80, v3, vm0, $0xb8;
	[tilespmem:$0x19000] =	vst v63  }
0x5a8: {  	s25 =	simm.s32 $0xB800  }
0x5a9: {  	[tilespmem:s25], [sflag:$0x2] =	stream.indirect_vreg.gather [hbm4b:s5+s3], $0x80, v3, vm0, $0xb8;
	[tilespmem:$0x19000] =	vst v63  }
0x5aa: {  	s25 =	simm.s32 $0xC000  }
0x5ab: {  	[tilespmem:s25], [sflag:$0x2] =	stream.indirect_vreg.gather [hbm4b:s6+s3], $0x80, v3, vm0, $0xb8;
	[tilespmem:$0x19000] =	vst v63  }
0x5ac: {  	_ = 	snop  }
0x5ad: {  	[tilespmem:s0], [sflag:$0x2] =	stream.indirect_vreg.gather [hbm4b:s7+s3], $0x80, v3, vm0, $0xb8;
	[tilespmem:$0x19000] =	vst v63  }
0x5ae: {  	v3 =	vld [tilespmem:$0xE10];
	_ =	sdelay $0x4  }
0x5af: {  	v57 =	vshll.u32 v3, $0x3  }
0x5b0: {  	v3 =	vand.u32 $0x7, v3;
	v4 =	vand.u32 $0xFFFFFFC0, v57  }
0x5b1: {  	v3 =	vor.u32 v3, v4  }
0x5b2: {  	v4 =	vperm.xlane v3, v0;
	_ =	sdelay $0x1  }
0x5b3: {  	v4 =	vadd.s32 v1, v4;
	_ =	sdelay $0x4  }
0x5b4: {  	[tilespmem:s18], [sflag:$0x2] =	stream.indirect_vreg.gather [hbm4b:s2+s3], $0x80, v4, vm0, $0xb8;
	[tilespmem:$0x19000] =	vst v63  }
0x5b5: {  	s25 =	simm.s32 $0xD800;
	v3 =	vperm.xlane v3, v2  }
0x5b6: {  	[tilespmem:s25], [sflag:$0x2] =	stream.indirect_vreg.gather [hbm4b:s5+s3], $0x80, v4, vm0, $0xb8;
	[tilespmem:$0x19000] =	vst v63  }
0x5b7: {  	s8 =	simm.s32 $0xE000;
	v3 =	vadd.s32 v1, v3  }
0x5b8: {  	[tilespmem:s8], [sflag:$0x2] =	stream.indirect_vreg.gather [hbm4b:s6+s3], $0x80, v4, vm0, $0xb8;
	[tilespmem:$0x19000] =	vst v63  }
0x5b9: {  	s25 =	simm.s32 $0xE800  }
0x5ba: {  	[tilespmem:s25], [sflag:$0x2] =	stream.indirect_vreg.gather [hbm4b:s7+s3], $0x80, v4, vm0, $0xb8;
	[tilespmem:$0x19000] =	vst v63  }
0x5bb: {  	s8 =	simm.s32 $0xF000  }
0x5bc: {  	[tilespmem:s8], [sflag:$0x2] =	stream.indirect_vreg.gather [hbm4b:s2+s3], $0x80, v3, vm0, $0xb8;
	[tilespmem:$0x19000] =	vst v63  }
0x5bd: {  	s25 =	simm.s32 $0xF800  }
0x5be: {  	[tilespmem:s25], [sflag:$0x2] =	stream.indirect_vreg.gather [hbm4b:s5+s3], $0x80, v3, vm0, $0xb8;
	[tilespmem:$0x19000] =	vst v63  }
0x5bf: {  	s8 =	simm.s32 $0x10000  }
0x5c0: {  	[tilespmem:s8], [sflag:$0x2] =	stream.indirect_vreg.gather [hbm4b:s6+s3], $0x80, v3, vm0, $0xb8;
	[tilespmem:$0x19000] =	vst v63  }
0x5c1: {  	s25 =	simm.s32 $0x10800  }
0x5c2: {  	[tilespmem:s25], [sflag:$0x2] =	stream.indirect_vreg.gather [hbm4b:s7+s3], $0x80, v3, vm0, $0xb8;
	[tilespmem:$0x19000] =	vst v63  }
0x5c3: {  	_ =	swait.ge [sflag:s23], $0x8000  }
0x5c4: {  	[sflag:s23] =	ssyncset.done $0x0  }
0x5c5: {  	s8 =	simm.s32 $0x11000;
	s0 =	rddreg [dreg:$0x1e];
	[sflag:s23] =	ssyncadd.s32 $0xFFFF8000  }
0x5c6: {  	[hbm4b:s0+s3] =	stream.linear.scatter [tilespmem:s8], [sflag:$0x6], $0x8000, $0x38;
	[tilespmem:$0x19000] =	vst v63  }
0x5c7: {  	_ =	swait.ge [sflag:s24], $0x8000  }
0x5c8: {  	[sflag:s24] =	ssyncset.done $0x0  }
0x5c9: {  	[sflag:s24] =	ssyncadd.s32 $0xFFFF8000  }
0x5ca: {  	v3 =	vld [tilespmem:$0xE80];
	_ =	sdelay $0x4  }
0x5cb: {  	v58 =	vshll.u32 v3, $0x3  }
0x5cc: {  	v3 =	vand.u32 $0x7, v3;
	v4 =	vand.u32 $0xFFFFFFC0, v58  }
0x5cd: {  	v3 =	vor.u32 v3, v4  }
0x5ce: {  	v4 =	vperm.xlane v3, v0;
	_ =	sdelay $0x1  }
0x5cf: {  	v4 =	vadd.s32 v1, v4;
	_ =	sdelay $0x4  }
0x5d0: {  	[tilespmem:s8], [sflag:$0x3] =	stream.indirect_vreg.gather [hbm4b:s2+s3], $0x80, v4, vm0, $0xb8;
	[tilespmem:$0x19000] =	vst v63  }
0x5d1: {  	s25 =	simm.s32 $0x11800;
	v3 =	vperm.xlane v3, v2  }
0x5d2: {  	[tilespmem:s25], [sflag:$0x3] =	stream.indirect_vreg.gather [hbm4b:s5+s3], $0x80, v4, vm0, $0xb8;
	[tilespmem:$0x19000] =	vst v63  }
0x5d3: {  	s26 =	simm.s32 $0x12000;
	v3 =	vadd.s32 v1, v3  }
0x5d4: {  	[tilespmem:s26], [sflag:$0x3] =	stream.indirect_vreg.gather [hbm4b:s6+s3], $0x80, v4, vm0, $0xb8;
	[tilespmem:$0x19000] =	vst v63  }
0x5d5: {  	s30 =	simm.s32 $0x12800  }
0x5d6: {  	[tilespmem:s30], [sflag:$0x3] =	stream.indirect_vreg.gather [hbm4b:s7+s3], $0x80, v4, vm0, $0xb8;
	[tilespmem:$0x19000] =	vst v63  }
0x5d7: {  	s25 =	simm.s32 $0x13000  }
0x5d8: {  	[tilespmem:s25], [sflag:$0x3] =	stream.indirect_vreg.gather [hbm4b:s2+s3], $0x80, v3, vm0, $0xb8;
	[tilespmem:$0x19000] =	vst v63  }
0x5d9: {  	s26 =	simm.s32 $0x13800  }
0x5da: {  	[tilespmem:s26], [sflag:$0x3] =	stream.indirect_vreg.gather [hbm4b:s5+s3], $0x80, v3, vm0, $0xb8;
	[tilespmem:$0x19000] =	vst v63  }
0x5db: {  	s31 =	simm.s32 $0x14000  }
0x5dc: {  	[tilespmem:s31], [sflag:$0x3] =	stream.indirect_vreg.gather [hbm4b:s6+s3], $0x80, v3, vm0, $0xb8;
	[tilespmem:$0x19000] =	vst v63  }
0x5dd: {  	s13 =	simm.s32 $0x14800  }
0x5de: {  	[tilespmem:s13], [sflag:$0x3] =	stream.indirect_vreg.gather [hbm4b:s7+s3], $0x80, v3, vm0, $0xb8;
	[tilespmem:$0x19000] =	vst v63  }
0x5df: {  	v3 =	vld [tilespmem:$0xE90];
	_ =	sdelay $0x4  }
0x5e0: {  	v59 =	vshll.u32 v3, $0x3  }
0x5e1: {  	v3 =	vand.u32 $0x7, v3;
	v4 =	vand.u32 $0xFFFFFFC0, v59  }
0x5e2: {  	v3 =	vor.u32 v3, v4  }
0x5e3: {  	v4 =	vperm.xlane v3, v0;
	_ =	sdelay $0x1  }
0x5e4: {  	v4 =	vadd.s32 v1, v4;
	_ =	sdelay $0x3  }
0x5e5: {  	s14 =	simm.s32 $0x15000  }
0x5e6: {  	[tilespmem:s14], [sflag:$0x3] =	stream.indirect_vreg.gather [hbm4b:s2+s3], $0x80, v4, vm0, $0xb8;
	[tilespmem:$0x19000] =	vst v63  }
0x5e7: {  	s15 =	simm.s32 $0x15800;
	v3 =	vperm.xlane v3, v2  }
0x5e8: {  	[tilespmem:s15], [sflag:$0x3] =	stream.indirect_vreg.gather [hbm4b:s5+s3], $0x80, v4, vm0, $0xb8;
	[tilespmem:$0x19000] =	vst v63  }
0x5e9: {  	s30 =	simm.s32 $0x16000;
	v3 =	vadd.s32 v1, v3  }
0x5ea: {  	[tilespmem:s30], [sflag:$0x3] =	stream.indirect_vreg.gather [hbm4b:s6+s3], $0x80, v4, vm0, $0xb8;
	[tilespmem:$0x19000] =	vst v63  }
0x5eb: {  	s31 =	simm.s32 $0x16800  }
0x5ec: {  	[tilespmem:s31], [sflag:$0x3] =	stream.indirect_vreg.gather [hbm4b:s7+s3], $0x80, v4, vm0, $0xb8;
	[tilespmem:$0x19000] =	vst v63  }
0x5ed: {  	s10 =	simm.s32 $0x17000  }
0x5ee: {  	[tilespmem:s10], [sflag:$0x3] =	stream.indirect_vreg.gather [hbm4b:s2+s3], $0x80, v3, vm0, $0xb8;
	[tilespmem:$0x19000] =	vst v63  }
0x5ef: {  	s11 =	simm.s32 $0x17800  }
0x5f0: {  	[tilespmem:s11], [sflag:$0x3] =	stream.indirect_vreg.gather [hbm4b:s5+s3], $0x80, v3, vm0, $0xb8;
	[tilespmem:$0x19000] =	vst v63  }
0x5f1: {  	s12 =	simm.s32 $0x18000  }
0x5f2: {  	[tilespmem:s12], [sflag:$0x3] =	stream.indirect_vreg.gather [hbm4b:s6+s3], $0x80, v3, vm0, $0xb8;
	[tilespmem:$0x19000] =	vst v63  }
0x5f3: {  	s16 =	simm.s32 $0x18800  }
0x5f4: {  	[tilespmem:s16], [sflag:$0x3] =	stream.indirect_vreg.gather [hbm4b:s7+s3], $0x80, v3, vm0, $0xb8;
	[tilespmem:$0x19000] =	vst v63  }
0x5f5: {  	_ =	swait.ge [sflag:s19], $0x8000  }
0x5f6: {  	[sflag:s19] =	ssyncset.done $0x0  }
0x5f7: {  	s10 =	simm.s32 $0x1000;
	s8 =	rddreg [dreg:$0x1f];
	[sflag:s19] =	ssyncadd.s32 $0xFFFF8000  }
0x5f8: {  	[hbm4b:s8+s3] =	stream.linear.scatter [tilespmem:s10], [sflag:$0x4], $0x8000, $0x38;
	[tilespmem:$0x19000] =	vst v63  }
0x5f9: {  	_ =	swait.ge [sflag:s20], $0x8000  }
0x5fa: {  	[sflag:s20] =	ssyncset.done $0x0  }
0x5fb: {  	[sflag:s20] =	ssyncadd.s32 $0xFFFF8000  }
0x5fc: {  	v3 =	vld [tilespmem:$0xF00];
	_ =	sdelay $0x4  }
0x5fd: {  	v60 =	vshll.u32 v3, $0x3  }
0x5fe: {  	v3 =	vand.u32 $0x7, v3;
	v4 =	vand.u32 $0xFFFFFFC0, v60  }
0x5ff: {  	v3 =	vor.u32 v3, v4  }
0x600: {  	v4 =	vperm.xlane v3, v0;
	_ =	sdelay $0x1  }
0x601: {  	v4 =	vadd.s32 v1, v4;
	_ =	sdelay $0x4  }
0x602: {  	[tilespmem:s10], [sflag:$0x1] =	stream.indirect_vreg.gather [hbm4b:s2+s3], $0x80, v4, vm0, $0xb8;
	[tilespmem:$0x19000] =	vst v63  }
0x603: {  	s11 =	simm.s32 $0x1800;
	v3 =	vperm.xlane v3, v2  }
0x604: {  	[tilespmem:s11], [sflag:$0x1] =	stream.indirect_vreg.gather [hbm4b:s5+s3], $0x80, v4, vm0, $0xb8;
	[tilespmem:$0x19000] =	vst v63  }
0x605: {  	s12 =	simm.s32 $0x2000;
	v3 =	vadd.s32 v1, v3  }
0x606: {  	[tilespmem:s12], [sflag:$0x1] =	stream.indirect_vreg.gather [hbm4b:s6+s3], $0x80, v4, vm0, $0xb8;
	[tilespmem:$0x19000] =	vst v63  }
0x607: {  	s17 =	simm.s32 $0x2800  }
0x608: {  	[tilespmem:s17], [sflag:$0x1] =	stream.indirect_vreg.gather [hbm4b:s7+s3], $0x80, v4, vm0, $0xb8;
	[tilespmem:$0x19000] =	vst v63  }
0x609: {  	s28 =	simm.s32 $0x3000  }
0x60a: {  	[tilespmem:s28], [sflag:$0x1] =	stream.indirect_vreg.gather [hbm4b:s2+s3], $0x80, v3, vm0, $0xb8;
	[tilespmem:$0x19000] =	vst v63  }
0x60b: {  	s29 =	simm.s32 $0x3800  }
0x60c: {  	[tilespmem:s29], [sflag:$0x1] =	stream.indirect_vreg.gather [hbm4b:s5+s3], $0x80, v3, vm0, $0xb8;
	[tilespmem:$0x19000] =	vst v63  }
0x60d: {  	_ = 	snop  }
0x60e: {  	[tilespmem:s9], [sflag:$0x1] =	stream.indirect_vreg.gather [hbm4b:s6+s3], $0x80, v3, vm0, $0xb8;
	[tilespmem:$0x19000] =	vst v63  }
0x60f: {  	s13 =	simm.s32 $0x4800  }
0x610: {  	[tilespmem:s13], [sflag:$0x1] =	stream.indirect_vreg.gather [hbm4b:s7+s3], $0x80, v3, vm0, $0xb8;
	[tilespmem:$0x19000] =	vst v63  }
0x611: {  	v3 =	vld [tilespmem:$0xF10];
	_ =	sdelay $0x4  }
0x612: {  	v61 =	vshll.u32 v3, $0x3  }
0x613: {  	v3 =	vand.u32 $0x7, v3;
	v4 =	vand.u32 $0xFFFFFFC0, v61  }
0x614: {  	v3 =	vor.u32 v3, v4  }
0x615: {  	v4 =	vperm.xlane v3, v0;
	_ =	sdelay $0x1  }
0x616: {  	v4 =	vadd.s32 v1, v4;
	_ =	sdelay $0x3  }
0x617: {  	s14 =	simm.s32 $0x5000  }
0x618: {  	[tilespmem:s14], [sflag:$0x1] =	stream.indirect_vreg.gather [hbm4b:s2+s3], $0x80, v4, vm0, $0xb8;
	[tilespmem:$0x19000] =	vst v63  }
0x619: {  	s15 =	simm.s32 $0x5800;
	v3 =	vperm.xlane v3, v2  }
0x61a: {  	[tilespmem:s15], [sflag:$0x1] =	stream.indirect_vreg.gather [hbm4b:s5+s3], $0x80, v4, vm0, $0xb8;
	[tilespmem:$0x19000] =	vst v63  }
0x61b: {  	s16 =	simm.s32 $0x6000;
	v3 =	vadd.s32 v1, v3  }
0x61c: {  	[tilespmem:s16], [sflag:$0x1] =	stream.indirect_vreg.gather [hbm4b:s6+s3], $0x80, v4, vm0, $0xb8;
	[tilespmem:$0x19000] =	vst v63  }
0x61d: {  	s17 =	simm.s32 $0x6800  }
0x61e: {  	[tilespmem:s17], [sflag:$0x1] =	stream.indirect_vreg.gather [hbm4b:s7+s3], $0x80, v4, vm0, $0xb8;
	[tilespmem:$0x19000] =	vst v63  }
0x61f: {  	s25 =	simm.s32 $0x7000  }
0x620: {  	[tilespmem:s25], [sflag:$0x1] =	stream.indirect_vreg.gather [hbm4b:s2+s3], $0x80, v3, vm0, $0xb8;
	[tilespmem:$0x19000] =	vst v63  }
0x621: {  	s26 =	simm.s32 $0x7800  }
0x622: {  	[tilespmem:s26], [sflag:$0x1] =	stream.indirect_vreg.gather [hbm4b:s5+s3], $0x80, v3, vm0, $0xb8;
	[tilespmem:$0x19000] =	vst v63  }
0x623: {  	s28 =	simm.s32 $0x8000  }
0x624: {  	[tilespmem:s28], [sflag:$0x1] =	stream.indirect_vreg.gather [hbm4b:s6+s3], $0x80, v3, vm0, $0xb8;
	[tilespmem:$0x19000] =	vst v63  }
0x625: {  	s29 =	simm.s32 $0x8800  }
0x626: {  	[tilespmem:s29], [sflag:$0x1] =	stream.indirect_vreg.gather [hbm4b:s7+s3], $0x80, v3, vm0, $0xb8;
	[tilespmem:$0x19000] =	vst v63  }
0x627: {  	_ =	swait.ge [sflag:s21], $0x8000  }
0x628: {  	s30 =	sld [smem:$0x7F9]  }
0x629: {  	[sflag:s21] =	ssyncset.done $0x0  }
0x62a: {  	s1 =	simm.s32 $0x9000;
	[sflag:s21] =	ssyncadd.s32 $0xFFFF8000  }
0x62b: {  	[hbm4b:s30+s3] =	stream.linear.scatter [tilespmem:s1], [sflag:$0x5], $0x8000, $0x38;
	[tilespmem:$0x19000] =	vst v63  }
0x62c: {  	_ =	swait.ge [sflag:s22], $0x8000  }
0x62d: {  	[sflag:s22] =	ssyncset.done $0x0  }
0x62e: {  	[sflag:s22] =	ssyncadd.s32 $0xFFFF8000  }
0x62f: {  	v3 =	vld [tilespmem:$0xF80];
	_ =	sdelay $0x4  }
0x630: {  	v62 =	vshll.u32 v3, $0x3  }
0x631: {  	v3 =	vand.u32 $0x7, v3;
	v4 =	vand.u32 $0xFFFFFFC0, v62  }
0x632: {  	v3 =	vor.u32 v3, v4  }
0x633: {  	v4 =	vperm.xlane v3, v0;
	_ =	sdelay $0x1  }
0x634: {  	v4 =	vadd.s32 v1, v4;
	_ =	sdelay $0x4  }
0x635: {  	[tilespmem:s1], [sflag:$0x2] =	stream.indirect_vreg.gather [hbm4b:s2+s3], $0x80, v4, vm0, $0xb8;
	[tilespmem:$0x19000] =	vst v63  }
0x636: {  	s31 =	simm.s32 $0x9800;
	v3 =	vperm.xlane v3, v2  }
0x637: {  	[tilespmem:s31], [sflag:$0x2] =	stream.indirect_vreg.gather [hbm4b:s5+s3], $0x80, v4, vm0, $0xb8;
	[tilespmem:$0x19000] =	vst v63  }
0x638: {  	v3 =	vadd.s32 v1, v3  }
0x639: {  	[tilespmem:s4], [sflag:$0x2] =	stream.indirect_vreg.gather [hbm4b:s6+s3], $0x80, v4, vm0, $0xb8;
	[tilespmem:$0x19000] =	vst v63  }
0x63a: {  	s9 =	simm.s32 $0xA800  }
0x63b: {  	[tilespmem:s9], [sflag:$0x2] =	stream.indirect_vreg.gather [hbm4b:s7+s3], $0x80, v4, vm0, $0xb8;
	[tilespmem:$0x19000] =	vst v63  }
0x63c: {  	s10 =	simm.s32 $0xB000  }
0x63d: {  	[tilespmem:s10], [sflag:$0x2] =	stream.indirect_vreg.gather [hbm4b:s2+s3], $0x80, v3, vm0, $0xb8;
	[tilespmem:$0x19000] =	vst v63  }
0x63e: {  	s11 =	simm.s32 $0xB800  }
0x63f: {  	[tilespmem:s11], [sflag:$0x2] =	stream.indirect_vreg.gather [hbm4b:s5+s3], $0x80, v3, vm0, $0xb8;
	[tilespmem:$0x19000] =	vst v63  }
0x640: {  	s12 =	simm.s32 $0xC000  }
0x641: {  	[tilespmem:s12], [sflag:$0x2] =	stream.indirect_vreg.gather [hbm4b:s6+s3], $0x80, v3, vm0, $0xb8;
	[tilespmem:$0x19000] =	vst v63  }
0x642: {  	s13 =	simm.s32 $0xC800  }
0x643: {  	[tilespmem:s13], [sflag:$0x2] =	stream.indirect_vreg.gather [hbm4b:s7+s3], $0x80, v3, vm0, $0xb8;
	[tilespmem:$0x19000] =	vst v63  }
0x644: {  	v3 =	vld [tilespmem:$0xF90];
	_ =	sdelay $0x4  }
0x645: {  	v63 =	vshll.u32 v3, $0x3  }
0x646: {  	v3 =	vand.u32 $0x7, v3;
	v4 =	vand.u32 $0xFFFFFFC0, v63  }
0x647: {  	v3 =	vor.u32 v3, v4  }
0x648: {  	v4 =	vperm.xlane v3, v0;
	_ =	sdelay $0x1  }
0x649: {  	v4 =	vadd.s32 v1, v4;
	_ =	sdelay $0x3  }
0x64a: {  	s18 =	simm.s32 $0xD000  }
0x64b: {  	[tilespmem:s18], [sflag:$0x2] =	stream.indirect_vreg.gather [hbm4b:s2+s3], $0x80, v4, vm0, $0xb8;
	[tilespmem:$0x19000] =	vst v63  }
0x64c: {  	s14 =	simm.s32 $0xD800;
	v3 =	vperm.xlane v3, v2  }
0x64d: {  	[tilespmem:s14], [sflag:$0x2] =	stream.indirect_vreg.gather [hbm4b:s5+s3], $0x80, v4, vm0, $0xb8;
	[tilespmem:$0x19000] =	vst v63  }
0x64e: {  	s15 =	simm.s32 $0xE000;
	v3 =	vadd.s32 v1, v3  }
0x64f: {  	[tilespmem:s15], [sflag:$0x2] =	stream.indirect_vreg.gather [hbm4b:s6+s3], $0x80, v4, vm0, $0xb8;
	[tilespmem:$0x19000] =	vst v63  }
0x650: {  	s16 =	simm.s32 $0xE800  }
0x651: {  	[tilespmem:s16], [sflag:$0x2] =	stream.indirect_vreg.gather [hbm4b:s7+s3], $0x80, v4, vm0, $0xb8;
	[tilespmem:$0x19000] =	vst v63  }
0x652: {  	s17 =	simm.s32 $0xF000  }
0x653: {  	[tilespmem:s17], [sflag:$0x2] =	stream.indirect_vreg.gather [hbm4b:s2+s3], $0x80, v3, vm0, $0xb8;
	[tilespmem:$0x19000] =	vst v63  }
0x654: {  	s18 =	simm.s32 $0xF800  }
0x655: {  	[tilespmem:s18], [sflag:$0x2] =	stream.indirect_vreg.gather [hbm4b:s5+s3], $0x80, v3, vm0, $0xb8;
	[tilespmem:$0x19000] =	vst v63  }
0x656: {  	s25 =	simm.s32 $0x10000  }
0x657: {  	[tilespmem:s25], [sflag:$0x2] =	stream.indirect_vreg.gather [hbm4b:s6+s3], $0x80, v3, vm0, $0xb8;
	[tilespmem:$0x19000] =	vst v63  }
0x658: {  	s26 =	simm.s32 $0x10800  }
0x659: {  	[tilespmem:s26], [sflag:$0x2] =	stream.indirect_vreg.gather [hbm4b:s7+s3], $0x80, v3, vm0, $0xb8;
	[tilespmem:$0x19000] =	vst v63  }
0x65a: {  	_ =	swait.ge [sflag:s23], $0x8000  }
0x65b: {  	s28 =	sld [smem:$0x7FA]  }
0x65c: {  	[sflag:s23] =	ssyncset.done $0x0  }
0x65d: {  	s0 =	simm.s32 $0x11000;
	[sflag:s23] =	ssyncadd.s32 $0xFFFF8000  }
0x65e: {  	[hbm4b:s28+s3] =	stream.linear.scatter [tilespmem:s0], [sflag:$0x6], $0x8000, $0x38;
	[tilespmem:$0x19000] =	vst v63  }
0x65f: {  	_ =	swait.ge [sflag:s19], $0x8000  }
0x660: {  	s29 =	sld [smem:$0x7FB]  }
0x661: {  	[sflag:s19] =	ssyncset.done $0x0  }
0x662: {  	s8 =	simm.s32 $0x1000;
	[sflag:s19] =	ssyncadd.s32 $0xFFFF8000  }
0x663: {  	[hbm4b:s29+s3] =	stream.linear.scatter [tilespmem:s8], [sflag:$0x4], $0x8000, $0x38;
	[tilespmem:$0x19000] =	vst v63  }
0x664: {  	_ =	swait.ge [sflag:s21], $0x8000  }
0x665: {  	s30 =	sld [smem:$0x7FD]  }
0x666: {  	[sflag:s21] =	ssyncset.done $0x0  }
0x667: {  	[sflag:s21] =	ssyncadd.s32 $0xFFFF8000  }
0x668: {  	[hbm4b:s30+s3] =	stream.linear.scatter [tilespmem:s1], [sflag:$0x5], $0x8000, $0x38;
	[tilespmem:$0x19000] =	vst v63  }
0x669: {  	_ =	swait.ge [sflag:s22], $0x8000  }
0x66a: {  	[sflag:s22] =	ssyncset.done $0x0  }
0x66b: {  	[sflag:s22] =	ssyncadd.s32 $0xFFFF8000  }
0x66c: {  	_ =	swait.ge [sflag:s20], $0x8000  }
0x66d: {  	[sflag:s20] =	ssyncset.done $0x0  }
0x66e: {  	[sflag:s20] =	ssyncadd.s32 $0xFFFF8000  }
0x66f: {  	_ =	swait.ge [sflag:s24], $0x8000  }
0x670: {  	s31 =	sld [smem:$0x7F8];
	_ =	sdelay $0x2  }
0x671: {  	p0 =	sne.s32 s31, $0x1  }
.Ltmp0:
0x672: {  	_ = 	snop;
	(pc) =	sbr.rel @p0 .LBB2_1-.Ltmp0, $3  }
0x673: {  	_ =	sdelay $0x1  }
0x674: {  	[sflag:s24] =	ssyncset.done $0x0  }
0x675: {  	[sflag:s24] =	ssyncadd.s32 $0xFFFF8000;
	s0 =	sadd.s32 $0xFFFFFFFF, s31  }
0x676: {  	_ =	sfence.sel $0x180000  }
0x677: {  	[bflag:$0x0] =	sbarrier.arrive $0xFFFF  }
0x678: {  	_ =	strace $0x90000047  }
0x679: {  	s0 =	stileid.u32;
	[bflag:$0x2] =	sbarrier.arrive $0xFFFF  }
0x67a: {  	p0 =	sne.s32 s0, $0x0;
	s0 =	rddreg [dreg:$0x3]  }
0x67b: {  	s0 =	sadd.s32 @!p0 $0x100000, s0  }
0x67c: {  	[sflag:s0] =	ssyncadd.tile.s32 @!p0 $0x1;
	_ =	shalt  }
.Lfunc_end2:
_tile_overlayer_lowered:
.L_overlay_start_2:
0x67d: {  	(tag) =	ssettag $0x2  }
0x67e: {  	s0 =	rddreg [dreg:$0x0];
	s2 =	stileid.u32  }
0x67f: {  	s1 =	rddreg [dreg:$0x1];
	p0 =	sne.s32 s2, $0x0  }
0x680: {  	s3 =	rddreg [dreg:$0x2];
	[bflag:$0x3] =	sbarrier.arrive $0xFFFF;
	s2 =	simm.s32 @!p0 $0x1C07  }
0x681: {  	[timem:s3], [sflag:s2] =	dma.local @!p0 [hbm:s0], s1  }
0x682: {  	s0 =	simm.s32 @!p0 $0x7  }
0x683: {  	_ =	swait.ge @!p0 [sflag:s0], s1  }
0x684: {  	s1 =	ssub.s32 @!p0 $0x0, s1;
	[sflag:s0] =	ssyncset.done @!p0 $0x0  }
0x685: {  	[sflag:s0] =	ssyncadd.s32 @!p0 s1  }
0x686: {  	[bflag:$0x3] =	sbarrier.arrive $0xFFFF  }
0x687: {  	_ =	shalt  }

</sc_bundles>
